<compile_context>
chip_gen: v7x
topology: tpu7x:2x2x1
jax: 0.10.2.dev20260603
libtpu: 0.0.44.dev20260713+nightly
codegen_flags: <defaults>
</compile_context>

<pallas_src>
import functools

import jax
import jax.numpy as jnp
from jax import lax
from jax.experimental import pallas as pl
from jax.experimental.pallas import tpu as pltpu
from jax.experimental.pallas import tpu_sc as plsc

NC = 2
NS = 16
NW = NC * NS
BLK = 128
LANES = 16
RING = 2
SB = 8


def _fill_zeros_1d(ref, n):
    def body(i, _):
        ref[pl.ds(i * LANES, LANES)] = jnp.zeros((LANES,), ref.dtype)
        return 0
    lax.fori_loop(0, n // LANES, body, 0)


def _fill_zeros_2d(ref, rows, cols):
    def body(i, _):
        def inner(j, _):
            ref[i, pl.ds(j * LANES, LANES)] = jnp.zeros((LANES,), ref.dtype)
            return 0
        lax.fori_loop(0, cols // LANES, inner, 0)
        return 0
    lax.fori_loop(0, rows, body, 0)


def _reduce_parts_and_emit(c, s, rpt, triples):
    for acc, parts, _out, _tmp, _ta in triples:
        pltpu.sync_copy(acc, parts.at[s])
    plsc.subcore_barrier()
    base = s * rpt
    for _acc, parts, out, tmp, ta in triples:
        pltpu.sync_copy(parts.at[:, pl.ds(base, rpt)], tmp)

        def add_body(i, _):
            acc16 = tmp[0, pl.ds(i * LANES, LANES)]
            for t in range(1, NS):
                acc16 = acc16 + tmp[t, pl.ds(i * LANES, LANES)]
            ta[pl.ds(i * LANES, LANES)] = acc16
            return 0
        lax.fori_loop(0, rpt // LANES, add_body, 0)
        pltpu.sync_copy(ta, out.at[c, pl.ds(base, rpt)])


def _make_deg_kernel(n_pad, e_pad):
    ept = e_pad // NW
    nblk = ept // BLK
    rpt = n_pad // NS
    mesh = plsc.VectorSubcoreMesh(core_axis_name="c", subcore_axis_name="s")

    @functools.partial(
        pl.kernel,
        out_type=[
            jax.ShapeDtypeStruct((NC, n_pad), jnp.float32),
            jax.ShapeDtypeStruct((NC, n_pad), jnp.float32),
        ],
        mesh=mesh,
        compiler_params=pltpu.CompilerParams(needs_layout_passes=False),
        scratch_types=[
            pltpu.VMEM((nblk, BLK), jnp.int32),
            pltpu.VMEM((nblk, BLK), jnp.int32),
            pltpu.VMEM((n_pad,), jnp.float32),
            pltpu.VMEM((n_pad,), jnp.float32),
            pltpu.VMEM((NS, n_pad // NS), jnp.float32),
            pltpu.VMEM((n_pad // NS,), jnp.float32),
            pltpu.VMEM_SHARED((NS, n_pad), jnp.float32),
            pltpu.VMEM_SHARED((NS, n_pad), jnp.float32),
        ],
    )
    def deg_kernel(src_hbm, dst_hbm, out_o, out_i, sidx, didx, acc_o, acc_i,
                   tmp_a, tmp_b, parts_o, parts_i):
        c = lax.axis_index("c")
        s = lax.axis_index("s")
        w = c * NS + s
        _fill_zeros_1d(acc_o, n_pad)
        _fill_zeros_1d(acc_i, n_pad)
        pltpu.sync_copy(src_hbm.at[pl.ds(w * nblk, nblk)], sidx)
        pltpu.sync_copy(dst_hbm.at[pl.ds(w * nblk, nblk)], didx)
        ones = jnp.ones((LANES,), jnp.float32)

        def body(k, _):
            b = k // (BLK // LANES)
            j = (k % (BLK // LANES)) * LANES
            si = sidx[b, pl.ds(j, LANES)]
            di = didx[b, pl.ds(j, LANES)]
            plsc.addupdate_scatter(acc_o, [si], ones)
            plsc.addupdate_scatter(acc_i, [di], ones)
            return 0
        lax.fori_loop(0, ept // LANES, body, 0)
        _reduce_parts_and_emit(c, s, rpt, [
            (acc_o, parts_o, out_o, tmp_a, tmp_b),
            (acc_i, parts_i, out_i, tmp_a, tmp_b),
        ])

    return deg_kernel


def _make_scalar_segsum_kernel(n_pad, e_pad, nv):
    ept = e_pad // NW
    nblk = ept // BLK
    rpt = n_pad // NS
    mesh = plsc.VectorSubcoreMesh(core_axis_name="c", subcore_axis_name="s")

    @functools.partial(
        pl.kernel,
        out_type=[jax.ShapeDtypeStruct((NC, n_pad), jnp.float32)] * nv,
        mesh=mesh,
        compiler_params=pltpu.CompilerParams(needs_layout_passes=False),
        scratch_types=(
            [pltpu.VMEM((nblk, BLK), jnp.int32)] * 2
            + [pltpu.VMEM((n_pad,), jnp.float32)] * nv
            + [pltpu.VMEM((n_pad,), jnp.float32)] * nv
            + [pltpu.VMEM((NS, n_pad // NS), jnp.float32),
               pltpu.VMEM((n_pad // NS,), jnp.float32)]
            + [pltpu.VMEM_SHARED((NS, n_pad), jnp.float32)] * nv
        ),
    )
    def seg_kernel(*args):
        vals_hbm = args[:nv]
        src_hbm, dst_hbm = args[nv], args[nv + 1]
        outs = args[nv + 2:2 * nv + 2]
        rest = args[2 * nv + 2:]
        sidx, didx = rest[0], rest[1]
        tabs = rest[2:2 + nv]
        accs = rest[2 + nv:2 + 2 * nv]
        tmp_a, tmp_b = rest[2 + 2 * nv], rest[3 + 2 * nv]
        parts = rest[4 + 2 * nv:]
        c = lax.axis_index("c")
        s = lax.axis_index("s")
        w = c * NS + s
        for v in range(nv):
            pltpu.sync_copy(vals_hbm[v], tabs[v])
            _fill_zeros_1d(accs[v], n_pad)
        pltpu.sync_copy(src_hbm.at[pl.ds(w * nblk, nblk)], sidx)
        pltpu.sync_copy(dst_hbm.at[pl.ds(w * nblk, nblk)], didx)

        def body(k, _):
            b = k // (BLK // LANES)
            j = (k % (BLK // LANES)) * LANES
            si = sidx[b, pl.ds(j, LANES)]
            di = didx[b, pl.ds(j, LANES)]
            for v in range(nv):
                vals = plsc.load_gather(tabs[v], [si])
                plsc.addupdate_scatter(accs[v], [di], vals)
            return 0
        lax.fori_loop(0, ept // LANES, body, 0)
        _reduce_parts_and_emit(c, s, rpt, [
            (accs[v], parts[v], outs[v], tmp_a, tmp_b) for v in range(nv)])

    return seg_kernel


def _make_colsplit_segsum_kernel(n_pad, e_pad, dh):
    nblk = e_pad // NS // BLK
    rpt = n_pad // NS
    zrows = 8
    ring = 4
    mesh = plsc.VectorSubcoreMesh(core_axis_name="c", subcore_axis_name="s")

    @functools.partial(
        pl.kernel,
        out_type=jax.ShapeDtypeStruct((NC, n_pad, dh), jnp.float32),
        mesh=mesh,
        compiler_params=pltpu.CompilerParams(use_tc_tiling_on_sc=False),
        scratch_types=[
            pltpu.VMEM((SB, BLK), jnp.int32),
            pltpu.VMEM((SB, BLK), jnp.int32),
            pltpu.VMEM((ring * BLK, dh), jnp.float32),
            pltpu.VMEM((zrows, dh), jnp.float32),
            pltpu.VMEM_SHARED((n_pad, dh), jnp.float32),
            pltpu.VMEM_SHARED((n_pad, dh), jnp.float32),
        ] + [pltpu.SemaphoreType.DMA] * (2 * ring),
    )
    def seg_kernel(ys_hbm, src_hbm, dst_hbm, out, sidx, didx, rows, zbuf,
                   ytab, acc, *sems):
        gsems, ssems = sems[:ring], sems[ring:]
        c = lax.axis_index("c")
        s = lax.axis_index("s")
        pltpu.sync_copy(ys_hbm.at[c, pl.ds(s * rpt, rpt)],
                        ytab.at[pl.ds(s * rpt, rpt)])
        _fill_zeros_2d(zbuf, zrows, dh)

        def zero_body(k, _):
            pltpu.sync_copy(zbuf, acc.at[pl.ds(s * rpt + k * zrows, zrows)])
            return 0
        lax.fori_loop(0, rpt // zrows, zero_body, 0)
        plsc.subcore_barrier()

        def body(sb, _):
            base = s * nblk + sb * SB
            pltpu.sync_copy(src_hbm.at[pl.ds(base, SB)], sidx)
            pltpu.sync_copy(dst_hbm.at[pl.ds(base, SB)], didx)
            sdescs = [None] * ring
            gdescs = [None] * ring
            for p in range(SB // ring):
                for r in range(ring):
                    if sdescs[r] is not None:
                        sdescs[r].wait()
                    gdescs[r] = pltpu.async_copy(
                        ytab.at[sidx.at[p * ring + r]],
                        rows.at[pl.ds(r * BLK, BLK)], gsems[r])
                for r in range(ring):
                    gdescs[r].wait()
                    sdescs[r] = pltpu.async_copy(
                        rows.at[pl.ds(r * BLK, BLK)],
                        acc.at[didx.at[p * ring + r]], ssems[r], add=True)
            for r in range(ring):
                sdescs[r].wait()
            return 0
        lax.fori_loop(0, nblk // SB, body, 0)
        plsc.subcore_barrier()
        pltpu.sync_copy(acc.at[pl.ds(s * rpt, rpt)],
                        out.at[c, pl.ds(s * rpt, rpt)])

    return seg_kernel


def _make_segsum_kernel(n_pad, e_pad, d):
    ept = e_pad // NW
    nblk = ept // BLK
    rpt = n_pad // NS
    zrows = 8
    mesh = plsc.VectorSubcoreMesh(core_axis_name="c", subcore_axis_name="s")

    @functools.partial(
        pl.kernel,
        out_type=jax.ShapeDtypeStruct((NC, n_pad, d), jnp.float32),
        mesh=mesh,
        scratch_types=[
            pltpu.VMEM((SB, BLK), jnp.int32),
            pltpu.VMEM((SB, BLK), jnp.int32),
            pltpu.VMEM((RING * BLK, d), jnp.float32),
            pltpu.VMEM((zrows, d), jnp.float32),
            pltpu.VMEM_SHARED((n_pad, d), jnp.float32),
        ] + [pltpu.SemaphoreType.DMA] * (2 * RING),
    )
    def seg_kernel(vals_hbm, src_hbm, dst_hbm, out, sidx, didx, rows, zbuf,
                   acc, *sems):
        gsems, ssems = sems[:RING], sems[RING:]
        c = lax.axis_index("c")
        s = lax.axis_index("s")
        w = c * NS + s
        _fill_zeros_2d(zbuf, zrows, d)

        def zero_body(k, _):
            pltpu.sync_copy(zbuf, acc.at[pl.ds(s * rpt + k * zrows, zrows)])
            return 0
        lax.fori_loop(0, rpt // zrows, zero_body, 0)
        plsc.subcore_barrier()

        def body(sb, _):
            base = w * nblk + sb * SB
            pltpu.sync_copy(src_hbm.at[pl.ds(base, SB)], sidx)
            pltpu.sync_copy(dst_hbm.at[pl.ds(base, SB)], didx)
            sdescs = [None] * RING
            gdescs = [None] * RING
            for p in range(SB // RING):
                for r in range(RING):
                    if sdescs[r] is not None:
                        sdescs[r].wait()
                    gdescs[r] = pltpu.async_copy(
                        vals_hbm.at[sidx.at[p * RING + r]],
                        rows.at[pl.ds(r * BLK, BLK)], gsems[r])
                for r in range(RING):
                    gdescs[r].wait()
                    sdescs[r] = pltpu.async_copy(
                        rows.at[pl.ds(r * BLK, BLK)],
                        acc.at[didx.at[p * RING + r]], ssems[r], add=True)
            for r in range(RING):
                sdescs[r].wait()
            return 0
        lax.fori_loop(0, nblk // SB, body, 0)
        plsc.subcore_barrier()
        pltpu.sync_copy(acc.at[pl.ds(s * rpt, rpt)],
                        out.at[c, pl.ds(s * rpt, rpt)])

    return seg_kernel


def _prep_kernel(po0, po1, pi0, pi1, nw, ns_o, nd_o, qa_o, qb_o):
    deg_o = po0[...] + po1[...] + 1.0
    deg_i = pi0[...] + pi1[...] + 1.0
    ns = lax.rsqrt(deg_o)
    nd = lax.rsqrt(deg_i)
    ns_o[...] = ns
    nd_o[...] = nd
    qa_o[...] = nw[...] * ns
    qb_o[...] = ns


def _wprep_kernel(w_lin, b_lin, W0, Wout, w_pred, bout, b_pred,
                  a0_o, c0_o, u_o, k0_o):
    a0_o[...] = jnp.dot(w_lin[...], W0[...], preferred_element_type=jnp.float32)
    c0_o[...] = jnp.dot(b_lin[...], W0[...], preferred_element_type=jnp.float32)
    u_o[...] = jnp.dot(Wout[...], w_pred[...], preferred_element_type=jnp.float32)
    k0_o[...] = jnp.dot(bout[...], w_pred[...],
                        preferred_element_type=jnp.float32) + b_pred[...]


def _h0_kernel(s0, s1, t0, t1, qa, qb, nd, ns, a0, c0, b0, h0_o, ys_o):
    s_full = (s0[...] + s1[...] + qa[...]) * nd[...]
    t_full = (t0[...] + t1[...] + qb[...]) * nd[...]
    h0 = jnp.maximum(s_full * a0[...] + t_full * c0[...] + b0[...], 0.0)
    h0_o[...] = h0
    y = h0 * ns[...]
    half = y.shape[1] // 2
    ys_o[0] = y[:, :half]
    ys_o[1] = y[:, half:]


def _conv1_kernel(g0, g1, y0, y1, W1, b1, nd, ns, h0, u, z_o):
    g = jnp.concatenate([g0[0] + y0[0], g1[0] + y1[0]], axis=1)
    h1 = jnp.maximum(
        jnp.dot(g, W1[...], preferred_element_type=jnp.float32) * nd[...]
        + b1[...], 0.0)
    h = h1 + h0[...]
    z_o[...] = jnp.dot(h * ns[...], u[...], preferred_element_type=jnp.float32)


def _out_kernel(pp0, pp1, z, nd, k0, out_o):
    out_o[...] = (pp0[...] + pp1[...] + z[...]) * nd[...] + k0[...]


def kernel(node_weight, edge_index, w_lin, b_lin, W0, b0, W1, b1, Wout, bout,
           w_pred, b_pred):
    n = node_weight.shape[0]
    e = edge_index.shape[1]
    d = W0.shape[0]
    n_pad = ((n + 1 + 255) // 256) * 256
    egran = NW * BLK * 8
    e_pad = ((e + egran - 1) // egran) * egran

    ei = edge_index.astype(jnp.int32)
    pad = jnp.full((e_pad - e,), n, jnp.int32)
    src = jnp.concatenate([ei[0], pad]).reshape(e_pad // BLK, BLK)
    dst = jnp.concatenate([ei[1], pad]).reshape(e_pad // BLK, BLK)
    nw_pad = jnp.pad(node_weight, (0, n_pad - n))[:, None]

    deg_k = _make_deg_kernel(n_pad, e_pad)
    po, pi = deg_k(src, dst)

    col = jax.ShapeDtypeStruct((n_pad, 1), jnp.float32)
    ns, nd, qa, qb = pl.pallas_call(
        _prep_kernel,
        out_shape=[col, col, col, col],
    )(po[0][:, None], po[1][:, None], pi[0][:, None], pi[1][:, None], nw_pad)

    a0, c0, u, k0 = pl.pallas_call(
        _wprep_kernel,
        out_shape=[
            jax.ShapeDtypeStruct((1, d), jnp.float32),
            jax.ShapeDtypeStruct((1, d), jnp.float32),
            jax.ShapeDtypeStruct((d, 1), jnp.float32),
            jax.ShapeDtypeStruct((1, 1), jnp.float32),
        ],
    )(w_lin[None, :], b_lin[None, :], W0, Wout, w_pred[:, None],
      bout[None, :], b_pred[None, :])

    seg2 = _make_scalar_segsum_kernel(n_pad, e_pad, 2)
    ss, tt = seg2(qa[:, 0], qb[:, 0], src, dst)

    rblk = 1024
    nblocks = n_pad // rblk
    dh = d // 2
    colspec = pl.BlockSpec((rblk, 1), lambda i: (i, 0))
    rowspec = pl.BlockSpec((1, d), lambda i: (0, 0))
    matspec = pl.BlockSpec((rblk, d), lambda i: (i, 0))
    ysspec = pl.BlockSpec((NC, rblk, dh), lambda i: (0, i, 0))
    h0, ys = pl.pallas_call(
        _h0_kernel,
        grid=(nblocks,),
        in_specs=[colspec] * 8 + [rowspec] * 3,
        out_specs=[matspec, ysspec],
        out_shape=[jax.ShapeDtypeStruct((n_pad, d), jnp.float32),
                   jax.ShapeDtypeStruct((NC, n_pad, dh), jnp.float32)],
    )(ss[0][:, None], ss[1][:, None], tt[0][:, None], tt[1][:, None],
      qa, qb, nd, ns, a0, c0, b0[None, :])

    seg128 = _make_colsplit_segsum_kernel(n_pad, e_pad, dh)
    g = seg128(ys, src, dst)

    wspec = pl.BlockSpec((d, d), lambda i: (0, 0))
    uspec = pl.BlockSpec((d, 1), lambda i: (0, 0))
    h0spec = pl.BlockSpec((1, rblk, dh), lambda i: (0, i, 0))
    h1spec = pl.BlockSpec((1, rblk, dh), lambda i: (1, i, 0))
    z = pl.pallas_call(
        _conv1_kernel,
        grid=(nblocks,),
        in_specs=[h0spec, h1spec, h0spec, h1spec, wspec, rowspec,
                  colspec, colspec, matspec, uspec],
        out_specs=colspec,
        out_shape=col,
    )(g, g, ys, ys, W1, b1[None, :], nd, ns, h0, u)

    seg1 = _make_scalar_segsum_kernel(n_pad, e_pad, 1)
    (pp,) = seg1(z[:, 0], src, dst)

    logits = pl.pallas_call(
        _out_kernel,
        out_shape=col,
    )(pp[0][:, None], pp[1][:, None], z, nd, k0)

    return logits[:n, 0]

# --- scband reference (transcript-rebuilt; emitter-appended) ---
"""Pipeline reference for scband-gcnmodel-70162585748109 (READ-ONLY COPY).

The authoritative reference and input builder live on the scoring server;
editing this copy changes nothing except your own understanding.
"""

import jax, jax.numpy as jnp
import numpy as np

N = 10000
E = 320000
D_IN = 128
D_H = 128
D_OUT = 128


def setup_inputs(seed: int = 0) -> dict:
    key = jax.random.key(seed)
    ks = jax.random.split(key, 12)
    inp = {}
    inp["node_weight"] = jax.random.normal(ks[0], (N,), dtype=jnp.float32)
    inp["edge_index"] = jax.random.randint(ks[1], (2, E), 0, N)
    inp["w_lin"] = jax.random.normal(ks[2], (D_IN,), dtype=jnp.float32) * 0.05
    inp["b_lin"] = jnp.zeros((D_IN,), dtype=jnp.float32)
    inp["W0"] = jax.random.normal(ks[3], (D_IN, D_H), dtype=jnp.float32) * (1.0 / np.sqrt(D_IN))
    inp["b0"] = jnp.zeros((D_H,), dtype=jnp.float32)
    inp["W1"] = jax.random.normal(ks[4], (D_H, D_H), dtype=jnp.float32) * (1.0 / np.sqrt(D_H))
    inp["b1"] = jnp.zeros((D_H,), dtype=jnp.float32)
    inp["Wout"] = jax.random.normal(ks[5], (D_H, D_OUT), dtype=jnp.float32) * (1.0 / np.sqrt(D_H))
    inp["bout"] = jnp.zeros((D_OUT,), dtype=jnp.float32)
    inp["w_pred"] = jax.random.normal(ks[6], (D_OUT,), dtype=jnp.float32) * (1.0 / np.sqrt(D_OUT))
    inp["b_pred"] = jnp.zeros((1,), dtype=jnp.float32)
    return inp


def _add_self_loops(edge_index, n):
    loop = jnp.arange(n, dtype=edge_index.dtype)
    src = jnp.concatenate([edge_index[0], loop])
    dst = jnp.concatenate([edge_index[1], loop])
    return src, dst


def _gcn_conv(x, W, b, src, dst, norm_src, norm_dst, n):
    # DGL GraphConv with norm='both': D_dst^{-1/2} A D_src^{-1/2} X W + b
    h = x * norm_src[:, None]
    h = h @ W
    agg = jax.ops.segment_sum(h[src], dst, num_segments=n)
    return agg * norm_dst[:, None] + b


def reference(node_weight, edge_index, w_lin, b_lin, W0, b0, W1, b1, Wout, bout, w_pred, b_pred):
    n = node_weight.shape[0]
    # self.linear(weights.unsqueeze(-1)): Linear(1, in_feats)
    feat = node_weight[:, None] * w_lin[None, :] + b_lin
    # dgl.add_self_loop(graph)
    src, dst = _add_self_loops(edge_index, n)
    ones = jnp.ones(src.shape[0], dtype=jnp.float32)
    deg_out = jax.ops.segment_sum(ones, src, num_segments=n)
    deg_in = jax.ops.segment_sum(ones, dst, num_segments=n)
    norm_src = jnp.where(deg_out > 0, 1.0 / jnp.sqrt(deg_out), 0.0)
    norm_dst = jnp.where(deg_in > 0, 1.0 / jnp.sqrt(deg_in), 0.0)
    # conv_0 + relu (dropout p=0.0 is identity)
    h = jax.nn.relu(_gcn_conv(feat, W0, b0, src, dst, norm_src, norm_dst, n))
    # one hidden layer (num_layers=3 -> num_layers-2 = 1) with residual
    h_res = h
    h = jax.nn.relu(_gcn_conv(h, W1, b1, src, dst, norm_src, norm_dst, n))
    h = h + h_res
    # conv_out
    emb = _gcn_conv(h, Wout, bout, src, dst, norm_src, norm_dst, n)
    # do_train=True -> predict + squeeze(-1)
    logits = emb @ w_pred + b_pred[0]
    return logits


if False:  # reference __main__ guard neutralized (emitter)
    out = reference(**setup_inputs())
    print(out.shape, out.dtype)

if __name__ == "__main__":
    import jax
    _d = setup_inputs()
    print(jax.jit(kernel)(*tuple(_d.values())))

</pallas_src>

<mosaic_0001>
#map = affine_map<(d0, d1) -> (0, 0, 0)>
#map1 = affine_map<(d0, d1) -> (0, 0)>
module attributes {stable_mosaic.version = 14 : i64} {
  func.func @seg_kernel(%arg0: i32, %arg1: i32, %arg2: memref<2x10240x64xf32, #tpu.memory_space<hbm>>, %arg3: memref<2560x128xi32, #tpu.memory_space<hbm>>, %arg4: memref<2560x128xi32, #tpu.memory_space<hbm>>, %arg5: memref<2x10240x64xf32, #tpu.memory_space<hbm>>, %arg6: memref<8x128xi32, #tpu.memory_space<vmem>>, %arg7: memref<8x128xi32, #tpu.memory_space<vmem>>, %arg8: memref<512x64xf32, #tpu.memory_space<vmem>>, %arg9: memref<8x64xf32, #tpu.memory_space<vmem>>, %arg10: memref<10240x64xf32, #tpu.memory_space<vmem_shared>>, %arg11: memref<10240x64xf32, #tpu.memory_space<vmem_shared>>, %arg12: memref<!tpu.dma_semaphore, #tpu.memory_space<semaphore_mem>>, %arg13: memref<!tpu.dma_semaphore, #tpu.memory_space<semaphore_mem>>, %arg14: memref<!tpu.dma_semaphore, #tpu.memory_space<semaphore_mem>>, %arg15: memref<!tpu.dma_semaphore, #tpu.memory_space<semaphore_mem>>, %arg16: memref<!tpu.dma_semaphore, #tpu.memory_space<semaphore_mem>>, %arg17: memref<!tpu.dma_semaphore, #tpu.memory_space<semaphore_mem>>, %arg18: memref<!tpu.dma_semaphore, #tpu.memory_space<semaphore_mem>>, %arg19: memref<!tpu.dma_semaphore, #tpu.memory_space<semaphore_mem>>) attributes {dimension_semantics = [#tpu.dimension_semantics<core_parallel>, #tpu.dimension_semantics<subcore_parallel>], iteration_bounds = array<i64: 2, 16>, scalar_prefetch = 0 : i64, scratch_operands = 14 : i64, tpu.core_type = #tpu.core_type<sc_vector_subcore>, window_params = [{transform_indices = #map}, {transform_indices = #map1}, {transform_indices = #map1}, {transform_indices = #map}]} {
    %mul3A = arith.constant 640 : i32
    %mul3A_0 = arith.muli %arg1, %mul3A : i32
    %mul3A_1 = arith.constant 640 : i32
    %mul3A_2 = arith.muli %arg1, %mul3A_1 : i32
    "tpu.region"() ({
      %run_scoped3A = tpu.sem_alloc : memref<!tpu.dma_semaphore, #tpu.memory_space<semaphore_mem>>
      %dma_start3A = arith.constant 0 : i32
      %dma_start3A_28 = tpu.memref_slice %arg10[%mul3A_2, %dma_start3A] : memref<10240x64xf32, #tpu.memory_space<vmem_shared>> -> memref<640x64xf32, #tpu.memory_space<vmem_shared>>
      %dma_start3A_29 = arith.constant 0 : i32
      %dma_start3A_30 = tpu.memref_slice %arg2[%arg0, %mul3A_0, %dma_start3A_29] : memref<2x10240x64xf32, #tpu.memory_space<hbm>> -> memref<1x640x64xf32, #tpu.memory_space<hbm>>
      %dma_start3A_31 = tpu.memref_squeeze %dma_start3A_30 : memref<1x640x64xf32, #tpu.memory_space<hbm>> -> memref<640x64xf32, #tpu.memory_space<hbm>>
      tpu.enqueue_dma source(%dma_start3A_31 : memref<640x64xf32, #tpu.memory_space<hbm>>) target(%dma_start3A_28 : memref<640x64xf32, #tpu.memory_space<vmem_shared>>) target_semaphore(%run_scoped3A : memref<!tpu.dma_semaphore, #tpu.memory_space<semaphore_mem>>)
      %dma_wait3A = arith.constant 0 : i32
      %dma_wait3A_32 = tpu.memref_slice %arg10[%mul3A_2, %dma_wait3A] : memref<10240x64xf32, #tpu.memory_space<vmem_shared>> -> memref<640x64xf32, #tpu.memory_space<vmem_shared>>
      %dma_wait3A_33 = arith.constant 0 : i32
      %dma_wait3A_34 = tpu.memref_slice %arg2[%arg0, %mul3A_0, %dma_wait3A_33] : memref<2x10240x64xf32, #tpu.memory_space<hbm>> -> memref<1x640x64xf32, #tpu.memory_space<hbm>>
      %dma_wait3A_35 = tpu.memref_squeeze %dma_wait3A_34 : memref<1x640x64xf32, #tpu.memory_space<hbm>> -> memref<640x64xf32, #tpu.memory_space<hbm>>
      tpu.wait_dma2 semaphore(%run_scoped3A : memref<!tpu.dma_semaphore, #tpu.memory_space<semaphore_mem>>) src(%dma_wait3A_35 : memref<640x64xf32, #tpu.memory_space<hbm>>) dst(%dma_wait3A_32 : memref<640x64xf32, #tpu.memory_space<vmem_shared>>)
      tpu.yield
    }) : () -> ()
    %scan3A = arith.constant 0 : i32
    %scan3A_3 = arith.constant 0 : i32
    %scan3A_4 = arith.constant 8 : i32
    %scan3A_5 = arith.addi %scan3A_3, %scan3A_4 : i32
    %scan3A_6 = arith.constant 1 : i32
    %scan3A_7 = scf.for %scan3A_28 = %scan3A_3 to %scan3A_5 step %scan3A_6 iter_args(%scan3A_29 = %scan3A) -> (i32)  : i32 {
      %scan3A_30 = arith.constant 0 : i32
      %scan3A_31 = arith.constant 0 : i32
      %scan3A_32 = arith.constant 4 : i32
      %scan3A_33 = arith.addi %scan3A_31, %scan3A_32 : i32
      %scan3A_34 = arith.constant 1 : i32
      %scan3A_35 = scf.for %scan3A_38 = %scan3A_31 to %scan3A_33 step %scan3A_34 iter_args(%scan3A_39 = %scan3A_30) -> (i32)  : i32 {
        %broadcast_in_dim3A = arith.constant 0.000000e+00 : f32
        %broadcast_in_dim3A_40 = vector.broadcast %broadcast_in_dim3A : f32 to vector<16xf32>
        %mul3A_41 = arith.constant 16 : i32
        %mul3A_42 = arith.muli %scan3A_38, %mul3A_41 : i32
        %swap3A = arith.index_cast %scan3A_28 : i32 to index
        %swap3A_43 = arith.index_cast %mul3A_42 : i32 to index
        %swap3A_44 = tpu.vector_load %arg9[%swap3A, %swap3A_43] {strides = array<i32>} : memref<8x64xf32, #tpu.memory_space<vmem>>, vector<1x16xf32>,
        %swap3A_45 = vector.shape_cast %swap3A_44 : vector<1x16xf32> to vector<16xf32>
        %swap3A_46 = vector.shape_cast %broadcast_in_dim3A_40 : vector<16xf32> to vector<1x16xf32>
        tpu.vector_store %arg9[%swap3A, %swap3A_43], %swap3A_46 {strides = array<i32>} : memref<8x64xf32, #tpu.memory_space<vmem>>, vector<1x16xf32>,
        %scan3A_47 = arith.constant 0 : i32
        scf.yield %scan3A_47 : i32
      }
      %scan3A_36 = arith.constant 4 : i32
      %scan3A_37 = arith.constant 0 : i32
      scf.yield %scan3A_37 : i32
    }
    %scan3A_8 = arith.constant 8 : i32
    %scan3A_9 = arith.constant 0 : i32
    %scan3A_10 = arith.constant 0 : i32
    %scan3A_11 = arith.constant 80 : i32
    %scan3A_12 = arith.addi %scan3A_10, %scan3A_11 : i32
    %scan3A_13 = arith.constant 1 : i32
    %scan3A_14 = scf.for %scan3A_28 = %scan3A_10 to %scan3A_12 step %scan3A_13 iter_args(%scan3A_29 = %scan3A_9) -> (i32)  : i32 {
      %mul3A_30 = arith.constant 640 : i32
      %mul3A_31 = arith.muli %arg1, %mul3A_30 : i32
      %mul3A_32 = arith.constant 8 : i32
      %mul3A_33 = arith.muli %scan3A_28, %mul3A_32 : i32
      %add3A = arith.addi %mul3A_31, %mul3A_33 : i32
      "tpu.region"() ({
        %run_scoped3A = tpu.sem_alloc : memref<!tpu.dma_semaphore, #tpu.memory_space<semaphore_mem>>
        %dma_start3A = arith.constant 0 : i32
        %dma_start3A_35 = tpu.memref_slice %arg11[%add3A, %dma_start3A] : memref<10240x64xf32, #tpu.memory_space<vmem_shared>> -> memref<8x64xf32, #tpu.memory_space<vmem_shared>>
        %dma_start3A_36 = arith.constant 0 : i32
        %dma_start3A_37 = tpu.memref_slice %arg11[%add3A, %dma_start3A_36] : memref<10240x64xf32, #tpu.memory_space<vmem_shared>> -> memref<8x64xf32, #tpu.memory_space<vmem_shared>>
        tpu.enqueue_dma source(%arg9 : memref<8x64xf32, #tpu.memory_space<vmem>>) target(%dma_start3A_37 : memref<8x64xf32, #tpu.memory_space<vmem_shared>>) target_semaphore(%run_scoped3A : memref<!tpu.dma_semaphore, #tpu.memory_space<semaphore_mem>>)
        %dma_wait3A = arith.constant 0 : i32
        %dma_wait3A_38 = tpu.memref_slice %arg11[%add3A, %dma_wait3A] : memref<10240x64xf32, #tpu.memory_space<vmem_shared>> -> memref<8x64xf32, #tpu.memory_space<vmem_shared>>
        %dma_wait3A_39 = arith.constant 0 : i32
        %dma_wait3A_40 = tpu.memref_slice %arg11[%add3A, %dma_wait3A_39] : memref<10240x64xf32, #tpu.memory_space<vmem_shared>> -> memref<8x64xf32, #tpu.memory_space<vmem_shared>>
        tpu.wait_dma2 semaphore(%run_scoped3A : memref<!tpu.dma_semaphore, #tpu.memory_space<semaphore_mem>>) src(%arg9 : memref<8x64xf32, #tpu.memory_space<vmem>>) dst(%dma_wait3A_40 : memref<8x64xf32, #tpu.memory_space<vmem_shared>>)
        tpu.yield
      }) : () -> ()
      %scan3A_34 = arith.constant 0 : i32
      scf.yield %scan3A_34 : i32
    }
    %scan3A_15 = arith.constant 80 : i32
    %barrier3A = arith.constant 0 : index
    tpu.barrier barrier_id(%barrier3A)
    %scan3A_16 = arith.constant 0 : i32
    %scan3A_17 = arith.constant 0 : i32
    %scan3A_18 = arith.constant 20 : i32
    %scan3A_19 = arith.addi %scan3A_17, %scan3A_18 : i32
    %scan3A_20 = arith.constant 1 : i32
    %scan3A_21 = scf.for %scan3A_28 = %scan3A_17 to %scan3A_19 step %scan3A_20 iter_args(%scan3A_29 = %scan3A_16) -> (i32)  : i32 {
      %mul3A_30 = arith.constant 160 : i32
      %mul3A_31 = arith.muli %arg1, %mul3A_30 : i32
      %mul3A_32 = arith.constant 8 : i32
      %mul3A_33 = arith.muli %scan3A_28, %mul3A_32 : i32
      %add3A = arith.addi %mul3A_31, %mul3A_33 : i32
      "tpu.region"() ({
        %run_scoped3A = tpu.sem_alloc : memref<!tpu.dma_semaphore, #tpu.memory_space<semaphore_mem>>
        %dma_start3A_353 = arith.constant 0 : i32
        %dma_start3A_354 = tpu.memref_slice %arg3[%add3A, %dma_start3A_353] : memref<2560x128xi32, #tpu.memory_space<hbm>> -> memref<8x128xi32, #tpu.memory_space<hbm>>
        %dma_start3A_355 = arith.constant 0 : i32
        %dma_start3A_356 = tpu.memref_slice %arg3[%add3A, %dma_start3A_355] : memref<2560x128xi32, #tpu.memory_space<hbm>> -> memref<8x128xi32, #tpu.memory_space<hbm>>
        tpu.enqueue_dma source(%dma_start3A_356 : memref<8x128xi32, #tpu.memory_space<hbm>>) target(%arg6 : memref<8x128xi32, #tpu.memory_space<vmem>>) target_semaphore(%run_scoped3A : memref<!tpu.dma_semaphore, #tpu.memory_space<semaphore_mem>>)
        %dma_wait3A_357 = arith.constant 0 : i32
        %dma_wait3A_358 = tpu.memref_slice %arg3[%add3A, %dma_wait3A_357] : memref<2560x128xi32, #tpu.memory_space<hbm>> -> memref<8x128xi32, #tpu.memory_space<hbm>>
        %dma_wait3A_359 = arith.constant 0 : i32
        %dma_wait3A_360 = tpu.memref_slice %arg3[%add3A, %dma_wait3A_359] : memref<2560x128xi32, #tpu.memory_space<hbm>> -> memref<8x128xi32, #tpu.memory_space<hbm>>
        tpu.wait_dma2 semaphore(%run_scoped3A : memref<!tpu.dma_semaphore, #tpu.memory_space<semaphore_mem>>) src(%dma_wait3A_360 : memref<8x128xi32, #tpu.memory_space<hbm>>) dst(%arg6 : memref<8x128xi32, #tpu.memory_space<vmem>>)
        tpu.yield
      }) : () -> ()
      "tpu.region"() ({
        %run_scoped3A = tpu.sem_alloc : memref<!tpu.dma_semaphore, #tpu.memory_space<semaphore_mem>>
        %dma_start3A_353 = arith.constant 0 : i32
        %dma_start3A_354 = tpu.memref_slice %arg4[%add3A, %dma_start3A_353] : memref<2560x128xi32, #tpu.memory_space<hbm>> -> memref<8x128xi32, #tpu.memory_space<hbm>>
        %dma_start3A_355 = arith.constant 0 : i32
        %dma_start3A_356 = tpu.memref_slice %arg4[%add3A, %dma_start3A_355] : memref<2560x128xi32, #tpu.memory_space<hbm>> -> memref<8x128xi32, #tpu.memory_space<hbm>>
        tpu.enqueue_dma source(%dma_start3A_356 : memref<8x128xi32, #tpu.memory_space<hbm>>) target(%arg7 : memref<8x128xi32, #tpu.memory_space<vmem>>) target_semaphore(%run_scoped3A : memref<!tpu.dma_semaphore, #tpu.memory_space<semaphore_mem>>)
        %dma_wait3A_357 = arith.constant 0 : i32
        %dma_wait3A_358 = tpu.memref_slice %arg4[%add3A, %dma_wait3A_357] : memref<2560x128xi32, #tpu.memory_space<hbm>> -> memref<8x128xi32, #tpu.memory_space<hbm>>
        %dma_wait3A_359 = arith.constant 0 : i32
        %dma_wait3A_360 = tpu.memref_slice %arg4[%add3A, %dma_wait3A_359] : memref<2560x128xi32, #tpu.memory_space<hbm>> -> memref<8x128xi32, #tpu.memory_space<hbm>>
        tpu.wait_dma2 semaphore(%run_scoped3A : memref<!tpu.dma_semaphore, #tpu.memory_space<semaphore_mem>>) src(%dma_wait3A_360 : memref<8x128xi32, #tpu.memory_space<hbm>>) dst(%arg7 : memref<8x128xi32, #tpu.memory_space<vmem>>)
        tpu.yield
      }) : () -> ()
      %dma_start3A = arith.constant 0 : i32
      %dma_start3A_34 = arith.constant 0 : i32
      %dma_start3A_35 = arith.constant 0 : i32
      %dma_start3A_36 = tpu.memref_slice %arg8[%dma_start3A_34, %dma_start3A_35] : memref<512x64xf32, #tpu.memory_space<vmem>> -> memref<128x64xf32, #tpu.memory_space<vmem>>
      %dma_start3A_37 = arith.constant 0 : i32
      %dma_start3A_38 = tpu.memref_slice %arg6[%dma_start3A, %dma_start3A_37] : memref<8x128xi32, #tpu.memory_space<vmem>> -> memref<1x128xi32, #tpu.memory_space<vmem>>
      %dma_start3A_39 = tpu.memref_squeeze %dma_start3A_38 : memref<1x128xi32, #tpu.memory_space<vmem>> -> memref<128xi32, #tpu.memory_space<vmem>>
      %dma_start3A_40 = arith.constant 0 : i32
      %dma_start3A_41 = arith.constant 0 : i32
      %dma_start3A_42 = tpu.memref_slice %arg10[%dma_start3A_40, %dma_start3A_41] : memref<10240x64xf32, #tpu.memory_space<vmem_shared>> -> memref<10240x64xf32, #tpu.memory_space<vmem_shared>>
      tpu.enqueue_indirect_dma source(%dma_start3A_42 : memref<10240x64xf32, #tpu.memory_space<vmem_shared>>) target(%dma_start3A_36 : memref<128x64xf32, #tpu.memory_space<vmem>>) offsets(%dma_start3A_39 : memref<128xi32, #tpu.memory_space<vmem>>) semaphore(%arg12 : memref<!tpu.dma_semaphore, #tpu.memory_space<semaphore_mem>>)
      %dma_start3A_43 = arith.constant 1 : i32
      %dma_start3A_44 = arith.constant 128 : i32
      %dma_start3A_45 = arith.constant 0 : i32
      %dma_start3A_46 = tpu.memref_slice %arg8[%dma_start3A_44, %dma_start3A_45] : memref<512x64xf32, #tpu.memory_space<vmem>> -> memref<128x64xf32, #tpu.memory_space<vmem>>
      %dma_start3A_47 = arith.constant 0 : i32
      %dma_start3A_48 = tpu.memref_slice %arg6[%dma_start3A_43, %dma_start3A_47] : memref<8x128xi32, #tpu.memory_space<vmem>> -> memref<1x128xi32, #tpu.memory_space<vmem>>
      %dma_start3A_49 = tpu.memref_squeeze %dma_start3A_48 : memref<1x128xi32, #tpu.memory_space<vmem>> -> memref<128xi32, #tpu.memory_space<vmem>>
      %dma_start3A_50 = arith.constant 0 : i32
      %dma_start3A_51 = arith.constant 0 : i32
      %dma_start3A_52 = tpu.memref_slice %arg10[%dma_start3A_50, %dma_start3A_51] : memref<10240x64xf32, #tpu.memory_space<vmem_shared>> -> memref<10240x64xf32, #tpu.memory_space<vmem_shared>>
      tpu.enqueue_indirect_dma source(%dma_start3A_52 : memref<10240x64xf32, #tpu.memory_space<vmem_shared>>) target(%dma_start3A_46 : memref<128x64xf32, #tpu.memory_space<vmem>>) offsets(%dma_start3A_49 : memref<128xi32, #tpu.memory_space<vmem>>) semaphore(%arg13 : memref<!tpu.dma_semaphore, #tpu.memory_space<semaphore_mem>>)
      %dma_start3A_53 = arith.constant 2 : i32
      %dma_start3A_54 = arith.constant 256 : i32
      %dma_start3A_55 = arith.constant 0 : i32
      %dma_start3A_56 = tpu.memref_slice %arg8[%dma_start3A_54, %dma_start3A_55] : memref<512x64xf32, #tpu.memory_space<vmem>> -> memref<128x64xf32, #tpu.memory_space<vmem>>
      %dma_start3A_57 = arith.constant 0 : i32
      %dma_start3A_58 = tpu.memref_slice %arg6[%dma_start3A_53, %dma_start3A_57] : memref<8x128xi32, #tpu.memory_space<vmem>> -> memref<1x128xi32, #tpu.memory_space<vmem>>
      %dma_start3A_59 = tpu.memref_squeeze %dma_start3A_58 : memref<1x128xi32, #tpu.memory_space<vmem>> -> memref<128xi32, #tpu.memory_space<vmem>>
      %dma_start3A_60 = arith.constant 0 : i32
      %dma_start3A_61 = arith.constant 0 : i32
      %dma_start3A_62 = tpu.memref_slice %arg10[%dma_start3A_60, %dma_start3A_61] : memref<10240x64xf32, #tpu.memory_space<vmem_shared>> -> memref<10240x64xf32, #tpu.memory_space<vmem_shared>>
      tpu.enqueue_indirect_dma source(%dma_start3A_62 : memref<10240x64xf32, #tpu.memory_space<vmem_shared>>) target(%dma_start3A_56 : memref<128x64xf32, #tpu.memory_space<vmem>>) offsets(%dma_start3A_59 : memref<128xi32, #tpu.memory_space<vmem>>) semaphore(%arg14 : memref<!tpu.dma_semaphore, #tpu.memory_space<semaphore_mem>>)
      %dma_start3A_63 = arith.constant 3 : i32
      %dma_start3A_64 = arith.constant 384 : i32
      %dma_start3A_65 = arith.constant 0 : i32
      %dma_start3A_66 = tpu.memref_slice %arg8[%dma_start3A_64, %dma_start3A_65] : memref<512x64xf32, #tpu.memory_space<vmem>> -> memref<128x64xf32, #tpu.memory_space<vmem>>
      %dma_start3A_67 = arith.constant 0 : i32
      %dma_start3A_68 = tpu.memref_slice %arg6[%dma_start3A_63, %dma_start3A_67] : memref<8x128xi32, #tpu.memory_space<vmem>> -> memref<1x128xi32, #tpu.memory_space<vmem>>
      %dma_start3A_69 = tpu.memref_squeeze %dma_start3A_68 : memref<1x128xi32, #tpu.memory_space<vmem>> -> memref<128xi32, #tpu.memory_space<vmem>>
      %dma_start3A_70 = arith.constant 0 : i32
      %dma_start3A_71 = arith.constant 0 : i32
      %dma_start3A_72 = tpu.memref_slice %arg10[%dma_start3A_70, %dma_start3A_71] : memref<10240x64xf32, #tpu.memory_space<vmem_shared>> -> memref<10240x64xf32, #tpu.memory_space<vmem_shared>>
      tpu.enqueue_indirect_dma source(%dma_start3A_72 : memref<10240x64xf32, #tpu.memory_space<vmem_shared>>) target(%dma_start3A_66 : memref<128x64xf32, #tpu.memory_space<vmem>>) offsets(%dma_start3A_69 : memref<128xi32, #tpu.memory_space<vmem>>) semaphore(%arg15 : memref<!tpu.dma_semaphore, #tpu.memory_space<semaphore_mem>>)
      %dma_wait3A = arith.constant 0 : i32
      %dma_wait3A_73 = arith.constant 0 : i32
      %dma_wait3A_74 = arith.constant 0 : i32
      %dma_wait3A_75 = tpu.memref_slice %arg8[%dma_wait3A_73, %dma_wait3A_74] : memref<512x64xf32, #tpu.memory_space<vmem>> -> memref<128x64xf32, #tpu.memory_space<vmem>>
      %dma_wait3A_76 = arith.constant 0 : i32
      %dma_wait3A_77 = tpu.memref_slice %arg6[%dma_wait3A, %dma_wait3A_76] : memref<8x128xi32, #tpu.memory_space<vmem>> -> memref<1x128xi32, #tpu.memory_space<vmem>>
      %dma_wait3A_78 = tpu.memref_squeeze %dma_wait3A_77 : memref<1x128xi32, #tpu.memory_space<vmem>> -> memref<128xi32, #tpu.memory_space<vmem>>
      %dma_wait3A_79 = arith.constant 0 : i32
      %dma_wait3A_80 = arith.constant 0 : i32
      %dma_wait3A_81 = tpu.memref_slice %arg10[%dma_wait3A_79, %dma_wait3A_80] : memref<10240x64xf32, #tpu.memory_space<vmem_shared>> -> memref<10240x64xf32, #tpu.memory_space<vmem_shared>>
      tpu.wait_indirect_dma semaphore(%arg12 : memref<!tpu.dma_semaphore, #tpu.memory_space<semaphore_mem>>) src(%dma_wait3A_81 : memref<10240x64xf32, #tpu.memory_space<vmem_shared>>) dst(%dma_wait3A_75 : memref<128x64xf32, #tpu.memory_space<vmem>>)
      %dma_start3A_82 = arith.constant 0 : i32
      %dma_start3A_83 = arith.constant 0 : i32
      %dma_start3A_84 = arith.constant 0 : i32
      %dma_start3A_85 = tpu.memref_slice %arg8[%dma_start3A_83, %dma_start3A_84] : memref<512x64xf32, #tpu.memory_space<vmem>> -> memref<128x64xf32, #tpu.memory_space<vmem>>
      %dma_start3A_86 = arith.constant 0 : i32
      %dma_start3A_87 = tpu.memref_slice %arg7[%dma_start3A_82, %dma_start3A_86] : memref<8x128xi32, #tpu.memory_space<vmem>> -> memref<1x128xi32, #tpu.memory_space<vmem>>
      %dma_start3A_88 = tpu.memref_squeeze %dma_start3A_87 : memref<1x128xi32, #tpu.memory_space<vmem>> -> memref<128xi32, #tpu.memory_space<vmem>>
      %dma_start3A_89 = arith.constant 0 : i32
      %dma_start3A_90 = arith.constant 0 : i32
      %dma_start3A_91 = tpu.memref_slice %arg11[%dma_start3A_89, %dma_start3A_90] : memref<10240x64xf32, #tpu.memory_space<vmem_shared>> -> memref<10240x64xf32, #tpu.memory_space<vmem_shared>>
      tpu.enqueue_indirect_dma source(%dma_start3A_85 : memref<128x64xf32, #tpu.memory_space<vmem>>) target(%dma_start3A_91 : memref<10240x64xf32, #tpu.memory_space<vmem_shared>>) offsets(%dma_start3A_88 : memref<128xi32, #tpu.memory_space<vmem>>) semaphore(%arg16 : memref<!tpu.dma_semaphore, #tpu.memory_space<semaphore_mem>>) {add = true}
      %dma_wait3A_92 = arith.constant 1 : i32
      %dma_wait3A_93 = arith.constant 128 : i32
      %dma_wait3A_94 = arith.constant 0 : i32
      %dma_wait3A_95 = tpu.memref_slice %arg8[%dma_wait3A_93, %dma_wait3A_94] : memref<512x64xf32, #tpu.memory_space<vmem>> -> memref<128x64xf32, #tpu.memory_space<vmem>>
      %dma_wait3A_96 = arith.constant 0 : i32
      %dma_wait3A_97 = tpu.memref_slice %arg6[%dma_wait3A_92, %dma_wait3A_96] : memref<8x128xi32, #tpu.memory_space<vmem>> -> memref<1x128xi32, #tpu.memory_space<vmem>>
      %dma_wait3A_98 = tpu.memref_squeeze %dma_wait3A_97 : memref<1x128xi32, #tpu.memory_space<vmem>> -> memref<128xi32, #tpu.memory_space<vmem>>
      %dma_wait3A_99 = arith.constant 0 : i32
      %dma_wait3A_100 = arith.constant 0 : i32
      %dma_wait3A_101 = tpu.memref_slice %arg10[%dma_wait3A_99, %dma_wait3A_100] : memref<10240x64xf32, #tpu.memory_space<vmem_shared>> -> memref<10240x64xf32, #tpu.memory_space<vmem_shared>>
      tpu.wait_indirect_dma semaphore(%arg13 : memref<!tpu.dma_semaphore, #tpu.memory_space<semaphore_mem>>) src(%dma_wait3A_101 : memref<10240x64xf32, #tpu.memory_space<vmem_shared>>) dst(%dma_wait3A_95 : memref<128x64xf32, #tpu.memory_space<vmem>>)
      %dma_start3A_102 = arith.constant 1 : i32
      %dma_start3A_103 = arith.constant 128 : i32
      %dma_start3A_104 = arith.constant 0 : i32
      %dma_start3A_105 = tpu.memref_slice %arg8[%dma_start3A_103, %dma_start3A_104] : memref<512x64xf32, #tpu.memory_space<vmem>> -> memref<128x64xf32, #tpu.memory_space<vmem>>
      %dma_start3A_106 = arith.constant 0 : i32
      %dma_start3A_107 = tpu.memref_slice %arg7[%dma_start3A_102, %dma_start3A_106] : memref<8x128xi32, #tpu.memory_space<vmem>> -> memref<1x128xi32, #tpu.memory_space<vmem>>
      %dma_start3A_108 = tpu.memref_squeeze %dma_start3A_107 : memref<1x128xi32, #tpu.memory_space<vmem>> -> memref<128xi32, #tpu.memory_space<vmem>>
      %dma_start3A_109 = arith.constant 0 : i32
      %dma_start3A_110 = arith.constant 0 : i32
      %dma_start3A_111 = tpu.memref_slice %arg11[%dma_start3A_109, %dma_start3A_110] : memref<10240x64xf32, #tpu.memory_space<vmem_shared>> -> memref<10240x64xf32, #tpu.memory_space<vmem_shared>>
      tpu.enqueue_indirect_dma source(%dma_start3A_105 : memref<128x64xf32, #tpu.memory_space<vmem>>) target(%dma_start3A_111 : memref<10240x64xf32, #tpu.memory_space<vmem_shared>>) offsets(%dma_start3A_108 : memref<128xi32, #tpu.memory_space<vmem>>) semaphore(%arg17 : memref<!tpu.dma_semaphore, #tpu.memory_space<semaphore_mem>>) {add = true}
      %dma_wait3A_112 = arith.constant 2 : i32
      %dma_wait3A_113 = arith.constant 256 : i32
      %dma_wait3A_114 = arith.constant 0 : i32
      %dma_wait3A_115 = tpu.memref_slice %arg8[%dma_wait3A_113, %dma_wait3A_114] : memref<512x64xf32, #tpu.memory_space<vmem>> -> memref<128x64xf32, #tpu.memory_space<vmem>>
      %dma_wait3A_116 = arith.constant 0 : i32
      %dma_wait3A_117 = tpu.memref_slice %arg6[%dma_wait3A_112, %dma_wait3A_116] : memref<8x128xi32, #tpu.memory_space<vmem>> -> memref<1x128xi32, #tpu.memory_space<vmem>>
      %dma_wait3A_118 = tpu.memref_squeeze %dma_wait3A_117 : memref<1x128xi32, #tpu.memory_space<vmem>> -> memref<128xi32, #tpu.memory_space<vmem>>
      %dma_wait3A_119 = arith.constant 0 : i32
      %dma_wait3A_120 = arith.constant 0 : i32
      %dma_wait3A_121 = tpu.memref_slice %arg10[%dma_wait3A_119, %dma_wait3A_120] : memref<10240x64xf32, #tpu.memory_space<vmem_shared>> -> memref<10240x64xf32, #tpu.memory_space<vmem_shared>>
      tpu.wait_indirect_dma semaphore(%arg14 : memref<!tpu.dma_semaphore, #tpu.memory_space<semaphore_mem>>) src(%dma_wait3A_121 : memref<10240x64xf32, #tpu.memory_space<vmem_shared>>) dst(%dma_wait3A_115 : memref<128x64xf32, #tpu.memory_space<vmem>>)
      %dma_start3A_122 = arith.constant 2 : i32
      %dma_start3A_123 = arith.constant 256 : i32
      %dma_start3A_124 = arith.constant 0 : i32
      %dma_start3A_125 = tpu.memref_slice %arg8[%dma_start3A_123, %dma_start3A_124] : memref<512x64xf32, #tpu.memory_space<vmem>> -> memref<128x64xf32, #tpu.memory_space<vmem>>
      %dma_start3A_126 = arith.constant 0 : i32
      %dma_start3A_127 = tpu.memref_slice %arg7[%dma_start3A_122, %dma_start3A_126] : memref<8x128xi32, #tpu.memory_space<vmem>> -> memref<1x128xi32, #tpu.memory_space<vmem>>
      %dma_start3A_128 = tpu.memref_squeeze %dma_start3A_127 : memref<1x128xi32, #tpu.memory_space<vmem>> -> memref<128xi32, #tpu.memory_space<vmem>>
      %dma_start3A_129 = arith.constant 0 : i32
      %dma_start3A_130 = arith.constant 0 : i32
      %dma_start3A_131 = tpu.memref_slice %arg11[%dma_start3A_129, %dma_start3A_130] : memref<10240x64xf32, #tpu.memory_space<vmem_shared>> -> memref<10240x64xf32, #tpu.memory_space<vmem_shared>>
      tpu.enqueue_indirect_dma source(%dma_start3A_125 : memref<128x64xf32, #tpu.memory_space<vmem>>) target(%dma_start3A_131 : memref<10240x64xf32, #tpu.memory_space<vmem_shared>>) offsets(%dma_start3A_128 : memref<128xi32, #tpu.memory_space<vmem>>) semaphore(%arg18 : memref<!tpu.dma_semaphore, #tpu.memory_space<semaphore_mem>>) {add = true}
      %dma_wait3A_132 = arith.constant 3 : i32
      %dma_wait3A_133 = arith.constant 384 : i32
      %dma_wait3A_134 = arith.constant 0 : i32
      %dma_wait3A_135 = tpu.memref_slice %arg8[%dma_wait3A_133, %dma_wait3A_134] : memref<512x64xf32, #tpu.memory_space<vmem>> -> memref<128x64xf32, #tpu.memory_space<vmem>>
      %dma_wait3A_136 = arith.constant 0 : i32
      %dma_wait3A_137 = tpu.memref_slice %arg6[%dma_wait3A_132, %dma_wait3A_136] : memref<8x128xi32, #tpu.memory_space<vmem>> -> memref<1x128xi32, #tpu.memory_space<vmem>>
      %dma_wait3A_138 = tpu.memref_squeeze %dma_wait3A_137 : memref<1x128xi32, #tpu.memory_space<vmem>> -> memref<128xi32, #tpu.memory_space<vmem>>
      %dma_wait3A_139 = arith.constant 0 : i32
      %dma_wait3A_140 = arith.constant 0 : i32
      %dma_wait3A_141 = tpu.memref_slice %arg10[%dma_wait3A_139, %dma_wait3A_140] : memref<10240x64xf32, #tpu.memory_space<vmem_shared>> -> memref<10240x64xf32, #tpu.memory_space<vmem_shared>>
      tpu.wait_indirect_dma semaphore(%arg15 : memref<!tpu.dma_semaphore, #tpu.memory_space<semaphore_mem>>) src(%dma_wait3A_141 : memref<10240x64xf32, #tpu.memory_space<vmem_shared>>) dst(%dma_wait3A_135 : memref<128x64xf32, #tpu.memory_space<vmem>>)
      %dma_start3A_142 = arith.constant 3 : i32
      %dma_start3A_143 = arith.constant 384 : i32
      %dma_start3A_144 = arith.constant 0 : i32
      %dma_start3A_145 = tpu.memref_slice %arg8[%dma_start3A_143, %dma_start3A_144] : memref<512x64xf32, #tpu.memory_space<vmem>> -> memref<128x64xf32, #tpu.memory_space<vmem>>
      %dma_start3A_146 = arith.constant 0 : i32
      %dma_start3A_147 = tpu.memref_slice %arg7[%dma_start3A_142, %dma_start3A_146] : memref<8x128xi32, #tpu.memory_space<vmem>> -> memref<1x128xi32, #tpu.memory_space<vmem>>
      %dma_start3A_148 = tpu.memref_squeeze %dma_start3A_147 : memref<1x128xi32, #tpu.memory_space<vmem>> -> memref<128xi32, #tpu.memory_space<vmem>>
      %dma_start3A_149 = arith.constant 0 : i32
      %dma_start3A_150 = arith.constant 0 : i32
      %dma_start3A_151 = tpu.memref_slice %arg11[%dma_start3A_149, %dma_start3A_150] : memref<10240x64xf32, #tpu.memory_space<vmem_shared>> -> memref<10240x64xf32, #tpu.memory_space<vmem_shared>>
      tpu.enqueue_indirect_dma source(%dma_start3A_145 : memref<128x64xf32, #tpu.memory_space<vmem>>) target(%dma_start3A_151 : memref<10240x64xf32, #tpu.memory_space<vmem_shared>>) offsets(%dma_start3A_148 : memref<128xi32, #tpu.memory_space<vmem>>) semaphore(%arg19 : memref<!tpu.dma_semaphore, #tpu.memory_space<semaphore_mem>>) {add = true}
      %dma_wait3A_152 = arith.constant 0 : i32
      %dma_wait3A_153 = arith.constant 0 : i32
      %dma_wait3A_154 = arith.constant 0 : i32
      %dma_wait3A_155 = tpu.memref_slice %arg8[%dma_wait3A_153, %dma_wait3A_154] : memref<512x64xf32, #tpu.memory_space<vmem>> -> memref<128x64xf32, #tpu.memory_space<vmem>>
      %dma_wait3A_156 = arith.constant 0 : i32
      %dma_wait3A_157 = tpu.memref_slice %arg7[%dma_wait3A_152, %dma_wait3A_156] : memref<8x128xi32, #tpu.memory_space<vmem>> -> memref<1x128xi32, #tpu.memory_space<vmem>>
      %dma_wait3A_158 = tpu.memref_squeeze %dma_wait3A_157 : memref<1x128xi32, #tpu.memory_space<vmem>> -> memref<128xi32, #tpu.memory_space<vmem>>
      %dma_wait3A_159 = arith.constant 0 : i32
      %dma_wait3A_160 = arith.constant 0 : i32
      %dma_wait3A_161 = tpu.memref_slice %arg11[%dma_wait3A_159, %dma_wait3A_160] : memref<10240x64xf32, #tpu.memory_space<vmem_shared>> -> memref<10240x64xf32, #tpu.memory_space<vmem_shared>>
      tpu.wait_indirect_dma semaphore(%arg16 : memref<!tpu.dma_semaphore, #tpu.memory_space<semaphore_mem>>) src(%dma_wait3A_155 : memref<128x64xf32, #tpu.memory_space<vmem>>) dst(%dma_wait3A_161 : memref<10240x64xf32, #tpu.memory_space<vmem_shared>>)
      %dma_start3A_162 = arith.constant 4 : i32
      %dma_start3A_163 = arith.constant 0 : i32
      %dma_start3A_164 = arith.constant 0 : i32
      %dma_start3A_165 = tpu.memref_slice %arg8[%dma_start3A_163, %dma_start3A_164] : memref<512x64xf32, #tpu.memory_space<vmem>> -> memref<128x64xf32, #tpu.memory_space<vmem>>
      %dma_start3A_166 = arith.constant 0 : i32
      %dma_start3A_167 = tpu.memref_slice %arg6[%dma_start3A_162, %dma_start3A_166] : memref<8x128xi32, #tpu.memory_space<vmem>> -> memref<1x128xi32, #tpu.memory_space<vmem>>
      %dma_start3A_168 = tpu.memref_squeeze %dma_start3A_167 : memref<1x128xi32, #tpu.memory_space<vmem>> -> memref<128xi32, #tpu.memory_space<vmem>>
      %dma_start3A_169 = arith.constant 0 : i32
      %dma_start3A_170 = arith.constant 0 : i32
      %dma_start3A_171 = tpu.memref_slice %arg10[%dma_start3A_169, %dma_start3A_170] : memref<10240x64xf32, #tpu.memory_space<vmem_shared>> -> memref<10240x64xf32, #tpu.memory_space<vmem_shared>>
      tpu.enqueue_indirect_dma source(%dma_start3A_171 : memref<10240x64xf32, #tpu.memory_space<vmem_shared>>) target(%dma_start3A_165 : memref<128x64xf32, #tpu.memory_space<vmem>>) offsets(%dma_start3A_168 : memref<128xi32, #tpu.memory_space<vmem>>) semaphore(%arg12 : memref<!tpu.dma_semaphore, #tpu.memory_space<semaphore_mem>>)
      %dma_wait3A_172 = arith.constant 1 : i32
      %dma_wait3A_173 = arith.constant 128 : i32
      %dma_wait3A_174 = arith.constant 0 : i32
      %dma_wait3A_175 = tpu.memref_slice %arg8[%dma_wait3A_173, %dma_wait3A_174] : memref<512x64xf32, #tpu.memory_space<vmem>> -> memref<128x64xf32, #tpu.memory_space<vmem>>
      %dma_wait3A_176 = arith.constant 0 : i32
      %dma_wait3A_177 = tpu.memref_slice %arg7[%dma_wait3A_172, %dma_wait3A_176] : memref<8x128xi32, #tpu.memory_space<vmem>> -> memref<1x128xi32, #tpu.memory_space<vmem>>
      %dma_wait3A_178 = tpu.memref_squeeze %dma_wait3A_177 : memref<1x128xi32, #tpu.memory_space<vmem>> -> memref<128xi32, #tpu.memory_space<vmem>>
      %dma_wait3A_179 = arith.constant 0 : i32
      %dma_wait3A_180 = arith.constant 0 : i32
      %dma_wait3A_181 = tpu.memref_slice %arg11[%dma_wait3A_179, %dma_wait3A_180] : memref<10240x64xf32, #tpu.memory_space<vmem_shared>> -> memref<10240x64xf32, #tpu.memory_space<vmem_shared>>
      tpu.wait_indirect_dma semaphore(%arg17 : memref<!tpu.dma_semaphore, #tpu.memory_space<semaphore_mem>>) src(%dma_wait3A_175 : memref<128x64xf32, #tpu.memory_space<vmem>>) dst(%dma_wait3A_181 : memref<10240x64xf32, #tpu.memory_space<vmem_shared>>)
      %dma_start3A_182 = arith.constant 5 : i32
      %dma_start3A_183 = arith.constant 128 : i32
      %dma_start3A_184 = arith.constant 0 : i32
      %dma_start3A_185 = tpu.memref_slice %arg8[%dma_start3A_183, %dma_start3A_184] : memref<512x64xf32, #tpu.memory_space<vmem>> -> memref<128x64xf32, #tpu.memory_space<vmem>>
      %dma_start3A_186 = arith.constant 0 : i32
      %dma_start3A_187 = tpu.memref_slice %arg6[%dma_start3A_182, %dma_start3A_186] : memref<8x128xi32, #tpu.memory_space<vmem>> -> memref<1x128xi32, #tpu.memory_space<vmem>>
      %dma_start3A_188 = tpu.memref_squeeze %dma_start3A_187 : memref<1x128xi32, #tpu.memory_space<vmem>> -> memref<128xi32, #tpu.memory_space<vmem>>
      %dma_start3A_189 = arith.constant 0 : i32
      %dma_start3A_190 = arith.constant 0 : i32
      %dma_start3A_191 = tpu.memref_slice %arg10[%dma_start3A_189, %dma_start3A_190] : memref<10240x64xf32, #tpu.memory_space<vmem_shared>> -> memref<10240x64xf32, #tpu.memory_space<vmem_shared>>
      tpu.enqueue_indirect_dma source(%dma_start3A_191 : memref<10240x64xf32, #tpu.memory_space<vmem_shared>>) target(%dma_start3A_185 : memref<128x64xf32, #tpu.memory_space<vmem>>) offsets(%dma_start3A_188 : memref<128xi32, #tpu.memory_space<vmem>>) semaphore(%arg13 : memref<!tpu.dma_semaphore, #tpu.memory_space<semaphore_mem>>)
      %dma_wait3A_192 = arith.constant 2 : i32
      %dma_wait3A_193 = arith.constant 256 : i32
      %dma_wait3A_194 = arith.constant 0 : i32
      %dma_wait3A_195 = tpu.memref_slice %arg8[%dma_wait3A_193, %dma_wait3A_194] : memref<512x64xf32, #tpu.memory_space<vmem>> -> memref<128x64xf32, #tpu.memory_space<vmem>>
      %dma_wait3A_196 = arith.constant 0 : i32
      %dma_wait3A_197 = tpu.memref_slice %arg7[%dma_wait3A_192, %dma_wait3A_196] : memref<8x128xi32, #tpu.memory_space<vmem>> -> memref<1x128xi32, #tpu.memory_space<vmem>>
      %dma_wait3A_198 = tpu.memref_squeeze %dma_wait3A_197 : memref<1x128xi32, #tpu.memory_space<vmem>> -> memref<128xi32, #tpu.memory_space<vmem>>
      %dma_wait3A_199 = arith.constant 0 : i32
      %dma_wait3A_200 = arith.constant 0 : i32
      %dma_wait3A_201 = tpu.memref_slice %arg11[%dma_wait3A_199, %dma_wait3A_200] : memref<10240x64xf32, #tpu.memory_space<vmem_shared>> -> memref<10240x64xf32, #tpu.memory_space<vmem_shared>>
      tpu.wait_indirect_dma semaphore(%arg18 : memref<!tpu.dma_semaphore, #tpu.memory_space<semaphore_mem>>) src(%dma_wait3A_195 : memref<128x64xf32, #tpu.memory_space<vmem>>) dst(%dma_wait3A_201 : memref<10240x64xf32, #tpu.memory_space<vmem_shared>>)
      %dma_start3A_202 = arith.constant 6 : i32
      %dma_start3A_203 = arith.constant 256 : i32
      %dma_start3A_204 = arith.constant 0 : i32
      %dma_start3A_205 = tpu.memref_slice %arg8[%dma_start3A_203, %dma_start3A_204] : memref<512x64xf32, #tpu.memory_space<vmem>> -> memref<128x64xf32, #tpu.memory_space<vmem>>
      %dma_start3A_206 = arith.constant 0 : i32
      %dma_start3A_207 = tpu.memref_slice %arg6[%dma_start3A_202, %dma_start3A_206] : memref<8x128xi32, #tpu.memory_space<vmem>> -> memref<1x128xi32, #tpu.memory_space<vmem>>
      %dma_start3A_208 = tpu.memref_squeeze %dma_start3A_207 : memref<1x128xi32, #tpu.memory_space<vmem>> -> memref<128xi32, #tpu.memory_space<vmem>>
      %dma_start3A_209 = arith.constant 0 : i32
      %dma_start3A_210 = arith.constant 0 : i32
      %dma_start3A_211 = tpu.memref_slice %arg10[%dma_start3A_209, %dma_start3A_210] : memref<10240x64xf32, #tpu.memory_space<vmem_shared>> -> memref<10240x64xf32, #tpu.memory_space<vmem_shared>>
      tpu.enqueue_indirect_dma source(%dma_start3A_211 : memref<10240x64xf32, #tpu.memory_space<vmem_shared>>) target(%dma_start3A_205 : memref<128x64xf32, #tpu.memory_space<vmem>>) offsets(%dma_start3A_208 : memref<128xi32, #tpu.memory_space<vmem>>) semaphore(%arg14 : memref<!tpu.dma_semaphore, #tpu.memory_space<semaphore_mem>>)
      %dma_wait3A_212 = arith.constant 3 : i32
      %dma_wait3A_213 = arith.constant 384 : i32
      %dma_wait3A_214 = arith.constant 0 : i32
      %dma_wait3A_215 = tpu.memref_slice %arg8[%dma_wait3A_213, %dma_wait3A_214] : memref<512x64xf32, #tpu.memory_space<vmem>> -> memref<128x64xf32, #tpu.memory_space<vmem>>
      %dma_wait3A_216 = arith.constant 0 : i32
      %dma_wait3A_217 = tpu.memref_slice %arg7[%dma_wait3A_212, %dma_wait3A_216] : memref<8x128xi32, #tpu.memory_space<vmem>> -> memref<1x128xi32, #tpu.memory_space<vmem>>
      %dma_wait3A_218 = tpu.memref_squeeze %dma_wait3A_217 : memref<1x128xi32, #tpu.memory_space<vmem>> -> memref<128xi32, #tpu.memory_space<vmem>>
      %dma_wait3A_219 = arith.constant 0 : i32
      %dma_wait3A_220 = arith.constant 0 : i32
      %dma_wait3A_221 = tpu.memref_slice %arg11[%dma_wait3A_219, %dma_wait3A_220] : memref<10240x64xf32, #tpu.memory_space<vmem_shared>> -> memref<10240x64xf32, #tpu.memory_space<vmem_shared>>
      tpu.wait_indirect_dma semaphore(%arg19 : memref<!tpu.dma_semaphore, #tpu.memory_space<semaphore_mem>>) src(%dma_wait3A_215 : memref<128x64xf32, #tpu.memory_space<vmem>>) dst(%dma_wait3A_221 : memref<10240x64xf32, #tpu.memory_space<vmem_shared>>)
      %dma_start3A_222 = arith.constant 7 : i32
      %dma_start3A_223 = arith.constant 384 : i32
      %dma_start3A_224 = arith.constant 0 : i32
      %dma_start3A_225 = tpu.memref_slice %arg8[%dma_start3A_223, %dma_start3A_224] : memref<512x64xf32, #tpu.memory_space<vmem>> -> memref<128x64xf32, #tpu.memory_space<vmem>>
      %dma_start3A_226 = arith.constant 0 : i32
      %dma_start3A_227 = tpu.memref_slice %arg6[%dma_start3A_222, %dma_start3A_226] : memref<8x128xi32, #tpu.memory_space<vmem>> -> memref<1x128xi32, #tpu.memory_space<vmem>>
      %dma_start3A_228 = tpu.memref_squeeze %dma_start3A_227 : memref<1x128xi32, #tpu.memory_space<vmem>> -> memref<128xi32, #tpu.memory_space<vmem>>
      %dma_start3A_229 = arith.constant 0 : i32
      %dma_start3A_230 = arith.constant 0 : i32
      %dma_start3A_231 = tpu.memref_slice %arg10[%dma_start3A_229, %dma_start3A_230] : memref<10240x64xf32, #tpu.memory_space<vmem_shared>> -> memref<10240x64xf32, #tpu.memory_space<vmem_shared>>
      tpu.enqueue_indirect_dma source(%dma_start3A_231 : memref<10240x64xf32, #tpu.memory_space<vmem_shared>>) target(%dma_start3A_225 : memref<128x64xf32, #tpu.memory_space<vmem>>) offsets(%dma_start3A_228 : memref<128xi32, #tpu.memory_space<vmem>>) semaphore(%arg15 : memref<!tpu.dma_semaphore, #tpu.memory_space<semaphore_mem>>)
      %dma_wait3A_232 = arith.constant 4 : i32
      %dma_wait3A_233 = arith.constant 0 : i32
      %dma_wait3A_234 = arith.constant 0 : i32
      %dma_wait3A_235 = tpu.memref_slice %arg8[%dma_wait3A_233, %dma_wait3A_234] : memref<512x64xf32, #tpu.memory_space<vmem>> -> memref<128x64xf32, #tpu.memory_space<vmem>>
      %dma_wait3A_236 = arith.constant 0 : i32
      %dma_wait3A_237 = tpu.memref_slice %arg6[%dma_wait3A_232, %dma_wait3A_236] : memref<8x128xi32, #tpu.memory_space<vmem>> -> memref<1x128xi32, #tpu.memory_space<vmem>>
      %dma_wait3A_238 = tpu.memref_squeeze %dma_wait3A_237 : memref<1x128xi32, #tpu.memory_space<vmem>> -> memref<128xi32, #tpu.memory_space<vmem>>
      %dma_wait3A_239 = arith.constant 0 : i32
      %dma_wait3A_240 = arith.constant 0 : i32
      %dma_wait3A_241 = tpu.memref_slice %arg10[%dma_wait3A_239, %dma_wait3A_240] : memref<10240x64xf32, #tpu.memory_space<vmem_shared>> -> memref<10240x64xf32, #tpu.memory_space<vmem_shared>>
      tpu.wait_indirect_dma semaphore(%arg12 : memref<!tpu.dma_semaphore, #tpu.memory_space<semaphore_mem>>) src(%dma_wait3A_241 : memref<10240x64xf32, #tpu.memory_space<vmem_shared>>) dst(%dma_wait3A_235 : memref<128x64xf32, #tpu.memory_space<vmem>>)
      %dma_start3A_242 = arith.constant 4 : i32
      %dma_start3A_243 = arith.constant 0 : i32
      %dma_start3A_244 = arith.constant 0 : i32
      %dma_start3A_245 = tpu.memref_slice %arg8[%dma_start3A_243, %dma_start3A_244] : memref<512x64xf32, #tpu.memory_space<vmem>> -> memref<128x64xf32, #tpu.memory_space<vmem>>
      %dma_start3A_246 = arith.constant 0 : i32
      %dma_start3A_247 = tpu.memref_slice %arg7[%dma_start3A_242, %dma_start3A_246] : memref<8x128xi32, #tpu.memory_space<vmem>> -> memref<1x128xi32, #tpu.memory_space<vmem>>
      %dma_start3A_248 = tpu.memref_squeeze %dma_start3A_247 : memref<1x128xi32, #tpu.memory_space<vmem>> -> memref<128xi32, #tpu.memory_space<vmem>>
      %dma_start3A_249 = arith.constant 0 : i32
      %dma_start3A_250 = arith.constant 0 : i32
      %dma_start3A_251 = tpu.memref_slice %arg11[%dma_start3A_249, %dma_start3A_250] : memref<10240x64xf32, #tpu.memory_space<vmem_shared>> -> memref<10240x64xf32, #tpu.memory_space<vmem_shared>>
      tpu.enqueue_indirect_dma source(%dma_start3A_245 : memref<128x64xf32, #tpu.memory_space<vmem>>) target(%dma_start3A_251 : memref<10240x64xf32, #tpu.memory_space<vmem_shared>>) offsets(%dma_start3A_248 : memref<128xi32, #tpu.memory_space<vmem>>) semaphore(%arg16 : memref<!tpu.dma_semaphore, #tpu.memory_space<semaphore_mem>>) {add = true}
      %dma_wait3A_252 = arith.constant 5 : i32
      %dma_wait3A_253 = arith.constant 128 : i32
      %dma_wait3A_254 = arith.constant 0 : i32
      %dma_wait3A_255 = tpu.memref_slice %arg8[%dma_wait3A_253, %dma_wait3A_254] : memref<512x64xf32, #tpu.memory_space<vmem>> -> memref<128x64xf32, #tpu.memory_space<vmem>>
      %dma_wait3A_256 = arith.constant 0 : i32
      %dma_wait3A_257 = tpu.memref_slice %arg6[%dma_wait3A_252, %dma_wait3A_256] : memref<8x128xi32, #tpu.memory_space<vmem>> -> memref<1x128xi32, #tpu.memory_space<vmem>>
      %dma_wait3A_258 = tpu.memref_squeeze %dma_wait3A_257 : memref<1x128xi32, #tpu.memory_space<vmem>> -> memref<128xi32, #tpu.memory_space<vmem>>
      %dma_wait3A_259 = arith.constant 0 : i32
      %dma_wait3A_260 = arith.constant 0 : i32
      %dma_wait3A_261 = tpu.memref_slice %arg10[%dma_wait3A_259, %dma_wait3A_260] : memref<10240x64xf32, #tpu.memory_space<vmem_shared>> -> memref<10240x64xf32, #tpu.memory_space<vmem_shared>>
      tpu.wait_indirect_dma semaphore(%arg13 : memref<!tpu.dma_semaphore, #tpu.memory_space<semaphore_mem>>) src(%dma_wait3A_261 : memref<10240x64xf32, #tpu.memory_space<vmem_shared>>) dst(%dma_wait3A_255 : memref<128x64xf32, #tpu.memory_space<vmem>>)
      %dma_start3A_262 = arith.constant 5 : i32
      %dma_start3A_263 = arith.constant 128 : i32
      %dma_start3A_264 = arith.constant 0 : i32
      %dma_start3A_265 = tpu.memref_slice %arg8[%dma_start3A_263, %dma_start3A_264] : memref<512x64xf32, #tpu.memory_space<vmem>> -> memref<128x64xf32, #tpu.memory_space<vmem>>
      %dma_start3A_266 = arith.constant 0 : i32
      %dma_start3A_267 = tpu.memref_slice %arg7[%dma_start3A_262, %dma_start3A_266] : memref<8x128xi32, #tpu.memory_space<vmem>> -> memref<1x128xi32, #tpu.memory_space<vmem>>
      %dma_start3A_268 = tpu.memref_squeeze %dma_start3A_267 : memref<1x128xi32, #tpu.memory_space<vmem>> -> memref<128xi32, #tpu.memory_space<vmem>>
      %dma_start3A_269 = arith.constant 0 : i32
      %dma_start3A_270 = arith.constant 0 : i32
      %dma_start3A_271 = tpu.memref_slice %arg11[%dma_start3A_269, %dma_start3A_270] : memref<10240x64xf32, #tpu.memory_space<vmem_shared>> -> memref<10240x64xf32, #tpu.memory_space<vmem_shared>>
      tpu.enqueue_indirect_dma source(%dma_start3A_265 : memref<128x64xf32, #tpu.memory_space<vmem>>) target(%dma_start3A_271 : memref<10240x64xf32, #tpu.memory_space<vmem_shared>>) offsets(%dma_start3A_268 : memref<128xi32, #tpu.memory_space<vmem>>) semaphore(%arg17 : memref<!tpu.dma_semaphore, #tpu.memory_space<semaphore_mem>>) {add = true}
      %dma_wait3A_272 = arith.constant 6 : i32
      %dma_wait3A_273 = arith.constant 256 : i32
      %dma_wait3A_274 = arith.constant 0 : i32
      %dma_wait3A_275 = tpu.memref_slice %arg8[%dma_wait3A_273, %dma_wait3A_274] : memref<512x64xf32, #tpu.memory_space<vmem>> -> memref<128x64xf32, #tpu.memory_space<vmem>>
      %dma_wait3A_276 = arith.constant 0 : i32
      %dma_wait3A_277 = tpu.memref_slice %arg6[%dma_wait3A_272, %dma_wait3A_276] : memref<8x128xi32, #tpu.memory_space<vmem>> -> memref<1x128xi32, #tpu.memory_space<vmem>>
      %dma_wait3A_278 = tpu.memref_squeeze %dma_wait3A_277 : memref<1x128xi32, #tpu.memory_space<vmem>> -> memref<128xi32, #tpu.memory_space<vmem>>
      %dma_wait3A_279 = arith.constant 0 : i32
      %dma_wait3A_280 = arith.constant 0 : i32
      %dma_wait3A_281 = tpu.memref_slice %arg10[%dma_wait3A_279, %dma_wait3A_280] : memref<10240x64xf32, #tpu.memory_space<vmem_shared>> -> memref<10240x64xf32, #tpu.memory_space<vmem_shared>>
      tpu.wait_indirect_dma semaphore(%arg14 : memref<!tpu.dma_semaphore, #tpu.memory_space<semaphore_mem>>) src(%dma_wait3A_281 : memref<10240x64xf32, #tpu.memory_space<vmem_shared>>) dst(%dma_wait3A_275 : memref<128x64xf32, #tpu.memory_space<vmem>>)
      %dma_start3A_282 = arith.constant 6 : i32
      %dma_start3A_283 = arith.constant 256 : i32
      %dma_start3A_284 = arith.constant 0 : i32
      %dma_start3A_285 = tpu.memref_slice %arg8[%dma_start3A_283, %dma_start3A_284] : memref<512x64xf32, #tpu.memory_space<vmem>> -> memref<128x64xf32, #tpu.memory_space<vmem>>
      %dma_start3A_286 = arith.constant 0 : i32
      %dma_start3A_287 = tpu.memref_slice %arg7[%dma_start3A_282, %dma_start3A_286] : memref<8x128xi32, #tpu.memory_space<vmem>> -> memref<1x128xi32, #tpu.memory_space<vmem>>
      %dma_start3A_288 = tpu.memref_squeeze %dma_start3A_287 : memref<1x128xi32, #tpu.memory_space<vmem>> -> memref<128xi32, #tpu.memory_space<vmem>>
      %dma_start3A_289 = arith.constant 0 : i32
      %dma_start3A_290 = arith.constant 0 : i32
      %dma_start3A_291 = tpu.memref_slice %arg11[%dma_start3A_289, %dma_start3A_290] : memref<10240x64xf32, #tpu.memory_space<vmem_shared>> -> memref<10240x64xf32, #tpu.memory_space<vmem_shared>>
      tpu.enqueue_indirect_dma source(%dma_start3A_285 : memref<128x64xf32, #tpu.memory_space<vmem>>) target(%dma_start3A_291 : memref<10240x64xf32, #tpu.memory_space<vmem_shared>>) offsets(%dma_start3A_288 : memref<128xi32, #tpu.memory_space<vmem>>) semaphore(%arg18 : memref<!tpu.dma_semaphore, #tpu.memory_space<semaphore_mem>>) {add = true}
      %dma_wait3A_292 = arith.constant 7 : i32
      %dma_wait3A_293 = arith.constant 384 : i32
      %dma_wait3A_294 = arith.constant 0 : i32
      %dma_wait3A_295 = tpu.memref_slice %arg8[%dma_wait3A_293, %dma_wait3A_294] : memref<512x64xf32, #tpu.memory_space<vmem>> -> memref<128x64xf32, #tpu.memory_space<vmem>>
      %dma_wait3A_296 = arith.constant 0 : i32
      %dma_wait3A_297 = tpu.memref_slice %arg6[%dma_wait3A_292, %dma_wait3A_296] : memref<8x128xi32, #tpu.memory_space<vmem>> -> memref<1x128xi32, #tpu.memory_space<vmem>>
      %dma_wait3A_298 = tpu.memref_squeeze %dma_wait3A_297 : memref<1x128xi32, #tpu.memory_space<vmem>> -> memref<128xi32, #tpu.memory_space<vmem>>
      %dma_wait3A_299 = arith.constant 0 : i32
      %dma_wait3A_300 = arith.constant 0 : i32
      %dma_wait3A_301 = tpu.memref_slice %arg10[%dma_wait3A_299, %dma_wait3A_300] : memref<10240x64xf32, #tpu.memory_space<vmem_shared>> -> memref<10240x64xf32, #tpu.memory_space<vmem_shared>>
      tpu.wait_indirect_dma semaphore(%arg15 : memref<!tpu.dma_semaphore, #tpu.memory_space<semaphore_mem>>) src(%dma_wait3A_301 : memref<10240x64xf32, #tpu.memory_space<vmem_shared>>) dst(%dma_wait3A_295 : memref<128x64xf32, #tpu.memory_space<vmem>>)
      %dma_start3A_302 = arith.constant 7 : i32
      %dma_start3A_303 = arith.constant 384 : i32
      %dma_start3A_304 = arith.constant 0 : i32
      %dma_start3A_305 = tpu.memref_slice %arg8[%dma_start3A_303, %dma_start3A_304] : memref<512x64xf32, #tpu.memory_space<vmem>> -> memref<128x64xf32, #tpu.memory_space<vmem>>
      %dma_start3A_306 = arith.constant 0 : i32
      %dma_start3A_307 = tpu.memref_slice %arg7[%dma_start3A_302, %dma_start3A_306] : memref<8x128xi32, #tpu.memory_space<vmem>> -> memref<1x128xi32, #tpu.memory_space<vmem>>
      %dma_start3A_308 = tpu.memref_squeeze %dma_start3A_307 : memref<1x128xi32, #tpu.memory_space<vmem>> -> memref<128xi32, #tpu.memory_space<vmem>>
      %dma_start3A_309 = arith.constant 0 : i32
      %dma_start3A_310 = arith.constant 0 : i32
      %dma_start3A_311 = tpu.memref_slice %arg11[%dma_start3A_309, %dma_start3A_310] : memref<10240x64xf32, #tpu.memory_space<vmem_shared>> -> memref<10240x64xf32, #tpu.memory_space<vmem_shared>>
      tpu.enqueue_indirect_dma source(%dma_start3A_305 : memref<128x64xf32, #tpu.memory_space<vmem>>) target(%dma_start3A_311 : memref<10240x64xf32, #tpu.memory_space<vmem_shared>>) offsets(%dma_start3A_308 : memref<128xi32, #tpu.memory_space<vmem>>) semaphore(%arg19 : memref<!tpu.dma_semaphore, #tpu.memory_space<semaphore_mem>>) {add = true}
      %dma_wait3A_312 = arith.constant 4 : i32
      %dma_wait3A_313 = arith.constant 0 : i32
      %dma_wait3A_314 = arith.constant 0 : i32
      %dma_wait3A_315 = tpu.memref_slice %arg8[%dma_wait3A_313, %dma_wait3A_314] : memref<512x64xf32, #tpu.memory_space<vmem>> -> memref<128x64xf32, #tpu.memory_space<vmem>>
      %dma_wait3A_316 = arith.constant 0 : i32
      %dma_wait3A_317 = tpu.memref_slice %arg7[%dma_wait3A_312, %dma_wait3A_316] : memref<8x128xi32, #tpu.memory_space<vmem>> -> memref<1x128xi32, #tpu.memory_space<vmem>>
      %dma_wait3A_318 = tpu.memref_squeeze %dma_wait3A_317 : memref<1x128xi32, #tpu.memory_space<vmem>> -> memref<128xi32, #tpu.memory_space<vmem>>
      %dma_wait3A_319 = arith.constant 0 : i32
      %dma_wait3A_320 = arith.constant 0 : i32
      %dma_wait3A_321 = tpu.memref_slice %arg11[%dma_wait3A_319, %dma_wait3A_320] : memref<10240x64xf32, #tpu.memory_space<vmem_shared>> -> memref<10240x64xf32, #tpu.memory_space<vmem_shared>>
      tpu.wait_indirect_dma semaphore(%arg16 : memref<!tpu.dma_semaphore, #tpu.memory_space<semaphore_mem>>) src(%dma_wait3A_315 : memref<128x64xf32, #tpu.memory_space<vmem>>) dst(%dma_wait3A_321 : memref<10240x64xf32, #tpu.memory_space<vmem_shared>>)
      %dma_wait3A_322 = arith.constant 5 : i32
      %dma_wait3A_323 = arith.constant 128 : i32
      %dma_wait3A_324 = arith.constant 0 : i32
      %dma_wait3A_325 = tpu.memref_slice %arg8[%dma_wait3A_323, %dma_wait3A_324] : memref<512x64xf32, #tpu.memory_space<vmem>> -> memref<128x64xf32, #tpu.memory_space<vmem>>
      %dma_wait3A_326 = arith.constant 0 : i32
      %dma_wait3A_327 = tpu.memref_slice %arg7[%dma_wait3A_322, %dma_wait3A_326] : memref<8x128xi32, #tpu.memory_space<vmem>> -> memref<1x128xi32, #tpu.memory_space<vmem>>
      %dma_wait3A_328 = tpu.memref_squeeze %dma_wait3A_327 : memref<1x128xi32, #tpu.memory_space<vmem>> -> memref<128xi32, #tpu.memory_space<vmem>>
      %dma_wait3A_329 = arith.constant 0 : i32
      %dma_wait3A_330 = arith.constant 0 : i32
      %dma_wait3A_331 = tpu.memref_slice %arg11[%dma_wait3A_329, %dma_wait3A_330] : memref<10240x64xf32, #tpu.memory_space<vmem_shared>> -> memref<10240x64xf32, #tpu.memory_space<vmem_shared>>
      tpu.wait_indirect_dma semaphore(%arg17 : memref<!tpu.dma_semaphore, #tpu.memory_space<semaphore_mem>>) src(%dma_wait3A_325 : memref<128x64xf32, #tpu.memory_space<vmem>>) dst(%dma_wait3A_331 : memref<10240x64xf32, #tpu.memory_space<vmem_shared>>)
      %dma_wait3A_332 = arith.constant 6 : i32
      %dma_wait3A_333 = arith.constant 256 : i32
      %dma_wait3A_334 = arith.constant 0 : i32
      %dma_wait3A_335 = tpu.memref_slice %arg8[%dma_wait3A_333, %dma_wait3A_334] : memref<512x64xf32, #tpu.memory_space<vmem>> -> memref<128x64xf32, #tpu.memory_space<vmem>>
      %dma_wait3A_336 = arith.constant 0 : i32
      %dma_wait3A_337 = tpu.memref_slice %arg7[%dma_wait3A_332, %dma_wait3A_336] : memref<8x128xi32, #tpu.memory_space<vmem>> -> memref<1x128xi32, #tpu.memory_space<vmem>>
      %dma_wait3A_338 = tpu.memref_squeeze %dma_wait3A_337 : memref<1x128xi32, #tpu.memory_space<vmem>> -> memref<128xi32, #tpu.memory_space<vmem>>
      %dma_wait3A_339 = arith.constant 0 : i32
      %dma_wait3A_340 = arith.constant 0 : i32
      %dma_wait3A_341 = tpu.memref_slice %arg11[%dma_wait3A_339, %dma_wait3A_340] : memref<10240x64xf32, #tpu.memory_space<vmem_shared>> -> memref<10240x64xf32, #tpu.memory_space<vmem_shared>>
      tpu.wait_indirect_dma semaphore(%arg18 : memref<!tpu.dma_semaphore, #tpu.memory_space<semaphore_mem>>) src(%dma_wait3A_335 : memref<128x64xf32, #tpu.memory_space<vmem>>) dst(%dma_wait3A_341 : memref<10240x64xf32, #tpu.memory_space<vmem_shared>>)
      %dma_wait3A_342 = arith.constant 7 : i32
      %dma_wait3A_343 = arith.constant 384 : i32
      %dma_wait3A_344 = arith.constant 0 : i32
      %dma_wait3A_345 = tpu.memref_slice %arg8[%dma_wait3A_343, %dma_wait3A_344] : memref<512x64xf32, #tpu.memory_space<vmem>> -> memref<128x64xf32, #tpu.memory_space<vmem>>
      %dma_wait3A_346 = arith.constant 0 : i32
      %dma_wait3A_347 = tpu.memref_slice %arg7[%dma_wait3A_342, %dma_wait3A_346] : memref<8x128xi32, #tpu.memory_space<vmem>> -> memref<1x128xi32, #tpu.memory_space<vmem>>
      %dma_wait3A_348 = tpu.memref_squeeze %dma_wait3A_347 : memref<1x128xi32, #tpu.memory_space<vmem>> -> memref<128xi32, #tpu.memory_space<vmem>>
      %dma_wait3A_349 = arith.constant 0 : i32
      %dma_wait3A_350 = arith.constant 0 : i32
      %dma_wait3A_351 = tpu.memref_slice %arg11[%dma_wait3A_349, %dma_wait3A_350] : memref<10240x64xf32, #tpu.memory_space<vmem_shared>> -> memref<10240x64xf32, #tpu.memory_space<vmem_shared>>
      tpu.wait_indirect_dma semaphore(%arg19 : memref<!tpu.dma_semaphore, #tpu.memory_space<semaphore_mem>>) src(%dma_wait3A_345 : memref<128x64xf32, #tpu.memory_space<vmem>>) dst(%dma_wait3A_351 : memref<10240x64xf32, #tpu.memory_space<vmem_shared>>)
      %scan3A_352 = arith.constant 0 : i32
      scf.yield %scan3A_352 : i32
    }
    %scan3A_22 = arith.constant 20 : i32
    %barrier3A_23 = arith.constant 0 : index
    tpu.barrier barrier_id(%barrier3A_23)
    %mul3A_24 = arith.constant 640 : i32
    %mul3A_25 = arith.muli %arg1, %mul3A_24 : i32
    %mul3A_26 = arith.constant 640 : i32
    %mul3A_27 = arith.muli %arg1, %mul3A_26 : i32
    "tpu.region"() ({
      %run_scoped3A = tpu.sem_alloc : memref<!tpu.dma_semaphore, #tpu.memory_space<semaphore_mem>>
      %dma_start3A = arith.constant 0 : i32
      %dma_start3A_28 = tpu.memref_slice %arg5[%arg0, %mul3A_27, %dma_start3A] : memref<2x10240x64xf32, #tpu.memory_space<hbm>> -> memref<1x640x64xf32, #tpu.memory_space<hbm>>
      %dma_start3A_29 = tpu.memref_squeeze %dma_start3A_28 : memref<1x640x64xf32, #tpu.memory_space<hbm>> -> memref<640x64xf32, #tpu.memory_space<hbm>>
      %dma_start3A_30 = arith.constant 0 : i32
      %dma_start3A_31 = tpu.memref_slice %arg11[%mul3A_25, %dma_start3A_30] : memref<10240x64xf32, #tpu.memory_space<vmem_shared>> -> memref<640x64xf32, #tpu.memory_space<vmem_shared>>
      tpu.enqueue_dma source(%dma_start3A_31 : memref<640x64xf32, #tpu.memory_space<vmem_shared>>) target(%dma_start3A_29 : memref<640x64xf32, #tpu.memory_space<hbm>>) target_semaphore(%run_scoped3A : memref<!tpu.dma_semaphore, #tpu.memory_space<semaphore_mem>>)
      %dma_wait3A = arith.constant 0 : i32
      %dma_wait3A_32 = tpu.memref_slice %arg5[%arg0, %mul3A_27, %dma_wait3A] : memref<2x10240x64xf32, #tpu.memory_space<hbm>> -> memref<1x640x64xf32, #tpu.memory_space<hbm>>
      %dma_wait3A_33 = tpu.memref_squeeze %dma_wait3A_32 : memref<1x640x64xf32, #tpu.memory_space<hbm>> -> memref<640x64xf32, #tpu.memory_space<hbm>>
      %dma_wait3A_34 = arith.constant 0 : i32
      %dma_wait3A_35 = tpu.memref_slice %arg11[%mul3A_25, %dma_wait3A_34] : memref<10240x64xf32, #tpu.memory_space<vmem_shared>> -> memref<640x64xf32, #tpu.memory_space<vmem_shared>>
      tpu.wait_dma2 semaphore(%run_scoped3A : memref<!tpu.dma_semaphore, #tpu.memory_space<semaphore_mem>>) src(%dma_wait3A_35 : memref<640x64xf32, #tpu.memory_space<vmem_shared>>) dst(%dma_wait3A_33 : memref<640x64xf32, #tpu.memory_space<hbm>>)
      tpu.yield
    }) : () -> ()
    return
  }
}

#map = affine_map<(d0, d1) -> (0, 0)>
module attributes {stable_mosaic.version = 14 : i64} {
  func.func @deg_kernel(%arg0: i32, %arg1: i32, %arg2: memref<2560x128xi32, #tpu.memory_space<hbm>>, %arg3: memref<2560x128xi32, #tpu.memory_space<hbm>>, %arg4: memref<2x10240xf32, #tpu.memory_space<hbm>>, %arg5: memref<2x10240xf32, #tpu.memory_space<hbm>>, %arg6: memref<80x128xi32, #tpu.memory_space<vmem>>, %arg7: memref<80x128xi32, #tpu.memory_space<vmem>>, %arg8: memref<10240xf32, #tpu.memory_space<vmem>>, %arg9: memref<10240xf32, #tpu.memory_space<vmem>>, %arg10: memref<16x640xf32, #tpu.memory_space<vmem>>, %arg11: memref<640xf32, #tpu.memory_space<vmem>>, %arg12: memref<16x10240xf32, #tpu.memory_space<vmem_shared>>, %arg13: memref<16x10240xf32, #tpu.memory_space<vmem_shared>>) attributes {dimension_semantics = [#tpu.dimension_semantics<core_parallel>, #tpu.dimension_semantics<subcore_parallel>], iteration_bounds = array<i64: 2, 16>, scalar_prefetch = 0 : i64, scratch_operands = 8 : i64, tpu.core_type = #tpu.core_type<sc_vector_subcore>, window_params = [{transform_indices = #map}, {transform_indices = #map}, {transform_indices = #map}, {transform_indices = #map}]} {
    %mul3A = arith.constant 16 : i32
    %mul3A_0 = arith.muli %arg0, %mul3A : i32
    %add3A = arith.addi %mul3A_0, %arg1 : i32
    %scan3A = arith.constant 0 : i32
    %scan3A_1 = arith.constant 0 : i32
    %scan3A_2 = arith.constant 640 : i32
    %scan3A_3 = arith.addi %scan3A_1, %scan3A_2 : i32
    %scan3A_4 = arith.constant 1 : i32
    %scan3A_5 = scf.for %scan3A_42 = %scan3A_1 to %scan3A_3 step %scan3A_4 iter_args(%scan3A_43 = %scan3A) -> (i32)  : i32 {
      %broadcast_in_dim3A_44 = arith.constant 0.000000e+00 : f32
      %broadcast_in_dim3A_45 = vector.broadcast %broadcast_in_dim3A_44 : f32 to vector<16xf32>
      %mul3A_46 = arith.constant 16 : i32
      %mul3A_47 = arith.muli %scan3A_42, %mul3A_46 : i32
      %swap3A = arith.index_cast %mul3A_47 : i32 to index
      %swap3A_48 = tpu.vector_load %arg8[%swap3A] {strides = array<i32>} : memref<10240xf32, #tpu.memory_space<vmem>>, vector<16xf32>,
      tpu.vector_store %arg8[%swap3A], %broadcast_in_dim3A_45 {strides = array<i32>} : memref<10240xf32, #tpu.memory_space<vmem>>, vector<16xf32>,
      %scan3A_49 = arith.constant 0 : i32
      scf.yield %scan3A_49 : i32
    }
    %scan3A_6 = arith.constant 640 : i32
    %scan3A_7 = arith.constant 0 : i32
    %scan3A_8 = arith.constant 0 : i32
    %scan3A_9 = arith.constant 640 : i32
    %scan3A_10 = arith.addi %scan3A_8, %scan3A_9 : i32
    %scan3A_11 = arith.constant 1 : i32
    %scan3A_12 = scf.for %scan3A_42 = %scan3A_8 to %scan3A_10 step %scan3A_11 iter_args(%scan3A_43 = %scan3A_7) -> (i32)  : i32 {
      %broadcast_in_dim3A_44 = arith.constant 0.000000e+00 : f32
      %broadcast_in_dim3A_45 = vector.broadcast %broadcast_in_dim3A_44 : f32 to vector<16xf32>
      %mul3A_46 = arith.constant 16 : i32
      %mul3A_47 = arith.muli %scan3A_42, %mul3A_46 : i32
      %swap3A = arith.index_cast %mul3A_47 : i32 to index
      %swap3A_48 = tpu.vector_load %arg9[%swap3A] {strides = array<i32>} : memref<10240xf32, #tpu.memory_space<vmem>>, vector<16xf32>,
      tpu.vector_store %arg9[%swap3A], %broadcast_in_dim3A_45 {strides = array<i32>} : memref<10240xf32, #tpu.memory_space<vmem>>, vector<16xf32>,
      %scan3A_49 = arith.constant 0 : i32
      scf.yield %scan3A_49 : i32
    }
    %scan3A_13 = arith.constant 640 : i32
    %mul3A_14 = arith.constant 80 : i32
    %mul3A_15 = arith.muli %add3A, %mul3A_14 : i32
    "tpu.region"() ({
      %run_scoped3A = tpu.sem_alloc : memref<!tpu.dma_semaphore, #tpu.memory_space<semaphore_mem>>
      %dma_start3A = arith.constant 0 : i32
      %dma_start3A_42 = tpu.memref_slice %arg2[%mul3A_15, %dma_start3A] : memref<2560x128xi32, #tpu.memory_space<hbm>> -> memref<80x128xi32, #tpu.memory_space<hbm>>
      %dma_start3A_43 = arith.constant 0 : i32
      %dma_start3A_44 = tpu.memref_slice %arg2[%mul3A_15, %dma_start3A_43] : memref<2560x128xi32, #tpu.memory_space<hbm>> -> memref<80x128xi32, #tpu.memory_space<hbm>>
      tpu.enqueue_dma source(%dma_start3A_44 : memref<80x128xi32, #tpu.memory_space<hbm>>) target(%arg6 : memref<80x128xi32, #tpu.memory_space<vmem>>) target_semaphore(%run_scoped3A : memref<!tpu.dma_semaphore, #tpu.memory_space<semaphore_mem>>)
      %dma_wait3A = arith.constant 0 : i32
      %dma_wait3A_45 = tpu.memref_slice %arg2[%mul3A_15, %dma_wait3A] : memref<2560x128xi32, #tpu.memory_space<hbm>> -> memref<80x128xi32, #tpu.memory_space<hbm>>
      %dma_wait3A_46 = arith.constant 0 : i32
      %dma_wait3A_47 = tpu.memref_slice %arg2[%mul3A_15, %dma_wait3A_46] : memref<2560x128xi32, #tpu.memory_space<hbm>> -> memref<80x128xi32, #tpu.memory_space<hbm>>
      tpu.wait_dma2 semaphore(%run_scoped3A : memref<!tpu.dma_semaphore, #tpu.memory_space<semaphore_mem>>) src(%dma_wait3A_47 : memref<80x128xi32, #tpu.memory_space<hbm>>) dst(%arg6 : memref<80x128xi32, #tpu.memory_space<vmem>>)
      tpu.yield
    }) : () -> ()
    %mul3A_16 = arith.constant 80 : i32
    %mul3A_17 = arith.muli %add3A, %mul3A_16 : i32
    "tpu.region"() ({
      %run_scoped3A = tpu.sem_alloc : memref<!tpu.dma_semaphore, #tpu.memory_space<semaphore_mem>>
      %dma_start3A = arith.constant 0 : i32
      %dma_start3A_42 = tpu.memref_slice %arg3[%mul3A_17, %dma_start3A] : memref<2560x128xi32, #tpu.memory_space<hbm>> -> memref<80x128xi32, #tpu.memory_space<hbm>>
      %dma_start3A_43 = arith.constant 0 : i32
      %dma_start3A_44 = tpu.memref_slice %arg3[%mul3A_17, %dma_start3A_43] : memref<2560x128xi32, #tpu.memory_space<hbm>> -> memref<80x128xi32, #tpu.memory_space<hbm>>
      tpu.enqueue_dma source(%dma_start3A_44 : memref<80x128xi32, #tpu.memory_space<hbm>>) target(%arg7 : memref<80x128xi32, #tpu.memory_space<vmem>>) target_semaphore(%run_scoped3A : memref<!tpu.dma_semaphore, #tpu.memory_space<semaphore_mem>>)
      %dma_wait3A = arith.constant 0 : i32
      %dma_wait3A_45 = tpu.memref_slice %arg3[%mul3A_17, %dma_wait3A] : memref<2560x128xi32, #tpu.memory_space<hbm>> -> memref<80x128xi32, #tpu.memory_space<hbm>>
      %dma_wait3A_46 = arith.constant 0 : i32
      %dma_wait3A_47 = tpu.memref_slice %arg3[%mul3A_17, %dma_wait3A_46] : memref<2560x128xi32, #tpu.memory_space<hbm>> -> memref<80x128xi32, #tpu.memory_space<hbm>>
      tpu.wait_dma2 semaphore(%run_scoped3A : memref<!tpu.dma_semaphore, #tpu.memory_space<semaphore_mem>>) src(%dma_wait3A_47 : memref<80x128xi32, #tpu.memory_space<hbm>>) dst(%arg7 : memref<80x128xi32, #tpu.memory_space<vmem>>)
      tpu.yield
    }) : () -> ()
    %broadcast_in_dim3A = arith.constant 1.000000e+00 : f32
    %broadcast_in_dim3A_18 = vector.broadcast %broadcast_in_dim3A : f32 to vector<16xf32>
    %scan3A_19 = arith.constant 0 : i32
    %scan3A_20 = arith.constant 0 : i32
    %scan3A_21 = arith.constant 640 : i32
    %scan3A_22 = arith.addi %scan3A_20, %scan3A_21 : i32
    %scan3A_23 = arith.constant 1 : i32
    %scan3A_24 = scf.for %scan3A_42 = %scan3A_20 to %scan3A_22 step %scan3A_23 iter_args(%scan3A_43 = %scan3A_19) -> (i32)  : i32 {
      %jit3A = arith.constant 8 : i32
      %div3A = arith.divsi %scan3A_42, %jit3A : i32
      %sign3A = arith.constant 0 : i32
      %sign3A_44 = arith.cmpi sgt, %scan3A_42, %sign3A : i32
      %sign3A_45 = arith.extui %sign3A_44 : i1 to i32
      %sign3A_46 = arith.constant 0 : i32
      %sign3A_47 = arith.cmpi slt, %scan3A_42, %sign3A_46 : i32
      %sign3A_48 = arith.extui %sign3A_47 : i1 to i32
      %sign3A_49 = arith.subi %sign3A_45, %sign3A_48 : i32
      %sign3A_50 = arith.constant 0 : i32
      %sign3A_51 = arith.cmpi sgt, %jit3A, %sign3A_50 : i32
      %sign3A_52 = arith.extui %sign3A_51 : i1 to i32
      %sign3A_53 = arith.constant 0 : i32
      %sign3A_54 = arith.cmpi slt, %jit3A, %sign3A_53 : i32
      %sign3A_55 = arith.extui %sign3A_54 : i1 to i32
      %sign3A_56 = arith.subi %sign3A_52, %sign3A_55 : i32
      %ne3A = arith.cmpi ne, %sign3A_49, %sign3A_56 : i32
      %rem3A = arith.remsi %scan3A_42, %jit3A : i32
      %ne3A_57 = arith.constant 0 : i32
      %ne3A_58 = arith.cmpi ne, %rem3A, %ne3A_57 : i32
      %and3A = arith.andi %ne3A, %ne3A_58 : i1
      %sub3A = arith.constant 1 : i32
      %sub3A_59 = arith.subi %div3A, %sub3A : i32
      %select_n3A = arith.select %and3A, %sub3A_59, %div3A : i32
      %jit3A_60 = arith.constant 8 : i32
      %eq3A = arith.constant 0 : i32
      %eq3A_61 = arith.cmpi eq, %jit3A_60, %eq3A : i32
      %jit3A_62 = arith.constant 1 : i32
      %select_n3A_63 = arith.select %eq3A_61, %jit3A_62, %jit3A_60 : i32
      %rem3A_64 = arith.remsi %scan3A_42, %select_n3A_63 : i32
      %ne3A_65 = arith.constant 0 : i32
      %ne3A_66 = arith.cmpi ne, %rem3A_64, %ne3A_65 : i32
      %lt3A = arith.constant 0 : i32
      %lt3A_67 = arith.cmpi slt, %rem3A_64, %lt3A : i32
      %lt3A_68 = arith.constant 0 : i32
      %lt3A_69 = arith.cmpi slt, %select_n3A_63, %lt3A_68 : i32
      %ne3A_70 = arith.xori %lt3A_67, %lt3A_69 : i1
      %and3A_71 = arith.andi %ne3A_70, %ne3A_66 : i1
      %add3A_72 = arith.addi %rem3A_64, %select_n3A_63 : i32
      %select_n3A_73 = arith.select %and3A_71, %add3A_72, %rem3A_64 : i32
      %mul3A_74 = arith.constant 16 : i32
      %mul3A_75 = arith.muli %select_n3A_73, %mul3A_74 : i32
      %get3A = arith.index_cast %select_n3A : i32 to index
      %get3A_76 = arith.index_cast %mul3A_75 : i32 to index
      %get3A_77 = tpu.vector_load %arg6[%get3A, %get3A_76] {strides = array<i32>} : memref<80x128xi32, #tpu.memory_space<vmem>>, vector<16xi32>,
      %get3A_78 = arith.index_cast %select_n3A : i32 to index
      %get3A_79 = arith.index_cast %mul3A_75 : i32 to index
      %get3A_80 = tpu.vector_load %arg7[%get3A_78, %get3A_79] {strides = array<i32>} : memref<80x128xi32, #tpu.memory_space<vmem>>, vector<16xi32>,
      tpu.vector_store_idx %arg8[%get3A_77], %broadcast_in_dim3A_18 {add = true} : memref<10240xf32, #tpu.memory_space<vmem>>[vector<16xi32>], vector<16xf32>,
      tpu.vector_store_idx %arg9[%get3A_80], %broadcast_in_dim3A_18 {add = true} : memref<10240xf32, #tpu.memory_space<vmem>>[vector<16xi32>], vector<16xf32>,
      %scan3A_81 = arith.constant 0 : i32
      scf.yield %scan3A_81 : i32
    }
    %scan3A_25 = arith.constant 640 : i32
    "tpu.region"() ({
      %run_scoped3A = tpu.sem_alloc : memref<!tpu.dma_semaphore, #tpu.memory_space<semaphore_mem>>
      %dma_start3A = arith.constant 0 : i32
      %dma_start3A_42 = tpu.memref_slice %arg12[%arg1, %dma_start3A] : memref<16x10240xf32, #tpu.memory_space<vmem_shared>> -> memref<1x10240xf32, #tpu.memory_space<vmem_shared>>
      %dma_start3A_43 = tpu.memref_squeeze %dma_start3A_42 : memref<1x10240xf32, #tpu.memory_space<vmem_shared>> -> memref<10240xf32, #tpu.memory_space<vmem_shared>>
      %dma_start3A_44 = arith.constant 0 : i32
      %dma_start3A_45 = tpu.memref_slice %arg12[%arg1, %dma_start3A_44] : memref<16x10240xf32, #tpu.memory_space<vmem_shared>> -> memref<1x10240xf32, #tpu.memory_space<vmem_shared>>
      %dma_start3A_46 = tpu.memref_squeeze %dma_start3A_45 : memref<1x10240xf32, #tpu.memory_space<vmem_shared>> -> memref<10240xf32, #tpu.memory_space<vmem_shared>>
      tpu.enqueue_dma source(%arg8 : memref<10240xf32, #tpu.memory_space<vmem>>) target(%dma_start3A_46 : memref<10240xf32, #tpu.memory_space<vmem_shared>>) target_semaphore(%run_scoped3A : memref<!tpu.dma_semaphore, #tpu.memory_space<semaphore_mem>>)
      %dma_wait3A = arith.constant 0 : i32
      %dma_wait3A_47 = tpu.memref_slice %arg12[%arg1, %dma_wait3A] : memref<16x10240xf32, #tpu.memory_space<vmem_shared>> -> memref<1x10240xf32, #tpu.memory_space<vmem_shared>>
      %dma_wait3A_48 = tpu.memref_squeeze %dma_wait3A_47 : memref<1x10240xf32, #tpu.memory_space<vmem_shared>> -> memref<10240xf32, #tpu.memory_space<vmem_shared>>
      %dma_wait3A_49 = arith.constant 0 : i32
      %dma_wait3A_50 = tpu.memref_slice %arg12[%arg1, %dma_wait3A_49] : memref<16x10240xf32, #tpu.memory_space<vmem_shared>> -> memref<1x10240xf32, #tpu.memory_space<vmem_shared>>
      %dma_wait3A_51 = tpu.memref_squeeze %dma_wait3A_50 : memref<1x10240xf32, #tpu.memory_space<vmem_shared>> -> memref<10240xf32, #tpu.memory_space<vmem_shared>>
      tpu.wait_dma2 semaphore(%run_scoped3A : memref<!tpu.dma_semaphore, #tpu.memory_space<semaphore_mem>>) src(%arg8 : memref<10240xf32, #tpu.memory_space<vmem>>) dst(%dma_wait3A_51 : memref<10240xf32, #tpu.memory_space<vmem_shared>>)
      tpu.yield
    }) : () -> ()
    "tpu.region"() ({
      %run_scoped3A = tpu.sem_alloc : memref<!tpu.dma_semaphore, #tpu.memory_space<semaphore_mem>>
      %dma_start3A = arith.constant 0 : i32
      %dma_start3A_42 = tpu.memref_slice %arg13[%arg1, %dma_start3A] : memref<16x10240xf32, #tpu.memory_space<vmem_shared>> -> memref<1x10240xf32, #tpu.memory_space<vmem_shared>>
      %dma_start3A_43 = tpu.memref_squeeze %dma_start3A_42 : memref<1x10240xf32, #tpu.memory_space<vmem_shared>> -> memref<10240xf32, #tpu.memory_space<vmem_shared>>
      %dma_start3A_44 = arith.constant 0 : i32
      %dma_start3A_45 = tpu.memref_slice %arg13[%arg1, %dma_start3A_44] : memref<16x10240xf32, #tpu.memory_space<vmem_shared>> -> memref<1x10240xf32, #tpu.memory_space<vmem_shared>>
      %dma_start3A_46 = tpu.memref_squeeze %dma_start3A_45 : memref<1x10240xf32, #tpu.memory_space<vmem_shared>> -> memref<10240xf32, #tpu.memory_space<vmem_shared>>
      tpu.enqueue_dma source(%arg9 : memref<10240xf32, #tpu.memory_space<vmem>>) target(%dma_start3A_46 : memref<10240xf32, #tpu.memory_space<vmem_shared>>) target_semaphore(%run_scoped3A : memref<!tpu.dma_semaphore, #tpu.memory_space<semaphore_mem>>)
      %dma_wait3A = arith.constant 0 : i32
      %dma_wait3A_47 = tpu.memref_slice %arg13[%arg1, %dma_wait3A] : memref<16x10240xf32, #tpu.memory_space<vmem_shared>> -> memref<1x10240xf32, #tpu.memory_space<vmem_shared>>
      %dma_wait3A_48 = tpu.memref_squeeze %dma_wait3A_47 : memref<1x10240xf32, #tpu.memory_space<vmem_shared>> -> memref<10240xf32, #tpu.memory_space<vmem_shared>>
      %dma_wait3A_49 = arith.constant 0 : i32
      %dma_wait3A_50 = tpu.memref_slice %arg13[%arg1, %dma_wait3A_49] : memref<16x10240xf32, #tpu.memory_space<vmem_shared>> -> memref<1x10240xf32, #tpu.memory_space<vmem_shared>>
      %dma_wait3A_51 = tpu.memref_squeeze %dma_wait3A_50 : memref<1x10240xf32, #tpu.memory_space<vmem_shared>> -> memref<10240xf32, #tpu.memory_space<vmem_shared>>
      tpu.wait_dma2 semaphore(%run_scoped3A : memref<!tpu.dma_semaphore, #tpu.memory_space<semaphore_mem>>) src(%arg9 : memref<10240xf32, #tpu.memory_space<vmem>>) dst(%dma_wait3A_51 : memref<10240xf32, #tpu.memory_space<vmem_shared>>)
      tpu.yield
    }) : () -> ()
    %barrier3A = arith.constant 0 : index
    tpu.barrier barrier_id(%barrier3A)
    %mul3A_26 = arith.constant 640 : i32
    %mul3A_27 = arith.muli %arg1, %mul3A_26 : i32
    "tpu.region"() ({
      %run_scoped3A = tpu.sem_alloc : memref<!tpu.dma_semaphore, #tpu.memory_space<semaphore_mem>>
      %dma_start3A = arith.constant 0 : i32
      %dma_start3A_42 = tpu.memref_slice %arg12[%dma_start3A, %mul3A_27] : memref<16x10240xf32, #tpu.memory_space<vmem_shared>> -> memref<16x640xf32, #tpu.memory_space<vmem_shared>>
      %dma_start3A_43 = arith.constant 0 : i32
      %dma_start3A_44 = tpu.memref_slice %arg12[%dma_start3A_43, %mul3A_27] : memref<16x10240xf32, #tpu.memory_space<vmem_shared>> -> memref<16x640xf32, #tpu.memory_space<vmem_shared>>
      tpu.enqueue_dma source(%dma_start3A_44 : memref<16x640xf32, #tpu.memory_space<vmem_shared>>) target(%arg10 : memref<16x640xf32, #tpu.memory_space<vmem>>) target_semaphore(%run_scoped3A : memref<!tpu.dma_semaphore, #tpu.memory_space<semaphore_mem>>)
      %dma_wait3A = arith.constant 0 : i32
      %dma_wait3A_45 = tpu.memref_slice %arg12[%dma_wait3A, %mul3A_27] : memref<16x10240xf32, #tpu.memory_space<vmem_shared>> -> memref<16x640xf32, #tpu.memory_space<vmem_shared>>
      %dma_wait3A_46 = arith.constant 0 : i32
      %dma_wait3A_47 = tpu.memref_slice %arg12[%dma_wait3A_46, %mul3A_27] : memref<16x10240xf32, #tpu.memory_space<vmem_shared>> -> memref<16x640xf32, #tpu.memory_space<vmem_shared>>
      tpu.wait_dma2 semaphore(%run_scoped3A : memref<!tpu.dma_semaphore, #tpu.memory_space<semaphore_mem>>) src(%dma_wait3A_47 : memref<16x640xf32, #tpu.memory_space<vmem_shared>>) dst(%arg10 : memref<16x640xf32, #tpu.memory_space<vmem>>)
      tpu.yield
    }) : () -> ()
    %scan3A_28 = arith.constant 0 : i32
    %scan3A_29 = arith.constant 0 : i32
    %scan3A_30 = arith.constant 40 : i32
    %scan3A_31 = arith.addi %scan3A_29, %scan3A_30 : i32
    %scan3A_32 = arith.constant 1 : i32
    %scan3A_33 = scf.for %scan3A_42 = %scan3A_29 to %scan3A_31 step %scan3A_32 iter_args(%scan3A_43 = %scan3A_28) -> (i32)  : i32 {
      %mul3A_44 = arith.constant 16 : i32
      %mul3A_45 = arith.muli %scan3A_42, %mul3A_44 : i32
      %get3A = arith.constant 0 : i32
      %get3A_46 = arith.index_cast %get3A : i32 to index
      %get3A_47 = arith.index_cast %mul3A_45 : i32 to index
      %get3A_48 = tpu.vector_load %arg10[%get3A_46, %get3A_47] {strides = array<i32>} : memref<16x640xf32, #tpu.memory_space<vmem>>, vector<16xf32>,
      %mul3A_49 = arith.constant 16 : i32
      %mul3A_50 = arith.muli %scan3A_42, %mul3A_49 : i32
      %get3A_51 = arith.constant 1 : i32
      %get3A_52 = arith.index_cast %get3A_51 : i32 to index
      %get3A_53 = arith.index_cast %mul3A_50 : i32 to index
      %get3A_54 = tpu.vector_load %arg10[%get3A_52, %get3A_53] {strides = array<i32>} : memref<16x640xf32, #tpu.memory_space<vmem>>, vector<16xf32>,
      %add3A_55 = arith.addf %get3A_48, %get3A_54 : vector<16xf32>
      %mul3A_56 = arith.constant 16 : i32
      %mul3A_57 = arith.muli %scan3A_42, %mul3A_56 : i32
      %get3A_58 = arith.constant 2 : i32
      %get3A_59 = arith.index_cast %get3A_58 : i32 to index
      %get3A_60 = arith.index_cast %mul3A_57 : i32 to index
      %get3A_61 = tpu.vector_load %arg10[%get3A_59, %get3A_60] {strides = array<i32>} : memref<16x640xf32, #tpu.memory_space<vmem>>, vector<16xf32>,
      %add3A_62 = arith.addf %add3A_55, %get3A_61 : vector<16xf32>
      %mul3A_63 = arith.constant 16 : i32
      %mul3A_64 = arith.muli %scan3A_42, %mul3A_63 : i32
      %get3A_65 = arith.constant 3 : i32
      %get3A_66 = arith.index_cast %get3A_65 : i32 to index
      %get3A_67 = arith.index_cast %mul3A_64 : i32 to index
      %get3A_68 = tpu.vector_load %arg10[%get3A_66, %get3A_67] {strides = array<i32>} : memref<16x640xf32, #tpu.memory_space<vmem>>, vector<16xf32>,
      %add3A_69 = arith.addf %add3A_62, %get3A_68 : vector<16xf32>
      %mul3A_70 = arith.constant 16 : i32
      %mul3A_71 = arith.muli %scan3A_42, %mul3A_70 : i32
      %get3A_72 = arith.constant 4 : i32
      %get3A_73 = arith.index_cast %get3A_72 : i32 to index
      %get3A_74 = arith.index_cast %mul3A_71 : i32 to index
      %get3A_75 = tpu.vector_load %arg10[%get3A_73, %get3A_74] {strides = array<i32>} : memref<16x640xf32, #tpu.memory_space<vmem>>, vector<16xf32>,
      %add3A_76 = arith.addf %add3A_69, %get3A_75 : vector<16xf32>
      %mul3A_77 = arith.constant 16 : i32
      %mul3A_78 = arith.muli %scan3A_42, %mul3A_77 : i32
      %get3A_79 = arith.constant 5 : i32
      %get3A_80 = arith.index_cast %get3A_79 : i32 to index
      %get3A_81 = arith.index_cast %mul3A_78 : i32 to index
      %get3A_82 = tpu.vector_load %arg10[%get3A_80, %get3A_81] {strides = array<i32>} : memref<16x640xf32, #tpu.memory_space<vmem>>, vector<16xf32>,
      %add3A_83 = arith.addf %add3A_76, %get3A_82 : vector<16xf32>
      %mul3A_84 = arith.constant 16 : i32
      %mul3A_85 = arith.muli %scan3A_42, %mul3A_84 : i32
      %get3A_86 = arith.constant 6 : i32
      %get3A_87 = arith.index_cast %get3A_86 : i32 to index
      %get3A_88 = arith.index_cast %mul3A_85 : i32 to index
      %get3A_89 = tpu.vector_load %arg10[%get3A_87, %get3A_88] {strides = array<i32>} : memref<16x640xf32, #tpu.memory_space<vmem>>, vector<16xf32>,
      %add3A_90 = arith.addf %add3A_83, %get3A_89 : vector<16xf32>
      %mul3A_91 = arith.constant 16 : i32
      %mul3A_92 = arith.muli %scan3A_42, %mul3A_91 : i32
      %get3A_93 = arith.constant 7 : i32
      %get3A_94 = arith.index_cast %get3A_93 : i32 to index
      %get3A_95 = arith.index_cast %mul3A_92 : i32 to index
      %get3A_96 = tpu.vector_load %arg10[%get3A_94, %get3A_95] {strides = array<i32>} : memref<16x640xf32, #tpu.memory_space<vmem>>, vector<16xf32>,
      %add3A_97 = arith.addf %add3A_90, %get3A_96 : vector<16xf32>
      %mul3A_98 = arith.constant 16 : i32
      %mul3A_99 = arith.muli %scan3A_42, %mul3A_98 : i32
      %get3A_100 = arith.constant 8 : i32
      %get3A_101 = arith.index_cast %get3A_100 : i32 to index
      %get3A_102 = arith.index_cast %mul3A_99 : i32 to index
      %get3A_103 = tpu.vector_load %arg10[%get3A_101, %get3A_102] {strides = array<i32>} : memref<16x640xf32, #tpu.memory_space<vmem>>, vector<16xf32>,
      %add3A_104 = arith.addf %add3A_97, %get3A_103 : vector<16xf32>
      %mul3A_105 = arith.constant 16 : i32
      %mul3A_106 = arith.muli %scan3A_42, %mul3A_105 : i32
      %get3A_107 = arith.constant 9 : i32
      %get3A_108 = arith.index_cast %get3A_107 : i32 to index
      %get3A_109 = arith.index_cast %mul3A_106 : i32 to index
      %get3A_110 = tpu.vector_load %arg10[%get3A_108, %get3A_109] {strides = array<i32>} : memref<16x640xf32, #tpu.memory_space<vmem>>, vector<16xf32>,
      %add3A_111 = arith.addf %add3A_104, %get3A_110 : vector<16xf32>
      %mul3A_112 = arith.constant 16 : i32
      %mul3A_113 = arith.muli %scan3A_42, %mul3A_112 : i32
      %get3A_114 = arith.constant 10 : i32
      %get3A_115 = arith.index_cast %get3A_114 : i32 to index
      %get3A_116 = arith.index_cast %mul3A_113 : i32 to index
      %get3A_117 = tpu.vector_load %arg10[%get3A_115, %get3A_116] {strides = array<i32>} : memref<16x640xf32, #tpu.memory_space<vmem>>, vector<16xf32>,
      %add3A_118 = arith.addf %add3A_111, %get3A_117 : vector<16xf32>
      %mul3A_119 = arith.constant 16 : i32
      %mul3A_120 = arith.muli %scan3A_42, %mul3A_119 : i32
      %get3A_121 = arith.constant 11 : i32
      %get3A_122 = arith.index_cast %get3A_121 : i32 to index
      %get3A_123 = arith.index_cast %mul3A_120 : i32 to index
      %get3A_124 = tpu.vector_load %arg10[%get3A_122, %get3A_123] {strides = array<i32>} : memref<16x640xf32, #tpu.memory_space<vmem>>, vector<16xf32>,
      %add3A_125 = arith.addf %add3A_118, %get3A_124 : vector<16xf32>
      %mul3A_126 = arith.constant 16 : i32
      %mul3A_127 = arith.muli %scan3A_42, %mul3A_126 : i32
      %get3A_128 = arith.constant 12 : i32
      %get3A_129 = arith.index_cast %get3A_128 : i32 to index
      %get3A_130 = arith.index_cast %mul3A_127 : i32 to index
      %get3A_131 = tpu.vector_load %arg10[%get3A_129, %get3A_130] {strides = array<i32>} : memref<16x640xf32, #tpu.memory_space<vmem>>, vector<16xf32>,
      %add3A_132 = arith.addf %add3A_125, %get3A_131 : vector<16xf32>
      %mul3A_133 = arith.constant 16 : i32
      %mul3A_134 = arith.muli %scan3A_42, %mul3A_133 : i32
      %get3A_135 = arith.constant 13 : i32
      %get3A_136 = arith.index_cast %get3A_135 : i32 to index
      %get3A_137 = arith.index_cast %mul3A_134 : i32 to index
      %get3A_138 = tpu.vector_load %arg10[%get3A_136, %get3A_137] {strides = array<i32>} : memref<16x640xf32, #tpu.memory_space<vmem>>, vector<16xf32>,
      %add3A_139 = arith.addf %add3A_132, %get3A_138 : vector<16xf32>
      %mul3A_140 = arith.constant 16 : i32
      %mul3A_141 = arith.muli %scan3A_42, %mul3A_140 : i32
      %get3A_142 = arith.constant 14 : i32
      %get3A_143 = arith.index_cast %get3A_142 : i32 to index
      %get3A_144 = arith.index_cast %mul3A_141 : i32 to index
      %get3A_145 = tpu.vector_load %arg10[%get3A_143, %get3A_144] {strides = array<i32>} : memref<16x640xf32, #tpu.memory_space<vmem>>, vector<16xf32>,
      %add3A_146 = arith.addf %add3A_139, %get3A_145 : vector<16xf32>
      %mul3A_147 = arith.constant 16 : i32
      %mul3A_148 = arith.muli %scan3A_42, %mul3A_147 : i32
      %get3A_149 = arith.constant 15 : i32
      %get3A_150 = arith.index_cast %get3A_149 : i32 to index
      %get3A_151 = arith.index_cast %mul3A_148 : i32 to index
      %get3A_152 = tpu.vector_load %arg10[%get3A_150, %get3A_151] {strides = array<i32>} : memref<16x640xf32, #tpu.memory_space<vmem>>, vector<16xf32>,
      %add3A_153 = arith.addf %add3A_146, %get3A_152 : vector<16xf32>
      %mul3A_154 = arith.constant 16 : i32
      %mul3A_155 = arith.muli %scan3A_42, %mul3A_154 : i32
      %swap3A = arith.index_cast %mul3A_155 : i32 to index
      %swap3A_156 = tpu.vector_load %arg11[%swap3A] {strides = array<i32>} : memref<640xf32, #tpu.memory_space<vmem>>, vector<16xf32>,
      tpu.vector_store %arg11[%swap3A], %add3A_153 {strides = array<i32>} : memref<640xf32, #tpu.memory_space<vmem>>, vector<16xf32>,
      %scan3A_157 = arith.constant 0 : i32
      scf.yield %scan3A_157 : i32
    }
    %scan3A_34 = arith.constant 40 : i32
    "tpu.region"() ({
      %run_scoped3A = tpu.sem_alloc : memref<!tpu.dma_semaphore, #tpu.memory_space<semaphore_mem>>
      %dma_start3A = tpu.memref_slice %arg4[%arg0, %mul3A_27] : memref<2x10240xf32, #tpu.memory_space<hbm>> -> memref<1x640xf32, #tpu.memory_space<hbm>>
      %dma_start3A_42 = tpu.memref_squeeze %dma_start3A : memref<1x640xf32, #tpu.memory_space<hbm>> -> memref<640xf32, #tpu.memory_space<hbm>>
      %dma_start3A_43 = tpu.memref_slice %arg4[%arg0, %mul3A_27] : memref<2x10240xf32, #tpu.memory_space<hbm>> -> memref<1x640xf32, #tpu.memory_space<hbm>>
      %dma_start3A_44 = tpu.memref_squeeze %dma_start3A_43 : memref<1x640xf32, #tpu.memory_space<hbm>> -> memref<640xf32, #tpu.memory_space<hbm>>
      tpu.enqueue_dma source(%arg11 : memref<640xf32, #tpu.memory_space<vmem>>) target(%dma_start3A_44 : memref<640xf32, #tpu.memory_space<hbm>>) target_semaphore(%run_scoped3A : memref<!tpu.dma_semaphore, #tpu.memory_space<semaphore_mem>>)
      %dma_wait3A = tpu.memref_slice %arg4[%arg0, %mul3A_27] : memref<2x10240xf32, #tpu.memory_space<hbm>> -> memref<1x640xf32, #tpu.memory_space<hbm>>
      %dma_wait3A_45 = tpu.memref_squeeze %dma_wait3A : memref<1x640xf32, #tpu.memory_space<hbm>> -> memref<640xf32, #tpu.memory_space<hbm>>
      %dma_wait3A_46 = tpu.memref_slice %arg4[%arg0, %mul3A_27] : memref<2x10240xf32, #tpu.memory_space<hbm>> -> memref<1x640xf32, #tpu.memory_space<hbm>>
      %dma_wait3A_47 = tpu.memref_squeeze %dma_wait3A_46 : memref<1x640xf32, #tpu.memory_space<hbm>> -> memref<640xf32, #tpu.memory_space<hbm>>
      tpu.wait_dma2 semaphore(%run_scoped3A : memref<!tpu.dma_semaphore, #tpu.memory_space<semaphore_mem>>) src(%arg11 : memref<640xf32, #tpu.memory_space<vmem>>) dst(%dma_wait3A_47 : memref<640xf32, #tpu.memory_space<hbm>>)
      tpu.yield
    }) : () -> ()
    "tpu.region"() ({
      %run_scoped3A = tpu.sem_alloc : memref<!tpu.dma_semaphore, #tpu.memory_space<semaphore_mem>>
      %dma_start3A = arith.constant 0 : i32
      %dma_start3A_42 = tpu.memref_slice %arg13[%dma_start3A, %mul3A_27] : memref<16x10240xf32, #tpu.memory_space<vmem_shared>> -> memref<16x640xf32, #tpu.memory_space<vmem_shared>>
      %dma_start3A_43 = arith.constant 0 : i32
      %dma_start3A_44 = tpu.memref_slice %arg13[%dma_start3A_43, %mul3A_27] : memref<16x10240xf32, #tpu.memory_space<vmem_shared>> -> memref<16x640xf32, #tpu.memory_space<vmem_shared>>
      tpu.enqueue_dma source(%dma_start3A_44 : memref<16x640xf32, #tpu.memory_space<vmem_shared>>) target(%arg10 : memref<16x640xf32, #tpu.memory_space<vmem>>) target_semaphore(%run_scoped3A : memref<!tpu.dma_semaphore, #tpu.memory_space<semaphore_mem>>)
      %dma_wait3A = arith.constant 0 : i32
      %dma_wait3A_45 = tpu.memref_slice %arg13[%dma_wait3A, %mul3A_27] : memref<16x10240xf32, #tpu.memory_space<vmem_shared>> -> memref<16x640xf32, #tpu.memory_space<vmem_shared>>
      %dma_wait3A_46 = arith.constant 0 : i32
      %dma_wait3A_47 = tpu.memref_slice %arg13[%dma_wait3A_46, %mul3A_27] : memref<16x10240xf32, #tpu.memory_space<vmem_shared>> -> memref<16x640xf32, #tpu.memory_space<vmem_shared>>
      tpu.wait_dma2 semaphore(%run_scoped3A : memref<!tpu.dma_semaphore, #tpu.memory_space<semaphore_mem>>) src(%dma_wait3A_47 : memref<16x640xf32, #tpu.memory_space<vmem_shared>>) dst(%arg10 : memref<16x640xf32, #tpu.memory_space<vmem>>)
      tpu.yield
    }) : () -> ()
    %scan3A_35 = arith.constant 0 : i32
    %scan3A_36 = arith.constant 0 : i32
    %scan3A_37 = arith.constant 40 : i32
    %scan3A_38 = arith.addi %scan3A_36, %scan3A_37 : i32
    %scan3A_39 = arith.constant 1 : i32
    %scan3A_40 = scf.for %scan3A_42 = %scan3A_36 to %scan3A_38 step %scan3A_39 iter_args(%scan3A_43 = %scan3A_35) -> (i32)  : i32 {
      %mul3A_44 = arith.constant 16 : i32
      %mul3A_45 = arith.muli %scan3A_42, %mul3A_44 : i32
      %get3A = arith.constant 0 : i32
      %get3A_46 = arith.index_cast %get3A : i32 to index
      %get3A_47 = arith.index_cast %mul3A_45 : i32 to index
      %get3A_48 = tpu.vector_load %arg10[%get3A_46, %get3A_47] {strides = array<i32>} : memref<16x640xf32, #tpu.memory_space<vmem>>, vector<16xf32>,
      %mul3A_49 = arith.constant 16 : i32
      %mul3A_50 = arith.muli %scan3A_42, %mul3A_49 : i32
      %get3A_51 = arith.constant 1 : i32
      %get3A_52 = arith.index_cast %get3A_51 : i32 to index
      %get3A_53 = arith.index_cast %mul3A_50 : i32 to index
      %get3A_54 = tpu.vector_load %arg10[%get3A_52, %get3A_53] {strides = array<i32>} : memref<16x640xf32, #tpu.memory_space<vmem>>, vector<16xf32>,
      %add3A_55 = arith.addf %get3A_48, %get3A_54 : vector<16xf32>
      %mul3A_56 = arith.constant 16 : i32
      %mul3A_57 = arith.muli %scan3A_42, %mul3A_56 : i32
      %get3A_58 = arith.constant 2 : i32
      %get3A_59 = arith.index_cast %get3A_58 : i32 to index
      %get3A_60 = arith.index_cast %mul3A_57 : i32 to index
      %get3A_61 = tpu.vector_load %arg10[%get3A_59, %get3A_60] {strides = array<i32>} : memref<16x640xf32, #tpu.memory_space<vmem>>, vector<16xf32>,
      %add3A_62 = arith.addf %add3A_55, %get3A_61 : vector<16xf32>
      %mul3A_63 = arith.constant 16 : i32
      %mul3A_64 = arith.muli %scan3A_42, %mul3A_63 : i32
      %get3A_65 = arith.constant 3 : i32
      %get3A_66 = arith.index_cast %get3A_65 : i32 to index
      %get3A_67 = arith.index_cast %mul3A_64 : i32 to index
      %get3A_68 = tpu.vector_load %arg10[%get3A_66, %get3A_67] {strides = array<i32>} : memref<16x640xf32, #tpu.memory_space<vmem>>, vector<16xf32>,
      %add3A_69 = arith.addf %add3A_62, %get3A_68 : vector<16xf32>
      %mul3A_70 = arith.constant 16 : i32
      %mul3A_71 = arith.muli %scan3A_42, %mul3A_70 : i32
      %get3A_72 = arith.constant 4 : i32
      %get3A_73 = arith.index_cast %get3A_72 : i32 to index
      %get3A_74 = arith.index_cast %mul3A_71 : i32 to index
      %get3A_75 = tpu.vector_load %arg10[%get3A_73, %get3A_74] {strides = array<i32>} : memref<16x640xf32, #tpu.memory_space<vmem>>, vector<16xf32>,
      %add3A_76 = arith.addf %add3A_69, %get3A_75 : vector<16xf32>
      %mul3A_77 = arith.constant 16 : i32
      %mul3A_78 = arith.muli %scan3A_42, %mul3A_77 : i32
      %get3A_79 = arith.constant 5 : i32
      %get3A_80 = arith.index_cast %get3A_79 : i32 to index
      %get3A_81 = arith.index_cast %mul3A_78 : i32 to index
      %get3A_82 = tpu.vector_load %arg10[%get3A_80, %get3A_81] {strides = array<i32>} : memref<16x640xf32, #tpu.memory_space<vmem>>, vector<16xf32>,
      %add3A_83 = arith.addf %add3A_76, %get3A_82 : vector<16xf32>
      %mul3A_84 = arith.constant 16 : i32
      %mul3A_85 = arith.muli %scan3A_42, %mul3A_84 : i32
      %get3A_86 = arith.constant 6 : i32
      %get3A_87 = arith.index_cast %get3A_86 : i32 to index
      %get3A_88 = arith.index_cast %mul3A_85 : i32 to index
      %get3A_89 = tpu.vector_load %arg10[%get3A_87, %get3A_88] {strides = array<i32>} : memref<16x640xf32, #tpu.memory_space<vmem>>, vector<16xf32>,
      %add3A_90 = arith.addf %add3A_83, %get3A_89 : vector<16xf32>
      %mul3A_91 = arith.constant 16 : i32
      %mul3A_92 = arith.muli %scan3A_42, %mul3A_91 : i32
      %get3A_93 = arith.constant 7 : i32
      %get3A_94 = arith.index_cast %get3A_93 : i32 to index
      %get3A_95 = arith.index_cast %mul3A_92 : i32 to index
      %get3A_96 = tpu.vector_load %arg10[%get3A_94, %get3A_95] {strides = array<i32>} : memref<16x640xf32, #tpu.memory_space<vmem>>, vector<16xf32>,
      %add3A_97 = arith.addf %add3A_90, %get3A_96 : vector<16xf32>
      %mul3A_98 = arith.constant 16 : i32
      %mul3A_99 = arith.muli %scan3A_42, %mul3A_98 : i32
      %get3A_100 = arith.constant 8 : i32
      %get3A_101 = arith.index_cast %get3A_100 : i32 to index
      %get3A_102 = arith.index_cast %mul3A_99 : i32 to index
      %get3A_103 = tpu.vector_load %arg10[%get3A_101, %get3A_102] {strides = array<i32>} : memref<16x640xf32, #tpu.memory_space<vmem>>, vector<16xf32>,
      %add3A_104 = arith.addf %add3A_97, %get3A_103 : vector<16xf32>
      %mul3A_105 = arith.constant 16 : i32
      %mul3A_106 = arith.muli %scan3A_42, %mul3A_105 : i32
      %get3A_107 = arith.constant 9 : i32
      %get3A_108 = arith.index_cast %get3A_107 : i32 to index
      %get3A_109 = arith.index_cast %mul3A_106 : i32 to index
      %get3A_110 = tpu.vector_load %arg10[%get3A_108, %get3A_109] {strides = array<i32>} : memref<16x640xf32, #tpu.memory_space<vmem>>, vector<16xf32>,
      %add3A_111 = arith.addf %add3A_104, %get3A_110 : vector<16xf32>
      %mul3A_112 = arith.constant 16 : i32
      %mul3A_113 = arith.muli %scan3A_42, %mul3A_112 : i32
      %get3A_114 = arith.constant 10 : i32
      %get3A_115 = arith.index_cast %get3A_114 : i32 to index
      %get3A_116 = arith.index_cast %mul3A_113 : i32 to index
      %get3A_117 = tpu.vector_load %arg10[%get3A_115, %get3A_116] {strides = array<i32>} : memref<16x640xf32, #tpu.memory_space<vmem>>, vector<16xf32>,
      %add3A_118 = arith.addf %add3A_111, %get3A_117 : vector<16xf32>
      %mul3A_119 = arith.constant 16 : i32
      %mul3A_120 = arith.muli %scan3A_42, %mul3A_119 : i32
      %get3A_121 = arith.constant 11 : i32
      %get3A_122 = arith.index_cast %get3A_121 : i32 to index
      %get3A_123 = arith.index_cast %mul3A_120 : i32 to index
      %get3A_124 = tpu.vector_load %arg10[%get3A_122, %get3A_123] {strides = array<i32>} : memref<16x640xf32, #tpu.memory_space<vmem>>, vector<16xf32>,
      %add3A_125 = arith.addf %add3A_118, %get3A_124 : vector<16xf32>
      %mul3A_126 = arith.constant 16 : i32
      %mul3A_127 = arith.muli %scan3A_42, %mul3A_126 : i32
      %get3A_128 = arith.constant 12 : i32
      %get3A_129 = arith.index_cast %get3A_128 : i32 to index
      %get3A_130 = arith.index_cast %mul3A_127 : i32 to index
      %get3A_131 = tpu.vector_load %arg10[%get3A_129, %get3A_130] {strides = array<i32>} : memref<16x640xf32, #tpu.memory_space<vmem>>, vector<16xf32>,
      %add3A_132 = arith.addf %add3A_125, %get3A_131 : vector<16xf32>
      %mul3A_133 = arith.constant 16 : i32
      %mul3A_134 = arith.muli %scan3A_42, %mul3A_133 : i32
      %get3A_135 = arith.constant 13 : i32
      %get3A_136 = arith.index_cast %get3A_135 : i32 to index
      %get3A_137 = arith.index_cast %mul3A_134 : i32 to index
      %get3A_138 = tpu.vector_load %arg10[%get3A_136, %get3A_137] {strides = array<i32>} : memref<16x640xf32, #tpu.memory_space<vmem>>, vector<16xf32>,
      %add3A_139 = arith.addf %add3A_132, %get3A_138 : vector<16xf32>
      %mul3A_140 = arith.constant 16 : i32
      %mul3A_141 = arith.muli %scan3A_42, %mul3A_140 : i32
      %get3A_142 = arith.constant 14 : i32
      %get3A_143 = arith.index_cast %get3A_142 : i32 to index
      %get3A_144 = arith.index_cast %mul3A_141 : i32 to index
      %get3A_145 = tpu.vector_load %arg10[%get3A_143, %get3A_144] {strides = array<i32>} : memref<16x640xf32, #tpu.memory_space<vmem>>, vector<16xf32>,
      %add3A_146 = arith.addf %add3A_139, %get3A_145 : vector<16xf32>
      %mul3A_147 = arith.constant 16 : i32
      %mul3A_148 = arith.muli %scan3A_42, %mul3A_147 : i32
      %get3A_149 = arith.constant 15 : i32
      %get3A_150 = arith.index_cast %get3A_149 : i32 to index
      %get3A_151 = arith.index_cast %mul3A_148 : i32 to index
      %get3A_152 = tpu.vector_load %arg10[%get3A_150, %get3A_151] {strides = array<i32>} : memref<16x640xf32, #tpu.memory_space<vmem>>, vector<16xf32>,
      %add3A_153 = arith.addf %add3A_146, %get3A_152 : vector<16xf32>
      %mul3A_154 = arith.constant 16 : i32
      %mul3A_155 = arith.muli %scan3A_42, %mul3A_154 : i32
      %swap3A = arith.index_cast %mul3A_155 : i32 to index
      %swap3A_156 = tpu.vector_load %arg11[%swap3A] {strides = array<i32>} : memref<640xf32, #tpu.memory_space<vmem>>, vector<16xf32>,
      tpu.vector_store %arg11[%swap3A], %add3A_153 {strides = array<i32>} : memref<640xf32, #tpu.memory_space<vmem>>, vector<16xf32>,
      %scan3A_157 = arith.constant 0 : i32
      scf.yield %scan3A_157 : i32
    }
    %scan3A_41 = arith.constant 40 : i32
    "tpu.region"() ({
      %run_scoped3A = tpu.sem_alloc : memref<!tpu.dma_semaphore, #tpu.memory_space<semaphore_mem>>
      %dma_start3A = tpu.memref_slice %arg5[%arg0, %mul3A_27] : memref<2x10240xf32, #tpu.memory_space<hbm>> -> memref<1x640xf32, #tpu.memory_space<hbm>>
      %dma_start3A_42 = tpu.memref_squeeze %dma_start3A : memref<1x640xf32, #tpu.memory_space<hbm>> -> memref<640xf32, #tpu.memory_space<hbm>>
      %dma_start3A_43 = tpu.memref_slice %arg5[%arg0, %mul3A_27] : memref<2x10240xf32, #tpu.memory_space<hbm>> -> memref<1x640xf32, #tpu.memory_space<hbm>>
      %dma_start3A_44 = tpu.memref_squeeze %dma_start3A_43 : memref<1x640xf32, #tpu.memory_space<hbm>> -> memref<640xf32, #tpu.memory_space<hbm>>
      tpu.enqueue_dma source(%arg11 : memref<640xf32, #tpu.memory_space<vmem>>) target(%dma_start3A_44 : memref<640xf32, #tpu.memory_space<hbm>>) target_semaphore(%run_scoped3A : memref<!tpu.dma_semaphore, #tpu.memory_space<semaphore_mem>>)
      %dma_wait3A = tpu.memref_slice %arg5[%arg0, %mul3A_27] : memref<2x10240xf32, #tpu.memory_space<hbm>> -> memref<1x640xf32, #tpu.memory_space<hbm>>
      %dma_wait3A_45 = tpu.memref_squeeze %dma_wait3A : memref<1x640xf32, #tpu.memory_space<hbm>> -> memref<640xf32, #tpu.memory_space<hbm>>
      %dma_wait3A_46 = tpu.memref_slice %arg5[%arg0, %mul3A_27] : memref<2x10240xf32, #tpu.memory_space<hbm>> -> memref<1x640xf32, #tpu.memory_space<hbm>>
      %dma_wait3A_47 = tpu.memref_squeeze %dma_wait3A_46 : memref<1x640xf32, #tpu.memory_space<hbm>> -> memref<640xf32, #tpu.memory_space<hbm>>
      tpu.wait_dma2 semaphore(%run_scoped3A : memref<!tpu.dma_semaphore, #tpu.memory_space<semaphore_mem>>) src(%arg11 : memref<640xf32, #tpu.memory_space<vmem>>) dst(%dma_wait3A_47 : memref<640xf32, #tpu.memory_space<hbm>>)
      tpu.yield
    }) : () -> ()
    return
  }
}

#map = affine_map<(d0, d1) -> (0)>
#map1 = affine_map<(d0, d1) -> (0, 0)>
module attributes {stable_mosaic.version = 14 : i64} {
  func.func @seg_kernel(%arg0: i32, %arg1: i32, %arg2: memref<10240xf32, #tpu.memory_space<hbm>>, %arg3: memref<10240xf32, #tpu.memory_space<hbm>>, %arg4: memref<2560x128xi32, #tpu.memory_space<hbm>>, %arg5: memref<2560x128xi32, #tpu.memory_space<hbm>>, %arg6: memref<2x10240xf32, #tpu.memory_space<hbm>>, %arg7: memref<2x10240xf32, #tpu.memory_space<hbm>>, %arg8: memref<80x128xi32, #tpu.memory_space<vmem>>, %arg9: memref<80x128xi32, #tpu.memory_space<vmem>>, %arg10: memref<10240xf32, #tpu.memory_space<vmem>>, %arg11: memref<10240xf32, #tpu.memory_space<vmem>>, %arg12: memref<10240xf32, #tpu.memory_space<vmem>>, %arg13: memref<10240xf32, #tpu.memory_space<vmem>>, %arg14: memref<16x640xf32, #tpu.memory_space<vmem>>, %arg15: memref<640xf32, #tpu.memory_space<vmem>>, %arg16: memref<16x10240xf32, #tpu.memory_space<vmem_shared>>, %arg17: memref<16x10240xf32, #tpu.memory_space<vmem_shared>>) attributes {dimension_semantics = [#tpu.dimension_semantics<core_parallel>, #tpu.dimension_semantics<subcore_parallel>], iteration_bounds = array<i64: 2, 16>, scalar_prefetch = 0 : i64, scratch_operands = 10 : i64, tpu.core_type = #tpu.core_type<sc_vector_subcore>, window_params = [{transform_indices = #map}, {transform_indices = #map}, {transform_indices = #map1}, {transform_indices = #map1}, {transform_indices = #map1}, {transform_indices = #map1}]} {
    %mul3A = arith.constant 16 : i32
    %mul3A_0 = arith.muli %arg0, %mul3A : i32
    %add3A = arith.addi %mul3A_0, %arg1 : i32
    "tpu.region"() ({
      %run_scoped3A = tpu.sem_alloc : memref<!tpu.dma_semaphore, #tpu.memory_space<semaphore_mem>>
      tpu.enqueue_dma source(%arg2 : memref<10240xf32, #tpu.memory_space<hbm>>) target(%arg10 : memref<10240xf32, #tpu.memory_space<vmem>>) target_semaphore(%run_scoped3A : memref<!tpu.dma_semaphore, #tpu.memory_space<semaphore_mem>>)
      tpu.wait_dma2 semaphore(%run_scoped3A : memref<!tpu.dma_semaphore, #tpu.memory_space<semaphore_mem>>) src(%arg2 : memref<10240xf32, #tpu.memory_space<hbm>>) dst(%arg10 : memref<10240xf32, #tpu.memory_space<vmem>>)
      tpu.yield
    }) : () -> ()
    %scan3A = arith.constant 0 : i32
    %scan3A_1 = arith.constant 0 : i32
    %scan3A_2 = arith.constant 640 : i32
    %scan3A_3 = arith.addi %scan3A_1, %scan3A_2 : i32
    %scan3A_4 = arith.constant 1 : i32
    %scan3A_5 = scf.for %scan3A_41 = %scan3A_1 to %scan3A_3 step %scan3A_4 iter_args(%scan3A_42 = %scan3A) -> (i32)  : i32 {
      %broadcast_in_dim3A = arith.constant 0.000000e+00 : f32
      %broadcast_in_dim3A_43 = vector.broadcast %broadcast_in_dim3A : f32 to vector<16xf32>
      %mul3A_44 = arith.constant 16 : i32
      %mul3A_45 = arith.muli %scan3A_41, %mul3A_44 : i32
      %swap3A = arith.index_cast %mul3A_45 : i32 to index
      %swap3A_46 = tpu.vector_load %arg12[%swap3A] {strides = array<i32>} : memref<10240xf32, #tpu.memory_space<vmem>>, vector<16xf32>,
      tpu.vector_store %arg12[%swap3A], %broadcast_in_dim3A_43 {strides = array<i32>} : memref<10240xf32, #tpu.memory_space<vmem>>, vector<16xf32>,
      %scan3A_47 = arith.constant 0 : i32
      scf.yield %scan3A_47 : i32
    }
    %scan3A_6 = arith.constant 640 : i32
    "tpu.region"() ({
      %run_scoped3A = tpu.sem_alloc : memref<!tpu.dma_semaphore, #tpu.memory_space<semaphore_mem>>
      tpu.enqueue_dma source(%arg3 : memref<10240xf32, #tpu.memory_space<hbm>>) target(%arg11 : memref<10240xf32, #tpu.memory_space<vmem>>) target_semaphore(%run_scoped3A : memref<!tpu.dma_semaphore, #tpu.memory_space<semaphore_mem>>)
      tpu.wait_dma2 semaphore(%run_scoped3A : memref<!tpu.dma_semaphore, #tpu.memory_space<semaphore_mem>>) src(%arg3 : memref<10240xf32, #tpu.memory_space<hbm>>) dst(%arg11 : memref<10240xf32, #tpu.memory_space<vmem>>)
      tpu.yield
    }) : () -> ()
    %scan3A_7 = arith.constant 0 : i32
    %scan3A_8 = arith.constant 0 : i32
    %scan3A_9 = arith.constant 640 : i32
    %scan3A_10 = arith.addi %scan3A_8, %scan3A_9 : i32
    %scan3A_11 = arith.constant 1 : i32
    %scan3A_12 = scf.for %scan3A_41 = %scan3A_8 to %scan3A_10 step %scan3A_11 iter_args(%scan3A_42 = %scan3A_7) -> (i32)  : i32 {
      %broadcast_in_dim3A = arith.constant 0.000000e+00 : f32
      %broadcast_in_dim3A_43 = vector.broadcast %broadcast_in_dim3A : f32 to vector<16xf32>
      %mul3A_44 = arith.constant 16 : i32
      %mul3A_45 = arith.muli %scan3A_41, %mul3A_44 : i32
      %swap3A = arith.index_cast %mul3A_45 : i32 to index
      %swap3A_46 = tpu.vector_load %arg13[%swap3A] {strides = array<i32>} : memref<10240xf32, #tpu.memory_space<vmem>>, vector<16xf32>,
      tpu.vector_store %arg13[%swap3A], %broadcast_in_dim3A_43 {strides = array<i32>} : memref<10240xf32, #tpu.memory_space<vmem>>, vector<16xf32>,
      %scan3A_47 = arith.constant 0 : i32
      scf.yield %scan3A_47 : i32
    }
    %scan3A_13 = arith.constant 640 : i32
    %mul3A_14 = arith.constant 80 : i32
    %mul3A_15 = arith.muli %add3A, %mul3A_14 : i32
    "tpu.region"() ({
      %run_scoped3A = tpu.sem_alloc : memref<!tpu.dma_semaphore, #tpu.memory_space<semaphore_mem>>
      %dma_start3A = arith.constant 0 : i32
      %dma_start3A_41 = tpu.memref_slice %arg4[%mul3A_15, %dma_start3A] : memref<2560x128xi32, #tpu.memory_space<hbm>> -> memref<80x128xi32, #tpu.memory_space<hbm>>
      %dma_start3A_42 = arith.constant 0 : i32
      %dma_start3A_43 = tpu.memref_slice %arg4[%mul3A_15, %dma_start3A_42] : memref<2560x128xi32, #tpu.memory_space<hbm>> -> memref<80x128xi32, #tpu.memory_space<hbm>>
      tpu.enqueue_dma source(%dma_start3A_43 : memref<80x128xi32, #tpu.memory_space<hbm>>) target(%arg8 : memref<80x128xi32, #tpu.memory_space<vmem>>) target_semaphore(%run_scoped3A : memref<!tpu.dma_semaphore, #tpu.memory_space<semaphore_mem>>)
      %dma_wait3A = arith.constant 0 : i32
      %dma_wait3A_44 = tpu.memref_slice %arg4[%mul3A_15, %dma_wait3A] : memref<2560x128xi32, #tpu.memory_space<hbm>> -> memref<80x128xi32, #tpu.memory_space<hbm>>
      %dma_wait3A_45 = arith.constant 0 : i32
      %dma_wait3A_46 = tpu.memref_slice %arg4[%mul3A_15, %dma_wait3A_45] : memref<2560x128xi32, #tpu.memory_space<hbm>> -> memref<80x128xi32, #tpu.memory_space<hbm>>
      tpu.wait_dma2 semaphore(%run_scoped3A : memref<!tpu.dma_semaphore, #tpu.memory_space<semaphore_mem>>) src(%dma_wait3A_46 : memref<80x128xi32, #tpu.memory_space<hbm>>) dst(%arg8 : memref<80x128xi32, #tpu.memory_space<vmem>>)
      tpu.yield
    }) : () -> ()
    %mul3A_16 = arith.constant 80 : i32
    %mul3A_17 = arith.muli %add3A, %mul3A_16 : i32
    "tpu.region"() ({
      %run_scoped3A = tpu.sem_alloc : memref<!tpu.dma_semaphore, #tpu.memory_space<semaphore_mem>>
      %dma_start3A = arith.constant 0 : i32
      %dma_start3A_41 = tpu.memref_slice %arg5[%mul3A_17, %dma_start3A] : memref<2560x128xi32, #tpu.memory_space<hbm>> -> memref<80x128xi32, #tpu.memory_space<hbm>>
      %dma_start3A_42 = arith.constant 0 : i32
      %dma_start3A_43 = tpu.memref_slice %arg5[%mul3A_17, %dma_start3A_42] : memref<2560x128xi32, #tpu.memory_space<hbm>> -> memref<80x128xi32, #tpu.memory_space<hbm>>
      tpu.enqueue_dma source(%dma_start3A_43 : memref<80x128xi32, #tpu.memory_space<hbm>>) target(%arg9 : memref<80x128xi32, #tpu.memory_space<vmem>>) target_semaphore(%run_scoped3A : memref<!tpu.dma_semaphore, #tpu.memory_space<semaphore_mem>>)
      %dma_wait3A = arith.constant 0 : i32
      %dma_wait3A_44 = tpu.memref_slice %arg5[%mul3A_17, %dma_wait3A] : memref<2560x128xi32, #tpu.memory_space<hbm>> -> memref<80x128xi32, #tpu.memory_space<hbm>>
      %dma_wait3A_45 = arith.constant 0 : i32
      %dma_wait3A_46 = tpu.memref_slice %arg5[%mul3A_17, %dma_wait3A_45] : memref<2560x128xi32, #tpu.memory_space<hbm>> -> memref<80x128xi32, #tpu.memory_space<hbm>>
      tpu.wait_dma2 semaphore(%run_scoped3A : memref<!tpu.dma_semaphore, #tpu.memory_space<semaphore_mem>>) src(%dma_wait3A_46 : memref<80x128xi32, #tpu.memory_space<hbm>>) dst(%arg9 : memref<80x128xi32, #tpu.memory_space<vmem>>)
      tpu.yield
    }) : () -> ()
    %scan3A_18 = arith.constant 0 : i32
    %scan3A_19 = arith.constant 0 : i32
    %scan3A_20 = arith.constant 640 : i32
    %scan3A_21 = arith.addi %scan3A_19, %scan3A_20 : i32
    %scan3A_22 = arith.constant 1 : i32
    %scan3A_23 = scf.for %scan3A_41 = %scan3A_19 to %scan3A_21 step %scan3A_22 iter_args(%scan3A_42 = %scan3A_18) -> (i32)  : i32 {
      %jit3A = arith.constant 8 : i32
      %div3A = arith.divsi %scan3A_41, %jit3A : i32
      %sign3A = arith.constant 0 : i32
      %sign3A_43 = arith.cmpi sgt, %scan3A_41, %sign3A : i32
      %sign3A_44 = arith.extui %sign3A_43 : i1 to i32
      %sign3A_45 = arith.constant 0 : i32
      %sign3A_46 = arith.cmpi slt, %scan3A_41, %sign3A_45 : i32
      %sign3A_47 = arith.extui %sign3A_46 : i1 to i32
      %sign3A_48 = arith.subi %sign3A_44, %sign3A_47 : i32
      %sign3A_49 = arith.constant 0 : i32
      %sign3A_50 = arith.cmpi sgt, %jit3A, %sign3A_49 : i32
      %sign3A_51 = arith.extui %sign3A_50 : i1 to i32
      %sign3A_52 = arith.constant 0 : i32
      %sign3A_53 = arith.cmpi slt, %jit3A, %sign3A_52 : i32
      %sign3A_54 = arith.extui %sign3A_53 : i1 to i32
      %sign3A_55 = arith.subi %sign3A_51, %sign3A_54 : i32
      %ne3A = arith.cmpi ne, %sign3A_48, %sign3A_55 : i32
      %rem3A = arith.remsi %scan3A_41, %jit3A : i32
      %ne3A_56 = arith.constant 0 : i32
      %ne3A_57 = arith.cmpi ne, %rem3A, %ne3A_56 : i32
      %and3A = arith.andi %ne3A, %ne3A_57 : i1
      %sub3A = arith.constant 1 : i32
      %sub3A_58 = arith.subi %div3A, %sub3A : i32
      %select_n3A = arith.select %and3A, %sub3A_58, %div3A : i32
      %jit3A_59 = arith.constant 8 : i32
      %eq3A = arith.constant 0 : i32
      %eq3A_60 = arith.cmpi eq, %jit3A_59, %eq3A : i32
      %jit3A_61 = arith.constant 1 : i32
      %select_n3A_62 = arith.select %eq3A_60, %jit3A_61, %jit3A_59 : i32
      %rem3A_63 = arith.remsi %scan3A_41, %select_n3A_62 : i32
      %ne3A_64 = arith.constant 0 : i32
      %ne3A_65 = arith.cmpi ne, %rem3A_63, %ne3A_64 : i32
      %lt3A = arith.constant 0 : i32
      %lt3A_66 = arith.cmpi slt, %rem3A_63, %lt3A : i32
      %lt3A_67 = arith.constant 0 : i32
      %lt3A_68 = arith.cmpi slt, %select_n3A_62, %lt3A_67 : i32
      %ne3A_69 = arith.xori %lt3A_66, %lt3A_68 : i1
      %and3A_70 = arith.andi %ne3A_69, %ne3A_65 : i1
      %add3A_71 = arith.addi %rem3A_63, %select_n3A_62 : i32
      %select_n3A_72 = arith.select %and3A_70, %add3A_71, %rem3A_63 : i32
      %mul3A_73 = arith.constant 16 : i32
      %mul3A_74 = arith.muli %select_n3A_72, %mul3A_73 : i32
      %get3A = arith.index_cast %select_n3A : i32 to index
      %get3A_75 = arith.index_cast %mul3A_74 : i32 to index
      %get3A_76 = tpu.vector_load %arg8[%get3A, %get3A_75] {strides = array<i32>} : memref<80x128xi32, #tpu.memory_space<vmem>>, vector<16xi32>,
      %get3A_77 = arith.index_cast %select_n3A : i32 to index
      %get3A_78 = arith.index_cast %mul3A_74 : i32 to index
      %get3A_79 = tpu.vector_load %arg9[%get3A_77, %get3A_78] {strides = array<i32>} : memref<80x128xi32, #tpu.memory_space<vmem>>, vector<16xi32>,
      %gather3A = tpu.vector_load_idx %arg10[%get3A_76] : memref<10240xf32, #tpu.memory_space<vmem>>[vector<16xi32>], vector<16xf32>,
      tpu.vector_store_idx %arg12[%get3A_79], %gather3A {add = true} : memref<10240xf32, #tpu.memory_space<vmem>>[vector<16xi32>], vector<16xf32>,
      %gather3A_80 = tpu.vector_load_idx %arg11[%get3A_76] : memref<10240xf32, #tpu.memory_space<vmem>>[vector<16xi32>], vector<16xf32>,
      tpu.vector_store_idx %arg13[%get3A_79], %gather3A_80 {add = true} : memref<10240xf32, #tpu.memory_space<vmem>>[vector<16xi32>], vector<16xf32>,
      %scan3A_81 = arith.constant 0 : i32
      scf.yield %scan3A_81 : i32
    }
    %scan3A_24 = arith.constant 640 : i32
    "tpu.region"() ({
      %run_scoped3A = tpu.sem_alloc : memref<!tpu.dma_semaphore, #tpu.memory_space<semaphore_mem>>
      %dma_start3A = arith.constant 0 : i32
      %dma_start3A_41 = tpu.memref_slice %arg16[%arg1, %dma_start3A] : memref<16x10240xf32, #tpu.memory_space<vmem_shared>> -> memref<1x10240xf32, #tpu.memory_space<vmem_shared>>
      %dma_start3A_42 = tpu.memref_squeeze %dma_start3A_41 : memref<1x10240xf32, #tpu.memory_space<vmem_shared>> -> memref<10240xf32, #tpu.memory_space<vmem_shared>>
      %dma_start3A_43 = arith.constant 0 : i32
      %dma_start3A_44 = tpu.memref_slice %arg16[%arg1, %dma_start3A_43] : memref<16x10240xf32, #tpu.memory_space<vmem_shared>> -> memref<1x10240xf32, #tpu.memory_space<vmem_shared>>
      %dma_start3A_45 = tpu.memref_squeeze %dma_start3A_44 : memref<1x10240xf32, #tpu.memory_space<vmem_shared>> -> memref<10240xf32, #tpu.memory_space<vmem_shared>>
      tpu.enqueue_dma source(%arg12 : memref<10240xf32, #tpu.memory_space<vmem>>) target(%dma_start3A_45 : memref<10240xf32, #tpu.memory_space<vmem_shared>>) target_semaphore(%run_scoped3A : memref<!tpu.dma_semaphore, #tpu.memory_space<semaphore_mem>>)
      %dma_wait3A = arith.constant 0 : i32
      %dma_wait3A_46 = tpu.memref_slice %arg16[%arg1, %dma_wait3A] : memref<16x10240xf32, #tpu.memory_space<vmem_shared>> -> memref<1x10240xf32, #tpu.memory_space<vmem_shared>>
      %dma_wait3A_47 = tpu.memref_squeeze %dma_wait3A_46 : memref<1x10240xf32, #tpu.memory_space<vmem_shared>> -> memref<10240xf32, #tpu.memory_space<vmem_shared>>
      %dma_wait3A_48 = arith.constant 0 : i32
      %dma_wait3A_49 = tpu.memref_slice %arg16[%arg1, %dma_wait3A_48] : memref<16x10240xf32, #tpu.memory_space<vmem_shared>> -> memref<1x10240xf32, #tpu.memory_space<vmem_shared>>
      %dma_wait3A_50 = tpu.memref_squeeze %dma_wait3A_49 : memref<1x10240xf32, #tpu.memory_space<vmem_shared>> -> memref<10240xf32, #tpu.memory_space<vmem_shared>>
      tpu.wait_dma2 semaphore(%run_scoped3A : memref<!tpu.dma_semaphore, #tpu.memory_space<semaphore_mem>>) src(%arg12 : memref<10240xf32, #tpu.memory_space<vmem>>) dst(%dma_wait3A_50 : memref<10240xf32, #tpu.memory_space<vmem_shared>>)
      tpu.yield
    }) : () -> ()
    "tpu.region"() ({
      %run_scoped3A = tpu.sem_alloc : memref<!tpu.dma_semaphore, #tpu.memory_space<semaphore_mem>>
      %dma_start3A = arith.constant 0 : i32
      %dma_start3A_41 = tpu.memref_slice %arg17[%arg1, %dma_start3A] : memref<16x10240xf32, #tpu.memory_space<vmem_shared>> -> memref<1x10240xf32, #tpu.memory_space<vmem_shared>>
      %dma_start3A_42 = tpu.memref_squeeze %dma_start3A_41 : memref<1x10240xf32, #tpu.memory_space<vmem_shared>> -> memref<10240xf32, #tpu.memory_space<vmem_shared>>
      %dma_start3A_43 = arith.constant 0 : i32
      %dma_start3A_44 = tpu.memref_slice %arg17[%arg1, %dma_start3A_43] : memref<16x10240xf32, #tpu.memory_space<vmem_shared>> -> memref<1x10240xf32, #tpu.memory_space<vmem_shared>>
      %dma_start3A_45 = tpu.memref_squeeze %dma_start3A_44 : memref<1x10240xf32, #tpu.memory_space<vmem_shared>> -> memref<10240xf32, #tpu.memory_space<vmem_shared>>
      tpu.enqueue_dma source(%arg13 : memref<10240xf32, #tpu.memory_space<vmem>>) target(%dma_start3A_45 : memref<10240xf32, #tpu.memory_space<vmem_shared>>) target_semaphore(%run_scoped3A : memref<!tpu.dma_semaphore, #tpu.memory_space<semaphore_mem>>)
      %dma_wait3A = arith.constant 0 : i32
      %dma_wait3A_46 = tpu.memref_slice %arg17[%arg1, %dma_wait3A] : memref<16x10240xf32, #tpu.memory_space<vmem_shared>> -> memref<1x10240xf32, #tpu.memory_space<vmem_shared>>
      %dma_wait3A_47 = tpu.memref_squeeze %dma_wait3A_46 : memref<1x10240xf32, #tpu.memory_space<vmem_shared>> -> memref<10240xf32, #tpu.memory_space<vmem_shared>>
      %dma_wait3A_48 = arith.constant 0 : i32
      %dma_wait3A_49 = tpu.memref_slice %arg17[%arg1, %dma_wait3A_48] : memref<16x10240xf32, #tpu.memory_space<vmem_shared>> -> memref<1x10240xf32, #tpu.memory_space<vmem_shared>>
      %dma_wait3A_50 = tpu.memref_squeeze %dma_wait3A_49 : memref<1x10240xf32, #tpu.memory_space<vmem_shared>> -> memref<10240xf32, #tpu.memory_space<vmem_shared>>
      tpu.wait_dma2 semaphore(%run_scoped3A : memref<!tpu.dma_semaphore, #tpu.memory_space<semaphore_mem>>) src(%arg13 : memref<10240xf32, #tpu.memory_space<vmem>>) dst(%dma_wait3A_50 : memref<10240xf32, #tpu.memory_space<vmem_shared>>)
      tpu.yield
    }) : () -> ()
    %barrier3A = arith.constant 0 : index
    tpu.barrier barrier_id(%barrier3A)
    %mul3A_25 = arith.constant 640 : i32
    %mul3A_26 = arith.muli %arg1, %mul3A_25 : i32
    "tpu.region"() ({
      %run_scoped3A = tpu.sem_alloc : memref<!tpu.dma_semaphore, #tpu.memory_space<semaphore_mem>>
      %dma_start3A = arith.constant 0 : i32
      %dma_start3A_41 = tpu.memref_slice %arg16[%dma_start3A, %mul3A_26] : memref<16x10240xf32, #tpu.memory_space<vmem_shared>> -> memref<16x640xf32, #tpu.memory_space<vmem_shared>>
      %dma_start3A_42 = arith.constant 0 : i32
      %dma_start3A_43 = tpu.memref_slice %arg16[%dma_start3A_42, %mul3A_26] : memref<16x10240xf32, #tpu.memory_space<vmem_shared>> -> memref<16x640xf32, #tpu.memory_space<vmem_shared>>
      tpu.enqueue_dma source(%dma_start3A_43 : memref<16x640xf32, #tpu.memory_space<vmem_shared>>) target(%arg14 : memref<16x640xf32, #tpu.memory_space<vmem>>) target_semaphore(%run_scoped3A : memref<!tpu.dma_semaphore, #tpu.memory_space<semaphore_mem>>)
      %dma_wait3A = arith.constant 0 : i32
      %dma_wait3A_44 = tpu.memref_slice %arg16[%dma_wait3A, %mul3A_26] : memref<16x10240xf32, #tpu.memory_space<vmem_shared>> -> memref<16x640xf32, #tpu.memory_space<vmem_shared>>
      %dma_wait3A_45 = arith.constant 0 : i32
      %dma_wait3A_46 = tpu.memref_slice %arg16[%dma_wait3A_45, %mul3A_26] : memref<16x10240xf32, #tpu.memory_space<vmem_shared>> -> memref<16x640xf32, #tpu.memory_space<vmem_shared>>
      tpu.wait_dma2 semaphore(%run_scoped3A : memref<!tpu.dma_semaphore, #tpu.memory_space<semaphore_mem>>) src(%dma_wait3A_46 : memref<16x640xf32, #tpu.memory_space<vmem_shared>>) dst(%arg14 : memref<16x640xf32, #tpu.memory_space<vmem>>)
      tpu.yield
    }) : () -> ()
    %scan3A_27 = arith.constant 0 : i32
    %scan3A_28 = arith.constant 0 : i32
    %scan3A_29 = arith.constant 40 : i32
    %scan3A_30 = arith.addi %scan3A_28, %scan3A_29 : i32
    %scan3A_31 = arith.constant 1 : i32
    %scan3A_32 = scf.for %scan3A_41 = %scan3A_28 to %scan3A_30 step %scan3A_31 iter_args(%scan3A_42 = %scan3A_27) -> (i32)  : i32 {
      %mul3A_43 = arith.constant 16 : i32
      %mul3A_44 = arith.muli %scan3A_41, %mul3A_43 : i32
      %get3A = arith.constant 0 : i32
      %get3A_45 = arith.index_cast %get3A : i32 to index
      %get3A_46 = arith.index_cast %mul3A_44 : i32 to index
      %get3A_47 = tpu.vector_load %arg14[%get3A_45, %get3A_46] {strides = array<i32>} : memref<16x640xf32, #tpu.memory_space<vmem>>, vector<16xf32>,
      %mul3A_48 = arith.constant 16 : i32
      %mul3A_49 = arith.muli %scan3A_41, %mul3A_48 : i32
      %get3A_50 = arith.constant 1 : i32
      %get3A_51 = arith.index_cast %get3A_50 : i32 to index
      %get3A_52 = arith.index_cast %mul3A_49 : i32 to index
      %get3A_53 = tpu.vector_load %arg14[%get3A_51, %get3A_52] {strides = array<i32>} : memref<16x640xf32, #tpu.memory_space<vmem>>, vector<16xf32>,
      %add3A_54 = arith.addf %get3A_47, %get3A_53 : vector<16xf32>
      %mul3A_55 = arith.constant 16 : i32
      %mul3A_56 = arith.muli %scan3A_41, %mul3A_55 : i32
      %get3A_57 = arith.constant 2 : i32
      %get3A_58 = arith.index_cast %get3A_57 : i32 to index
      %get3A_59 = arith.index_cast %mul3A_56 : i32 to index
      %get3A_60 = tpu.vector_load %arg14[%get3A_58, %get3A_59] {strides = array<i32>} : memref<16x640xf32, #tpu.memory_space<vmem>>, vector<16xf32>,
      %add3A_61 = arith.addf %add3A_54, %get3A_60 : vector<16xf32>
      %mul3A_62 = arith.constant 16 : i32
      %mul3A_63 = arith.muli %scan3A_41, %mul3A_62 : i32
      %get3A_64 = arith.constant 3 : i32
      %get3A_65 = arith.index_cast %get3A_64 : i32 to index
      %get3A_66 = arith.index_cast %mul3A_63 : i32 to index
      %get3A_67 = tpu.vector_load %arg14[%get3A_65, %get3A_66] {strides = array<i32>} : memref<16x640xf32, #tpu.memory_space<vmem>>, vector<16xf32>,
      %add3A_68 = arith.addf %add3A_61, %get3A_67 : vector<16xf32>
      %mul3A_69 = arith.constant 16 : i32
      %mul3A_70 = arith.muli %scan3A_41, %mul3A_69 : i32
      %get3A_71 = arith.constant 4 : i32
      %get3A_72 = arith.index_cast %get3A_71 : i32 to index
      %get3A_73 = arith.index_cast %mul3A_70 : i32 to index
      %get3A_74 = tpu.vector_load %arg14[%get3A_72, %get3A_73] {strides = array<i32>} : memref<16x640xf32, #tpu.memory_space<vmem>>, vector<16xf32>,
      %add3A_75 = arith.addf %add3A_68, %get3A_74 : vector<16xf32>
      %mul3A_76 = arith.constant 16 : i32
      %mul3A_77 = arith.muli %scan3A_41, %mul3A_76 : i32
      %get3A_78 = arith.constant 5 : i32
      %get3A_79 = arith.index_cast %get3A_78 : i32 to index
      %get3A_80 = arith.index_cast %mul3A_77 : i32 to index
      %get3A_81 = tpu.vector_load %arg14[%get3A_79, %get3A_80] {strides = array<i32>} : memref<16x640xf32, #tpu.memory_space<vmem>>, vector<16xf32>,
      %add3A_82 = arith.addf %add3A_75, %get3A_81 : vector<16xf32>
      %mul3A_83 = arith.constant 16 : i32
      %mul3A_84 = arith.muli %scan3A_41, %mul3A_83 : i32
      %get3A_85 = arith.constant 6 : i32
      %get3A_86 = arith.index_cast %get3A_85 : i32 to index
      %get3A_87 = arith.index_cast %mul3A_84 : i32 to index
      %get3A_88 = tpu.vector_load %arg14[%get3A_86, %get3A_87] {strides = array<i32>} : memref<16x640xf32, #tpu.memory_space<vmem>>, vector<16xf32>,
      %add3A_89 = arith.addf %add3A_82, %get3A_88 : vector<16xf32>
      %mul3A_90 = arith.constant 16 : i32
      %mul3A_91 = arith.muli %scan3A_41, %mul3A_90 : i32
      %get3A_92 = arith.constant 7 : i32
      %get3A_93 = arith.index_cast %get3A_92 : i32 to index
      %get3A_94 = arith.index_cast %mul3A_91 : i32 to index
      %get3A_95 = tpu.vector_load %arg14[%get3A_93, %get3A_94] {strides = array<i32>} : memref<16x640xf32, #tpu.memory_space<vmem>>, vector<16xf32>,
      %add3A_96 = arith.addf %add3A_89, %get3A_95 : vector<16xf32>
      %mul3A_97 = arith.constant 16 : i32
      %mul3A_98 = arith.muli %scan3A_41, %mul3A_97 : i32
      %get3A_99 = arith.constant 8 : i32
      %get3A_100 = arith.index_cast %get3A_99 : i32 to index
      %get3A_101 = arith.index_cast %mul3A_98 : i32 to index
      %get3A_102 = tpu.vector_load %arg14[%get3A_100, %get3A_101] {strides = array<i32>} : memref<16x640xf32, #tpu.memory_space<vmem>>, vector<16xf32>,
      %add3A_103 = arith.addf %add3A_96, %get3A_102 : vector<16xf32>
      %mul3A_104 = arith.constant 16 : i32
      %mul3A_105 = arith.muli %scan3A_41, %mul3A_104 : i32
      %get3A_106 = arith.constant 9 : i32
      %get3A_107 = arith.index_cast %get3A_106 : i32 to index
      %get3A_108 = arith.index_cast %mul3A_105 : i32 to index
      %get3A_109 = tpu.vector_load %arg14[%get3A_107, %get3A_108] {strides = array<i32>} : memref<16x640xf32, #tpu.memory_space<vmem>>, vector<16xf32>,
      %add3A_110 = arith.addf %add3A_103, %get3A_109 : vector<16xf32>
      %mul3A_111 = arith.constant 16 : i32
      %mul3A_112 = arith.muli %scan3A_41, %mul3A_111 : i32
      %get3A_113 = arith.constant 10 : i32
      %get3A_114 = arith.index_cast %get3A_113 : i32 to index
      %get3A_115 = arith.index_cast %mul3A_112 : i32 to index
      %get3A_116 = tpu.vector_load %arg14[%get3A_114, %get3A_115] {strides = array<i32>} : memref<16x640xf32, #tpu.memory_space<vmem>>, vector<16xf32>,
      %add3A_117 = arith.addf %add3A_110, %get3A_116 : vector<16xf32>
      %mul3A_118 = arith.constant 16 : i32
      %mul3A_119 = arith.muli %scan3A_41, %mul3A_118 : i32
      %get3A_120 = arith.constant 11 : i32
      %get3A_121 = arith.index_cast %get3A_120 : i32 to index
      %get3A_122 = arith.index_cast %mul3A_119 : i32 to index
      %get3A_123 = tpu.vector_load %arg14[%get3A_121, %get3A_122] {strides = array<i32>} : memref<16x640xf32, #tpu.memory_space<vmem>>, vector<16xf32>,
      %add3A_124 = arith.addf %add3A_117, %get3A_123 : vector<16xf32>
      %mul3A_125 = arith.constant 16 : i32
      %mul3A_126 = arith.muli %scan3A_41, %mul3A_125 : i32
      %get3A_127 = arith.constant 12 : i32
      %get3A_128 = arith.index_cast %get3A_127 : i32 to index
      %get3A_129 = arith.index_cast %mul3A_126 : i32 to index
      %get3A_130 = tpu.vector_load %arg14[%get3A_128, %get3A_129] {strides = array<i32>} : memref<16x640xf32, #tpu.memory_space<vmem>>, vector<16xf32>,
      %add3A_131 = arith.addf %add3A_124, %get3A_130 : vector<16xf32>
      %mul3A_132 = arith.constant 16 : i32
      %mul3A_133 = arith.muli %scan3A_41, %mul3A_132 : i32
      %get3A_134 = arith.constant 13 : i32
      %get3A_135 = arith.index_cast %get3A_134 : i32 to index
      %get3A_136 = arith.index_cast %mul3A_133 : i32 to index
      %get3A_137 = tpu.vector_load %arg14[%get3A_135, %get3A_136] {strides = array<i32>} : memref<16x640xf32, #tpu.memory_space<vmem>>, vector<16xf32>,
      %add3A_138 = arith.addf %add3A_131, %get3A_137 : vector<16xf32>
      %mul3A_139 = arith.constant 16 : i32
      %mul3A_140 = arith.muli %scan3A_41, %mul3A_139 : i32
      %get3A_141 = arith.constant 14 : i32
      %get3A_142 = arith.index_cast %get3A_141 : i32 to index
      %get3A_143 = arith.index_cast %mul3A_140 : i32 to index
      %get3A_144 = tpu.vector_load %arg14[%get3A_142, %get3A_143] {strides = array<i32>} : memref<16x640xf32, #tpu.memory_space<vmem>>, vector<16xf32>,
      %add3A_145 = arith.addf %add3A_138, %get3A_144 : vector<16xf32>
      %mul3A_146 = arith.constant 16 : i32
      %mul3A_147 = arith.muli %scan3A_41, %mul3A_146 : i32
      %get3A_148 = arith.constant 15 : i32
      %get3A_149 = arith.index_cast %get3A_148 : i32 to index
      %get3A_150 = arith.index_cast %mul3A_147 : i32 to index
      %get3A_151 = tpu.vector_load %arg14[%get3A_149, %get3A_150] {strides = array<i32>} : memref<16x640xf32, #tpu.memory_space<vmem>>, vector<16xf32>,
      %add3A_152 = arith.addf %add3A_145, %get3A_151 : vector<16xf32>
      %mul3A_153 = arith.constant 16 : i32
      %mul3A_154 = arith.muli %scan3A_41, %mul3A_153 : i32
      %swap3A = arith.index_cast %mul3A_154 : i32 to index
      %swap3A_155 = tpu.vector_load %arg15[%swap3A] {strides = array<i32>} : memref<640xf32, #tpu.memory_space<vmem>>, vector<16xf32>,
      tpu.vector_store %arg15[%swap3A], %add3A_152 {strides = array<i32>} : memref<640xf32, #tpu.memory_space<vmem>>, vector<16xf32>,
      %scan3A_156 = arith.constant 0 : i32
      scf.yield %scan3A_156 : i32
    }
    %scan3A_33 = arith.constant 40 : i32
    "tpu.region"() ({
      %run_scoped3A = tpu.sem_alloc : memref<!tpu.dma_semaphore, #tpu.memory_space<semaphore_mem>>
      %dma_start3A = tpu.memref_slice %arg6[%arg0, %mul3A_26] : memref<2x10240xf32, #tpu.memory_space<hbm>> -> memref<1x640xf32, #tpu.memory_space<hbm>>
      %dma_start3A_41 = tpu.memref_squeeze %dma_start3A : memref<1x640xf32, #tpu.memory_space<hbm>> -> memref<640xf32, #tpu.memory_space<hbm>>
      %dma_start3A_42 = tpu.memref_slice %arg6[%arg0, %mul3A_26] : memref<2x10240xf32, #tpu.memory_space<hbm>> -> memref<1x640xf32, #tpu.memory_space<hbm>>
      %dma_start3A_43 = tpu.memref_squeeze %dma_start3A_42 : memref<1x640xf32, #tpu.memory_space<hbm>> -> memref<640xf32, #tpu.memory_space<hbm>>
      tpu.enqueue_dma source(%arg15 : memref<640xf32, #tpu.memory_space<vmem>>) target(%dma_start3A_43 : memref<640xf32, #tpu.memory_space<hbm>>) target_semaphore(%run_scoped3A : memref<!tpu.dma_semaphore, #tpu.memory_space<semaphore_mem>>)
      %dma_wait3A = tpu.memref_slice %arg6[%arg0, %mul3A_26] : memref<2x10240xf32, #tpu.memory_space<hbm>> -> memref<1x640xf32, #tpu.memory_space<hbm>>
      %dma_wait3A_44 = tpu.memref_squeeze %dma_wait3A : memref<1x640xf32, #tpu.memory_space<hbm>> -> memref<640xf32, #tpu.memory_space<hbm>>
      %dma_wait3A_45 = tpu.memref_slice %arg6[%arg0, %mul3A_26] : memref<2x10240xf32, #tpu.memory_space<hbm>> -> memref<1x640xf32, #tpu.memory_space<hbm>>
      %dma_wait3A_46 = tpu.memref_squeeze %dma_wait3A_45 : memref<1x640xf32, #tpu.memory_space<hbm>> -> memref<640xf32, #tpu.memory_space<hbm>>
      tpu.wait_dma2 semaphore(%run_scoped3A : memref<!tpu.dma_semaphore, #tpu.memory_space<semaphore_mem>>) src(%arg15 : memref<640xf32, #tpu.memory_space<vmem>>) dst(%dma_wait3A_46 : memref<640xf32, #tpu.memory_space<hbm>>)
      tpu.yield
    }) : () -> ()
    "tpu.region"() ({
      %run_scoped3A = tpu.sem_alloc : memref<!tpu.dma_semaphore, #tpu.memory_space<semaphore_mem>>
      %dma_start3A = arith.constant 0 : i32
      %dma_start3A_41 = tpu.memref_slice %arg17[%dma_start3A, %mul3A_26] : memref<16x10240xf32, #tpu.memory_space<vmem_shared>> -> memref<16x640xf32, #tpu.memory_space<vmem_shared>>
      %dma_start3A_42 = arith.constant 0 : i32
      %dma_start3A_43 = tpu.memref_slice %arg17[%dma_start3A_42, %mul3A_26] : memref<16x10240xf32, #tpu.memory_space<vmem_shared>> -> memref<16x640xf32, #tpu.memory_space<vmem_shared>>
      tpu.enqueue_dma source(%dma_start3A_43 : memref<16x640xf32, #tpu.memory_space<vmem_shared>>) target(%arg14 : memref<16x640xf32, #tpu.memory_space<vmem>>) target_semaphore(%run_scoped3A : memref<!tpu.dma_semaphore, #tpu.memory_space<semaphore_mem>>)
      %dma_wait3A = arith.constant 0 : i32
      %dma_wait3A_44 = tpu.memref_slice %arg17[%dma_wait3A, %mul3A_26] : memref<16x10240xf32, #tpu.memory_space<vmem_shared>> -> memref<16x640xf32, #tpu.memory_space<vmem_shared>>
      %dma_wait3A_45 = arith.constant 0 : i32
      %dma_wait3A_46 = tpu.memref_slice %arg17[%dma_wait3A_45, %mul3A_26] : memref<16x10240xf32, #tpu.memory_space<vmem_shared>> -> memref<16x640xf32, #tpu.memory_space<vmem_shared>>
      tpu.wait_dma2 semaphore(%run_scoped3A : memref<!tpu.dma_semaphore, #tpu.memory_space<semaphore_mem>>) src(%dma_wait3A_46 : memref<16x640xf32, #tpu.memory_space<vmem_shared>>) dst(%arg14 : memref<16x640xf32, #tpu.memory_space<vmem>>)
      tpu.yield
    }) : () -> ()
    %scan3A_34 = arith.constant 0 : i32
    %scan3A_35 = arith.constant 0 : i32
    %scan3A_36 = arith.constant 40 : i32
    %scan3A_37 = arith.addi %scan3A_35, %scan3A_36 : i32
    %scan3A_38 = arith.constant 1 : i32
    %scan3A_39 = scf.for %scan3A_41 = %scan3A_35 to %scan3A_37 step %scan3A_38 iter_args(%scan3A_42 = %scan3A_34) -> (i32)  : i32 {
      %mul3A_43 = arith.constant 16 : i32
      %mul3A_44 = arith.muli %scan3A_41, %mul3A_43 : i32
      %get3A = arith.constant 0 : i32
      %get3A_45 = arith.index_cast %get3A : i32 to index
      %get3A_46 = arith.index_cast %mul3A_44 : i32 to index
      %get3A_47 = tpu.vector_load %arg14[%get3A_45, %get3A_46] {strides = array<i32>} : memref<16x640xf32, #tpu.memory_space<vmem>>, vector<16xf32>,
      %mul3A_48 = arith.constant 16 : i32
      %mul3A_49 = arith.muli %scan3A_41, %mul3A_48 : i32
      %get3A_50 = arith.constant 1 : i32
      %get3A_51 = arith.index_cast %get3A_50 : i32 to index
      %get3A_52 = arith.index_cast %mul3A_49 : i32 to index
      %get3A_53 = tpu.vector_load %arg14[%get3A_51, %get3A_52] {strides = array<i32>} : memref<16x640xf32, #tpu.memory_space<vmem>>, vector<16xf32>,
      %add3A_54 = arith.addf %get3A_47, %get3A_53 : vector<16xf32>
      %mul3A_55 = arith.constant 16 : i32
      %mul3A_56 = arith.muli %scan3A_41, %mul3A_55 : i32
      %get3A_57 = arith.constant 2 : i32
      %get3A_58 = arith.index_cast %get3A_57 : i32 to index
      %get3A_59 = arith.index_cast %mul3A_56 : i32 to index
      %get3A_60 = tpu.vector_load %arg14[%get3A_58, %get3A_59] {strides = array<i32>} : memref<16x640xf32, #tpu.memory_space<vmem>>, vector<16xf32>,
      %add3A_61 = arith.addf %add3A_54, %get3A_60 : vector<16xf32>
      %mul3A_62 = arith.constant 16 : i32
      %mul3A_63 = arith.muli %scan3A_41, %mul3A_62 : i32
      %get3A_64 = arith.constant 3 : i32
      %get3A_65 = arith.index_cast %get3A_64 : i32 to index
      %get3A_66 = arith.index_cast %mul3A_63 : i32 to index
      %get3A_67 = tpu.vector_load %arg14[%get3A_65, %get3A_66] {strides = array<i32>} : memref<16x640xf32, #tpu.memory_space<vmem>>, vector<16xf32>,
      %add3A_68 = arith.addf %add3A_61, %get3A_67 : vector<16xf32>
      %mul3A_69 = arith.constant 16 : i32
      %mul3A_70 = arith.muli %scan3A_41, %mul3A_69 : i32
      %get3A_71 = arith.constant 4 : i32
      %get3A_72 = arith.index_cast %get3A_71 : i32 to index
      %get3A_73 = arith.index_cast %mul3A_70 : i32 to index
      %get3A_74 = tpu.vector_load %arg14[%get3A_72, %get3A_73] {strides = array<i32>} : memref<16x640xf32, #tpu.memory_space<vmem>>, vector<16xf32>,
      %add3A_75 = arith.addf %add3A_68, %get3A_74 : vector<16xf32>
      %mul3A_76 = arith.constant 16 : i32
      %mul3A_77 = arith.muli %scan3A_41, %mul3A_76 : i32
      %get3A_78 = arith.constant 5 : i32
      %get3A_79 = arith.index_cast %get3A_78 : i32 to index
      %get3A_80 = arith.index_cast %mul3A_77 : i32 to index
      %get3A_81 = tpu.vector_load %arg14[%get3A_79, %get3A_80] {strides = array<i32>} : memref<16x640xf32, #tpu.memory_space<vmem>>, vector<16xf32>,
      %add3A_82 = arith.addf %add3A_75, %get3A_81 : vector<16xf32>
      %mul3A_83 = arith.constant 16 : i32
      %mul3A_84 = arith.muli %scan3A_41, %mul3A_83 : i32
      %get3A_85 = arith.constant 6 : i32
      %get3A_86 = arith.index_cast %get3A_85 : i32 to index
      %get3A_87 = arith.index_cast %mul3A_84 : i32 to index
      %get3A_88 = tpu.vector_load %arg14[%get3A_86, %get3A_87] {strides = array<i32>} : memref<16x640xf32, #tpu.memory_space<vmem>>, vector<16xf32>,
      %add3A_89 = arith.addf %add3A_82, %get3A_88 : vector<16xf32>
      %mul3A_90 = arith.constant 16 : i32
      %mul3A_91 = arith.muli %scan3A_41, %mul3A_90 : i32
      %get3A_92 = arith.constant 7 : i32
      %get3A_93 = arith.index_cast %get3A_92 : i32 to index
      %get3A_94 = arith.index_cast %mul3A_91 : i32 to index
      %get3A_95 = tpu.vector_load %arg14[%get3A_93, %get3A_94] {strides = array<i32>} : memref<16x640xf32, #tpu.memory_space<vmem>>, vector<16xf32>,
      %add3A_96 = arith.addf %add3A_89, %get3A_95 : vector<16xf32>
      %mul3A_97 = arith.constant 16 : i32
      %mul3A_98 = arith.muli %scan3A_41, %mul3A_97 : i32
      %get3A_99 = arith.constant 8 : i32
      %get3A_100 = arith.index_cast %get3A_99 : i32 to index
      %get3A_101 = arith.index_cast %mul3A_98 : i32 to index
      %get3A_102 = tpu.vector_load %arg14[%get3A_100, %get3A_101] {strides = array<i32>} : memref<16x640xf32, #tpu.memory_space<vmem>>, vector<16xf32>,
      %add3A_103 = arith.addf %add3A_96, %get3A_102 : vector<16xf32>
      %mul3A_104 = arith.constant 16 : i32
      %mul3A_105 = arith.muli %scan3A_41, %mul3A_104 : i32
      %get3A_106 = arith.constant 9 : i32
      %get3A_107 = arith.index_cast %get3A_106 : i32 to index
      %get3A_108 = arith.index_cast %mul3A_105 : i32 to index
      %get3A_109 = tpu.vector_load %arg14[%get3A_107, %get3A_108] {strides = array<i32>} : memref<16x640xf32, #tpu.memory_space<vmem>>, vector<16xf32>,
      %add3A_110 = arith.addf %add3A_103, %get3A_109 : vector<16xf32>
      %mul3A_111 = arith.constant 16 : i32
      %mul3A_112 = arith.muli %scan3A_41, %mul3A_111 : i32
      %get3A_113 = arith.constant 10 : i32
      %get3A_114 = arith.index_cast %get3A_113 : i32 to index
      %get3A_115 = arith.index_cast %mul3A_112 : i32 to index
      %get3A_116 = tpu.vector_load %arg14[%get3A_114, %get3A_115] {strides = array<i32>} : memref<16x640xf32, #tpu.memory_space<vmem>>, vector<16xf32>,
      %add3A_117 = arith.addf %add3A_110, %get3A_116 : vector<16xf32>
      %mul3A_118 = arith.constant 16 : i32
      %mul3A_119 = arith.muli %scan3A_41, %mul3A_118 : i32
      %get3A_120 = arith.constant 11 : i32
      %get3A_121 = arith.index_cast %get3A_120 : i32 to index
      %get3A_122 = arith.index_cast %mul3A_119 : i32 to index
      %get3A_123 = tpu.vector_load %arg14[%get3A_121, %get3A_122] {strides = array<i32>} : memref<16x640xf32, #tpu.memory_space<vmem>>, vector<16xf32>,
      %add3A_124 = arith.addf %add3A_117, %get3A_123 : vector<16xf32>
      %mul3A_125 = arith.constant 16 : i32
      %mul3A_126 = arith.muli %scan3A_41, %mul3A_125 : i32
      %get3A_127 = arith.constant 12 : i32
      %get3A_128 = arith.index_cast %get3A_127 : i32 to index
      %get3A_129 = arith.index_cast %mul3A_126 : i32 to index
      %get3A_130 = tpu.vector_load %arg14[%get3A_128, %get3A_129] {strides = array<i32>} : memref<16x640xf32, #tpu.memory_space<vmem>>, vector<16xf32>,
      %add3A_131 = arith.addf %add3A_124, %get3A_130 : vector<16xf32>
      %mul3A_132 = arith.constant 16 : i32
      %mul3A_133 = arith.muli %scan3A_41, %mul3A_132 : i32
      %get3A_134 = arith.constant 13 : i32
      %get3A_135 = arith.index_cast %get3A_134 : i32 to index
      %get3A_136 = arith.index_cast %mul3A_133 : i32 to index
      %get3A_137 = tpu.vector_load %arg14[%get3A_135, %get3A_136] {strides = array<i32>} : memref<16x640xf32, #tpu.memory_space<vmem>>, vector<16xf32>,
      %add3A_138 = arith.addf %add3A_131, %get3A_137 : vector<16xf32>
      %mul3A_139 = arith.constant 16 : i32
      %mul3A_140 = arith.muli %scan3A_41, %mul3A_139 : i32
      %get3A_141 = arith.constant 14 : i32
      %get3A_142 = arith.index_cast %get3A_141 : i32 to index
      %get3A_143 = arith.index_cast %mul3A_140 : i32 to index
      %get3A_144 = tpu.vector_load %arg14[%get3A_142, %get3A_143] {strides = array<i32>} : memref<16x640xf32, #tpu.memory_space<vmem>>, vector<16xf32>,
      %add3A_145 = arith.addf %add3A_138, %get3A_144 : vector<16xf32>
      %mul3A_146 = arith.constant 16 : i32
      %mul3A_147 = arith.muli %scan3A_41, %mul3A_146 : i32
      %get3A_148 = arith.constant 15 : i32
      %get3A_149 = arith.index_cast %get3A_148 : i32 to index
      %get3A_150 = arith.index_cast %mul3A_147 : i32 to index
      %get3A_151 = tpu.vector_load %arg14[%get3A_149, %get3A_150] {strides = array<i32>} : memref<16x640xf32, #tpu.memory_space<vmem>>, vector<16xf32>,
      %add3A_152 = arith.addf %add3A_145, %get3A_151 : vector<16xf32>
      %mul3A_153 = arith.constant 16 : i32
      %mul3A_154 = arith.muli %scan3A_41, %mul3A_153 : i32
      %swap3A = arith.index_cast %mul3A_154 : i32 to index
      %swap3A_155 = tpu.vector_load %arg15[%swap3A] {strides = array<i32>} : memref<640xf32, #tpu.memory_space<vmem>>, vector<16xf32>,
      tpu.vector_store %arg15[%swap3A], %add3A_152 {strides = array<i32>} : memref<640xf32, #tpu.memory_space<vmem>>, vector<16xf32>,
      %scan3A_156 = arith.constant 0 : i32
      scf.yield %scan3A_156 : i32
    }
    %scan3A_40 = arith.constant 40 : i32
    "tpu.region"() ({
      %run_scoped3A = tpu.sem_alloc : memref<!tpu.dma_semaphore, #tpu.memory_space<semaphore_mem>>
      %dma_start3A = tpu.memref_slice %arg7[%arg0, %mul3A_26] : memref<2x10240xf32, #tpu.memory_space<hbm>> -> memref<1x640xf32, #tpu.memory_space<hbm>>
      %dma_start3A_41 = tpu.memref_squeeze %dma_start3A : memref<1x640xf32, #tpu.memory_space<hbm>> -> memref<640xf32, #tpu.memory_space<hbm>>
      %dma_start3A_42 = tpu.memref_slice %arg7[%arg0, %mul3A_26] : memref<2x10240xf32, #tpu.memory_space<hbm>> -> memref<1x640xf32, #tpu.memory_space<hbm>>
      %dma_start3A_43 = tpu.memref_squeeze %dma_start3A_42 : memref<1x640xf32, #tpu.memory_space<hbm>> -> memref<640xf32, #tpu.memory_space<hbm>>
      tpu.enqueue_dma source(%arg15 : memref<640xf32, #tpu.memory_space<vmem>>) target(%dma_start3A_43 : memref<640xf32, #tpu.memory_space<hbm>>) target_semaphore(%run_scoped3A : memref<!tpu.dma_semaphore, #tpu.memory_space<semaphore_mem>>)
      %dma_wait3A = tpu.memref_slice %arg7[%arg0, %mul3A_26] : memref<2x10240xf32, #tpu.memory_space<hbm>> -> memref<1x640xf32, #tpu.memory_space<hbm>>
      %dma_wait3A_44 = tpu.memref_squeeze %dma_wait3A : memref<1x640xf32, #tpu.memory_space<hbm>> -> memref<640xf32, #tpu.memory_space<hbm>>
      %dma_wait3A_45 = tpu.memref_slice %arg7[%arg0, %mul3A_26] : memref<2x10240xf32, #tpu.memory_space<hbm>> -> memref<1x640xf32, #tpu.memory_space<hbm>>
      %dma_wait3A_46 = tpu.memref_squeeze %dma_wait3A_45 : memref<1x640xf32, #tpu.memory_space<hbm>> -> memref<640xf32, #tpu.memory_space<hbm>>
      tpu.wait_dma2 semaphore(%run_scoped3A : memref<!tpu.dma_semaphore, #tpu.memory_space<semaphore_mem>>) src(%arg15 : memref<640xf32, #tpu.memory_space<vmem>>) dst(%dma_wait3A_46 : memref<640xf32, #tpu.memory_space<hbm>>)
      tpu.yield
    }) : () -> ()
    return
  }
}

#map = affine_map<(d0, d1) -> (0)>
#map1 = affine_map<(d0, d1) -> (0, 0)>
module attributes {stable_mosaic.version = 14 : i64} {
  func.func @seg_kernel(%arg0: i32, %arg1: i32, %arg2: memref<10240xf32, #tpu.memory_space<hbm>>, %arg3: memref<2560x128xi32, #tpu.memory_space<hbm>>, %arg4: memref<2560x128xi32, #tpu.memory_space<hbm>>, %arg5: memref<2x10240xf32, #tpu.memory_space<hbm>>, %arg6: memref<80x128xi32, #tpu.memory_space<vmem>>, %arg7: memref<80x128xi32, #tpu.memory_space<vmem>>, %arg8: memref<10240xf32, #tpu.memory_space<vmem>>, %arg9: memref<10240xf32, #tpu.memory_space<vmem>>, %arg10: memref<16x640xf32, #tpu.memory_space<vmem>>, %arg11: memref<640xf32, #tpu.memory_space<vmem>>, %arg12: memref<16x10240xf32, #tpu.memory_space<vmem_shared>>) attributes {dimension_semantics = [#tpu.dimension_semantics<core_parallel>, #tpu.dimension_semantics<subcore_parallel>], iteration_bounds = array<i64: 2, 16>, scalar_prefetch = 0 : i64, scratch_operands = 7 : i64, tpu.core_type = #tpu.core_type<sc_vector_subcore>, window_params = [{transform_indices = #map}, {transform_indices = #map1}, {transform_indices = #map1}, {transform_indices = #map1}]} {
    %mul3A = arith.constant 16 : i32
    %mul3A_0 = arith.muli %arg0, %mul3A : i32
    %add3A = arith.addi %mul3A_0, %arg1 : i32
    "tpu.region"() ({
      %run_scoped3A = tpu.sem_alloc : memref<!tpu.dma_semaphore, #tpu.memory_space<semaphore_mem>>
      tpu.enqueue_dma source(%arg2 : memref<10240xf32, #tpu.memory_space<hbm>>) target(%arg8 : memref<10240xf32, #tpu.memory_space<vmem>>) target_semaphore(%run_scoped3A : memref<!tpu.dma_semaphore, #tpu.memory_space<semaphore_mem>>)
      tpu.wait_dma2 semaphore(%run_scoped3A : memref<!tpu.dma_semaphore, #tpu.memory_space<semaphore_mem>>) src(%arg2 : memref<10240xf32, #tpu.memory_space<hbm>>) dst(%arg8 : memref<10240xf32, #tpu.memory_space<vmem>>)
      tpu.yield
    }) : () -> ()
    %scan3A = arith.constant 0 : i32
    %scan3A_1 = arith.constant 0 : i32
    %scan3A_2 = arith.constant 640 : i32
    %scan3A_3 = arith.addi %scan3A_1, %scan3A_2 : i32
    %scan3A_4 = arith.constant 1 : i32
    %scan3A_5 = scf.for %scan3A_27 = %scan3A_1 to %scan3A_3 step %scan3A_4 iter_args(%scan3A_28 = %scan3A) -> (i32)  : i32 {
      %broadcast_in_dim3A = arith.constant 0.000000e+00 : f32
      %broadcast_in_dim3A_29 = vector.broadcast %broadcast_in_dim3A : f32 to vector<16xf32>
      %mul3A_30 = arith.constant 16 : i32
      %mul3A_31 = arith.muli %scan3A_27, %mul3A_30 : i32
      %swap3A = arith.index_cast %mul3A_31 : i32 to index
      %swap3A_32 = tpu.vector_load %arg9[%swap3A] {strides = array<i32>} : memref<10240xf32, #tpu.memory_space<vmem>>, vector<16xf32>,
      tpu.vector_store %arg9[%swap3A], %broadcast_in_dim3A_29 {strides = array<i32>} : memref<10240xf32, #tpu.memory_space<vmem>>, vector<16xf32>,
      %scan3A_33 = arith.constant 0 : i32
      scf.yield %scan3A_33 : i32
    }
    %scan3A_6 = arith.constant 640 : i32
    %mul3A_7 = arith.constant 80 : i32
    %mul3A_8 = arith.muli %add3A, %mul3A_7 : i32
    "tpu.region"() ({
      %run_scoped3A = tpu.sem_alloc : memref<!tpu.dma_semaphore, #tpu.memory_space<semaphore_mem>>
      %dma_start3A = arith.constant 0 : i32
      %dma_start3A_27 = tpu.memref_slice %arg3[%mul3A_8, %dma_start3A] : memref<2560x128xi32, #tpu.memory_space<hbm>> -> memref<80x128xi32, #tpu.memory_space<hbm>>
      %dma_start3A_28 = arith.constant 0 : i32
      %dma_start3A_29 = tpu.memref_slice %arg3[%mul3A_8, %dma_start3A_28] : memref<2560x128xi32, #tpu.memory_space<hbm>> -> memref<80x128xi32, #tpu.memory_space<hbm>>
      tpu.enqueue_dma source(%dma_start3A_29 : memref<80x128xi32, #tpu.memory_space<hbm>>) target(%arg6 : memref<80x128xi32, #tpu.memory_space<vmem>>) target_semaphore(%run_scoped3A : memref<!tpu.dma_semaphore, #tpu.memory_space<semaphore_mem>>)
      %dma_wait3A = arith.constant 0 : i32
      %dma_wait3A_30 = tpu.memref_slice %arg3[%mul3A_8, %dma_wait3A] : memref<2560x128xi32, #tpu.memory_space<hbm>> -> memref<80x128xi32, #tpu.memory_space<hbm>>
      %dma_wait3A_31 = arith.constant 0 : i32
      %dma_wait3A_32 = tpu.memref_slice %arg3[%mul3A_8, %dma_wait3A_31] : memref<2560x128xi32, #tpu.memory_space<hbm>> -> memref<80x128xi32, #tpu.memory_space<hbm>>
      tpu.wait_dma2 semaphore(%run_scoped3A : memref<!tpu.dma_semaphore, #tpu.memory_space<semaphore_mem>>) src(%dma_wait3A_32 : memref<80x128xi32, #tpu.memory_space<hbm>>) dst(%arg6 : memref<80x128xi32, #tpu.memory_space<vmem>>)
      tpu.yield
    }) : () -> ()
    %mul3A_9 = arith.constant 80 : i32
    %mul3A_10 = arith.muli %add3A, %mul3A_9 : i32
    "tpu.region"() ({
      %run_scoped3A = tpu.sem_alloc : memref<!tpu.dma_semaphore, #tpu.memory_space<semaphore_mem>>
      %dma_start3A = arith.constant 0 : i32
      %dma_start3A_27 = tpu.memref_slice %arg4[%mul3A_10, %dma_start3A] : memref<2560x128xi32, #tpu.memory_space<hbm>> -> memref<80x128xi32, #tpu.memory_space<hbm>>
      %dma_start3A_28 = arith.constant 0 : i32
      %dma_start3A_29 = tpu.memref_slice %arg4[%mul3A_10, %dma_start3A_28] : memref<2560x128xi32, #tpu.memory_space<hbm>> -> memref<80x128xi32, #tpu.memory_space<hbm>>
      tpu.enqueue_dma source(%dma_start3A_29 : memref<80x128xi32, #tpu.memory_space<hbm>>) target(%arg7 : memref<80x128xi32, #tpu.memory_space<vmem>>) target_semaphore(%run_scoped3A : memref<!tpu.dma_semaphore, #tpu.memory_space<semaphore_mem>>)
      %dma_wait3A = arith.constant 0 : i32
      %dma_wait3A_30 = tpu.memref_slice %arg4[%mul3A_10, %dma_wait3A] : memref<2560x128xi32, #tpu.memory_space<hbm>> -> memref<80x128xi32, #tpu.memory_space<hbm>>
      %dma_wait3A_31 = arith.constant 0 : i32
      %dma_wait3A_32 = tpu.memref_slice %arg4[%mul3A_10, %dma_wait3A_31] : memref<2560x128xi32, #tpu.memory_space<hbm>> -> memref<80x128xi32, #tpu.memory_space<hbm>>
      tpu.wait_dma2 semaphore(%run_scoped3A : memref<!tpu.dma_semaphore, #tpu.memory_space<semaphore_mem>>) src(%dma_wait3A_32 : memref<80x128xi32, #tpu.memory_space<hbm>>) dst(%arg7 : memref<80x128xi32, #tpu.memory_space<vmem>>)
      tpu.yield
    }) : () -> ()
    %scan3A_11 = arith.constant 0 : i32
    %scan3A_12 = arith.constant 0 : i32
    %scan3A_13 = arith.constant 640 : i32
    %scan3A_14 = arith.addi %scan3A_12, %scan3A_13 : i32
    %scan3A_15 = arith.constant 1 : i32
    %scan3A_16 = scf.for %scan3A_27 = %scan3A_12 to %scan3A_14 step %scan3A_15 iter_args(%scan3A_28 = %scan3A_11) -> (i32)  : i32 {
      %jit3A = arith.constant 8 : i32
      %div3A = arith.divsi %scan3A_27, %jit3A : i32
      %sign3A = arith.constant 0 : i32
      %sign3A_29 = arith.cmpi sgt, %scan3A_27, %sign3A : i32
      %sign3A_30 = arith.extui %sign3A_29 : i1 to i32
      %sign3A_31 = arith.constant 0 : i32
      %sign3A_32 = arith.cmpi slt, %scan3A_27, %sign3A_31 : i32
      %sign3A_33 = arith.extui %sign3A_32 : i1 to i32
      %sign3A_34 = arith.subi %sign3A_30, %sign3A_33 : i32
      %sign3A_35 = arith.constant 0 : i32
      %sign3A_36 = arith.cmpi sgt, %jit3A, %sign3A_35 : i32
      %sign3A_37 = arith.extui %sign3A_36 : i1 to i32
      %sign3A_38 = arith.constant 0 : i32
      %sign3A_39 = arith.cmpi slt, %jit3A, %sign3A_38 : i32
      %sign3A_40 = arith.extui %sign3A_39 : i1 to i32
      %sign3A_41 = arith.subi %sign3A_37, %sign3A_40 : i32
      %ne3A = arith.cmpi ne, %sign3A_34, %sign3A_41 : i32
      %rem3A = arith.remsi %scan3A_27, %jit3A : i32
      %ne3A_42 = arith.constant 0 : i32
      %ne3A_43 = arith.cmpi ne, %rem3A, %ne3A_42 : i32
      %and3A = arith.andi %ne3A, %ne3A_43 : i1
      %sub3A = arith.constant 1 : i32
      %sub3A_44 = arith.subi %div3A, %sub3A : i32
      %select_n3A = arith.select %and3A, %sub3A_44, %div3A : i32
      %jit3A_45 = arith.constant 8 : i32
      %eq3A = arith.constant 0 : i32
      %eq3A_46 = arith.cmpi eq, %jit3A_45, %eq3A : i32
      %jit3A_47 = arith.constant 1 : i32
      %select_n3A_48 = arith.select %eq3A_46, %jit3A_47, %jit3A_45 : i32
      %rem3A_49 = arith.remsi %scan3A_27, %select_n3A_48 : i32
      %ne3A_50 = arith.constant 0 : i32
      %ne3A_51 = arith.cmpi ne, %rem3A_49, %ne3A_50 : i32
      %lt3A = arith.constant 0 : i32
      %lt3A_52 = arith.cmpi slt, %rem3A_49, %lt3A : i32
      %lt3A_53 = arith.constant 0 : i32
      %lt3A_54 = arith.cmpi slt, %select_n3A_48, %lt3A_53 : i32
      %ne3A_55 = arith.xori %lt3A_52, %lt3A_54 : i1
      %and3A_56 = arith.andi %ne3A_55, %ne3A_51 : i1
      %add3A_57 = arith.addi %rem3A_49, %select_n3A_48 : i32
      %select_n3A_58 = arith.select %and3A_56, %add3A_57, %rem3A_49 : i32
      %mul3A_59 = arith.constant 16 : i32
      %mul3A_60 = arith.muli %select_n3A_58, %mul3A_59 : i32
      %get3A = arith.index_cast %select_n3A : i32 to index
      %get3A_61 = arith.index_cast %mul3A_60 : i32 to index
      %get3A_62 = tpu.vector_load %arg6[%get3A, %get3A_61] {strides = array<i32>} : memref<80x128xi32, #tpu.memory_space<vmem>>, vector<16xi32>,
      %get3A_63 = arith.index_cast %select_n3A : i32 to index
      %get3A_64 = arith.index_cast %mul3A_60 : i32 to index
      %get3A_65 = tpu.vector_load %arg7[%get3A_63, %get3A_64] {strides = array<i32>} : memref<80x128xi32, #tpu.memory_space<vmem>>, vector<16xi32>,
      %gather3A = tpu.vector_load_idx %arg8[%get3A_62] : memref<10240xf32, #tpu.memory_space<vmem>>[vector<16xi32>], vector<16xf32>,
      tpu.vector_store_idx %arg9[%get3A_65], %gather3A {add = true} : memref<10240xf32, #tpu.memory_space<vmem>>[vector<16xi32>], vector<16xf32>,
      %scan3A_66 = arith.constant 0 : i32
      scf.yield %scan3A_66 : i32
    }
    %scan3A_17 = arith.constant 640 : i32
    "tpu.region"() ({
      %run_scoped3A = tpu.sem_alloc : memref<!tpu.dma_semaphore, #tpu.memory_space<semaphore_mem>>
      %dma_start3A = arith.constant 0 : i32
      %dma_start3A_27 = tpu.memref_slice %arg12[%arg1, %dma_start3A] : memref<16x10240xf32, #tpu.memory_space<vmem_shared>> -> memref<1x10240xf32, #tpu.memory_space<vmem_shared>>
      %dma_start3A_28 = tpu.memref_squeeze %dma_start3A_27 : memref<1x10240xf32, #tpu.memory_space<vmem_shared>> -> memref<10240xf32, #tpu.memory_space<vmem_shared>>
      %dma_start3A_29 = arith.constant 0 : i32
      %dma_start3A_30 = tpu.memref_slice %arg12[%arg1, %dma_start3A_29] : memref<16x10240xf32, #tpu.memory_space<vmem_shared>> -> memref<1x10240xf32, #tpu.memory_space<vmem_shared>>
      %dma_start3A_31 = tpu.memref_squeeze %dma_start3A_30 : memref<1x10240xf32, #tpu.memory_space<vmem_shared>> -> memref<10240xf32, #tpu.memory_space<vmem_shared>>
      tpu.enqueue_dma source(%arg9 : memref<10240xf32, #tpu.memory_space<vmem>>) target(%dma_start3A_31 : memref<10240xf32, #tpu.memory_space<vmem_shared>>) target_semaphore(%run_scoped3A : memref<!tpu.dma_semaphore, #tpu.memory_space<semaphore_mem>>)
      %dma_wait3A = arith.constant 0 : i32
      %dma_wait3A_32 = tpu.memref_slice %arg12[%arg1, %dma_wait3A] : memref<16x10240xf32, #tpu.memory_space<vmem_shared>> -> memref<1x10240xf32, #tpu.memory_space<vmem_shared>>
      %dma_wait3A_33 = tpu.memref_squeeze %dma_wait3A_32 : memref<1x10240xf32, #tpu.memory_space<vmem_shared>> -> memref<10240xf32, #tpu.memory_space<vmem_shared>>
      %dma_wait3A_34 = arith.constant 0 : i32
      %dma_wait3A_35 = tpu.memref_slice %arg12[%arg1, %dma_wait3A_34] : memref<16x10240xf32, #tpu.memory_space<vmem_shared>> -> memref<1x10240xf32, #tpu.memory_space<vmem_shared>>
      %dma_wait3A_36 = tpu.memref_squeeze %dma_wait3A_35 : memref<1x10240xf32, #tpu.memory_space<vmem_shared>> -> memref<10240xf32, #tpu.memory_space<vmem_shared>>
      tpu.wait_dma2 semaphore(%run_scoped3A : memref<!tpu.dma_semaphore, #tpu.memory_space<semaphore_mem>>) src(%arg9 : memref<10240xf32, #tpu.memory_space<vmem>>) dst(%dma_wait3A_36 : memref<10240xf32, #tpu.memory_space<vmem_shared>>)
      tpu.yield
    }) : () -> ()
    %barrier3A = arith.constant 0 : index
    tpu.barrier barrier_id(%barrier3A)
    %mul3A_18 = arith.constant 640 : i32
    %mul3A_19 = arith.muli %arg1, %mul3A_18 : i32
    "tpu.region"() ({
      %run_scoped3A = tpu.sem_alloc : memref<!tpu.dma_semaphore, #tpu.memory_space<semaphore_mem>>
      %dma_start3A = arith.constant 0 : i32
      %dma_start3A_27 = tpu.memref_slice %arg12[%dma_start3A, %mul3A_19] : memref<16x10240xf32, #tpu.memory_space<vmem_shared>> -> memref<16x640xf32, #tpu.memory_space<vmem_shared>>
      %dma_start3A_28 = arith.constant 0 : i32
      %dma_start3A_29 = tpu.memref_slice %arg12[%dma_start3A_28, %mul3A_19] : memref<16x10240xf32, #tpu.memory_space<vmem_shared>> -> memref<16x640xf32, #tpu.memory_space<vmem_shared>>
      tpu.enqueue_dma source(%dma_start3A_29 : memref<16x640xf32, #tpu.memory_space<vmem_shared>>) target(%arg10 : memref<16x640xf32, #tpu.memory_space<vmem>>) target_semaphore(%run_scoped3A : memref<!tpu.dma_semaphore, #tpu.memory_space<semaphore_mem>>)
      %dma_wait3A = arith.constant 0 : i32
      %dma_wait3A_30 = tpu.memref_slice %arg12[%dma_wait3A, %mul3A_19] : memref<16x10240xf32, #tpu.memory_space<vmem_shared>> -> memref<16x640xf32, #tpu.memory_space<vmem_shared>>
      %dma_wait3A_31 = arith.constant 0 : i32
      %dma_wait3A_32 = tpu.memref_slice %arg12[%dma_wait3A_31, %mul3A_19] : memref<16x10240xf32, #tpu.memory_space<vmem_shared>> -> memref<16x640xf32, #tpu.memory_space<vmem_shared>>
      tpu.wait_dma2 semaphore(%run_scoped3A : memref<!tpu.dma_semaphore, #tpu.memory_space<semaphore_mem>>) src(%dma_wait3A_32 : memref<16x640xf32, #tpu.memory_space<vmem_shared>>) dst(%arg10 : memref<16x640xf32, #tpu.memory_space<vmem>>)
      tpu.yield
    }) : () -> ()
    %scan3A_20 = arith.constant 0 : i32
    %scan3A_21 = arith.constant 0 : i32
    %scan3A_22 = arith.constant 40 : i32
    %scan3A_23 = arith.addi %scan3A_21, %scan3A_22 : i32
    %scan3A_24 = arith.constant 1 : i32
    %scan3A_25 = scf.for %scan3A_27 = %scan3A_21 to %scan3A_23 step %scan3A_24 iter_args(%scan3A_28 = %scan3A_20) -> (i32)  : i32 {
      %mul3A_29 = arith.constant 16 : i32
      %mul3A_30 = arith.muli %scan3A_27, %mul3A_29 : i32
      %get3A = arith.constant 0 : i32
      %get3A_31 = arith.index_cast %get3A : i32 to index
      %get3A_32 = arith.index_cast %mul3A_30 : i32 to index
      %get3A_33 = tpu.vector_load %arg10[%get3A_31, %get3A_32] {strides = array<i32>} : memref<16x640xf32, #tpu.memory_space<vmem>>, vector<16xf32>,
      %mul3A_34 = arith.constant 16 : i32
      %mul3A_35 = arith.muli %scan3A_27, %mul3A_34 : i32
      %get3A_36 = arith.constant 1 : i32
      %get3A_37 = arith.index_cast %get3A_36 : i32 to index
      %get3A_38 = arith.index_cast %mul3A_35 : i32 to index
      %get3A_39 = tpu.vector_load %arg10[%get3A_37, %get3A_38] {strides = array<i32>} : memref<16x640xf32, #tpu.memory_space<vmem>>, vector<16xf32>,
      %add3A_40 = arith.addf %get3A_33, %get3A_39 : vector<16xf32>
      %mul3A_41 = arith.constant 16 : i32
      %mul3A_42 = arith.muli %scan3A_27, %mul3A_41 : i32
      %get3A_43 = arith.constant 2 : i32
      %get3A_44 = arith.index_cast %get3A_43 : i32 to index
      %get3A_45 = arith.index_cast %mul3A_42 : i32 to index
      %get3A_46 = tpu.vector_load %arg10[%get3A_44, %get3A_45] {strides = array<i32>} : memref<16x640xf32, #tpu.memory_space<vmem>>, vector<16xf32>,
      %add3A_47 = arith.addf %add3A_40, %get3A_46 : vector<16xf32>
      %mul3A_48 = arith.constant 16 : i32
      %mul3A_49 = arith.muli %scan3A_27, %mul3A_48 : i32
      %get3A_50 = arith.constant 3 : i32
      %get3A_51 = arith.index_cast %get3A_50 : i32 to index
      %get3A_52 = arith.index_cast %mul3A_49 : i32 to index
      %get3A_53 = tpu.vector_load %arg10[%get3A_51, %get3A_52] {strides = array<i32>} : memref<16x640xf32, #tpu.memory_space<vmem>>, vector<16xf32>,
      %add3A_54 = arith.addf %add3A_47, %get3A_53 : vector<16xf32>
      %mul3A_55 = arith.constant 16 : i32
      %mul3A_56 = arith.muli %scan3A_27, %mul3A_55 : i32
      %get3A_57 = arith.constant 4 : i32
      %get3A_58 = arith.index_cast %get3A_57 : i32 to index
      %get3A_59 = arith.index_cast %mul3A_56 : i32 to index
      %get3A_60 = tpu.vector_load %arg10[%get3A_58, %get3A_59] {strides = array<i32>} : memref<16x640xf32, #tpu.memory_space<vmem>>, vector<16xf32>,
      %add3A_61 = arith.addf %add3A_54, %get3A_60 : vector<16xf32>
      %mul3A_62 = arith.constant 16 : i32
      %mul3A_63 = arith.muli %scan3A_27, %mul3A_62 : i32
      %get3A_64 = arith.constant 5 : i32
      %get3A_65 = arith.index_cast %get3A_64 : i32 to index
      %get3A_66 = arith.index_cast %mul3A_63 : i32 to index
      %get3A_67 = tpu.vector_load %arg10[%get3A_65, %get3A_66] {strides = array<i32>} : memref<16x640xf32, #tpu.memory_space<vmem>>, vector<16xf32>,
      %add3A_68 = arith.addf %add3A_61, %get3A_67 : vector<16xf32>
      %mul3A_69 = arith.constant 16 : i32
      %mul3A_70 = arith.muli %scan3A_27, %mul3A_69 : i32
      %get3A_71 = arith.constant 6 : i32
      %get3A_72 = arith.index_cast %get3A_71 : i32 to index
      %get3A_73 = arith.index_cast %mul3A_70 : i32 to index
      %get3A_74 = tpu.vector_load %arg10[%get3A_72, %get3A_73] {strides = array<i32>} : memref<16x640xf32, #tpu.memory_space<vmem>>, vector<16xf32>,
      %add3A_75 = arith.addf %add3A_68, %get3A_74 : vector<16xf32>
      %mul3A_76 = arith.constant 16 : i32
      %mul3A_77 = arith.muli %scan3A_27, %mul3A_76 : i32
      %get3A_78 = arith.constant 7 : i32
      %get3A_79 = arith.index_cast %get3A_78 : i32 to index
      %get3A_80 = arith.index_cast %mul3A_77 : i32 to index
      %get3A_81 = tpu.vector_load %arg10[%get3A_79, %get3A_80] {strides = array<i32>} : memref<16x640xf32, #tpu.memory_space<vmem>>, vector<16xf32>,
      %add3A_82 = arith.addf %add3A_75, %get3A_81 : vector<16xf32>
      %mul3A_83 = arith.constant 16 : i32
      %mul3A_84 = arith.muli %scan3A_27, %mul3A_83 : i32
      %get3A_85 = arith.constant 8 : i32
      %get3A_86 = arith.index_cast %get3A_85 : i32 to index
      %get3A_87 = arith.index_cast %mul3A_84 : i32 to index
      %get3A_88 = tpu.vector_load %arg10[%get3A_86, %get3A_87] {strides = array<i32>} : memref<16x640xf32, #tpu.memory_space<vmem>>, vector<16xf32>,
      %add3A_89 = arith.addf %add3A_82, %get3A_88 : vector<16xf32>
      %mul3A_90 = arith.constant 16 : i32
      %mul3A_91 = arith.muli %scan3A_27, %mul3A_90 : i32
      %get3A_92 = arith.constant 9 : i32
      %get3A_93 = arith.index_cast %get3A_92 : i32 to index
      %get3A_94 = arith.index_cast %mul3A_91 : i32 to index
      %get3A_95 = tpu.vector_load %arg10[%get3A_93, %get3A_94] {strides = array<i32>} : memref<16x640xf32, #tpu.memory_space<vmem>>, vector<16xf32>,
      %add3A_96 = arith.addf %add3A_89, %get3A_95 : vector<16xf32>
      %mul3A_97 = arith.constant 16 : i32
      %mul3A_98 = arith.muli %scan3A_27, %mul3A_97 : i32
      %get3A_99 = arith.constant 10 : i32
      %get3A_100 = arith.index_cast %get3A_99 : i32 to index
      %get3A_101 = arith.index_cast %mul3A_98 : i32 to index
      %get3A_102 = tpu.vector_load %arg10[%get3A_100, %get3A_101] {strides = array<i32>} : memref<16x640xf32, #tpu.memory_space<vmem>>, vector<16xf32>,
      %add3A_103 = arith.addf %add3A_96, %get3A_102 : vector<16xf32>
      %mul3A_104 = arith.constant 16 : i32
      %mul3A_105 = arith.muli %scan3A_27, %mul3A_104 : i32
      %get3A_106 = arith.constant 11 : i32
      %get3A_107 = arith.index_cast %get3A_106 : i32 to index
      %get3A_108 = arith.index_cast %mul3A_105 : i32 to index
      %get3A_109 = tpu.vector_load %arg10[%get3A_107, %get3A_108] {strides = array<i32>} : memref<16x640xf32, #tpu.memory_space<vmem>>, vector<16xf32>,
      %add3A_110 = arith.addf %add3A_103, %get3A_109 : vector<16xf32>
      %mul3A_111 = arith.constant 16 : i32
      %mul3A_112 = arith.muli %scan3A_27, %mul3A_111 : i32
      %get3A_113 = arith.constant 12 : i32
      %get3A_114 = arith.index_cast %get3A_113 : i32 to index
      %get3A_115 = arith.index_cast %mul3A_112 : i32 to index
      %get3A_116 = tpu.vector_load %arg10[%get3A_114, %get3A_115] {strides = array<i32>} : memref<16x640xf32, #tpu.memory_space<vmem>>, vector<16xf32>,
      %add3A_117 = arith.addf %add3A_110, %get3A_116 : vector<16xf32>
      %mul3A_118 = arith.constant 16 : i32
      %mul3A_119 = arith.muli %scan3A_27, %mul3A_118 : i32
      %get3A_120 = arith.constant 13 : i32
      %get3A_121 = arith.index_cast %get3A_120 : i32 to index
      %get3A_122 = arith.index_cast %mul3A_119 : i32 to index
      %get3A_123 = tpu.vector_load %arg10[%get3A_121, %get3A_122] {strides = array<i32>} : memref<16x640xf32, #tpu.memory_space<vmem>>, vector<16xf32>,
      %add3A_124 = arith.addf %add3A_117, %get3A_123 : vector<16xf32>
      %mul3A_125 = arith.constant 16 : i32
      %mul3A_126 = arith.muli %scan3A_27, %mul3A_125 : i32
      %get3A_127 = arith.constant 14 : i32
      %get3A_128 = arith.index_cast %get3A_127 : i32 to index
      %get3A_129 = arith.index_cast %mul3A_126 : i32 to index
      %get3A_130 = tpu.vector_load %arg10[%get3A_128, %get3A_129] {strides = array<i32>} : memref<16x640xf32, #tpu.memory_space<vmem>>, vector<16xf32>,
      %add3A_131 = arith.addf %add3A_124, %get3A_130 : vector<16xf32>
      %mul3A_132 = arith.constant 16 : i32
      %mul3A_133 = arith.muli %scan3A_27, %mul3A_132 : i32
      %get3A_134 = arith.constant 15 : i32
      %get3A_135 = arith.index_cast %get3A_134 : i32 to index
      %get3A_136 = arith.index_cast %mul3A_133 : i32 to index
      %get3A_137 = tpu.vector_load %arg10[%get3A_135, %get3A_136] {strides = array<i32>} : memref<16x640xf32, #tpu.memory_space<vmem>>, vector<16xf32>,
      %add3A_138 = arith.addf %add3A_131, %get3A_137 : vector<16xf32>
      %mul3A_139 = arith.constant 16 : i32
      %mul3A_140 = arith.muli %scan3A_27, %mul3A_139 : i32
      %swap3A = arith.index_cast %mul3A_140 : i32 to index
      %swap3A_141 = tpu.vector_load %arg11[%swap3A] {strides = array<i32>} : memref<640xf32, #tpu.memory_space<vmem>>, vector<16xf32>,
      tpu.vector_store %arg11[%swap3A], %add3A_138 {strides = array<i32>} : memref<640xf32, #tpu.memory_space<vmem>>, vector<16xf32>,
      %scan3A_142 = arith.constant 0 : i32
      scf.yield %scan3A_142 : i32
    }
    %scan3A_26 = arith.constant 40 : i32
    "tpu.region"() ({
      %run_scoped3A = tpu.sem_alloc : memref<!tpu.dma_semaphore, #tpu.memory_space<semaphore_mem>>
      %dma_start3A = tpu.memref_slice %arg5[%arg0, %mul3A_19] : memref<2x10240xf32, #tpu.memory_space<hbm>> -> memref<1x640xf32, #tpu.memory_space<hbm>>
      %dma_start3A_27 = tpu.memref_squeeze %dma_start3A : memref<1x640xf32, #tpu.memory_space<hbm>> -> memref<640xf32, #tpu.memory_space<hbm>>
      %dma_start3A_28 = tpu.memref_slice %arg5[%arg0, %mul3A_19] : memref<2x10240xf32, #tpu.memory_space<hbm>> -> memref<1x640xf32, #tpu.memory_space<hbm>>
      %dma_start3A_29 = tpu.memref_squeeze %dma_start3A_28 : memref<1x640xf32, #tpu.memory_space<hbm>> -> memref<640xf32, #tpu.memory_space<hbm>>
      tpu.enqueue_dma source(%arg11 : memref<640xf32, #tpu.memory_space<vmem>>) target(%dma_start3A_29 : memref<640xf32, #tpu.memory_space<hbm>>) target_semaphore(%run_scoped3A : memref<!tpu.dma_semaphore, #tpu.memory_space<semaphore_mem>>)
      %dma_wait3A = tpu.memref_slice %arg5[%arg0, %mul3A_19] : memref<2x10240xf32, #tpu.memory_space<hbm>> -> memref<1x640xf32, #tpu.memory_space<hbm>>
      %dma_wait3A_30 = tpu.memref_squeeze %dma_wait3A : memref<1x640xf32, #tpu.memory_space<hbm>> -> memref<640xf32, #tpu.memory_space<hbm>>
      %dma_wait3A_31 = tpu.memref_slice %arg5[%arg0, %mul3A_19] : memref<2x10240xf32, #tpu.memory_space<hbm>> -> memref<1x640xf32, #tpu.memory_space<hbm>>
      %dma_wait3A_32 = tpu.memref_squeeze %dma_wait3A_31 : memref<1x640xf32, #tpu.memory_space<hbm>> -> memref<640xf32, #tpu.memory_space<hbm>>
      tpu.wait_dma2 semaphore(%run_scoped3A : memref<!tpu.dma_semaphore, #tpu.memory_space<semaphore_mem>>) src(%arg11 : memref<640xf32, #tpu.memory_space<vmem>>) dst(%dma_wait3A_32 : memref<640xf32, #tpu.memory_space<hbm>>)
      tpu.yield
    }) : () -> ()
    return
  }
}

module attributes {stable_mosaic.version = 14 : i64} {
  func.func @_prep_kernel(%arg0: memref<10240x1xf32, #tpu.memory_space<vmem>>, %arg1: memref<10240x1xf32, #tpu.memory_space<vmem>>, %arg2: memref<10240x1xf32, #tpu.memory_space<vmem>>, %arg3: memref<10240x1xf32, #tpu.memory_space<vmem>>, %arg4: memref<10240x1xf32, #tpu.memory_space<vmem>>, %arg5: memref<10240x1xf32, #tpu.memory_space<vmem>>, %arg6: memref<10240x1xf32, #tpu.memory_space<vmem>>, %arg7: memref<10240x1xf32, #tpu.memory_space<vmem>>, %arg8: memref<10240x1xf32, #tpu.memory_space<vmem>>) attributes {dimension_semantics = [], scalar_prefetch = 0 : i64, scratch_operands = 0 : i64, tpu.core_type = #tpu.core_type<tc>} {
    %get3A = arith.constant 0 : index
    %get3A_0 = arith.constant 0 : index
    %get3A_1 = vector.load %arg0[%get3A, %get3A_0] : memref<10240x1xf32, #tpu.memory_space<vmem>>, vector<10240x1xf32>
    %get3A_2 = arith.constant 0 : index
    %get3A_3 = arith.constant 0 : index
    %get3A_4 = vector.load %arg1[%get3A_2, %get3A_3] : memref<10240x1xf32, #tpu.memory_space<vmem>>, vector<10240x1xf32>
    %add3A = arith.addf %get3A_1, %get3A_4 : vector<10240x1xf32>
    %add3A_5 = arith.constant 1.000000e+00 : f32
    %add3A_6 = vector.broadcast %add3A_5 : f32 to vector<10240x1xf32>
    %add3A_7 = arith.addf %add3A, %add3A_6 : vector<10240x1xf32>
    %get3A_8 = arith.constant 0 : index
    %get3A_9 = arith.constant 0 : index
    %get3A_10 = vector.load %arg2[%get3A_8, %get3A_9] : memref<10240x1xf32, #tpu.memory_space<vmem>>, vector<10240x1xf32>
    %get3A_11 = arith.constant 0 : index
    %get3A_12 = arith.constant 0 : index
    %get3A_13 = vector.load %arg3[%get3A_11, %get3A_12] : memref<10240x1xf32, #tpu.memory_space<vmem>>, vector<10240x1xf32>
    %add3A_14 = arith.addf %get3A_10, %get3A_13 : vector<10240x1xf32>
    %add3A_15 = arith.constant 1.000000e+00 : f32
    %add3A_16 = vector.broadcast %add3A_15 : f32 to vector<10240x1xf32>
    %add3A_17 = arith.addf %add3A_14, %add3A_16 : vector<10240x1xf32>
    %rsqrt3A = math.rsqrt %add3A_7 : vector<10240x1xf32>
    %rsqrt3A_18 = math.rsqrt %add3A_17 : vector<10240x1xf32>
    %swap3A = arith.constant 0 : index
    %swap3A_19 = arith.constant 0 : index
    %swap3A_20 = vector.load %arg5[%swap3A, %swap3A_19] : memref<10240x1xf32, #tpu.memory_space<vmem>>, vector<10240x1xf32>
    tpu.vector_store %arg5[%swap3A, %swap3A_19], %rsqrt3A {strides = array<i32>} : memref<10240x1xf32, #tpu.memory_space<vmem>>, vector<10240x1xf32>,
    %swap3A_21 = arith.constant 0 : index
    %swap3A_22 = arith.constant 0 : index
    %swap3A_23 = vector.load %arg6[%swap3A_21, %swap3A_22] : memref<10240x1xf32, #tpu.memory_space<vmem>>, vector<10240x1xf32>
    tpu.vector_store %arg6[%swap3A_21, %swap3A_22], %rsqrt3A_18 {strides = array<i32>} : memref<10240x1xf32, #tpu.memory_space<vmem>>, vector<10240x1xf32>,
    %get3A_24 = arith.constant 0 : index
    %get3A_25 = arith.constant 0 : index
    %get3A_26 = vector.load %arg4[%get3A_24, %get3A_25] : memref<10240x1xf32, #tpu.memory_space<vmem>>, vector<10240x1xf32>
    %mul3A = arith.mulf %get3A_26, %rsqrt3A : vector<10240x1xf32>
    %swap3A_27 = arith.constant 0 : index
    %swap3A_28 = arith.constant 0 : index
    %swap3A_29 = vector.load %arg7[%swap3A_27, %swap3A_28] : memref<10240x1xf32, #tpu.memory_space<vmem>>, vector<10240x1xf32>
    tpu.vector_store %arg7[%swap3A_27, %swap3A_28], %mul3A {strides = array<i32>} : memref<10240x1xf32, #tpu.memory_space<vmem>>, vector<10240x1xf32>,
    %swap3A_30 = arith.constant 0 : index
    %swap3A_31 = arith.constant 0 : index
    %swap3A_32 = vector.load %arg8[%swap3A_30, %swap3A_31] : memref<10240x1xf32, #tpu.memory_space<vmem>>, vector<10240x1xf32>
    tpu.vector_store %arg8[%swap3A_30, %swap3A_31], %rsqrt3A {strides = array<i32>} : memref<10240x1xf32, #tpu.memory_space<vmem>>, vector<10240x1xf32>,
    return
  }
}

module attributes {stable_mosaic.version = 14 : i64} {
  func.func @_wprep_kernel(%arg0: memref<1x128xf32, #tpu.memory_space<vmem>>, %arg1: memref<1x128xf32, #tpu.memory_space<vmem>>, %arg2: memref<128x128xf32, #tpu.memory_space<vmem>>, %arg3: memref<128x128xf32, #tpu.memory_space<vmem>>, %arg4: memref<128x1xf32, #tpu.memory_space<vmem>>, %arg5: memref<1x128xf32, #tpu.memory_space<vmem>>, %arg6: memref<1x1xf32, #tpu.memory_space<vmem>>, %arg7: memref<1x128xf32, #tpu.memory_space<vmem>>, %arg8: memref<1x128xf32, #tpu.memory_space<vmem>>, %arg9: memref<128x1xf32, #tpu.memory_space<vmem>>, %arg10: memref<1x1xf32, #tpu.memory_space<vmem>>) attributes {dimension_semantics = [], scalar_prefetch = 0 : i64, scratch_operands = 0 : i64, tpu.core_type = #tpu.core_type<tc>} {
    %get3A = arith.constant 0 : index
    %get3A_0 = arith.constant 0 : index
    %get3A_1 = vector.load %arg0[%get3A, %get3A_0] : memref<1x128xf32, #tpu.memory_space<vmem>>, vector<1x128xf32>
    %get3A_2 = arith.constant 0 : index
    %get3A_3 = arith.constant 0 : index
    %get3A_4 = vector.load %arg2[%get3A_2, %get3A_3] : memref<128x128xf32, #tpu.memory_space<vmem>>, vector<128x128xf32>
    %dot_general3A = arith.constant dense<0.000000e+00> : vector<1x128xf32>
    %dot_general3A_5 = tpu.matmul %get3A_1, %get3A_4, %dot_general3A {dimension_numbers = #tpu.dot_dimension_numbers<[1], [0], [0], [1], [0, 0, 1, 1], [], []>, transpose_lhs_hint = false} : vector<1x128xf32>, vector<128x128xf32>, vector<1x128xf32> -> vector<1x128xf32>
    %swap3A = arith.constant 0 : index
    %swap3A_6 = arith.constant 0 : index
    %swap3A_7 = vector.load %arg7[%swap3A, %swap3A_6] : memref<1x128xf32, #tpu.memory_space<vmem>>, vector<1x128xf32>
    tpu.vector_store %arg7[%swap3A, %swap3A_6], %dot_general3A_5 {strides = array<i32>} : memref<1x128xf32, #tpu.memory_space<vmem>>, vector<1x128xf32>,
    %get3A_8 = arith.constant 0 : index
    %get3A_9 = arith.constant 0 : index
    %get3A_10 = vector.load %arg1[%get3A_8, %get3A_9] : memref<1x128xf32, #tpu.memory_space<vmem>>, vector<1x128xf32>
    %get3A_11 = arith.constant 0 : index
    %get3A_12 = arith.constant 0 : index
    %get3A_13 = vector.load %arg2[%get3A_11, %get3A_12] : memref<128x128xf32, #tpu.memory_space<vmem>>, vector<128x128xf32>
    %dot_general3A_14 = arith.constant dense<0.000000e+00> : vector<1x128xf32>
    %dot_general3A_15 = tpu.matmul %get3A_10, %get3A_13, %dot_general3A_14 {dimension_numbers = #tpu.dot_dimension_numbers<[1], [0], [0], [1], [0, 0, 1, 1], [], []>, transpose_lhs_hint = false} : vector<1x128xf32>, vector<128x128xf32>, vector<1x128xf32> -> vector<1x128xf32>
    %swap3A_16 = arith.constant 0 : index
    %swap3A_17 = arith.constant 0 : index
    %swap3A_18 = vector.load %arg8[%swap3A_16, %swap3A_17] : memref<1x128xf32, #tpu.memory_space<vmem>>, vector<1x128xf32>
    tpu.vector_store %arg8[%swap3A_16, %swap3A_17], %dot_general3A_15 {strides = array<i32>} : memref<1x128xf32, #tpu.memory_space<vmem>>, vector<1x128xf32>,
    %get3A_19 = arith.constant 0 : index
    %get3A_20 = arith.constant 0 : index
    %get3A_21 = vector.load %arg3[%get3A_19, %get3A_20] : memref<128x128xf32, #tpu.memory_space<vmem>>, vector<128x128xf32>
    %get3A_22 = arith.constant 0 : index
    %get3A_23 = arith.constant 0 : index
    %get3A_24 = vector.load %arg4[%get3A_22, %get3A_23] : memref<128x1xf32, #tpu.memory_space<vmem>>, vector<128x1xf32>
    %dot_general3A_25 = arith.constant dense<0.000000e+00> : vector<128x1xf32>
    %dot_general3A_26 = tpu.matmul %get3A_21, %get3A_24, %dot_general3A_25 {dimension_numbers = #tpu.dot_dimension_numbers<[1], [0], [0], [1], [0, 0, 1, 1], [], []>, transpose_lhs_hint = false} : vector<128x128xf32>, vector<128x1xf32>, vector<128x1xf32> -> vector<128x1xf32>
    %swap3A_27 = arith.constant 0 : index
    %swap3A_28 = arith.constant 0 : index
    %swap3A_29 = vector.load %arg9[%swap3A_27, %swap3A_28] : memref<128x1xf32, #tpu.memory_space<vmem>>, vector<128x1xf32>
    tpu.vector_store %arg9[%swap3A_27, %swap3A_28], %dot_general3A_26 {strides = array<i32>} : memref<128x1xf32, #tpu.memory_space<vmem>>, vector<128x1xf32>,
    %get3A_30 = arith.constant 0 : index
    %get3A_31 = arith.constant 0 : index
    %get3A_32 = vector.load %arg5[%get3A_30, %get3A_31] : memref<1x128xf32, #tpu.memory_space<vmem>>, vector<1x128xf32>
    %get3A_33 = arith.constant 0 : index
    %get3A_34 = arith.constant 0 : index
    %get3A_35 = vector.load %arg4[%get3A_33, %get3A_34] : memref<128x1xf32, #tpu.memory_space<vmem>>, vector<128x1xf32>
    %dot_general3A_36 = arith.constant dense<0.000000e+00> : vector<1x1xf32>
    %dot_general3A_37 = tpu.matmul %get3A_32, %get3A_35, %dot_general3A_36 {dimension_numbers = #tpu.dot_dimension_numbers<[1], [0], [0], [1], [0, 0, 1, 1], [], []>, transpose_lhs_hint = false} : vector<1x128xf32>, vector<128x1xf32>, vector<1x1xf32> -> vector<1x1xf32>
    %get3A_38 = arith.constant 0 : index
    %get3A_39 = arith.constant 0 : index
    %get3A_40 = vector.load %arg6[%get3A_38, %get3A_39] : memref<1x1xf32, #tpu.memory_space<vmem>>, vector<1x1xf32>
    %add3A = arith.addf %dot_general3A_37, %get3A_40 : vector<1x1xf32>
    %swap3A_41 = arith.constant 0 : index
    %swap3A_42 = arith.constant 0 : index
    %swap3A_43 = vector.load %arg10[%swap3A_41, %swap3A_42] : memref<1x1xf32, #tpu.memory_space<vmem>>, vector<1x1xf32>
    tpu.vector_store %arg10[%swap3A_41, %swap3A_42], %add3A {strides = array<i32>} : memref<1x1xf32, #tpu.memory_space<vmem>>, vector<1x1xf32>,
    return
  }
}

module attributes {stable_mosaic.version = 14 : i64} {
  func.func @_h0_kernel(%arg0: i32, %arg1: memref<1024x1xf32, #tpu.memory_space<vmem>>, %arg2: memref<1024x1xf32, #tpu.memory_space<vmem>>, %arg3: memref<1024x1xf32, #tpu.memory_space<vmem>>, %arg4: memref<1024x1xf32, #tpu.memory_space<vmem>>, %arg5: memref<1024x1xf32, #tpu.memory_space<vmem>>, %arg6: memref<1024x1xf32, #tpu.memory_space<vmem>>, %arg7: memref<1024x1xf32, #tpu.memory_space<vmem>>, %arg8: memref<1024x1xf32, #tpu.memory_space<vmem>>, %arg9: memref<1x128xf32, #tpu.memory_space<vmem>>, %arg10: memref<1x128xf32, #tpu.memory_space<vmem>>, %arg11: memref<1x128xf32, #tpu.memory_space<vmem>>, %arg12: memref<1024x128xf32, #tpu.memory_space<vmem>>, %arg13: memref<2x1024x64xf32, #tpu.memory_space<vmem>>) attributes {dimension_semantics = [#tpu.dimension_semantics<arbitrary>], iteration_bounds = array<i64: 10>, scalar_prefetch = 0 : i64, scratch_operands = 0 : i64, tpu.core_type = #tpu.core_type<tc>, window_params = [{transform_indices = @transform_0, window_bounds = array<i64: 1024, 1>}, {transform_indices = @transform_1, window_bounds = array<i64: 1024, 1>}, {transform_indices = @transform_2, window_bounds = array<i64: 1024, 1>}, {transform_indices = @transform_3, window_bounds = array<i64: 1024, 1>}, {transform_indices = @transform_4, window_bounds = array<i64: 1024, 1>}, {transform_indices = @transform_5, window_bounds = array<i64: 1024, 1>}, {transform_indices = @transform_6, window_bounds = array<i64: 1024, 1>}, {transform_indices = @transform_7, window_bounds = array<i64: 1024, 1>}, {pipeline_mode = #tpu.pipeline_mode<synchronous>, transform_indices = @transform_8, window_bounds = array<i64: 1, 128>}, {pipeline_mode = #tpu.pipeline_mode<synchronous>, transform_indices = @transform_9, window_bounds = array<i64: 1, 128>}, {pipeline_mode = #tpu.pipeline_mode<synchronous>, transform_indices = @transform_10, window_bounds = array<i64: 1, 128>}, {transform_indices = @transform_11, window_bounds = array<i64: 1024, 128>}, {transform_indices = @transform_12, window_bounds = array<i64: 2, 1024, 64>}]} {
    %get3A = arith.constant 0 : index
    %get3A_0 = arith.constant 0 : index
    %get3A_1 = vector.load %arg1[%get3A, %get3A_0] : memref<1024x1xf32, #tpu.memory_space<vmem>>, vector<1024x1xf32>
    %get3A_2 = arith.constant 0 : index
    %get3A_3 = arith.constant 0 : index
    %get3A_4 = vector.load %arg2[%get3A_2, %get3A_3] : memref<1024x1xf32, #tpu.memory_space<vmem>>, vector<1024x1xf32>
    %add3A = arith.addf %get3A_1, %get3A_4 : vector<1024x1xf32>
    %get3A_5 = arith.constant 0 : index
    %get3A_6 = arith.constant 0 : index
    %get3A_7 = vector.load %arg5[%get3A_5, %get3A_6] : memref<1024x1xf32, #tpu.memory_space<vmem>>, vector<1024x1xf32>
    %add3A_8 = arith.addf %add3A, %get3A_7 : vector<1024x1xf32>
    %get3A_9 = arith.constant 0 : index
    %get3A_10 = arith.constant 0 : index
    %get3A_11 = vector.load %arg7[%get3A_9, %get3A_10] : memref<1024x1xf32, #tpu.memory_space<vmem>>, vector<1024x1xf32>
    %mul3A = arith.mulf %add3A_8, %get3A_11 : vector<1024x1xf32>
    %get3A_12 = arith.constant 0 : index
    %get3A_13 = arith.constant 0 : index
    %get3A_14 = vector.load %arg3[%get3A_12, %get3A_13] : memref<1024x1xf32, #tpu.memory_space<vmem>>, vector<1024x1xf32>
    %get3A_15 = arith.constant 0 : index
    %get3A_16 = arith.constant 0 : index
    %get3A_17 = vector.load %arg4[%get3A_15, %get3A_16] : memref<1024x1xf32, #tpu.memory_space<vmem>>, vector<1024x1xf32>
    %add3A_18 = arith.addf %get3A_14, %get3A_17 : vector<1024x1xf32>
    %get3A_19 = arith.constant 0 : index
    %get3A_20 = arith.constant 0 : index
    %get3A_21 = vector.load %arg6[%get3A_19, %get3A_20] : memref<1024x1xf32, #tpu.memory_space<vmem>>, vector<1024x1xf32>
    %add3A_22 = arith.addf %add3A_18, %get3A_21 : vector<1024x1xf32>
    %get3A_23 = arith.constant 0 : index
    %get3A_24 = arith.constant 0 : index
    %get3A_25 = vector.load %arg7[%get3A_23, %get3A_24] : memref<1024x1xf32, #tpu.memory_space<vmem>>, vector<1024x1xf32>
    %mul3A_26 = arith.mulf %add3A_22, %get3A_25 : vector<1024x1xf32>
    %get3A_27 = arith.constant 0 : index
    %get3A_28 = arith.constant 0 : index
    %get3A_29 = vector.load %arg9[%get3A_27, %get3A_28] : memref<1x128xf32, #tpu.memory_space<vmem>>, vector<1x128xf32>
    %mul3A_30 = vector.broadcast %mul3A : vector<1024x1xf32> to vector<1024x128xf32>
    %mul3A_31 = vector.broadcast %get3A_29 : vector<1x128xf32> to vector<1024x128xf32>
    %mul3A_32 = arith.mulf %mul3A_30, %mul3A_31 : vector<1024x128xf32>
    %get3A_33 = arith.constant 0 : index
    %get3A_34 = arith.constant 0 : index
    %get3A_35 = vector.load %arg10[%get3A_33, %get3A_34] : memref<1x128xf32, #tpu.memory_space<vmem>>, vector<1x128xf32>
    %mul3A_36 = vector.broadcast %mul3A_26 : vector<1024x1xf32> to vector<1024x128xf32>
    %mul3A_37 = vector.broadcast %get3A_35 : vector<1x128xf32> to vector<1024x128xf32>
    %mul3A_38 = arith.mulf %mul3A_36, %mul3A_37 : vector<1024x128xf32>
    %add3A_39 = arith.addf %mul3A_32, %mul3A_38 : vector<1024x128xf32>
    %get3A_40 = arith.constant 0 : index
    %get3A_41 = arith.constant 0 : index
    %get3A_42 = vector.load %arg11[%get3A_40, %get3A_41] : memref<1x128xf32, #tpu.memory_space<vmem>>, vector<1x128xf32>
    %add3A_43 = vector.broadcast %get3A_42 : vector<1x128xf32> to vector<1024x128xf32>
    %add3A_44 = arith.addf %add3A_39, %add3A_43 : vector<1024x128xf32>
    %max3A = arith.constant 0.000000e+00 : f32
    %max3A_45 = vector.broadcast %max3A : f32 to vector<1024x128xf32>
    %max3A_46 = arith.maximumf %add3A_44, %max3A_45 : vector<1024x128xf32>
    %swap3A = arith.constant 0 : index
    %swap3A_47 = arith.constant 0 : index
    %swap3A_48 = vector.load %arg12[%swap3A, %swap3A_47] : memref<1024x128xf32, #tpu.memory_space<vmem>>, vector<1024x128xf32>
    tpu.vector_store %arg12[%swap3A, %swap3A_47], %max3A_46 {strides = array<i32>} : memref<1024x128xf32, #tpu.memory_space<vmem>>, vector<1024x128xf32>,
    %get3A_49 = arith.constant 0 : index
    %get3A_50 = arith.constant 0 : index
    %get3A_51 = vector.load %arg8[%get3A_49, %get3A_50] : memref<1024x1xf32, #tpu.memory_space<vmem>>, vector<1024x1xf32>
    %mul3A_52 = vector.broadcast %get3A_51 : vector<1024x1xf32> to vector<1024x128xf32>
    %mul3A_53 = arith.mulf %max3A_46, %mul3A_52 : vector<1024x128xf32>
    %slice3A = vector.extract_strided_slice %mul3A_53 {offsets = [0, 0], sizes = [1024, 64], strides = [1, 1]} : vector<1024x128xf32> to vector<1024x64xf32>
    %swap3A_54 = arith.constant 0 : index
    %swap3A_55 = arith.constant 0 : index
    %swap3A_56 = arith.constant 0 : index
    %swap3A_57 = vector.load %arg13[%swap3A_54, %swap3A_55, %swap3A_56] : memref<2x1024x64xf32, #tpu.memory_space<vmem>>, vector<1x1024x64xf32>
    %swap3A_58 = vector.shape_cast %swap3A_57 : vector<1x1024x64xf32> to vector<1024x64xf32>
    %swap3A_59 = vector.shape_cast %slice3A : vector<1024x64xf32> to vector<1x1024x64xf32>
    tpu.vector_store %arg13[%swap3A_54, %swap3A_55, %swap3A_56], %swap3A_59 {strides = array<i32>} : memref<2x1024x64xf32, #tpu.memory_space<vmem>>, vector<1x1024x64xf32>,
    %slice3A_60 = vector.extract_strided_slice %mul3A_53 {offsets = [0, 64], sizes = [1024, 64], strides = [1, 1]} : vector<1024x128xf32> to vector<1024x64xf32>
    %swap3A_61 = arith.constant 1 : index
    %swap3A_62 = arith.constant 0 : index
    %swap3A_63 = arith.constant 0 : index
    %swap3A_64 = vector.load %arg13[%swap3A_61, %swap3A_62, %swap3A_63] : memref<2x1024x64xf32, #tpu.memory_space<vmem>>, vector<1x1024x64xf32>
    %swap3A_65 = vector.shape_cast %swap3A_64 : vector<1x1024x64xf32> to vector<1024x64xf32>
    %swap3A_66 = vector.shape_cast %slice3A_60 : vector<1024x64xf32> to vector<1x1024x64xf32>
    tpu.vector_store %arg13[%swap3A_61, %swap3A_62, %swap3A_63], %swap3A_66 {strides = array<i32>} : memref<2x1024x64xf32, #tpu.memory_space<vmem>>, vector<1x1024x64xf32>,
    return
  }
  func.func @transform_0(%arg0: i32) -> (i32, i32) {
    %c0_i32 = arith.constant 0 : i32
    %c0_i32_0 = arith.constant 0 : i32
    return %arg0, %c0_i32 : i32, i32
  }
  func.func @transform_1(%arg0: i32) -> (i32, i32) {
    %c0_i32 = arith.constant 0 : i32
    %c0_i32_0 = arith.constant 0 : i32
    return %arg0, %c0_i32 : i32, i32
  }
  func.func @transform_2(%arg0: i32) -> (i32, i32) {
    %c0_i32 = arith.constant 0 : i32
    %c0_i32_0 = arith.constant 0 : i32
    return %arg0, %c0_i32 : i32, i32
  }
  func.func @transform_3(%arg0: i32) -> (i32, i32) {
    %c0_i32 = arith.constant 0 : i32
    %c0_i32_0 = arith.constant 0 : i32
    return %arg0, %c0_i32 : i32, i32
  }
  func.func @transform_4(%arg0: i32) -> (i32, i32) {
    %c0_i32 = arith.constant 0 : i32
    %c0_i32_0 = arith.constant 0 : i32
    return %arg0, %c0_i32 : i32, i32
  }
  func.func @transform_5(%arg0: i32) -> (i32, i32) {
    %c0_i32 = arith.constant 0 : i32
    %c0_i32_0 = arith.constant 0 : i32
    return %arg0, %c0_i32 : i32, i32
  }
  func.func @transform_6(%arg0: i32) -> (i32, i32) {
    %c0_i32 = arith.constant 0 : i32
    %c0_i32_0 = arith.constant 0 : i32
    return %arg0, %c0_i32 : i32, i32
  }
  func.func @transform_7(%arg0: i32) -> (i32, i32) {
    %c0_i32 = arith.constant 0 : i32
    %c0_i32_0 = arith.constant 0 : i32
    return %arg0, %c0_i32 : i32, i32
  }
  func.func @transform_8(%arg0: i32) -> (i32, i32) {
    %c0_i32 = arith.constant 0 : i32
    %c0_i32_0 = arith.constant 0 : i32
    %c0_i32_1 = arith.constant 0 : i32
    return %c0_i32, %c0_i32_0 : i32, i32
  }
  func.func @transform_9(%arg0: i32) -> (i32, i32) {
    %c0_i32 = arith.constant 0 : i32
    %c0_i32_0 = arith.constant 0 : i32
    %c0_i32_1 = arith.constant 0 : i32
    return %c0_i32, %c0_i32_0 : i32, i32
  }
  func.func @transform_10(%arg0: i32) -> (i32, i32) {
    %c0_i32 = arith.constant 0 : i32
    %c0_i32_0 = arith.constant 0 : i32
    %c0_i32_1 = arith.constant 0 : i32
    return %c0_i32, %c0_i32_0 : i32, i32
  }
  func.func @transform_11(%arg0: i32) -> (i32, i32) {
    %c0_i32 = arith.constant 0 : i32
    %c0_i32_0 = arith.constant 0 : i32
    return %arg0, %c0_i32 : i32, i32
  }
  func.func @transform_12(%arg0: i32) -> (i32, i32, i32) {
    %c0_i32 = arith.constant 0 : i32
    %c0_i32_0 = arith.constant 0 : i32
    %c0_i32_1 = arith.constant 0 : i32
    return %c0_i32, %arg0, %c0_i32_0 : i32, i32, i32
  }
}

module attributes {stable_mosaic.version = 14 : i64} {
  func.func @_conv1_kernel(%arg0: i32, %arg1: memref<1x1024x64xf32, #tpu.memory_space<vmem>>, %arg2: memref<1x1024x64xf32, #tpu.memory_space<vmem>>, %arg3: memref<1x1024x64xf32, #tpu.memory_space<vmem>>, %arg4: memref<1x1024x64xf32, #tpu.memory_space<vmem>>, %arg5: memref<128x128xf32, #tpu.memory_space<vmem>>, %arg6: memref<1x128xf32, #tpu.memory_space<vmem>>, %arg7: memref<1024x1xf32, #tpu.memory_space<vmem>>, %arg8: memref<1024x1xf32, #tpu.memory_space<vmem>>, %arg9: memref<1024x128xf32, #tpu.memory_space<vmem>>, %arg10: memref<128x1xf32, #tpu.memory_space<vmem>>, %arg11: memref<1024x1xf32, #tpu.memory_space<vmem>>) attributes {dimension_semantics = [#tpu.dimension_semantics<arbitrary>], iteration_bounds = array<i64: 10>, scalar_prefetch = 0 : i64, scratch_operands = 0 : i64, tpu.core_type = #tpu.core_type<tc>, window_params = [{transform_indices = @transform_0, window_bounds = array<i64: 1, 1024, 64>}, {transform_indices = @transform_1, window_bounds = array<i64: 1, 1024, 64>}, {transform_indices = @transform_2, window_bounds = array<i64: 1, 1024, 64>}, {transform_indices = @transform_3, window_bounds = array<i64: 1, 1024, 64>}, {pipeline_mode = #tpu.pipeline_mode<synchronous>, transform_indices = @transform_4, window_bounds = array<i64: 128, 128>}, {pipeline_mode = #tpu.pipeline_mode<synchronous>, transform_indices = @transform_5, window_bounds = array<i64: 1, 128>}, {transform_indices = @transform_6, window_bounds = array<i64: 1024, 1>}, {transform_indices = @transform_7, window_bounds = array<i64: 1024, 1>}, {transform_indices = @transform_8, window_bounds = array<i64: 1024, 128>}, {pipeline_mode = #tpu.pipeline_mode<synchronous>, transform_indices = @transform_9, window_bounds = array<i64: 128, 1>}, {transform_indices = @transform_10, window_bounds = array<i64: 1024, 1>}]} {
    %get3A = arith.constant 0 : index
    %get3A_0 = arith.constant 0 : index
    %get3A_1 = arith.constant 0 : index
    %get3A_2 = vector.load %arg1[%get3A, %get3A_0, %get3A_1] : memref<1x1024x64xf32, #tpu.memory_space<vmem>>, vector<1x1024x64xf32>
    %get3A_3 = vector.shape_cast %get3A_2 : vector<1x1024x64xf32> to vector<1024x64xf32>
    %get3A_4 = arith.constant 0 : index
    %get3A_5 = arith.constant 0 : index
    %get3A_6 = arith.constant 0 : index
    %get3A_7 = vector.load %arg3[%get3A_4, %get3A_5, %get3A_6] : memref<1x1024x64xf32, #tpu.memory_space<vmem>>, vector<1x1024x64xf32>
    %get3A_8 = vector.shape_cast %get3A_7 : vector<1x1024x64xf32> to vector<1024x64xf32>
    %add3A = arith.addf %get3A_3, %get3A_8 : vector<1024x64xf32>
    %get3A_9 = arith.constant 0 : index
    %get3A_10 = arith.constant 0 : index
    %get3A_11 = arith.constant 0 : index
    %get3A_12 = vector.load %arg2[%get3A_9, %get3A_10, %get3A_11] : memref<1x1024x64xf32, #tpu.memory_space<vmem>>, vector<1x1024x64xf32>
    %get3A_13 = vector.shape_cast %get3A_12 : vector<1x1024x64xf32> to vector<1024x64xf32>
    %get3A_14 = arith.constant 0 : index
    %get3A_15 = arith.constant 0 : index
    %get3A_16 = arith.constant 0 : index
    %get3A_17 = vector.load %arg4[%get3A_14, %get3A_15, %get3A_16] : memref<1x1024x64xf32, #tpu.memory_space<vmem>>, vector<1x1024x64xf32>
    %get3A_18 = vector.shape_cast %get3A_17 : vector<1x1024x64xf32> to vector<1024x64xf32>
    %add3A_19 = arith.addf %get3A_13, %get3A_18 : vector<1024x64xf32>
    %concatenate3A = tpu.concatenate %add3A, %add3A_19 in 1 : vector<1024x64xf32>, vector<1024x64xf32> -> vector<1024x128xf32>
    %get3A_20 = arith.constant 0 : index
    %get3A_21 = arith.constant 0 : index
    %get3A_22 = vector.load %arg5[%get3A_20, %get3A_21] : memref<128x128xf32, #tpu.memory_space<vmem>>, vector<128x128xf32>
    %dot_general3A = arith.constant dense<0.000000e+00> : vector<1024x128xf32>
    %dot_general3A_23 = tpu.matmul %concatenate3A, %get3A_22, %dot_general3A {dimension_numbers = #tpu.dot_dimension_numbers<[1], [0], [0], [1], [0, 0, 1, 1], [], []>, transpose_lhs_hint = false} : vector<1024x128xf32>, vector<128x128xf32>, vector<1024x128xf32> -> vector<1024x128xf32>
    %get3A_24 = arith.constant 0 : index
    %get3A_25 = arith.constant 0 : index
    %get3A_26 = vector.load %arg7[%get3A_24, %get3A_25] : memref<1024x1xf32, #tpu.memory_space<vmem>>, vector<1024x1xf32>
    %mul3A = vector.broadcast %get3A_26 : vector<1024x1xf32> to vector<1024x128xf32>
    %mul3A_27 = arith.mulf %dot_general3A_23, %mul3A : vector<1024x128xf32>
    %get3A_28 = arith.constant 0 : index
    %get3A_29 = arith.constant 0 : index
    %get3A_30 = vector.load %arg6[%get3A_28, %get3A_29] : memref<1x128xf32, #tpu.memory_space<vmem>>, vector<1x128xf32>
    %add3A_31 = vector.broadcast %get3A_30 : vector<1x128xf32> to vector<1024x128xf32>
    %add3A_32 = arith.addf %mul3A_27, %add3A_31 : vector<1024x128xf32>
    %max3A = arith.constant 0.000000e+00 : f32
    %max3A_33 = vector.broadcast %max3A : f32 to vector<1024x128xf32>
    %max3A_34 = arith.maximumf %add3A_32, %max3A_33 : vector<1024x128xf32>
    %get3A_35 = arith.constant 0 : index
    %get3A_36 = arith.constant 0 : index
    %get3A_37 = vector.load %arg9[%get3A_35, %get3A_36] : memref<1024x128xf32, #tpu.memory_space<vmem>>, vector<1024x128xf32>
    %add3A_38 = arith.addf %max3A_34, %get3A_37 : vector<1024x128xf32>
    %get3A_39 = arith.constant 0 : index
    %get3A_40 = arith.constant 0 : index
    %get3A_41 = vector.load %arg8[%get3A_39, %get3A_40] : memref<1024x1xf32, #tpu.memory_space<vmem>>, vector<1024x1xf32>
    %mul3A_42 = vector.broadcast %get3A_41 : vector<1024x1xf32> to vector<1024x128xf32>
    %mul3A_43 = arith.mulf %add3A_38, %mul3A_42 : vector<1024x128xf32>
    %get3A_44 = arith.constant 0 : index
    %get3A_45 = arith.constant 0 : index
    %get3A_46 = vector.load %arg10[%get3A_44, %get3A_45] : memref<128x1xf32, #tpu.memory_space<vmem>>, vector<128x1xf32>
    %dot_general3A_47 = arith.constant dense<0.000000e+00> : vector<1024x1xf32>
    %dot_general3A_48 = tpu.matmul %mul3A_43, %get3A_46, %dot_general3A_47 {dimension_numbers = #tpu.dot_dimension_numbers<[1], [0], [0], [1], [0, 0, 1, 1], [], []>, transpose_lhs_hint = false} : vector<1024x128xf32>, vector<128x1xf32>, vector<1024x1xf32> -> vector<1024x1xf32>
    %swap3A = arith.constant 0 : index
    %swap3A_49 = arith.constant 0 : index
    %swap3A_50 = vector.load %arg11[%swap3A, %swap3A_49] : memref<1024x1xf32, #tpu.memory_space<vmem>>, vector<1024x1xf32>
    tpu.vector_store %arg11[%swap3A, %swap3A_49], %dot_general3A_48 {strides = array<i32>} : memref<1024x1xf32, #tpu.memory_space<vmem>>, vector<1024x1xf32>,
    return
  }
  func.func @transform_0(%arg0: i32) -> (i32, i32, i32) {
    %c0_i32 = arith.constant 0 : i32
    %c0_i32_0 = arith.constant 0 : i32
    %c0_i32_1 = arith.constant 0 : i32
    return %c0_i32, %arg0, %c0_i32_0 : i32, i32, i32
  }
  func.func @transform_1(%arg0: i32) -> (i32, i32, i32) {
    %c1_i32 = arith.constant 1 : i32
    %c0_i32 = arith.constant 0 : i32
    %c0_i32_0 = arith.constant 0 : i32
    return %c1_i32, %arg0, %c0_i32 : i32, i32, i32
  }
  func.func @transform_2(%arg0: i32) -> (i32, i32, i32) {
    %c0_i32 = arith.constant 0 : i32
    %c0_i32_0 = arith.constant 0 : i32
    %c0_i32_1 = arith.constant 0 : i32
    return %c0_i32, %arg0, %c0_i32_0 : i32, i32, i32
  }
  func.func @transform_3(%arg0: i32) -> (i32, i32, i32) {
    %c1_i32 = arith.constant 1 : i32
    %c0_i32 = arith.constant 0 : i32
    %c0_i32_0 = arith.constant 0 : i32
    return %c1_i32, %arg0, %c0_i32 : i32, i32, i32
  }
  func.func @transform_4(%arg0: i32) -> (i32, i32) {
    %c0_i32 = arith.constant 0 : i32
    %c0_i32_0 = arith.constant 0 : i32
    %c0_i32_1 = arith.constant 0 : i32
    return %c0_i32, %c0_i32_0 : i32, i32
  }
  func.func @transform_5(%arg0: i32) -> (i32, i32) {
    %c0_i32 = arith.constant 0 : i32
    %c0_i32_0 = arith.constant 0 : i32
    %c0_i32_1 = arith.constant 0 : i32
    return %c0_i32, %c0_i32_0 : i32, i32
  }
  func.func @transform_6(%arg0: i32) -> (i32, i32) {
    %c0_i32 = arith.constant 0 : i32
    %c0_i32_0 = arith.constant 0 : i32
    return %arg0, %c0_i32 : i32, i32
  }
  func.func @transform_7(%arg0: i32) -> (i32, i32) {
    %c0_i32 = arith.constant 0 : i32
    %c0_i32_0 = arith.constant 0 : i32
    return %arg0, %c0_i32 : i32, i32
  }
  func.func @transform_8(%arg0: i32) -> (i32, i32) {
    %c0_i32 = arith.constant 0 : i32
    %c0_i32_0 = arith.constant 0 : i32
    return %arg0, %c0_i32 : i32, i32
  }
  func.func @transform_9(%arg0: i32) -> (i32, i32) {
    %c0_i32 = arith.constant 0 : i32
    %c0_i32_0 = arith.constant 0 : i32
    %c0_i32_1 = arith.constant 0 : i32
    return %c0_i32, %c0_i32_0 : i32, i32
  }
  func.func @transform_10(%arg0: i32) -> (i32, i32) {
    %c0_i32 = arith.constant 0 : i32
    %c0_i32_0 = arith.constant 0 : i32
    return %arg0, %c0_i32 : i32, i32
  }
}

module attributes {stable_mosaic.version = 14 : i64} {
  func.func @_out_kernel(%arg0: memref<10240x1xf32, #tpu.memory_space<vmem>>, %arg1: memref<10240x1xf32, #tpu.memory_space<vmem>>, %arg2: memref<10240x1xf32, #tpu.memory_space<vmem>>, %arg3: memref<10240x1xf32, #tpu.memory_space<vmem>>, %arg4: memref<1x1xf32, #tpu.memory_space<vmem>>, %arg5: memref<10240x1xf32, #tpu.memory_space<vmem>>) attributes {dimension_semantics = [], scalar_prefetch = 0 : i64, scratch_operands = 0 : i64, tpu.core_type = #tpu.core_type<tc>} {
    %get3A = arith.constant 0 : index
    %get3A_0 = arith.constant 0 : index
    %get3A_1 = vector.load %arg0[%get3A, %get3A_0] : memref<10240x1xf32, #tpu.memory_space<vmem>>, vector<10240x1xf32>
    %get3A_2 = arith.constant 0 : index
    %get3A_3 = arith.constant 0 : index
    %get3A_4 = vector.load %arg1[%get3A_2, %get3A_3] : memref<10240x1xf32, #tpu.memory_space<vmem>>, vector<10240x1xf32>
    %add3A = arith.addf %get3A_1, %get3A_4 : vector<10240x1xf32>
    %get3A_5 = arith.constant 0 : index
    %get3A_6 = arith.constant 0 : index
    %get3A_7 = vector.load %arg2[%get3A_5, %get3A_6] : memref<10240x1xf32, #tpu.memory_space<vmem>>, vector<10240x1xf32>
    %add3A_8 = arith.addf %add3A, %get3A_7 : vector<10240x1xf32>
    %get3A_9 = arith.constant 0 : index
    %get3A_10 = arith.constant 0 : index
    %get3A_11 = vector.load %arg3[%get3A_9, %get3A_10] : memref<10240x1xf32, #tpu.memory_space<vmem>>, vector<10240x1xf32>
    %mul3A = arith.mulf %add3A_8, %get3A_11 : vector<10240x1xf32>
    %get3A_12 = arith.constant 0 : index
    %get3A_13 = arith.constant 0 : index
    %get3A_14 = vector.load %arg4[%get3A_12, %get3A_13] : memref<1x1xf32, #tpu.memory_space<vmem>>, vector<1x1xf32>
    %add3A_15 = vector.broadcast %get3A_14 : vector<1x1xf32> to vector<10240x1xf32>
    %add3A_16 = arith.addf %mul3A, %add3A_15 : vector<10240x1xf32>
    %swap3A = arith.constant 0 : index
    %swap3A_17 = arith.constant 0 : index
    %swap3A_18 = vector.load %arg5[%swap3A, %swap3A_17] : memref<10240x1xf32, #tpu.memory_space<vmem>>, vector<10240x1xf32>
    tpu.vector_store %arg5[%swap3A, %swap3A_17], %add3A_16 {strides = array<i32>} : memref<10240x1xf32, #tpu.memory_space<vmem>>, vector<10240x1xf32>,
    return
  }
}

</mosaic_0001>

<sc_bundles>
// kernel: kernel.11.cloned.1.call-start
scs
__scs_entry_jumppad:
0x0: {  	(pc) =	sbr.rel $0x88, $3  }
0x1: {  	(tag) =	ssettag $0x0;
	lr =	simm.s32 $0x1  }
0x2: {  	[smem:$0x3F95] =	sst lr;
	_ =	strace $0xD0000000  }
0x3: {  	_ = 	snop  }
0x4: {  	_ = 	snop  }
0x5: {  	_ = 	snop  }
0x6: {  	_ = 	snop  }
0x7: {  	_ = 	snop  }
__scs_overlays_trampoline_lowered:
0x8: {  	[smem:$0x3FA4] =	sst s0  }
0x9: {  	[smem:$0x3FA5] =	sst s1  }
0xa: {  	[smem:$0x3FA6] =	sst s2  }
0xb: {  	[smem:$0x3FA7] =	sst s3  }
0xc: {  	[smem:$0x3FA8] =	sst s4  }
0xd: {  	[smem:$0x3FA9] =	sst s5  }
0xe: {  	[smem:$0x3FAA] =	sst s6  }
0xf: {  	[smem:$0x3FAB] =	sst s7  }
0x10: {  	[smem:$0x3FAC] =	sst s8  }
0x11: {  	[smem:$0x3FAD] =	sst s9;
	s0 =	simm.s32 @!p0 $0x0  }
0x12: {  	s1 =	sld [smem:$0x3F93];
	s0 =	simm.s32 @p0 $0x1  }
0x13: {  	[smem:$0x3FAE] =	sst s0;
	s0 =	simm.s32 @!p1 $0x0  }
0x14: {  	s2 =	sld [smem:$0x3F92];
	s0 =	simm.s32 @p1 $0x1  }
0x15: {  	[smem:$0x3FAF] =	sst s0;
	s0 =	simm.s32 @!p2 $0x0  }
0x16: {  	s3 =	sld [smem:$0x3FDB];
	s0 =	simm.s32 @p2 $0x1  }
0x17: {  	s4 =	simm.s32 $0x1BF5;
	[smem:$0x3FB1] =	sst s0  }
0x18: {  	s0 =	sld [smem:$0x3F94];
	_ =	swait.ge [sflag:s4], $0x0  }
0x19: {  	s7 =	sld [smem:$0x3F95]  }
0x1a: {  	s8 =	sadd.s32 $0xFFFFE003, lr  }
0x1b: {  	s9 =	sadd.s32 $0xFFFFFEF7, lr;
	s5 =	simm.s32 $0xFFFFFFFF;
	p2 =	slt.u32 s8, $0xFFFFF086  }
0x1c: {  	p1 =	slt.u32 s9, $0xF7A;
	s5 =	simm.s32 @!p2 $0x0  }
0x1d: {  	s5 =	simm.s32 @p1 $0x1;
	p0 =	seq.s32 s7, s2  }
0x1e: {  	s7 =	smul.u32 @!p0 $0xF7A, s2;
	p2 =	seq.s32 @!p0 s5, $0x0  }
0x1f: {  	s9 =	smul.u32 $0xF7A, s1;
	s8 =	simm.s32 @!p0 $0x1BF5;
	p2 =	por !p2, p0  }
0x20: {  	[sflag:s8] =	ssyncset.s32 @!p0 $0xFFFFF086;
	s6 =	sadd.s32 @!p0 s3, s7;
	s7 =	simm.s32 @!p0 $0x108  }
0x21: {  	s3 =	sadd.s32 s3, s9;
	s6 =	sadd.s32 @!p0 $0x88, s6;
	s7 =	simm.s32 @p2 $0x1082  }
0x22: {  	[simem:s7], [sflag:s8] =	dma.local @!p0 [hbm:s6], $0xF7A  }
0x23: {  	s9 =	sor.u32 $0xD0000000, s2;
	s6 =	simm.s32 $0x108;
	_ =	swait.ge @!p0 [sflag:s8], $0x0  }
0x24: {  	s3 =	sadd.s32 $0x88, s3;
	s6 =	simm.s32 @!p1 $0x1082;
	[sflag:s4] =	ssyncset.s32 $0xFFFFF086  }
0x25: {  	[simem:s6], [sflag:s4] =	dma.local [hbm:s3], $0xF7A  }
0x26: {  	[smem:$0x3F95] =	sst s1;
	(tag) =	ssettag s2;
	_ =	strace s9  }
0x27: {  	s1 =	sld [smem:$0x3FA5]  }
0x28: {  	s2 =	sld [smem:$0x3FA6]  }
0x29: {  	s4 =	sld [smem:$0x3FA8]  }
0x2a: {  	p0 =	seq.s32 s5, $0x0;
	s5 =	sld [smem:$0x3FA9]  }
0x2b: {  	s6 =	sld [smem:$0x3FAA]  }
0x2c: {  	s7 =	sld [smem:$0x3FAB]  }
0x2d: {  	s3 =	simm.s32 $0x108;
	s8 =	sld [smem:$0x3FAC]  }
0x2e: {  	s3 =	simm.s32 @!p0 $0x1082;
	s9 =	sld [smem:$0x3FAD]  }
0x2f: {  	lr =	sadd.s32 s0, s3;
	s0 =	sld [smem:$0x3FA4]  }
0x30: {  	s3 =	sld [smem:$0x3FA7]  }
0x31: {  	[smem:$0x3FB0] =	sst s10  }
0x32: {  	s10 =	sld [smem:$0x3FAE];
	_ =	sdelay $0x3  }
0x33: {  	p0 =	seq.s32 s10, $0x1;
	s10 =	sld [smem:$0x3FB0];
	_ =	sdelay $0x3  }
0x34: {  	[smem:$0x3FB0] =	sst s10  }
0x35: {  	s10 =	sld [smem:$0x3FAF];
	_ =	sdelay $0x3  }
0x36: {  	p1 =	seq.s32 s10, $0x1;
	s10 =	sld [smem:$0x3FB0];
	_ =	sdelay $0x3  }
0x37: {  	[smem:$0x3FB0] =	sst s10  }
0x38: {  	s10 =	sld [smem:$0x3FB1]  }
0x39: {  	_ = 	snop;
	(pc) =	sbr.ind lr, $3  }
0x3a: {  	_ = 	snop  }
0x3b: {  	_ = 	snop  }
0x3c: {  	p2 =	seq.s32 s10, $0x1;
	s10 =	sld [smem:$0x3FB0]  }
0x3d: {  	_ =	shalt  }
0x3e: {  	_ =	shalt  }
0x3f: {  	_ =	shalt  }
0x40: {  	_ =	shalt  }
0x41: {  	_ =	shalt  }
0x42: {  	_ =	shalt  }
0x43: {  	_ =	shalt  }
0x44: {  	_ =	shalt  }
0x45: {  	_ =	shalt  }
0x46: {  	_ =	shalt  }
0x47: {  	_ =	shalt  }
0x48: {  	_ =	shalt  }
0x49: {  	_ =	shalt  }
0x4a: {  	_ =	shalt  }
0x4b: {  	_ =	shalt  }
0x4c: {  	_ =	shalt  }
0x4d: {  	_ =	shalt  }
0x4e: {  	_ =	shalt  }
0x4f: {  	_ =	shalt  }
0x50: {  	_ =	shalt  }
0x51: {  	_ =	shalt  }
0x52: {  	_ =	shalt  }
0x53: {  	_ =	shalt  }
0x54: {  	_ =	shalt  }
0x55: {  	_ =	shalt  }
0x56: {  	_ =	shalt  }
0x57: {  	_ =	shalt  }
0x58: {  	_ =	shalt  }
0x59: {  	_ =	shalt  }
0x5a: {  	_ =	shalt  }
0x5b: {  	_ =	shalt  }
0x5c: {  	_ =	shalt  }
0x5d: {  	_ =	shalt  }
0x5e: {  	_ =	shalt  }
0x5f: {  	_ =	shalt  }
0x60: {  	_ =	shalt  }
0x61: {  	_ =	shalt  }
0x62: {  	_ =	shalt  }
0x63: {  	_ =	shalt  }
0x64: {  	_ =	shalt  }
0x65: {  	_ =	shalt  }
0x66: {  	_ =	shalt  }
0x67: {  	_ =	shalt  }
0x68: {  	_ =	shalt  }
0x69: {  	_ =	shalt  }
0x6a: {  	_ =	shalt  }
0x6b: {  	_ =	shalt  }
0x6c: {  	_ =	shalt  }
0x6d: {  	_ =	shalt  }
0x6e: {  	_ =	shalt  }
0x6f: {  	_ =	shalt  }
0x70: {  	_ =	shalt  }
0x71: {  	_ =	shalt  }
0x72: {  	_ =	shalt  }
0x73: {  	_ =	shalt  }
0x74: {  	_ =	shalt  }
0x75: {  	_ =	shalt  }
0x76: {  	_ =	shalt  }
0x77: {  	_ =	shalt  }
0x78: {  	_ =	shalt  }
0x79: {  	_ =	shalt  }
0x7a: {  	_ =	shalt  }
0x7b: {  	_ =	shalt  }
0x7c: {  	_ =	shalt  }
0x7d: {  	_ =	shalt  }
0x7e: {  	_ =	shalt  }
0x7f: {  	_ =	shalt  }
0x80: {  	_ =	shalt  }
0x81: {  	_ =	shalt  }
0x82: {  	_ =	shalt  }
0x83: {  	_ =	shalt  }
0x84: {  	_ =	shalt  }
0x85: {  	_ =	shalt  }
0x86: {  	_ =	shalt  }
0x87: {  	_ =	shalt  }
.Lfunc_end0:
.L_simem_size_0:
called_computation_lowered:
.L_overlay_start_0:
0x88: {  	s2 =	sld [smem:$0x3FD9]  }
0x89: {  	s3 =	sld [smem:$0x3FFE];
	_ =	sdelay $0x1  }
0x8a: {  	s1 =	srdreg.scid  }
0x8b: {  	s0 =	sand.u32 $0x1, s1  }
0x8c: {  	s16 =	sshll.u32 s0, $0xA;
	s2 =	sadd.s32 s3, s2  }
0x8d: {  	s2 =	sadd.s32 s2, s16  }
0x8e: {  	[smem:$0x3FBC] =	sst s2  }
0x8f: {  	_ = 	snop  }
0x90: {  	(tm) =	ssettm $0x1  }
0x91: {  	s17 =	sld [smem:$0x3FFB];
	_ =	sdelay $0x3  }
0x92: {  	_ =	strace s17  }
0x93: {  	s2 =	sld [smem:$0x3FFC];
	_ =	sdelay $0x3  }
0x94: {  	_ =	strace s2  }
0x95: {  	s2 =	sld [smem:$0x3FFD];
	_ =	sdelay $0x3  }
0x96: {  	_ =	strace s2  }
0x97: {  	_ =	strace $0x8FFFFFFF  }
0x98: {  	s18 =	sld [smem:$0x3FDB];
	_ =	sdelay $0x1  }
0x99: {  	s19 =	simm.s32 $_scs_section_size  }
0x9a: {  	s4 =	simm.s32 $_size__tile_overlayer_lowered;
	s5 =	simm.s32 $_tile_overlayer_lowered  }
0x9b: {  	s22 =	simm.s32 $0x1BFF;
	s21 =	sshll.u32 s5, $0x1;
	s2 =	sadd.s32 s19, s18  }
0x9c: {  	s6 =	simm.s32 $0x0;
	s20 =	sshll.u32 s4, $0x1;
	s4 =	sadd.s32 s21, s2  }
0x9d: {  	[timem:s6], [sflag:s22] =	dma.local [hbm:s4], s20  }
0x9e: {  	_ =	swait.ge [sflag:s22], s20  }
0x9f: {  	s3 =	ssub.s32 $0x0, s20;
	[sflag:s22] =	ssyncset.done $0x0  }
0xa0: {  	[sflag:s22] =	ssyncadd.s32 s3;
	_ =	sdelay $0x1  }
0xa1: {  	s23 =	simm.s32 $0x1B8B  }
0xa2: {  	_ =	swait.ge [sflag:s23], $0x1  }
0xa3: {  	[sflag:s23] =	ssyncset.done $0x0  }
0xa4: {  	s25 =	simm.s32 $0x1B8E;
	s24 =	sld [smem:$0x3FFE];
	[sflag:s23] =	ssyncadd.s32 $0xFFFFFFFF  }
0xa5: {  	s26 =	simm.s32 $execute0_lowered;
	[smem:$0x3FD2] =	sst s25  }
0xa6: {  	s4 =	sshll.u32 s26, $0x1;
	_ =	strace $0x80000046;
	[dreg:$0x1] =	wrdreg $0xFFFFFFFF  }
0xa7: {  	s28 =	simm.s32 $_size_execute0_lowered;
	s2 =	sadd.s32 s2, s4;
	[dreg:$0x0] =	wrdreg $0x0  }
0xa8: {  	s4 =	sshll.u32 s28, $0x1;
	[dreg:$0x2] =	wrdreg s2  }
0xa9: {  	[dreg:$0x3] =	wrdreg s4  }
0xaa: {  	[dreg:$0x4] =	wrdreg $0xC0  }
0xab: {  	_ =	task [dreg:s6], $0x5FFFF  }
0xac: {  	[dreg:$0x1] =	wrdreg $0xFFFFFFFF  }
0xad: {  	[dreg:$0x0] =	wrdreg $0x60  }
0xae: {  	[dreg:$0x2] =	wrdreg s24  }
0xaf: {  	[dreg:$0x3] =	wrdreg $0xCA800  }
0xb0: {  	[dreg:$0x4] =	wrdreg $0xF2800  }
0xb1: {  	[dreg:$0x5] =	wrdreg $0x9  }
0xb2: {  	_ =	task.clear_ibuf [dreg:s6], $0x6FFFF;
	_ =	strace $0x90000046  }
0xb3: {  	s29 =	simm.s32 $0x9;
	_ =	strace $0x80000048  }
0xb4: {  	_ =	swait.ge [sflag:s29], $0x1  }
0xb5: {  	[sflag:s29] =	ssyncadd.s32 $0xFFFFFFFF  }
0xb6: {  	_ =	strace $0x90000048  }
0xb7: {  	_ =	sfence  }
0xb8: {  	s30 =	sld [smem:$0x0];
	_ =	sdelay $0x2  }
0xb9: {  	s31 =	sshll.u32 s1, $0xD;
	s1 =	sshrl.u32 s1, $0x2  }
0xba: {  	s3 =	sand.u32 $0x4000, s31;
	s1 =	sadd.s32 s1, s30  }
0xbb: {  	s0 =	sor.u32 s3, s0;
	s1 =	sshll.u32 s1, $0x11  }
0xbc: {  	s0 =	sor.u32 s1, s0  }
0xbd: {  	s0 =	sadd.s32 $0x8F2B, s0  }
0xbe: {  	[sflag:s0] =	ssyncadd.remote.s32 $0x1  }
0xbf: {  	_ =	sfence.sel $0xFFFF  }
0xc0: {  	[dreg:$0x0] =	wrdreg $0xFFFFFFFF;
	(pc) =	sbr.abs _section_cstart, $3  }
0xc1: {  	[dreg:$0x1] =	wrdreg $0xFFFFFFFF  }
0xc2: {  	_ =	task.clear_ibuf [dreg:s6], $0x2FFFF;
	_ =	strace $0x9FFFFFFF  }
0xc3: {  	(tm) =	ssettm $0x7FFFFFFF  }
tec
execute0_lowered:
.L_overlay_start_1:
0x0: {  	(tag) =	ssettag $0x1  }
0x1: {  	s3 =	rddreg [dreg:$0x0]  }
0x2: {  	s0 =	srdreg.scid;
	s7 =	rddreg [dreg:$0x1]  }
0x3: {  	s9 =	rddreg [dreg:$0x2];
	s1 =	stileid.u32;
	s13 =	simm.s32 $0x2800  }
0x4: {  	s14 =	simm.s32 $0x5000;
	s15 =	simm.s32 $0x7800;
	s16 =	simm.s32 $0x80  }
0x5: {  	s17 =	simm.s32 $0x400;
	s18 =	simm.s32 $0x1400;
	s19 =	simm.s32 $0x14000  }
0x6: {  	s20 =	simm.s32 $0xA000;
	s21 =	simm.s32 $0x100;
	s22 =	simm.s32 $0xC800  }
0x7: {  	s4 =	sand.u32 $0x1, s0;
	s0 =	rddreg [dreg:$0x3];
	s6 =	smul.u32 $0x500, s1  }
0x8: {  	s26 =	sshrl.u32 s1, $0x3;
	s30 =	sshll.u32 s1, $0x7;
	s12 =	smul.u32 $0x1400, s1  }
0x9: {  	s2 =	sshll.u32 s4, $0x4;
	s8 =	sshll.u32 s4, $0x7;
	s25 =	ssub.s32 $0x2, s4  }
0xa: {  	s29 =	smul.u32 $0x14000, s26;
	s31 =	sand.u32 $0x380, s30;
	s5 =	sor.u32 s1, s2  }
0xb: {  	s2 =	simm.s32 $0x0;
	s6 =	sor.u32 s8, s6;
	s28 =	sshrl.u32 s25, $0x1  }
0xc: {  	s5 =	smul.u32 $0x500, s5;
	[smem:$0x7FF] =	sst s2;
	s6 =	sshrl.u32 s6, $0x3  }
0xd: {  	s11 =	ssub.s32 s25, s28;
	_ =	strace $0x80000047;
	s10 =	sadd.s32 s6, s3  }
0xe: {  	s6 =	sor.u32 s31, s29;
	s11 =	smax.u32 s11, $0x1;
	s5 =	sadd.s32 s5, s3  }
0xf: {  	s8 =	sadd.s32 $0x2C000, s10;
	s10 =	sadd.s32 $0x2CA00, s10;
	s3 =	sadd.s32 $0x22000, s5  }
0x10: {  	s4 =	sadd.s32 $0x18000, s5;
	s5 =	sadd.s32 s6, s7;
	s6 =	sadd.s32 s6, s9  }
0x11: {  	v0 =	vimm.f32 $0.0e+00;
	v1 =	vimm.f32 $1.000000000e+00;
	s7 =	sadd.s32 s12, s7;
	s9 =	sadd.s32 s12, s9;
	s12 =	simm.s32 $0x1  }
.LBB2_1:
0x12: {  	s23 =	simm.s32 $0x0  }
.LBB2_2:
0x13: {  	p0 =	sne.s32 s23, $0x9FC0  }
.Ltmp0:
0x14: {  	_ = 	snop;
	(pc) =	sbr.rel @p0 .LBB2_2-.Ltmp0, $3  }
0x15: {  	_ =	sdelay $0x1  }
0x16: {  	s24 =	sshra.s32 s23, $0x2  }
0x17: {  	s23 =	sadd.s32 $0x40, s23;
	[tilespmem:s24+$0x5000] =	vst v0  }
0x18: {  	s23 =	simm.s32 $0x40;
	s24 =	simm.s32 $0x0  }
.LBB2_4:
0x19: {  	p0 =	sne.s32 s23, $0x9FC0;
	[tilespmem:s24+$0x7800] =	vst v0;
	s24 =	smov.u32 s23;
	s23 =	sadd.s32 $0x40, s23  }
.Ltmp1:
0x1a: {  	(pc) =	sbr.rel @p0 .LBB2_4-.Ltmp1, $2  }
0x1b: {  	_ =	sdelay $0x2  }
0x1c: {  	s24 =	sshra.s32 s24, $0x2  }
0x1d: {  	[tilespmem:s24+$0x7800] =	vst v0;
	s23 =	simm.s32 $0x0  }
0x1e: {  	[tilespmem:s23], [sflag:$0x1] =	stream.linear.gather [hbm4b:s3+s23], $0x2800, $0x38;
	[tilespmem:$0x11A80] =	vst v63  }
0x1f: {  	_ =	swait.ge [sflag:s12], $0x2800  }
0x20: {  	[sflag:s12] =	ssyncset.done $0x0  }
0x21: {  	[sflag:s12] =	ssyncadd.s32 $0xFFFFD800  }
0x22: {  	[tilespmem:s13], [sflag:$0x1] =	stream.linear.gather [hbm4b:s4+s23], $0x2800, $0x38;
	[tilespmem:$0x11A80] =	vst v63  }
0x23: {  	_ =	swait.ge [sflag:s12], $0x2800  }
0x24: {  	[sflag:s12] =	ssyncset.done $0x0  }
0x25: {  	s24 =	simm.s32 $0x0;
	[sflag:s12] =	ssyncadd.s32 $0xFFFFD800  }
0x26: {  	s23 =	simm.s32 $0x40;
	v2 =	vld [tilespmem:s24+$0x0]  }
.LBB2_6:
0x27: {  	p0 =	sne.s32 s23, $0x9FC0;
	v3 =	vld [tilespmem:s24+$0x2800];
	_ =	sdelay $0x4  }
.Ltmp2:
0x28: {  	(pc) =	sbr.rel @p0 .LBB2_6-.Ltmp2, $4  }
0x29: {  	_ = 	snop  }
0x2a: {  	[tilespmem:v2+s14+$0x0] =	vst.idx.add.f32.msk $0xffff, v1  }
0x2b: {  	s24 =	sshra.s32 s23, $0x2;
	[tilespmem:v3+s15+$0x0] =	vst.idx.add.f32.msk $0xffff, v1  }
0x2c: {  	s23 =	sadd.s32 $0x40, s23;
	v2 =	vld [tilespmem:s24+$0x0]  }
0x2d: {  	_ = 	snop  }
0x2e: {  	v3 =	vld [tilespmem:s24+$0x2800];
	_ =	sdelay $0x6  }
0x2f: {  	[tilespmem:v2+s14+$0x0] =	vst.idx.add.f32.msk $0xffff, v1  }
0x30: {  	[tilespmem:v3+s15+$0x0] =	vst.idx.add.f32.msk $0xffff, v1  }
0x31: {  	[spmem:s5] =	stream.strided.scatter [tilespmem:s14], [sflag:$0x1], $0x2800, s17, s16, $0x38;
	[tilespmem:$0x11A80] =	vst v63  }
0x32: {  	_ =	swait.ge [sflag:s12], $0x2800  }
0x33: {  	[sflag:s12] =	ssyncset.done $0x0  }
0x34: {  	[sflag:s12] =	ssyncadd.s32 $0xFFFFD800  }
0x35: {  	[spmem:s6] =	stream.strided.scatter [tilespmem:s15], [sflag:$0x1], $0x2800, s17, s16, $0x38;
	[tilespmem:$0x11A80] =	vst v63  }
0x36: {  	_ =	swait.ge [sflag:s12], $0x2800  }
0x37: {  	[sflag:s12] =	ssyncset.done $0x0  }
0x38: {  	[sflag:s12] =	ssyncadd.s32 $0xFFFFD800  }
0x39: {  	[bflag:$0x0] =	sbarrier.arrive $0xFFFF  }
0x3a: {  	[tilespmem:s20], [sflag:$0x1] =	stream.strided.gather [spmem:s7], $0x2800, s19, s18, $0x38;
	[tilespmem:$0x11A80] =	vst v63  }
0x3b: {  	s23 =	simm.s32 $0x0;
	_ =	swait.ge [sflag:s12], $0x2800  }
0x3c: {  	s30 =	sand.u32 $0x70, s23;
	s23 =	sand.u32 $0x1C00, s23;
	[sflag:s12] =	ssyncset.done $0x0  }
0x3d: {  	s23 =	sor.u32 s30, s23;
	[sflag:s12] =	ssyncadd.s32 $0xFFFFD800  }
0x3e: {  	v2 =	vld [tilespmem:s23+$0xA080]  }
0x3f: {  	v3 =	vld [tilespmem:s23+$0xA000];
	_ =	sdelay $0x1  }
0x40: {  	v4 =	vld [tilespmem:s23+$0xA100];
	_ =	sdelay $0x1  }
0x41: {  	v5 =	vld [tilespmem:s23+$0xA180]  }
0x42: {  	v2 =	vadd.f32 v2, v3  }
0x43: {  	v3 =	vld [tilespmem:s23+$0xA200]  }
0x44: {  	v2 =	vadd.f32 v4, v2  }
0x45: {  	v56 =	vld [tilespmem:s23+$0xA280]  }
0x46: {  	v2 =	vadd.f32 v5, v2  }
0x47: {  	v57 =	vld [tilespmem:s23+$0xA300]  }
0x48: {  	v2 =	vadd.f32 v3, v2  }
0x49: {  	v3 =	vld [tilespmem:s23+$0xA380]  }
0x4a: {  	v2 =	vadd.f32 v56, v2  }
0x4b: {  	v58 =	vld [tilespmem:s23+$0xB400]  }
0x4c: {  	v2 =	vadd.f32 v57, v2  }
0x4d: {  	v59 =	vld [tilespmem:s23+$0xB480]  }
0x4e: {  	v2 =	vadd.f32 v3, v2  }
0x4f: {  	v3 =	vld [tilespmem:s23+$0xB500]  }
0x50: {  	v2 =	vadd.f32 v58, v2  }
0x51: {  	v60 =	vld [tilespmem:s23+$0xB580]  }
0x52: {  	v2 =	vadd.f32 v59, v2  }
0x53: {  	v61 =	vld [tilespmem:s23+$0xB600]  }
0x54: {  	v2 =	vadd.f32 v3, v2  }
0x55: {  	v3 =	vld [tilespmem:s23+$0xB680]  }
0x56: {  	v2 =	vadd.f32 v60, v2  }
0x57: {  	v62 =	vld [tilespmem:s23+$0xB700]  }
0x58: {  	v2 =	vadd.f32 v61, v2  }
0x59: {  	v63 =	vld [tilespmem:s23+$0xB780]  }
0x5a: {  	v2 =	vadd.f32 v3, v2;
	_ =	sdelay $0x1  }
0x5b: {  	v2 =	vadd.f32 v62, v2;
	_ =	sdelay $0x1  }
0x5c: {  	s31 =	simm.s32 $0x10;
	s25 =	simm.s32 $0x80;
	v2 =	vadd.f32 v63, v2  }
0x5d: {  	s24 =	sand.u32 $0x70, s31;
	s26 =	sand.u32 $0x1C00, s25;
	s23 =	simm.s32 $0xC800  }
0x5e: {  	s24 =	sor.u32 s24, s26;
	s26 =	simm.s32 $0x20;
	[tilespmem:s23+$0x0] =	vst v2  }
.LBB2_8:
0x5f: {  	p0 =	sne.s32 s26, $0x270;
	v2 =	vld [tilespmem:s24+$0xA080]  }
0x60: {  	v3 =	vld [tilespmem:s24+$0xA000];
	_ =	sdelay $0x1  }
0x61: {  	v4 =	vld [tilespmem:s24+$0xA100];
	_ =	sdelay $0x1  }
0x62: {  	v5 =	vld [tilespmem:s24+$0xA180]  }
0x63: {  	v2 =	vadd.f32 v2, v3  }
0x64: {  	v3 =	vld [tilespmem:s24+$0xA200]  }
0x65: {  	v2 =	vadd.f32 v4, v2  }
0x66: {  	v4 =	vld [tilespmem:s24+$0xA280]  }
0x67: {  	v2 =	vadd.f32 v5, v2  }
0x68: {  	v5 =	vld [tilespmem:s24+$0xA300]  }
0x69: {  	v2 =	vadd.f32 v3, v2  }
0x6a: {  	v3 =	vld [tilespmem:s24+$0xA380]  }
0x6b: {  	v2 =	vadd.f32 v4, v2  }
0x6c: {  	v4 =	vld [tilespmem:s24+$0xB400]  }
0x6d: {  	v2 =	vadd.f32 v5, v2  }
0x6e: {  	v5 =	vld [tilespmem:s24+$0xB480]  }
0x6f: {  	v2 =	vadd.f32 v3, v2  }
0x70: {  	v3 =	vld [tilespmem:s24+$0xB500]  }
0x71: {  	v2 =	vadd.f32 v4, v2  }
0x72: {  	v4 =	vld [tilespmem:s24+$0xB580]  }
0x73: {  	v2 =	vadd.f32 v5, v2  }
0x74: {  	v5 =	vld [tilespmem:s24+$0xB600]  }
0x75: {  	v2 =	vadd.f32 v3, v2  }
0x76: {  	v3 =	vld [tilespmem:s24+$0xB680]  }
0x77: {  	v2 =	vadd.f32 v4, v2  }
0x78: {  	v4 =	vld [tilespmem:s24+$0xB700]  }
0x79: {  	v2 =	vadd.f32 v5, v2  }
0x7a: {  	v5 =	vld [tilespmem:s24+$0xB780]  }
0x7b: {  	v2 =	vadd.f32 v3, v2;
	_ =	sdelay $0x1  }
.Ltmp3:
0x7c: {  	v2 =	vadd.f32 v4, v2;
	(pc) =	sbr.rel @p0 .LBB2_8-.Ltmp3, $4  }
0x7d: {  	_ = 	snop  }
0x7e: {  	s25 =	sadd.s32 $0x80, s25;
	v2 =	vadd.f32 v5, v2  }
0x7f: {  	s23 =	sadd.s32 $0x10, s23;
	s28 =	sand.u32 $0x1C00, s25;
	s24 =	sand.u32 $0x70, s26  }
0x80: {  	s26 =	sadd.s32 $0x10, s26;
	s24 =	sor.u32 s24, s28;
	[tilespmem:s23+$0x0] =	vst v2  }
0x81: {  	v2 =	vld [tilespmem:s24+$0xA080]  }
0x82: {  	v3 =	vld [tilespmem:s24+$0xA000];
	_ =	sdelay $0x1  }
0x83: {  	v4 =	vld [tilespmem:s24+$0xA100];
	_ =	sdelay $0x1  }
0x84: {  	v5 =	vld [tilespmem:s24+$0xA180]  }
0x85: {  	v2 =	vadd.f32 v2, v3  }
0x86: {  	v3 =	vld [tilespmem:s24+$0xA200]  }
0x87: {  	v2 =	vadd.f32 v4, v2  }
0x88: {  	v46 =	vld [tilespmem:s24+$0xA280]  }
0x89: {  	v2 =	vadd.f32 v5, v2  }
0x8a: {  	v47 =	vld [tilespmem:s24+$0xA300]  }
0x8b: {  	v2 =	vadd.f32 v3, v2  }
0x8c: {  	v3 =	vld [tilespmem:s24+$0xA380]  }
0x8d: {  	v2 =	vadd.f32 v46, v2  }
0x8e: {  	v48 =	vld [tilespmem:s24+$0xB400]  }
0x8f: {  	v2 =	vadd.f32 v47, v2  }
0x90: {  	v49 =	vld [tilespmem:s24+$0xB480]  }
0x91: {  	v2 =	vadd.f32 v3, v2  }
0x92: {  	v3 =	vld [tilespmem:s24+$0xB500]  }
0x93: {  	v2 =	vadd.f32 v48, v2  }
0x94: {  	v50 =	vld [tilespmem:s24+$0xB580]  }
0x95: {  	v2 =	vadd.f32 v49, v2  }
0x96: {  	v51 =	vld [tilespmem:s24+$0xB600]  }
0x97: {  	v2 =	vadd.f32 v3, v2  }
0x98: {  	v3 =	vld [tilespmem:s24+$0xB680]  }
0x99: {  	v2 =	vadd.f32 v50, v2  }
0x9a: {  	v52 =	vld [tilespmem:s24+$0xB700]  }
0x9b: {  	v2 =	vadd.f32 v51, v2  }
0x9c: {  	v53 =	vld [tilespmem:s24+$0xB780]  }
0x9d: {  	v2 =	vadd.f32 v3, v2;
	_ =	sdelay $0x1  }
0x9e: {  	v2 =	vadd.f32 v52, v2;
	_ =	sdelay $0x1  }
0x9f: {  	v2 =	vadd.f32 v53, v2  }
0xa0: {  	s23 =	sadd.s32 $0x10, s23  }
0xa1: {  	[tilespmem:s23+$0x0] =	vst v2;
	s23 =	simm.s32 $0xC800  }
0xa2: {  	[hbm4b:s8+s16] =	stream.strided.scatter [tilespmem:s23], [sflag:$0x1], $0x280, s21, s16, $0x38;
	[tilespmem:$0x11A80] =	vst v63  }
0xa3: {  	_ =	swait.ge [sflag:s12], $0x280  }
0xa4: {  	[sflag:s12] =	ssyncset.done $0x0  }
0xa5: {  	[sflag:s12] =	ssyncadd.s32 $0xFFFFFD80  }
0xa6: {  	[tilespmem:s20], [sflag:$0x1] =	stream.strided.gather [spmem:s9], $0x2800, s19, s18, $0x38;
	[tilespmem:$0x11A80] =	vst v63  }
0xa7: {  	s30 =	simm.s32 $0x0;
	_ =	swait.ge [sflag:s12], $0x2800  }
0xa8: {  	s25 =	sand.u32 $0x70, s30;
	s24 =	sand.u32 $0x1C00, s30;
	[sflag:s12] =	ssyncset.done $0x0  }
0xa9: {  	s24 =	sor.u32 s25, s24;
	[sflag:s12] =	ssyncadd.s32 $0xFFFFD800  }
0xaa: {  	v2 =	vld [tilespmem:s24+$0xA080]  }
0xab: {  	v3 =	vld [tilespmem:s24+$0xA000];
	_ =	sdelay $0x1  }
0xac: {  	v54 =	vld [tilespmem:s24+$0xA100];
	_ =	sdelay $0x1  }
0xad: {  	v55 =	vld [tilespmem:s24+$0xA180]  }
0xae: {  	v2 =	vadd.f32 v2, v3  }
0xaf: {  	v3 =	vld [tilespmem:s24+$0xA200]  }
0xb0: {  	v2 =	vadd.f32 v54, v2  }
0xb1: {  	v56 =	vld [tilespmem:s24+$0xA280]  }
0xb2: {  	v2 =	vadd.f32 v55, v2  }
0xb3: {  	v57 =	vld [tilespmem:s24+$0xA300]  }
0xb4: {  	v2 =	vadd.f32 v3, v2  }
0xb5: {  	v3 =	vld [tilespmem:s24+$0xA380]  }
0xb6: {  	v2 =	vadd.f32 v56, v2  }
0xb7: {  	v58 =	vld [tilespmem:s24+$0xB400]  }
0xb8: {  	v2 =	vadd.f32 v57, v2  }
0xb9: {  	v59 =	vld [tilespmem:s24+$0xB480]  }
0xba: {  	v2 =	vadd.f32 v3, v2  }
0xbb: {  	v3 =	vld [tilespmem:s24+$0xB500]  }
0xbc: {  	v2 =	vadd.f32 v58, v2  }
0xbd: {  	v60 =	vld [tilespmem:s24+$0xB580]  }
0xbe: {  	v2 =	vadd.f32 v59, v2  }
0xbf: {  	v61 =	vld [tilespmem:s24+$0xB600]  }
0xc0: {  	v2 =	vadd.f32 v3, v2  }
0xc1: {  	v3 =	vld [tilespmem:s24+$0xB680]  }
0xc2: {  	v2 =	vadd.f32 v60, v2  }
0xc3: {  	v62 =	vld [tilespmem:s24+$0xB700]  }
0xc4: {  	v2 =	vadd.f32 v61, v2  }
0xc5: {  	v63 =	vld [tilespmem:s24+$0xB780]  }
0xc6: {  	v2 =	vadd.f32 v3, v2;
	_ =	sdelay $0x1  }
0xc7: {  	v2 =	vadd.f32 v62, v2;
	_ =	sdelay $0x1  }
0xc8: {  	s31 =	simm.s32 $0x10;
	s25 =	simm.s32 $0x80;
	v2 =	vadd.f32 v63, v2  }
0xc9: {  	s26 =	sand.u32 $0x1C00, s25;
	s24 =	sand.u32 $0x70, s31  }
0xca: {  	s24 =	sor.u32 s24, s26;
	s26 =	simm.s32 $0x20;
	[tilespmem:s23+$0x0] =	vst v2  }
.LBB2_10:
0xcb: {  	p0 =	sne.s32 s26, $0x270;
	v2 =	vld [tilespmem:s24+$0xA080]  }
0xcc: {  	v3 =	vld [tilespmem:s24+$0xA000];
	_ =	sdelay $0x1  }
0xcd: {  	v4 =	vld [tilespmem:s24+$0xA100];
	_ =	sdelay $0x1  }
0xce: {  	v5 =	vld [tilespmem:s24+$0xA180]  }
0xcf: {  	v2 =	vadd.f32 v2, v3  }
0xd0: {  	v3 =	vld [tilespmem:s24+$0xA200]  }
0xd1: {  	v2 =	vadd.f32 v4, v2  }
0xd2: {  	v4 =	vld [tilespmem:s24+$0xA280]  }
0xd3: {  	v2 =	vadd.f32 v5, v2  }
0xd4: {  	v5 =	vld [tilespmem:s24+$0xA300]  }
0xd5: {  	v2 =	vadd.f32 v3, v2  }
0xd6: {  	v3 =	vld [tilespmem:s24+$0xA380]  }
0xd7: {  	v2 =	vadd.f32 v4, v2  }
0xd8: {  	v4 =	vld [tilespmem:s24+$0xB400]  }
0xd9: {  	v2 =	vadd.f32 v5, v2  }
0xda: {  	v5 =	vld [tilespmem:s24+$0xB480]  }
0xdb: {  	v2 =	vadd.f32 v3, v2  }
0xdc: {  	v3 =	vld [tilespmem:s24+$0xB500]  }
0xdd: {  	v2 =	vadd.f32 v4, v2  }
0xde: {  	v4 =	vld [tilespmem:s24+$0xB580]  }
0xdf: {  	v2 =	vadd.f32 v5, v2  }
0xe0: {  	v5 =	vld [tilespmem:s24+$0xB600]  }
0xe1: {  	v2 =	vadd.f32 v3, v2  }
0xe2: {  	v3 =	vld [tilespmem:s24+$0xB680]  }
0xe3: {  	v2 =	vadd.f32 v4, v2  }
0xe4: {  	v4 =	vld [tilespmem:s24+$0xB700]  }
0xe5: {  	v2 =	vadd.f32 v5, v2  }
0xe6: {  	v5 =	vld [tilespmem:s24+$0xB780]  }
0xe7: {  	v2 =	vadd.f32 v3, v2;
	_ =	sdelay $0x1  }
.Ltmp4:
0xe8: {  	v2 =	vadd.f32 v4, v2;
	(pc) =	sbr.rel @p0 .LBB2_10-.Ltmp4, $4  }
0xe9: {  	_ = 	snop  }
0xea: {  	s25 =	sadd.s32 $0x80, s25;
	v2 =	vadd.f32 v5, v2  }
0xeb: {  	s23 =	sadd.s32 $0x10, s23;
	s28 =	sand.u32 $0x1C00, s25;
	s24 =	sand.u32 $0x70, s26  }
0xec: {  	s26 =	sadd.s32 $0x10, s26;
	s24 =	sor.u32 s24, s28;
	[tilespmem:s23+$0x0] =	vst v2  }
0xed: {  	v2 =	vld [tilespmem:s24+$0xA080]  }
0xee: {  	v3 =	vld [tilespmem:s24+$0xA000];
	_ =	sdelay $0x1  }
0xef: {  	v4 =	vld [tilespmem:s24+$0xA100];
	_ =	sdelay $0x1  }
0xf0: {  	v5 =	vld [tilespmem:s24+$0xA180]  }
0xf1: {  	v2 =	vadd.f32 v2, v3  }
0xf2: {  	v3 =	vld [tilespmem:s24+$0xA200]  }
0xf3: {  	v2 =	vadd.f32 v4, v2  }
0xf4: {  	v56 =	vld [tilespmem:s24+$0xA280]  }
0xf5: {  	v2 =	vadd.f32 v5, v2  }
0xf6: {  	v57 =	vld [tilespmem:s24+$0xA300]  }
0xf7: {  	v2 =	vadd.f32 v3, v2  }
0xf8: {  	v3 =	vld [tilespmem:s24+$0xA380]  }
0xf9: {  	v2 =	vadd.f32 v56, v2  }
0xfa: {  	v58 =	vld [tilespmem:s24+$0xB400]  }
0xfb: {  	v2 =	vadd.f32 v57, v2  }
0xfc: {  	v59 =	vld [tilespmem:s24+$0xB480]  }
0xfd: {  	v2 =	vadd.f32 v3, v2  }
0xfe: {  	v3 =	vld [tilespmem:s24+$0xB500]  }
0xff: {  	v2 =	vadd.f32 v58, v2  }
0x100: {  	v60 =	vld [tilespmem:s24+$0xB580]  }
0x101: {  	v2 =	vadd.f32 v59, v2  }
0x102: {  	v61 =	vld [tilespmem:s24+$0xB600]  }
0x103: {  	v2 =	vadd.f32 v3, v2  }
0x104: {  	v3 =	vld [tilespmem:s24+$0xB680]  }
0x105: {  	v2 =	vadd.f32 v60, v2  }
0x106: {  	v62 =	vld [tilespmem:s24+$0xB700]  }
0x107: {  	v2 =	vadd.f32 v61, v2  }
0x108: {  	v63 =	vld [tilespmem:s24+$0xB780]  }
0x109: {  	v2 =	vadd.f32 v3, v2;
	_ =	sdelay $0x1  }
0x10a: {  	v2 =	vadd.f32 v62, v2;
	_ =	sdelay $0x1  }
0x10b: {  	s2 =	sadd.s32 $0x1, s2;
	v2 =	vadd.f32 v63, v2  }
0x10c: {  	s23 =	sadd.s32 $0x10, s23;
	p0 =	sne.s32 s2, s11  }
.Ltmp5:
0x10d: {  	[tilespmem:s23+$0x0] =	vst v2;
	(pc) =	sbr.rel @p0 .LBB2_1-.Ltmp5, $4  }
0x10e: {  	[hbm4b:s10+s16] =	stream.strided.scatter [tilespmem:s22], [sflag:$0x1], $0x280, s21, s16, $0x38;
	[tilespmem:$0x11A80] =	vst v63  }
0x10f: {  	_ =	swait.ge [sflag:s12], $0x280  }
0x110: {  	[sflag:s12] =	ssyncset.done $0x0  }
0x111: {  	[sflag:s12] =	ssyncadd.s32 $0xFFFFFD80  }
0x112: {  	_ =	sfence.sel $0x180000  }
0x113: {  	[bflag:$0x0] =	sbarrier.arrive $0xFFFF  }
0x114: {  	p0 =	sne.s32 s1, $0x0;
	_ =	strace $0x90000047  }
0x115: {  	s0 =	sadd.s32 @!p0 $0x100000, s0;
	[bflag:$0x2] =	sbarrier.arrive $0xFFFF  }
0x116: {  	[sflag:s0] =	ssyncadd.tile.s32 @!p0 $0x1;
	_ =	shalt  }
.Lfunc_end2:
_tile_overlayer_lowered:
.L_overlay_start_2:
0x117: {  	(tag) =	ssettag $0x2  }
0x118: {  	s0 =	rddreg [dreg:$0x0];
	s2 =	stileid.u32  }
0x119: {  	s1 =	rddreg [dreg:$0x1];
	p0 =	sne.s32 s2, $0x0  }
0x11a: {  	s3 =	rddreg [dreg:$0x2];
	[bflag:$0x3] =	sbarrier.arrive $0xFFFF;
	s2 =	simm.s32 @!p0 $0x1C01  }
0x11b: {  	[timem:s3], [sflag:s2] =	dma.local @!p0 [hbm:s0], s1  }
0x11c: {  	s0 =	simm.s32 @!p0 $0x1  }
0x11d: {  	_ =	swait.ge @!p0 [sflag:s0], s1  }
0x11e: {  	s1 =	ssub.s32 @!p0 $0x0, s1;
	[sflag:s0] =	ssyncset.done @!p0 $0x0  }
0x11f: {  	[sflag:s0] =	ssyncadd.s32 @!p0 s1  }
0x120: {  	[bflag:$0x3] =	sbarrier.arrive $0xFFFF  }
0x121: {  	_ =	shalt  }

// kernel: kernel.14.cloned.1.call-start
scs
__scs_entry_jumppad:
0x0: {  	(pc) =	sbr.rel $0x88, $3  }
0x1: {  	(tag) =	ssettag $0x0;
	lr =	simm.s32 $0x1  }
0x2: {  	[smem:$0x3F95] =	sst lr;
	_ =	strace $0xD0000000  }
0x3: {  	_ = 	snop  }
0x4: {  	_ = 	snop  }
0x5: {  	_ = 	snop  }
0x6: {  	_ = 	snop  }
0x7: {  	_ = 	snop  }
__scs_overlays_trampoline_lowered:
0x8: {  	[smem:$0x3FA4] =	sst s0  }
0x9: {  	[smem:$0x3FA5] =	sst s1  }
0xa: {  	[smem:$0x3FA6] =	sst s2  }
0xb: {  	[smem:$0x3FA7] =	sst s3  }
0xc: {  	[smem:$0x3FA8] =	sst s4  }
0xd: {  	[smem:$0x3FA9] =	sst s5  }
0xe: {  	[smem:$0x3FAA] =	sst s6  }
0xf: {  	[smem:$0x3FAB] =	sst s7  }
0x10: {  	[smem:$0x3FAC] =	sst s8  }
0x11: {  	[smem:$0x3FAD] =	sst s9;
	s0 =	simm.s32 @!p0 $0x0  }
0x12: {  	s1 =	sld [smem:$0x3F93];
	s0 =	simm.s32 @p0 $0x1  }
0x13: {  	[smem:$0x3FAE] =	sst s0;
	s0 =	simm.s32 @!p1 $0x0  }
0x14: {  	s2 =	sld [smem:$0x3F92];
	s0 =	simm.s32 @p1 $0x1  }
0x15: {  	[smem:$0x3FAF] =	sst s0;
	s0 =	simm.s32 @!p2 $0x0  }
0x16: {  	s3 =	sld [smem:$0x3FDB];
	s0 =	simm.s32 @p2 $0x1  }
0x17: {  	s4 =	simm.s32 $0x1BF5;
	[smem:$0x3FB1] =	sst s0  }
0x18: {  	s0 =	sld [smem:$0x3F94];
	_ =	swait.ge [sflag:s4], $0x0  }
0x19: {  	s7 =	sld [smem:$0x3F95]  }
0x1a: {  	s8 =	sadd.s32 $0xFFFFE003, lr  }
0x1b: {  	s9 =	sadd.s32 $0xFFFFFEF7, lr;
	s5 =	simm.s32 $0xFFFFFFFF;
	p2 =	slt.u32 s8, $0xFFFFF086  }
0x1c: {  	p1 =	slt.u32 s9, $0xF7A;
	s5 =	simm.s32 @!p2 $0x0  }
0x1d: {  	s5 =	simm.s32 @p1 $0x1;
	p0 =	seq.s32 s7, s2  }
0x1e: {  	s7 =	smul.u32 @!p0 $0xF7A, s2;
	p2 =	seq.s32 @!p0 s5, $0x0  }
0x1f: {  	s9 =	smul.u32 $0xF7A, s1;
	s8 =	simm.s32 @!p0 $0x1BF5;
	p2 =	por !p2, p0  }
0x20: {  	[sflag:s8] =	ssyncset.s32 @!p0 $0xFFFFF086;
	s6 =	sadd.s32 @!p0 s3, s7;
	s7 =	simm.s32 @!p0 $0x108  }
0x21: {  	s3 =	sadd.s32 s3, s9;
	s6 =	sadd.s32 @!p0 $0x88, s6;
	s7 =	simm.s32 @p2 $0x1082  }
0x22: {  	[simem:s7], [sflag:s8] =	dma.local @!p0 [hbm:s6], $0xF7A  }
0x23: {  	s9 =	sor.u32 $0xD0000000, s2;
	s6 =	simm.s32 $0x108;
	_ =	swait.ge @!p0 [sflag:s8], $0x0  }
0x24: {  	s3 =	sadd.s32 $0x88, s3;
	s6 =	simm.s32 @!p1 $0x1082;
	[sflag:s4] =	ssyncset.s32 $0xFFFFF086  }
0x25: {  	[simem:s6], [sflag:s4] =	dma.local [hbm:s3], $0xF7A  }
0x26: {  	[smem:$0x3F95] =	sst s1;
	(tag) =	ssettag s2;
	_ =	strace s9  }
0x27: {  	s1 =	sld [smem:$0x3FA5]  }
0x28: {  	s2 =	sld [smem:$0x3FA6]  }
0x29: {  	s4 =	sld [smem:$0x3FA8]  }
0x2a: {  	p0 =	seq.s32 s5, $0x0;
	s5 =	sld [smem:$0x3FA9]  }
0x2b: {  	s6 =	sld [smem:$0x3FAA]  }
0x2c: {  	s7 =	sld [smem:$0x3FAB]  }
0x2d: {  	s3 =	simm.s32 $0x108;
	s8 =	sld [smem:$0x3FAC]  }
0x2e: {  	s3 =	simm.s32 @!p0 $0x1082;
	s9 =	sld [smem:$0x3FAD]  }
0x2f: {  	lr =	sadd.s32 s0, s3;
	s0 =	sld [smem:$0x3FA4]  }
0x30: {  	s3 =	sld [smem:$0x3FA7]  }
0x31: {  	[smem:$0x3FB0] =	sst s10  }
0x32: {  	s10 =	sld [smem:$0x3FAE];
	_ =	sdelay $0x3  }
0x33: {  	p0 =	seq.s32 s10, $0x1;
	s10 =	sld [smem:$0x3FB0];
	_ =	sdelay $0x3  }
0x34: {  	[smem:$0x3FB0] =	sst s10  }
0x35: {  	s10 =	sld [smem:$0x3FAF];
	_ =	sdelay $0x3  }
0x36: {  	p1 =	seq.s32 s10, $0x1;
	s10 =	sld [smem:$0x3FB0];
	_ =	sdelay $0x3  }
0x37: {  	[smem:$0x3FB0] =	sst s10  }
0x38: {  	s10 =	sld [smem:$0x3FB1]  }
0x39: {  	_ = 	snop;
	(pc) =	sbr.ind lr, $3  }
0x3a: {  	_ = 	snop  }
0x3b: {  	_ = 	snop  }
0x3c: {  	p2 =	seq.s32 s10, $0x1;
	s10 =	sld [smem:$0x3FB0]  }
0x3d: {  	_ =	shalt  }
0x3e: {  	_ =	shalt  }
0x3f: {  	_ =	shalt  }
0x40: {  	_ =	shalt  }
0x41: {  	_ =	shalt  }
0x42: {  	_ =	shalt  }
0x43: {  	_ =	shalt  }
0x44: {  	_ =	shalt  }
0x45: {  	_ =	shalt  }
0x46: {  	_ =	shalt  }
0x47: {  	_ =	shalt  }
0x48: {  	_ =	shalt  }
0x49: {  	_ =	shalt  }
0x4a: {  	_ =	shalt  }
0x4b: {  	_ =	shalt  }
0x4c: {  	_ =	shalt  }
0x4d: {  	_ =	shalt  }
0x4e: {  	_ =	shalt  }
0x4f: {  	_ =	shalt  }
0x50: {  	_ =	shalt  }
0x51: {  	_ =	shalt  }
0x52: {  	_ =	shalt  }
0x53: {  	_ =	shalt  }
0x54: {  	_ =	shalt  }
0x55: {  	_ =	shalt  }
0x56: {  	_ =	shalt  }
0x57: {  	_ =	shalt  }
0x58: {  	_ =	shalt  }
0x59: {  	_ =	shalt  }
0x5a: {  	_ =	shalt  }
0x5b: {  	_ =	shalt  }
0x5c: {  	_ =	shalt  }
0x5d: {  	_ =	shalt  }
0x5e: {  	_ =	shalt  }
0x5f: {  	_ =	shalt  }
0x60: {  	_ =	shalt  }
0x61: {  	_ =	shalt  }
0x62: {  	_ =	shalt  }
0x63: {  	_ =	shalt  }
0x64: {  	_ =	shalt  }
0x65: {  	_ =	shalt  }
0x66: {  	_ =	shalt  }
0x67: {  	_ =	shalt  }
0x68: {  	_ =	shalt  }
0x69: {  	_ =	shalt  }
0x6a: {  	_ =	shalt  }
0x6b: {  	_ =	shalt  }
0x6c: {  	_ =	shalt  }
0x6d: {  	_ =	shalt  }
0x6e: {  	_ =	shalt  }
0x6f: {  	_ =	shalt  }
0x70: {  	_ =	shalt  }
0x71: {  	_ =	shalt  }
0x72: {  	_ =	shalt  }
0x73: {  	_ =	shalt  }
0x74: {  	_ =	shalt  }
0x75: {  	_ =	shalt  }
0x76: {  	_ =	shalt  }
0x77: {  	_ =	shalt  }
0x78: {  	_ =	shalt  }
0x79: {  	_ =	shalt  }
0x7a: {  	_ =	shalt  }
0x7b: {  	_ =	shalt  }
0x7c: {  	_ =	shalt  }
0x7d: {  	_ =	shalt  }
0x7e: {  	_ =	shalt  }
0x7f: {  	_ =	shalt  }
0x80: {  	_ =	shalt  }
0x81: {  	_ =	shalt  }
0x82: {  	_ =	shalt  }
0x83: {  	_ =	shalt  }
0x84: {  	_ =	shalt  }
0x85: {  	_ =	shalt  }
0x86: {  	_ =	shalt  }
0x87: {  	_ =	shalt  }
.Lfunc_end0:
.L_simem_size_0:
called_computation.1_lowered:
.L_overlay_start_0:
0x88: {  	s2 =	sld [smem:$0x3FD9]  }
0x89: {  	s3 =	sld [smem:$0x3FFE];
	_ =	sdelay $0x1  }
0x8a: {  	s1 =	srdreg.scid  }
0x8b: {  	s0 =	sand.u32 $0x1, s1  }
0x8c: {  	s17 =	sshll.u32 s0, $0xA;
	s2 =	sadd.s32 s3, s2  }
0x8d: {  	s2 =	sadd.s32 s2, s17  }
0x8e: {  	[smem:$0x3FBC] =	sst s2  }
0x8f: {  	_ = 	snop  }
0x90: {  	s2 =	sld [smem:$0x3FD0];
	(tm) =	ssettm $0x1  }
0x91: {  	s18 =	sld [smem:$0x3FFB];
	_ =	sdelay $0x3  }
0x92: {  	_ =	strace s18  }
0x93: {  	s3 =	sld [smem:$0x3FFC];
	_ =	sdelay $0x3  }
0x94: {  	_ =	strace s3  }
0x95: {  	s3 =	sld [smem:$0x3FFD];
	_ =	sdelay $0x3  }
0x96: {  	_ =	strace s3  }
0x97: {  	_ =	strace $0x8FFFFFFF  }
0x98: {  	s19 =	sld [smem:$0x3FDB];
	_ =	sdelay $0x1  }
0x99: {  	s4 =	simm.s32 $_scs_section_size  }
0x9a: {  	s5 =	simm.s32 $_size__tile_overlayer_lowered;
	s6 =	simm.s32 $_tile_overlayer_lowered  }
0x9b: {  	s22 =	simm.s32 $0x1BFF;
	s21 =	sshll.u32 s6, $0x1;
	s3 =	sadd.s32 s4, s19  }
0x9c: {  	s7 =	simm.s32 $0x0;
	s20 =	sshll.u32 s5, $0x1;
	s5 =	sadd.s32 s21, s3  }
0x9d: {  	[timem:s7], [sflag:s22] =	dma.local [hbm:s5], s20  }
0x9e: {  	_ =	swait.ge [sflag:s22], s20  }
0x9f: {  	s4 =	ssub.s32 $0x0, s20;
	[sflag:s22] =	ssyncset.done $0x0  }
0xa0: {  	[sflag:s22] =	ssyncadd.s32 s4;
	_ =	sdelay $0x1  }
0xa1: {  	s23 =	simm.s32 $0x1B8B  }
0xa2: {  	_ =	swait.ge [sflag:s23], $0x1  }
0xa3: {  	[sflag:s23] =	ssyncset.done $0x0  }
0xa4: {  	s25 =	simm.s32 $0x1B8E;
	s24 =	sld [smem:$0x3FFE];
	[sflag:s23] =	ssyncadd.s32 $0xFFFFFFFF  }
0xa5: {  	s26 =	simm.s32 $execute0_lowered;
	[smem:$0x3FD2] =	sst s25  }
0xa6: {  	s5 =	sshll.u32 s26, $0x1;
	_ =	strace $0x80000049;
	[dreg:$0x1] =	wrdreg $0xFFFFFFFF  }
0xa7: {  	s28 =	simm.s32 $_size_execute0_lowered;
	s3 =	sadd.s32 s3, s5;
	[dreg:$0x0] =	wrdreg $0x0  }
0xa8: {  	s5 =	sshll.u32 s28, $0x1;
	[dreg:$0x2] =	wrdreg s3  }
0xa9: {  	[dreg:$0x3] =	wrdreg s5  }
0xaa: {  	[dreg:$0x4] =	wrdreg $0xC0  }
0xab: {  	_ =	task [dreg:s7], $0x5FFFF  }
0xac: {  	[dreg:$0x1] =	wrdreg $0xFFFFFFFF  }
0xad: {  	[dreg:$0x0] =	wrdreg $0x60  }
0xae: {  	[dreg:$0x2] =	wrdreg s2  }
0xaf: {  	[dreg:$0x3] =	wrdreg s24  }
0xb0: {  	[dreg:$0x4] =	wrdreg $0x11A800  }
0xb1: {  	[dreg:$0x5] =	wrdreg $0x142800  }
0xb2: {  	[dreg:$0x6] =	wrdreg $0x9  }
0xb3: {  	_ =	task.clear_ibuf [dreg:s7], $0x7FFFF;
	_ =	strace $0x90000049  }
0xb4: {  	s29 =	simm.s32 $0x9;
	_ =	strace $0x8000004B  }
0xb5: {  	_ =	swait.ge [sflag:s29], $0x1  }
0xb6: {  	[sflag:s29] =	ssyncadd.s32 $0xFFFFFFFF  }
0xb7: {  	_ =	strace $0x9000004B  }
0xb8: {  	_ =	sfence  }
0xb9: {  	s30 =	sld [smem:$0x0];
	_ =	sdelay $0x2  }
0xba: {  	s31 =	sshll.u32 s1, $0xD;
	s1 =	sshrl.u32 s1, $0x2  }
0xbb: {  	s3 =	sand.u32 $0x4000, s31;
	s1 =	sadd.s32 s1, s30  }
0xbc: {  	s0 =	sor.u32 s3, s0;
	s1 =	sshll.u32 s1, $0x11  }
0xbd: {  	s0 =	sor.u32 s1, s0  }
0xbe: {  	s0 =	sadd.s32 $0x8F2B, s0  }
0xbf: {  	[sflag:s0] =	ssyncadd.remote.s32 $0x1  }
0xc0: {  	_ =	sfence.sel $0xFFFF  }
0xc1: {  	[dreg:$0x0] =	wrdreg $0xFFFFFFFF;
	(pc) =	sbr.abs _section_cstart, $3  }
0xc2: {  	[dreg:$0x1] =	wrdreg $0xFFFFFFFF  }
0xc3: {  	_ =	task.clear_ibuf [dreg:s7], $0x2FFFF;
	_ =	strace $0x9FFFFFFF  }
0xc4: {  	(tm) =	ssettm $0x7FFFFFFF  }
0xc5: {  	_ =	shalt  }
tec
execute0_lowered:
.L_overlay_start_1:
0x0: {  	(tag) =	ssettag $0x1  }
0x1: {  	s1 =	rddreg [dreg:$0x0]  }
0x2: {  	s0 =	rddreg [dreg:$0x1]  }
0x3: {  	s9 =	rddreg [dreg:$0x2];
	s2 =	srdreg.scid  }
0x4: {  	s11 =	rddreg [dreg:$0x3];
	s25 =	stileid.u32;
	s3 =	simm.s32 $0x0  }
0x5: {  	s14 =	simm.s32 $0x5000;
	s15 =	simm.s32 $0x1;
	s16 =	simm.s32 $0x7800  }
0x6: {  	s17 =	simm.s32 $0x2800;
	s18 =	simm.s32 $0xA000;
	s19 =	simm.s32 $0xC800  }
0x7: {  	s20 =	simm.s32 $0x80;
	s21 =	simm.s32 $0x400;
	s22 =	simm.s32 $0x1400  }
0x8: {  	s23 =	simm.s32 $0x14000;
	s24 =	simm.s32 $0xF000;
	s28 =	simm.s32 $0x0  }
0x9: {  	s5 =	sand.u32 $0x1, s2;
	s6 =	smul.u32 $0x500, s25;
	[smem:$0x7FF] =	sst s3  }
0xa: {  	s29 =	sshrl.u32 s25, $0x3;
	s30 =	sshll.u32 s25, $0x7;
	s12 =	smul.u32 $0x1400, s25  }
0xb: {  	s4 =	sshll.u32 s5, $0x4;
	s26 =	sshll.u32 s5, $0x7;
	_ =	strace $0x8000004A  }
0xc: {  	s5 =	ssub.s32 $0x2, s5;
	s10 =	smul.u32 $0x14000, s29;
	s31 =	sand.u32 $0x380, s30  }
0xd: {  	s4 =	sor.u32 s25, s4;
	s6 =	sor.u32 s26, s6;
	s8 =	sshrl.u32 s5, $0x1  }
0xe: {  	s25 =	simm.s32 $0x100;
	s26 =	simm.s32 $0x11800;
	s7 =	smul.u32 $0x500, s4  }
0xf: {  	s4 =	sadd.s32 $0xCC000, s0;
	s6 =	sshrl.u32 s6, $0x3;
	s13 =	ssub.s32 s5, s8  }
0x10: {  	s8 =	sor.u32 s31, s10;
	s13 =	smax.u32 s13, $0x1;
	s7 =	sadd.s32 s7, s0  }
0x11: {  	s0 =	sadd.s32 s6, s0;
	s5 =	sadd.s32 $0x22000, s7;
	s6 =	sadd.s32 $0x18000, s7  }
0x12: {  	s7 =	sadd.s32 s8, s9;
	s8 =	sadd.s32 s8, s11;
	s9 =	sadd.s32 s12, s9  }
0x13: {  	v0 =	vimm.f32 $0.0e+00;
	s10 =	sadd.s32 $0xCC600, s0;
	s11 =	sadd.s32 s12, s11;
	s12 =	sadd.s32 $0xCD000, s0  }
.LBB2_1:
0x14: {  	[tilespmem:s14], [sflag:$0x1] =	stream.linear.gather [hbm4b:s1+s3], $0x2800, $0x38;
	[tilespmem:$0x16A80] =	vst v63  }
0x15: {  	_ =	swait.ge [sflag:s15], $0x2800  }
0x16: {  	[sflag:s15] =	ssyncset.done $0x0  }
0x17: {  	s0 =	simm.s32 $0x40;
	s29 =	simm.s32 $0x0;
	[sflag:s15] =	ssyncadd.s32 $0xFFFFD800  }
.LBB2_2:
0x18: {  	p0 =	sne.s32 s0, $0x9FC0;
	[tilespmem:s29+$0xA000] =	vst v0;
	s29 =	smov.u32 s0;
	s0 =	sadd.s32 $0x40, s0  }
.Ltmp0:
0x19: {  	(pc) =	sbr.rel @p0 .LBB2_2-.Ltmp0, $2  }
0x1a: {  	_ =	sdelay $0x2  }
0x1b: {  	s29 =	sshra.s32 s29, $0x2  }
0x1c: {  	[tilespmem:s29+$0xA000] =	vst v0;
	s0 =	simm.s32 $0x0  }
0x1d: {  	[tilespmem:s16], [sflag:$0x1] =	stream.linear.gather [hbm4b:s4+s0], $0x2800, $0x38;
	[tilespmem:$0x16A80] =	vst v63  }
0x1e: {  	_ =	swait.ge [sflag:s15], $0x2800  }
0x1f: {  	[sflag:s15] =	ssyncset.done $0x0  }
0x20: {  	s29 =	simm.s32 $0x0;
	s0 =	simm.s32 $0x40;
	[sflag:s15] =	ssyncadd.s32 $0xFFFFD800  }
.LBB2_4:
0x21: {  	p0 =	sne.s32 s0, $0x9FC0;
	[tilespmem:s29+$0xC800] =	vst v0;
	s29 =	smov.u32 s0;
	s0 =	sadd.s32 $0x40, s0  }
.Ltmp1:
0x22: {  	(pc) =	sbr.rel @p0 .LBB2_4-.Ltmp1, $2  }
0x23: {  	_ =	sdelay $0x2  }
0x24: {  	s29 =	sshra.s32 s29, $0x2  }
0x25: {  	[tilespmem:s29+$0xC800] =	vst v0;
	s0 =	simm.s32 $0x0  }
0x26: {  	[tilespmem:s0], [sflag:$0x1] =	stream.linear.gather [hbm4b:s5+s0], $0x2800, $0x38;
	[tilespmem:$0x16A80] =	vst v63  }
0x27: {  	_ =	swait.ge [sflag:s15], $0x2800  }
0x28: {  	[sflag:s15] =	ssyncset.done $0x0  }
0x29: {  	[sflag:s15] =	ssyncadd.s32 $0xFFFFD800  }
0x2a: {  	[tilespmem:s17], [sflag:$0x1] =	stream.linear.gather [hbm4b:s6+s0], $0x2800, $0x38;
	[tilespmem:$0x16A80] =	vst v63  }
0x2b: {  	_ =	swait.ge [sflag:s15], $0x2800  }
0x2c: {  	[sflag:s15] =	ssyncset.done $0x0  }
0x2d: {  	s31 =	simm.s32 $0x0;
	[sflag:s15] =	ssyncadd.s32 $0xFFFFD800  }
0x2e: {  	v2 =	vld [tilespmem:s31+$0x0];
	_ =	sdelay $0x4  }
0x2f: {  	v1 =	vld [tilespmem:s31+$0x2800];
	_ =	sdelay $0x2  }
0x30: {  	v3 =	vld.idx.msk [tilespmem:v2+s14+$0x0], $0xffff;
	_ =	sdelay $0x4  }
0x31: {  	[tilespmem:v1+s18+$0x0] =	vst.idx.add.f32.msk $0xffff, v3  }
0x32: {  	s29 =	simm.s32 $0x80;
	s0 =	simm.s32 $0x40;
	v2 =	vld.idx.msk [tilespmem:v2+s16+$0x0], $0xffff  }
.LBB2_6:
0x33: {  	_ =	sdelay $0x2  }
0x34: {  	p0 =	sne.s32 s29, $0x9FC0  }
0x35: {  	s30 =	sshra.s32 s0, $0x2;
	s0 =	smov.u32 s29;
	s29 =	sadd.s32 $0x40, s29;
	[tilespmem:v1+s19+$0x0] =	vst.idx.add.f32.msk $0xffff, v2  }
0x36: {  	v2 =	vld [tilespmem:s30+$0x0];
	_ =	sdelay $0x5  }
0x37: {  	v1 =	vld [tilespmem:s30+$0x2800];
	_ =	sdelay $0x1  }
0x38: {  	v3 =	vld.idx.msk [tilespmem:v2+s14+$0x0], $0xffff;
	_ =	sdelay $0x2  }
.Ltmp2:
0x39: {  	(pc) =	sbr.rel @p0 .LBB2_6-.Ltmp2, $3  }
0x3a: {  	_ =	sdelay $0x1  }
0x3b: {  	[tilespmem:v1+s18+$0x0] =	vst.idx.add.f32.msk $0xffff, v3  }
0x3c: {  	v2 =	vld.idx.msk [tilespmem:v2+s16+$0x0], $0xffff  }
0x3d: {  	_ =	sdelay $0x3  }
0x3e: {  	s0 =	sshra.s32 s0, $0x2;
	[tilespmem:v1+s19+$0x0] =	vst.idx.add.f32.msk $0xffff, v2  }
0x3f: {  	v1 =	vld [tilespmem:s0+$0x0];
	_ =	sdelay $0x4  }
0x40: {  	v2 =	vld [tilespmem:s0+$0x2800];
	_ =	sdelay $0x2  }
0x41: {  	v3 =	vld.idx.msk [tilespmem:v1+s14+$0x0], $0xffff;
	_ =	sdelay $0x4  }
0x42: {  	[tilespmem:v2+s18+$0x0] =	vst.idx.add.f32.msk $0xffff, v3  }
0x43: {  	v1 =	vld.idx.msk [tilespmem:v1+s16+$0x0], $0xffff;
	_ =	sdelay $0x4  }
0x44: {  	[tilespmem:v2+s19+$0x0] =	vst.idx.add.f32.msk $0xffff, v1  }
0x45: {  	[spmem:s7] =	stream.strided.scatter [tilespmem:s18], [sflag:$0x1], $0x2800, s21, s20, $0x38;
	[tilespmem:$0x16A80] =	vst v63  }
0x46: {  	_ =	swait.ge [sflag:s15], $0x2800  }
0x47: {  	[sflag:s15] =	ssyncset.done $0x0  }
0x48: {  	[sflag:s15] =	ssyncadd.s32 $0xFFFFD800  }
0x49: {  	[spmem:s8] =	stream.strided.scatter [tilespmem:s19], [sflag:$0x1], $0x2800, s21, s20, $0x38;
	[tilespmem:$0x16A80] =	vst v63  }
0x4a: {  	_ =	swait.ge [sflag:s15], $0x2800  }
0x4b: {  	[sflag:s15] =	ssyncset.done $0x0  }
0x4c: {  	[sflag:s15] =	ssyncadd.s32 $0xFFFFD800  }
0x4d: {  	[bflag:$0x0] =	sbarrier.arrive $0xFFFF  }
0x4e: {  	[tilespmem:s24], [sflag:$0x1] =	stream.strided.gather [spmem:s9], $0x2800, s23, s22, $0x38;
	[tilespmem:$0x16A80] =	vst v63  }
0x4f: {  	s2 =	simm.s32 $0x0;
	_ =	swait.ge [sflag:s15], $0x2800  }
0x50: {  	s29 =	sand.u32 $0x70, s2;
	s0 =	sand.u32 $0x1C00, s2;
	[sflag:s15] =	ssyncset.done $0x0  }
0x51: {  	s0 =	sor.u32 s29, s0;
	[sflag:s15] =	ssyncadd.s32 $0xFFFFD800  }
0x52: {  	v1 =	vld [tilespmem:s0+$0xF080]  }
0x53: {  	v2 =	vld [tilespmem:s0+$0xF000];
	_ =	sdelay $0x1  }
0x54: {  	v3 =	vld [tilespmem:s0+$0xF100];
	_ =	sdelay $0x1  }
0x55: {  	v4 =	vld [tilespmem:s0+$0xF180]  }
0x56: {  	v1 =	vadd.f32 v1, v2  }
0x57: {  	v2 =	vld [tilespmem:s0+$0xF200]  }
0x58: {  	v1 =	vadd.f32 v3, v1  }
0x59: {  	v3 =	vld [tilespmem:s0+$0xF280]  }
0x5a: {  	v1 =	vadd.f32 v4, v1  }
0x5b: {  	v60 =	vld [tilespmem:s0+$0xF300]  }
0x5c: {  	v1 =	vadd.f32 v2, v1  }
0x5d: {  	v2 =	vld [tilespmem:s0+$0xF380]  }
0x5e: {  	v1 =	vadd.f32 v3, v1  }
0x5f: {  	v3 =	vld [tilespmem:s0+$0x10400]  }
0x60: {  	v1 =	vadd.f32 v60, v1  }
0x61: {  	v61 =	vld [tilespmem:s0+$0x10480]  }
0x62: {  	v1 =	vadd.f32 v2, v1  }
0x63: {  	v2 =	vld [tilespmem:s0+$0x10500]  }
0x64: {  	v1 =	vadd.f32 v3, v1  }
0x65: {  	v3 =	vld [tilespmem:s0+$0x10580]  }
0x66: {  	v1 =	vadd.f32 v61, v1  }
0x67: {  	v62 =	vld [tilespmem:s0+$0x10600]  }
0x68: {  	v1 =	vadd.f32 v2, v1  }
0x69: {  	v2 =	vld [tilespmem:s0+$0x10680]  }
0x6a: {  	v1 =	vadd.f32 v3, v1  }
0x6b: {  	v3 =	vld [tilespmem:s0+$0x10700]  }
0x6c: {  	v1 =	vadd.f32 v62, v1  }
0x6d: {  	v63 =	vld [tilespmem:s0+$0x10780]  }
0x6e: {  	v1 =	vadd.f32 v2, v1;
	_ =	sdelay $0x1  }
0x6f: {  	v1 =	vadd.f32 v3, v1;
	_ =	sdelay $0x1  }
0x70: {  	s31 =	simm.s32 $0x80;
	s2 =	simm.s32 $0x10;
	v1 =	vadd.f32 v63, v1  }
0x71: {  	s30 =	sand.u32 $0x1C00, s31;
	s29 =	simm.s32 $0x11800;
	s0 =	sand.u32 $0x70, s2  }
0x72: {  	s30 =	sor.u32 s0, s30;
	s0 =	simm.s32 $0x20;
	[tilespmem:s29+$0x0] =	vst v1  }
.LBB2_8:
0x73: {  	p0 =	sne.s32 s0, $0x270;
	v1 =	vld [tilespmem:s30+$0xF080]  }
0x74: {  	v2 =	vld [tilespmem:s30+$0xF000];
	_ =	sdelay $0x1  }
0x75: {  	v3 =	vld [tilespmem:s30+$0xF100];
	_ =	sdelay $0x1  }
0x76: {  	v4 =	vld [tilespmem:s30+$0xF180]  }
0x77: {  	v1 =	vadd.f32 v1, v2  }
0x78: {  	v2 =	vld [tilespmem:s30+$0xF200]  }
0x79: {  	v1 =	vadd.f32 v3, v1  }
0x7a: {  	v3 =	vld [tilespmem:s30+$0xF280]  }
0x7b: {  	v1 =	vadd.f32 v4, v1  }
0x7c: {  	v4 =	vld [tilespmem:s30+$0xF300]  }
0x7d: {  	v1 =	vadd.f32 v2, v1  }
0x7e: {  	v2 =	vld [tilespmem:s30+$0xF380]  }
0x7f: {  	v1 =	vadd.f32 v3, v1  }
0x80: {  	v3 =	vld [tilespmem:s30+$0x10400]  }
0x81: {  	v1 =	vadd.f32 v4, v1  }
0x82: {  	v4 =	vld [tilespmem:s30+$0x10480]  }
0x83: {  	v1 =	vadd.f32 v2, v1  }
0x84: {  	v2 =	vld [tilespmem:s30+$0x10500]  }
0x85: {  	v1 =	vadd.f32 v3, v1  }
0x86: {  	v3 =	vld [tilespmem:s30+$0x10580]  }
0x87: {  	v1 =	vadd.f32 v4, v1  }
0x88: {  	v4 =	vld [tilespmem:s30+$0x10600]  }
0x89: {  	v1 =	vadd.f32 v2, v1  }
0x8a: {  	v2 =	vld [tilespmem:s30+$0x10680]  }
0x8b: {  	v1 =	vadd.f32 v3, v1  }
0x8c: {  	v3 =	vld [tilespmem:s30+$0x10700]  }
0x8d: {  	v1 =	vadd.f32 v4, v1  }
0x8e: {  	v4 =	vld [tilespmem:s30+$0x10780]  }
0x8f: {  	v1 =	vadd.f32 v2, v1;
	_ =	sdelay $0x1  }
.Ltmp3:
0x90: {  	v1 =	vadd.f32 v3, v1;
	(pc) =	sbr.rel @p0 .LBB2_8-.Ltmp3, $4  }
0x91: {  	_ = 	snop  }
0x92: {  	s31 =	sadd.s32 $0x80, s31;
	v1 =	vadd.f32 v4, v1  }
0x93: {  	s29 =	sadd.s32 $0x10, s29;
	s2 =	sand.u32 $0x1C00, s31;
	s30 =	sand.u32 $0x70, s0  }
0x94: {  	s0 =	sadd.s32 $0x10, s0;
	s30 =	sor.u32 s30, s2;
	[tilespmem:s29+$0x0] =	vst v1  }
0x95: {  	v1 =	vld [tilespmem:s30+$0xF080]  }
0x96: {  	v2 =	vld [tilespmem:s30+$0xF000];
	_ =	sdelay $0x1  }
0x97: {  	v3 =	vld [tilespmem:s30+$0xF100];
	_ =	sdelay $0x1  }
0x98: {  	v4 =	vld [tilespmem:s30+$0xF180]  }
0x99: {  	v1 =	vadd.f32 v1, v2  }
0x9a: {  	v2 =	vld [tilespmem:s30+$0xF200]  }
0x9b: {  	v1 =	vadd.f32 v3, v1  }
0x9c: {  	v3 =	vld [tilespmem:s30+$0xF280]  }
0x9d: {  	v1 =	vadd.f32 v4, v1  }
0x9e: {  	v55 =	vld [tilespmem:s30+$0xF300]  }
0x9f: {  	v1 =	vadd.f32 v2, v1  }
0xa0: {  	v2 =	vld [tilespmem:s30+$0xF380]  }
0xa1: {  	v1 =	vadd.f32 v3, v1  }
0xa2: {  	v3 =	vld [tilespmem:s30+$0x10400]  }
0xa3: {  	v1 =	vadd.f32 v55, v1  }
0xa4: {  	v56 =	vld [tilespmem:s30+$0x10480]  }
0xa5: {  	v1 =	vadd.f32 v2, v1  }
0xa6: {  	v2 =	vld [tilespmem:s30+$0x10500]  }
0xa7: {  	v1 =	vadd.f32 v3, v1  }
0xa8: {  	v3 =	vld [tilespmem:s30+$0x10580]  }
0xa9: {  	v1 =	vadd.f32 v56, v1  }
0xaa: {  	v57 =	vld [tilespmem:s30+$0x10600]  }
0xab: {  	v1 =	vadd.f32 v2, v1  }
0xac: {  	v2 =	vld [tilespmem:s30+$0x10680]  }
0xad: {  	v1 =	vadd.f32 v3, v1  }
0xae: {  	v3 =	vld [tilespmem:s30+$0x10700]  }
0xaf: {  	v1 =	vadd.f32 v57, v1  }
0xb0: {  	v58 =	vld [tilespmem:s30+$0x10780]  }
0xb1: {  	v1 =	vadd.f32 v2, v1;
	_ =	sdelay $0x1  }
0xb2: {  	v1 =	vadd.f32 v3, v1;
	_ =	sdelay $0x1  }
0xb3: {  	v1 =	vadd.f32 v58, v1  }
0xb4: {  	s0 =	sadd.s32 $0x10, s29  }
0xb5: {  	s29 =	simm.s32 $0x11800;
	[tilespmem:s0+$0x0] =	vst v1  }
0xb6: {  	[hbm4b:s10+s20] =	stream.strided.scatter [tilespmem:s29], [sflag:$0x1], $0x280, s25, s20, $0x38;
	[tilespmem:$0x16A80] =	vst v63  }
0xb7: {  	_ =	swait.ge [sflag:s15], $0x280  }
0xb8: {  	[sflag:s15] =	ssyncset.done $0x0  }
0xb9: {  	[sflag:s15] =	ssyncadd.s32 $0xFFFFFD80  }
0xba: {  	[tilespmem:s24], [sflag:$0x1] =	stream.strided.gather [spmem:s11], $0x2800, s23, s22, $0x38;
	[tilespmem:$0x16A80] =	vst v63  }
0xbb: {  	s0 =	simm.s32 $0x0;
	_ =	swait.ge [sflag:s15], $0x2800  }
0xbc: {  	s2 =	sand.u32 $0x70, s0;
	s0 =	sand.u32 $0x1C00, s0;
	[sflag:s15] =	ssyncset.done $0x0  }
0xbd: {  	s0 =	sor.u32 s2, s0;
	[sflag:s15] =	ssyncadd.s32 $0xFFFFD800  }
0xbe: {  	v1 =	vld [tilespmem:s0+$0xF080]  }
0xbf: {  	v2 =	vld [tilespmem:s0+$0xF000];
	_ =	sdelay $0x1  }
0xc0: {  	v3 =	vld [tilespmem:s0+$0xF100];
	_ =	sdelay $0x1  }
0xc1: {  	v59 =	vld [tilespmem:s0+$0xF180]  }
0xc2: {  	v1 =	vadd.f32 v1, v2  }
0xc3: {  	v2 =	vld [tilespmem:s0+$0xF200]  }
0xc4: {  	v1 =	vadd.f32 v3, v1  }
0xc5: {  	v3 =	vld [tilespmem:s0+$0xF280]  }
0xc6: {  	v1 =	vadd.f32 v59, v1  }
0xc7: {  	v60 =	vld [tilespmem:s0+$0xF300]  }
0xc8: {  	v1 =	vadd.f32 v2, v1  }
0xc9: {  	v2 =	vld [tilespmem:s0+$0xF380]  }
0xca: {  	v1 =	vadd.f32 v3, v1  }
0xcb: {  	v3 =	vld [tilespmem:s0+$0x10400]  }
0xcc: {  	v1 =	vadd.f32 v60, v1  }
0xcd: {  	v61 =	vld [tilespmem:s0+$0x10480]  }
0xce: {  	v1 =	vadd.f32 v2, v1  }
0xcf: {  	v2 =	vld [tilespmem:s0+$0x10500]  }
0xd0: {  	v1 =	vadd.f32 v3, v1  }
0xd1: {  	v3 =	vld [tilespmem:s0+$0x10580]  }
0xd2: {  	v1 =	vadd.f32 v61, v1  }
0xd3: {  	v62 =	vld [tilespmem:s0+$0x10600]  }
0xd4: {  	v1 =	vadd.f32 v2, v1  }
0xd5: {  	v2 =	vld [tilespmem:s0+$0x10680]  }
0xd6: {  	v1 =	vadd.f32 v3, v1  }
0xd7: {  	v3 =	vld [tilespmem:s0+$0x10700]  }
0xd8: {  	v1 =	vadd.f32 v62, v1  }
0xd9: {  	v63 =	vld [tilespmem:s0+$0x10780]  }
0xda: {  	v1 =	vadd.f32 v2, v1;
	_ =	sdelay $0x1  }
0xdb: {  	v1 =	vadd.f32 v3, v1;
	_ =	sdelay $0x1  }
0xdc: {  	s31 =	simm.s32 $0x80;
	s2 =	simm.s32 $0x10;
	v1 =	vadd.f32 v63, v1  }
0xdd: {  	s0 =	sand.u32 $0x70, s2;
	s2 =	sand.u32 $0x1C00, s31  }
0xde: {  	s30 =	sor.u32 s0, s2;
	s0 =	simm.s32 $0x20;
	[tilespmem:s29+$0x0] =	vst v1  }
.LBB2_10:
0xdf: {  	p0 =	sne.s32 s0, $0x270;
	v1 =	vld [tilespmem:s30+$0xF080]  }
0xe0: {  	v2 =	vld [tilespmem:s30+$0xF000];
	_ =	sdelay $0x1  }
0xe1: {  	v3 =	vld [tilespmem:s30+$0xF100];
	_ =	sdelay $0x1  }
0xe2: {  	v4 =	vld [tilespmem:s30+$0xF180]  }
0xe3: {  	v1 =	vadd.f32 v1, v2  }
0xe4: {  	v2 =	vld [tilespmem:s30+$0xF200]  }
0xe5: {  	v1 =	vadd.f32 v3, v1  }
0xe6: {  	v3 =	vld [tilespmem:s30+$0xF280]  }
0xe7: {  	v1 =	vadd.f32 v4, v1  }
0xe8: {  	v4 =	vld [tilespmem:s30+$0xF300]  }
0xe9: {  	v1 =	vadd.f32 v2, v1  }
0xea: {  	v2 =	vld [tilespmem:s30+$0xF380]  }
0xeb: {  	v1 =	vadd.f32 v3, v1  }
0xec: {  	v3 =	vld [tilespmem:s30+$0x10400]  }
0xed: {  	v1 =	vadd.f32 v4, v1  }
0xee: {  	v4 =	vld [tilespmem:s30+$0x10480]  }
0xef: {  	v1 =	vadd.f32 v2, v1  }
0xf0: {  	v2 =	vld [tilespmem:s30+$0x10500]  }
0xf1: {  	v1 =	vadd.f32 v3, v1  }
0xf2: {  	v3 =	vld [tilespmem:s30+$0x10580]  }
0xf3: {  	v1 =	vadd.f32 v4, v1  }
0xf4: {  	v4 =	vld [tilespmem:s30+$0x10600]  }
0xf5: {  	v1 =	vadd.f32 v2, v1  }
0xf6: {  	v2 =	vld [tilespmem:s30+$0x10680]  }
0xf7: {  	v1 =	vadd.f32 v3, v1  }
0xf8: {  	v3 =	vld [tilespmem:s30+$0x10700]  }
0xf9: {  	v1 =	vadd.f32 v4, v1  }
0xfa: {  	v4 =	vld [tilespmem:s30+$0x10780]  }
0xfb: {  	v1 =	vadd.f32 v2, v1;
	_ =	sdelay $0x1  }
.Ltmp4:
0xfc: {  	v1 =	vadd.f32 v3, v1;
	(pc) =	sbr.rel @p0 .LBB2_10-.Ltmp4, $4  }
0xfd: {  	_ = 	snop  }
0xfe: {  	s31 =	sadd.s32 $0x80, s31;
	v1 =	vadd.f32 v4, v1  }
0xff: {  	s2 =	sand.u32 $0x70, s0;
	s29 =	sadd.s32 $0x10, s29;
	s30 =	sand.u32 $0x1C00, s31  }
0x100: {  	s0 =	sadd.s32 $0x10, s0;
	s30 =	sor.u32 s2, s30;
	[tilespmem:s29+$0x0] =	vst v1  }
0x101: {  	v1 =	vld [tilespmem:s30+$0xF080]  }
0x102: {  	v2 =	vld [tilespmem:s30+$0xF000];
	_ =	sdelay $0x1  }
0x103: {  	v3 =	vld [tilespmem:s30+$0xF100];
	_ =	sdelay $0x1  }
0x104: {  	v4 =	vld [tilespmem:s30+$0xF180]  }
0x105: {  	v1 =	vadd.f32 v1, v2  }
0x106: {  	v2 =	vld [tilespmem:s30+$0xF200]  }
0x107: {  	v1 =	vadd.f32 v3, v1  }
0x108: {  	v3 =	vld [tilespmem:s30+$0xF280]  }
0x109: {  	v1 =	vadd.f32 v4, v1  }
0x10a: {  	v60 =	vld [tilespmem:s30+$0xF300]  }
0x10b: {  	v1 =	vadd.f32 v2, v1  }
0x10c: {  	v2 =	vld [tilespmem:s30+$0xF380]  }
0x10d: {  	v1 =	vadd.f32 v3, v1  }
0x10e: {  	v3 =	vld [tilespmem:s30+$0x10400]  }
0x10f: {  	v1 =	vadd.f32 v60, v1  }
0x110: {  	v61 =	vld [tilespmem:s30+$0x10480]  }
0x111: {  	v1 =	vadd.f32 v2, v1  }
0x112: {  	v2 =	vld [tilespmem:s30+$0x10500]  }
0x113: {  	v1 =	vadd.f32 v3, v1  }
0x114: {  	v3 =	vld [tilespmem:s30+$0x10580]  }
0x115: {  	v1 =	vadd.f32 v61, v1  }
0x116: {  	v62 =	vld [tilespmem:s30+$0x10600]  }
0x117: {  	v1 =	vadd.f32 v2, v1  }
0x118: {  	v2 =	vld [tilespmem:s30+$0x10680]  }
0x119: {  	v1 =	vadd.f32 v3, v1  }
0x11a: {  	v3 =	vld [tilespmem:s30+$0x10700]  }
0x11b: {  	v1 =	vadd.f32 v62, v1  }
0x11c: {  	v63 =	vld [tilespmem:s30+$0x10780]  }
0x11d: {  	v1 =	vadd.f32 v2, v1;
	_ =	sdelay $0x1  }
0x11e: {  	v1 =	vadd.f32 v3, v1;
	_ =	sdelay $0x1  }
0x11f: {  	s28 =	sadd.s32 $0x1, s28;
	v1 =	vadd.f32 v63, v1  }
0x120: {  	s0 =	sadd.s32 $0x10, s29;
	p0 =	sne.s32 s28, s13  }
.Ltmp5:
0x121: {  	[tilespmem:s0+$0x0] =	vst v1;
	(pc) =	sbr.rel @p0 .LBB2_1-.Ltmp5, $4  }
0x122: {  	[hbm4b:s12+s20] =	stream.strided.scatter [tilespmem:s26], [sflag:$0x1], $0x280, s25, s20, $0x38;
	[tilespmem:$0x16A80] =	vst v63  }
0x123: {  	_ =	swait.ge [sflag:s15], $0x280  }
0x124: {  	[sflag:s15] =	ssyncset.done $0x0  }
0x125: {  	[sflag:s15] =	ssyncadd.s32 $0xFFFFFD80  }
0x126: {  	_ =	sfence.sel $0x180000  }
0x127: {  	[bflag:$0x0] =	sbarrier.arrive $0xFFFF  }
0x128: {  	_ =	strace $0x9000004A  }
0x129: {  	s0 =	stileid.u32;
	[bflag:$0x2] =	sbarrier.arrive $0xFFFF  }
0x12a: {  	p0 =	sne.s32 s0, $0x0;
	s0 =	rddreg [dreg:$0x4]  }
0x12b: {  	s0 =	sadd.s32 @!p0 $0x100000, s0  }
0x12c: {  	[sflag:s0] =	ssyncadd.tile.s32 @!p0 $0x1;
	_ =	shalt  }
.Lfunc_end2:
_tile_overlayer_lowered:
.L_overlay_start_2:
0x12d: {  	(tag) =	ssettag $0x2  }
0x12e: {  	s0 =	rddreg [dreg:$0x0];
	s2 =	stileid.u32  }
0x12f: {  	s1 =	rddreg [dreg:$0x1];
	p0 =	sne.s32 s2, $0x0  }
0x130: {  	s3 =	rddreg [dreg:$0x2];
	[bflag:$0x3] =	sbarrier.arrive $0xFFFF;
	s2 =	simm.s32 @!p0 $0x1C01  }
0x131: {  	[timem:s3], [sflag:s2] =	dma.local @!p0 [hbm:s0], s1  }
0x132: {  	s0 =	simm.s32 @!p0 $0x1  }
0x133: {  	_ =	swait.ge @!p0 [sflag:s0], s1  }
0x134: {  	s1 =	ssub.s32 @!p0 $0x0, s1;
	[sflag:s0] =	ssyncset.done @!p0 $0x0  }
0x135: {  	[sflag:s0] =	ssyncadd.s32 @!p0 s1  }
0x136: {  	[bflag:$0x3] =	sbarrier.arrive $0xFFFF  }
0x137: {  	_ =	shalt  }

// kernel: kernel.17.cloned.1.call-start
scs
__scs_entry_jumppad:
0x0: {  	(pc) =	sbr.rel $0x88, $3  }
0x1: {  	(tag) =	ssettag $0x0;
	lr =	simm.s32 $0x1  }
0x2: {  	[smem:$0x3F95] =	sst lr;
	_ =	strace $0xD0000000  }
0x3: {  	_ = 	snop  }
0x4: {  	_ = 	snop  }
0x5: {  	_ = 	snop  }
0x6: {  	_ = 	snop  }
0x7: {  	_ = 	snop  }
__scs_overlays_trampoline_lowered:
0x8: {  	[smem:$0x3FA4] =	sst s0  }
0x9: {  	[smem:$0x3FA5] =	sst s1  }
0xa: {  	[smem:$0x3FA6] =	sst s2  }
0xb: {  	[smem:$0x3FA7] =	sst s3  }
0xc: {  	[smem:$0x3FA8] =	sst s4  }
0xd: {  	[smem:$0x3FA9] =	sst s5  }
0xe: {  	[smem:$0x3FAA] =	sst s6  }
0xf: {  	[smem:$0x3FAB] =	sst s7  }
0x10: {  	[smem:$0x3FAC] =	sst s8  }
0x11: {  	[smem:$0x3FAD] =	sst s9;
	s0 =	simm.s32 @!p0 $0x0  }
0x12: {  	s1 =	sld [smem:$0x3F93];
	s0 =	simm.s32 @p0 $0x1  }
0x13: {  	[smem:$0x3FAE] =	sst s0;
	s0 =	simm.s32 @!p1 $0x0  }
0x14: {  	s2 =	sld [smem:$0x3F92];
	s0 =	simm.s32 @p1 $0x1  }
0x15: {  	[smem:$0x3FAF] =	sst s0;
	s0 =	simm.s32 @!p2 $0x0  }
0x16: {  	s3 =	sld [smem:$0x3FDB];
	s0 =	simm.s32 @p2 $0x1  }
0x17: {  	s4 =	simm.s32 $0x1BF5;
	[smem:$0x3FB1] =	sst s0  }
0x18: {  	s0 =	sld [smem:$0x3F94];
	_ =	swait.ge [sflag:s4], $0x0  }
0x19: {  	s7 =	sld [smem:$0x3F95]  }
0x1a: {  	s8 =	sadd.s32 $0xFFFFE003, lr  }
0x1b: {  	s9 =	sadd.s32 $0xFFFFFEF7, lr;
	s5 =	simm.s32 $0xFFFFFFFF;
	p2 =	slt.u32 s8, $0xFFFFF086  }
0x1c: {  	p1 =	slt.u32 s9, $0xF7A;
	s5 =	simm.s32 @!p2 $0x0  }
0x1d: {  	s5 =	simm.s32 @p1 $0x1;
	p0 =	seq.s32 s7, s2  }
0x1e: {  	s7 =	smul.u32 @!p0 $0xF7A, s2;
	p2 =	seq.s32 @!p0 s5, $0x0  }
0x1f: {  	s9 =	smul.u32 $0xF7A, s1;
	s8 =	simm.s32 @!p0 $0x1BF5;
	p2 =	por !p2, p0  }
0x20: {  	[sflag:s8] =	ssyncset.s32 @!p0 $0xFFFFF086;
	s6 =	sadd.s32 @!p0 s3, s7;
	s7 =	simm.s32 @!p0 $0x108  }
0x21: {  	s3 =	sadd.s32 s3, s9;
	s6 =	sadd.s32 @!p0 $0x88, s6;
	s7 =	simm.s32 @p2 $0x1082  }
0x22: {  	[simem:s7], [sflag:s8] =	dma.local @!p0 [hbm:s6], $0xF7A  }
0x23: {  	s9 =	sor.u32 $0xD0000000, s2;
	s6 =	simm.s32 $0x108;
	_ =	swait.ge @!p0 [sflag:s8], $0x0  }
0x24: {  	s3 =	sadd.s32 $0x88, s3;
	s6 =	simm.s32 @!p1 $0x1082;
	[sflag:s4] =	ssyncset.s32 $0xFFFFF086  }
0x25: {  	[simem:s6], [sflag:s4] =	dma.local [hbm:s3], $0xF7A  }
0x26: {  	[smem:$0x3F95] =	sst s1;
	(tag) =	ssettag s2;
	_ =	strace s9  }
0x27: {  	s1 =	sld [smem:$0x3FA5]  }
0x28: {  	s2 =	sld [smem:$0x3FA6]  }
0x29: {  	s4 =	sld [smem:$0x3FA8]  }
0x2a: {  	p0 =	seq.s32 s5, $0x0;
	s5 =	sld [smem:$0x3FA9]  }
0x2b: {  	s6 =	sld [smem:$0x3FAA]  }
0x2c: {  	s7 =	sld [smem:$0x3FAB]  }
0x2d: {  	s3 =	simm.s32 $0x108;
	s8 =	sld [smem:$0x3FAC]  }
0x2e: {  	s3 =	simm.s32 @!p0 $0x1082;
	s9 =	sld [smem:$0x3FAD]  }
0x2f: {  	lr =	sadd.s32 s0, s3;
	s0 =	sld [smem:$0x3FA4]  }
0x30: {  	s3 =	sld [smem:$0x3FA7]  }
0x31: {  	[smem:$0x3FB0] =	sst s10  }
0x32: {  	s10 =	sld [smem:$0x3FAE];
	_ =	sdelay $0x3  }
0x33: {  	p0 =	seq.s32 s10, $0x1;
	s10 =	sld [smem:$0x3FB0];
	_ =	sdelay $0x3  }
0x34: {  	[smem:$0x3FB0] =	sst s10  }
0x35: {  	s10 =	sld [smem:$0x3FAF];
	_ =	sdelay $0x3  }
0x36: {  	p1 =	seq.s32 s10, $0x1;
	s10 =	sld [smem:$0x3FB0];
	_ =	sdelay $0x3  }
0x37: {  	[smem:$0x3FB0] =	sst s10  }
0x38: {  	s10 =	sld [smem:$0x3FB1]  }
0x39: {  	_ = 	snop;
	(pc) =	sbr.ind lr, $3  }
0x3a: {  	_ = 	snop  }
0x3b: {  	_ = 	snop  }
0x3c: {  	p2 =	seq.s32 s10, $0x1;
	s10 =	sld [smem:$0x3FB0]  }
0x3d: {  	_ =	shalt  }
0x3e: {  	_ =	shalt  }
0x3f: {  	_ =	shalt  }
0x40: {  	_ =	shalt  }
0x41: {  	_ =	shalt  }
0x42: {  	_ =	shalt  }
0x43: {  	_ =	shalt  }
0x44: {  	_ =	shalt  }
0x45: {  	_ =	shalt  }
0x46: {  	_ =	shalt  }
0x47: {  	_ =	shalt  }
0x48: {  	_ =	shalt  }
0x49: {  	_ =	shalt  }
0x4a: {  	_ =	shalt  }
0x4b: {  	_ =	shalt  }
0x4c: {  	_ =	shalt  }
0x4d: {  	_ =	shalt  }
0x4e: {  	_ =	shalt  }
0x4f: {  	_ =	shalt  }
0x50: {  	_ =	shalt  }
0x51: {  	_ =	shalt  }
0x52: {  	_ =	shalt  }
0x53: {  	_ =	shalt  }
0x54: {  	_ =	shalt  }
0x55: {  	_ =	shalt  }
0x56: {  	_ =	shalt  }
0x57: {  	_ =	shalt  }
0x58: {  	_ =	shalt  }
0x59: {  	_ =	shalt  }
0x5a: {  	_ =	shalt  }
0x5b: {  	_ =	shalt  }
0x5c: {  	_ =	shalt  }
0x5d: {  	_ =	shalt  }
0x5e: {  	_ =	shalt  }
0x5f: {  	_ =	shalt  }
0x60: {  	_ =	shalt  }
0x61: {  	_ =	shalt  }
0x62: {  	_ =	shalt  }
0x63: {  	_ =	shalt  }
0x64: {  	_ =	shalt  }
0x65: {  	_ =	shalt  }
0x66: {  	_ =	shalt  }
0x67: {  	_ =	shalt  }
0x68: {  	_ =	shalt  }
0x69: {  	_ =	shalt  }
0x6a: {  	_ =	shalt  }
0x6b: {  	_ =	shalt  }
0x6c: {  	_ =	shalt  }
0x6d: {  	_ =	shalt  }
0x6e: {  	_ =	shalt  }
0x6f: {  	_ =	shalt  }
0x70: {  	_ =	shalt  }
0x71: {  	_ =	shalt  }
0x72: {  	_ =	shalt  }
0x73: {  	_ =	shalt  }
0x74: {  	_ =	shalt  }
0x75: {  	_ =	shalt  }
0x76: {  	_ =	shalt  }
0x77: {  	_ =	shalt  }
0x78: {  	_ =	shalt  }
0x79: {  	_ =	shalt  }
0x7a: {  	_ =	shalt  }
0x7b: {  	_ =	shalt  }
0x7c: {  	_ =	shalt  }
0x7d: {  	_ =	shalt  }
0x7e: {  	_ =	shalt  }
0x7f: {  	_ =	shalt  }
0x80: {  	_ =	shalt  }
0x81: {  	_ =	shalt  }
0x82: {  	_ =	shalt  }
0x83: {  	_ =	shalt  }
0x84: {  	_ =	shalt  }
0x85: {  	_ =	shalt  }
0x86: {  	_ =	shalt  }
0x87: {  	_ =	shalt  }
.Lfunc_end0:
.L_simem_size_0:
called_computation.2_lowered:
.L_overlay_start_0:
0x88: {  	s2 =	sld [smem:$0x3FD9]  }
0x89: {  	s3 =	sld [smem:$0x3FFE];
	_ =	sdelay $0x1  }
0x8a: {  	s1 =	srdreg.scid  }
0x8b: {  	s0 =	sand.u32 $0x1, s1  }
0x8c: {  	s16 =	sshll.u32 s0, $0xA;
	s2 =	sadd.s32 s3, s2  }
0x8d: {  	s2 =	sadd.s32 s2, s16  }
0x8e: {  	[smem:$0x3FBC] =	sst s2  }
0x8f: {  	_ = 	snop  }
0x90: {  	(tm) =	ssettm $0x1  }
0x91: {  	s17 =	sld [smem:$0x3FFB];
	_ =	sdelay $0x3  }
0x92: {  	_ =	strace s17  }
0x93: {  	s2 =	sld [smem:$0x3FFC];
	_ =	sdelay $0x3  }
0x94: {  	_ =	strace s2  }
0x95: {  	s2 =	sld [smem:$0x3FFD];
	_ =	sdelay $0x3  }
0x96: {  	_ =	strace s2  }
0x97: {  	_ =	strace $0x8FFFFFFF  }
0x98: {  	s18 =	sld [smem:$0x3FDB];
	_ =	sdelay $0x1  }
0x99: {  	s19 =	simm.s32 $_scs_section_size  }
0x9a: {  	s4 =	simm.s32 $_size__tile_overlayer_lowered;
	s5 =	simm.s32 $_tile_overlayer_lowered  }
0x9b: {  	s22 =	simm.s32 $0x1BFF;
	s21 =	sshll.u32 s5, $0x1;
	s2 =	sadd.s32 s19, s18  }
0x9c: {  	s6 =	simm.s32 $0x0;
	s20 =	sshll.u32 s4, $0x1;
	s4 =	sadd.s32 s21, s2  }
0x9d: {  	[timem:s6], [sflag:s22] =	dma.local [hbm:s4], s20  }
0x9e: {  	_ =	swait.ge [sflag:s22], s20  }
0x9f: {  	s3 =	ssub.s32 $0x0, s20;
	[sflag:s22] =	ssyncset.done $0x0  }
0xa0: {  	[sflag:s22] =	ssyncadd.s32 s3;
	_ =	sdelay $0x1  }
0xa1: {  	s23 =	simm.s32 $0x1B8B  }
0xa2: {  	_ =	swait.ge [sflag:s23], $0x1  }
0xa3: {  	[sflag:s23] =	ssyncset.done $0x0  }
0xa4: {  	s25 =	simm.s32 $0x1B8E;
	s24 =	sld [smem:$0x3FFE];
	[sflag:s23] =	ssyncadd.s32 $0xFFFFFFFF  }
0xa5: {  	s26 =	simm.s32 $execute0_lowered;
	[smem:$0x3FD2] =	sst s25  }
0xa6: {  	s4 =	sshll.u32 s26, $0x1;
	_ =	strace $0x8000004C;
	[dreg:$0x1] =	wrdreg $0xFFFFFFFF  }
0xa7: {  	s28 =	simm.s32 $_size_execute0_lowered;
	s2 =	sadd.s32 s2, s4;
	[dreg:$0x0] =	wrdreg $0x0  }
0xa8: {  	s4 =	sshll.u32 s28, $0x1;
	[dreg:$0x2] =	wrdreg s2  }
0xa9: {  	[dreg:$0x3] =	wrdreg s4  }
0xaa: {  	[dreg:$0x4] =	wrdreg $0xC0  }
0xab: {  	_ =	task [dreg:s6], $0x5FFFF  }
0xac: {  	[dreg:$0x1] =	wrdreg $0xFFFFFFFF  }
0xad: {  	[dreg:$0x0] =	wrdreg $0x60  }
0xae: {  	[dreg:$0x2] =	wrdreg s24  }
0xaf: {  	[dreg:$0x3] =	wrdreg $0x8A000  }
0xb0: {  	[dreg:$0x4] =	wrdreg $0x12A000  }
0xb1: {  	[dreg:$0x5] =	wrdreg $0x9  }
0xb2: {  	_ =	task.clear_ibuf [dreg:s6], $0x6FFFF;
	_ =	strace $0x9000004C  }
0xb3: {  	s29 =	simm.s32 $0x9;
	_ =	strace $0x8000004E  }
0xb4: {  	_ =	swait.ge [sflag:s29], $0x1  }
0xb5: {  	[sflag:s29] =	ssyncadd.s32 $0xFFFFFFFF  }
0xb6: {  	_ =	strace $0x9000004E  }
0xb7: {  	_ =	sfence  }
0xb8: {  	s30 =	sld [smem:$0x0];
	_ =	sdelay $0x2  }
0xb9: {  	s31 =	sshll.u32 s1, $0xD;
	s1 =	sshrl.u32 s1, $0x2  }
0xba: {  	s3 =	sand.u32 $0x4000, s31;
	s1 =	sadd.s32 s1, s30  }
0xbb: {  	s0 =	sor.u32 s3, s0;
	s1 =	sshll.u32 s1, $0x11  }
0xbc: {  	s0 =	sor.u32 s1, s0  }
0xbd: {  	s0 =	sadd.s32 $0x8F2B, s0  }
0xbe: {  	[sflag:s0] =	ssyncadd.remote.s32 $0x1  }
0xbf: {  	_ =	sfence.sel $0xFFFF  }
0xc0: {  	[dreg:$0x0] =	wrdreg $0xFFFFFFFF;
	(pc) =	sbr.abs _section_cstart, $3  }
0xc1: {  	[dreg:$0x1] =	wrdreg $0xFFFFFFFF  }
0xc2: {  	_ =	task.clear_ibuf [dreg:s6], $0x2FFFF;
	_ =	strace $0x9FFFFFFF  }
0xc3: {  	(tm) =	ssettm $0x7FFFFFFF  }
tec
execute0_lowered:
.L_overlay_start_1:
0x0: {  	(tag) =	ssettag $0x1  }
0x1: {  	s0 =	rddreg [dreg:$0x0]  }
0x2: {  	s2 =	rddreg [dreg:$0x1]  }
0x3: {  	s3 =	rddreg [dreg:$0x2]  }
0x4: {  	s10 =	stileid.u32;
	s5 =	srdreg.scid  }
0x5: {  	s4 =	simm.s32 $0x0;
	s11 =	simm.s32 $0x9;
	s13 =	simm.s32 $0x400  }
0x6: {  	s14 =	simm.s32 $0x80;
	s21 =	simm.s32 $0x100;
	s15 =	simm.s32 $0x800  }
0x7: {  	s22 =	simm.s32 $0x180;
	s16 =	simm.s32 $0x2800;
	s17 =	simm.s32 $0x4800  }
0x8: {  	s18 =	simm.s32 $0x6800;
	s19 =	simm.s32 $0x1;
	s23 =	simm.s32 $0x480  }
0x9: {  	s28 =	simm.s32 $0x6;
	s29 =	simm.s32 $0x280;
	s1 =	smul.u32 $0xA00, s10  }
0xa: {  	s30 =	simm.s32 $0x7;
	s31 =	simm.s32 $0x300;
	s6 =	smul.u32 $0xA000, s10  }
0xb: {  	s5 =	sand.u32 $0x1, s5;
	[smem:$0x7FF] =	sst s4;
	s9 =	smul.u32 $0x28000, s10  }
0xc: {  	s25 =	sshll.u32 s10, $0x6;
	_ =	strace $0x8000004D;
	[dreg:$0x6] =	wrdreg s21  }
0xd: {  	s7 =	smul.u32 $0xA0000, s5;
	s5 =	ssub.s32 $0x2, s5;
	[dreg:$0x7] =	wrdreg s22  }
0xe: {  	s12 =	sor.u32 $0x1C09, s25;
	s25 =	simm.s32 $0x8800;
	[dreg:$0x8] =	wrdreg s23  }
0xf: {  	s21 =	simm.s32 $0x3;
	s22 =	simm.s32 $0x4;
	s23 =	simm.s32 $0x0  }
0x10: {  	s1 =	sadd.s32 s1, s0;
	s8 =	sshrl.u32 s5, $0x1;
	s24 =	sadd.s32 s6, s2  }
0x11: {  	s9 =	sshrl.u32 s9, $0x2;
	s10 =	sadd.s32 s6, s3;
	[dreg:$0xb] =	wrdreg s12  }
0x12: {  	s7 =	sadd.s32 s6, s7;
	s5 =	ssub.s32 s5, s8;
	s26 =	sadd.s32 $0x4000, s1  }
0x13: {  	s20 =	sshrl.u32 s24, $0x3;
	s24 =	simm.s32 $0x500;
	[dreg:$0x4] =	wrdreg s26  }
0x14: {  	s8 =	simm.s32 $0x680;
	s7 =	sshrl.u32 s7, $0x3;
	[dreg:$0xe] =	wrdreg s20  }
0x15: {  	s5 =	smax.u32 s5, $0x1;
	s20 =	simm.s32 $0x2;
	[dreg:$0x9] =	wrdreg s24  }
0x16: {  	s24 =	simm.s32 $0x5;
	s26 =	sshrl.u32 s10, $0x3;
	[dreg:$0xd] =	wrdreg s5  }
0x17: {  	s10 =	simm.s32 $0x780;
	s0 =	sadd.s32 s7, s0;
	[dreg:$0xf] =	wrdreg s26  }
0x18: {  	s26 =	simm.s32 $0x200;
	s5 =	simm.s32 $0x600;
	s7 =	sadd.s32 $0x7C000, s0  }
0x19: {  	s0 =	sadd.s32 $0xA4000, s0;
	[dreg:$0xa] =	wrdreg s7;
	s7 =	sadd.s32 s9, s3  }
0x1a: {  	[dreg:$0xc] =	wrdreg s0;
	s9 =	sadd.s32 $0xE000, s1;
	s0 =	simm.s32 $0x8  }
0x1b: {  	v0 =	vimm.f32 $0.0e+00;
	s1 =	simm.s32 $0x380;
	[dreg:$0x5] =	wrdreg s9;
	s9 =	simm.s32 $0x700  }
.LBB2_1:
0x1c: {  	[dreg:$0x10] =	wrdreg s23  }
0x1d: {  	s6 =	rddreg [dreg:$0xa]  }
0x1e: {  	s23 =	rddreg [dreg:$0xe]  }
0x1f: {  	[spmem:s23], [sflag:s12] =	dma.local [hbm:s6], $0x1400  }
0x20: {  	_ =	swait.ge [sflag:s11], $0x1400  }
0x21: {  	[sflag:s11] =	ssyncset.done $0x0  }
0x22: {  	[sflag:s11] =	ssyncadd.s32 $0xFFFFEC00  }
0x23: {  	[tilespmem:$0x8800] =	vst v0  }
0x24: {  	[tilespmem:$0x8810] =	vst v0  }
0x25: {  	[tilespmem:$0x8820] =	vst v0  }
0x26: {  	[tilespmem:$0x8830] =	vst v0  }
0x27: {  	[tilespmem:$0x8840] =	vst v0  }
0x28: {  	[tilespmem:$0x8850] =	vst v0  }
0x29: {  	[tilespmem:$0x8860] =	vst v0  }
0x2a: {  	[tilespmem:$0x8870] =	vst v0  }
0x2b: {  	[tilespmem:$0x8880] =	vst v0  }
0x2c: {  	[tilespmem:$0x8890] =	vst v0  }
0x2d: {  	[tilespmem:$0x88A0] =	vst v0  }
0x2e: {  	[tilespmem:$0x88B0] =	vst v0  }
0x2f: {  	[tilespmem:$0x88C0] =	vst v0  }
0x30: {  	[tilespmem:$0x88D0] =	vst v0  }
0x31: {  	[tilespmem:$0x88E0] =	vst v0  }
0x32: {  	[tilespmem:$0x88F0] =	vst v0  }
0x33: {  	[tilespmem:$0x8900] =	vst v0  }
0x34: {  	[tilespmem:$0x8910] =	vst v0  }
0x35: {  	[tilespmem:$0x8920] =	vst v0  }
0x36: {  	[tilespmem:$0x8930] =	vst v0  }
0x37: {  	[tilespmem:$0x8940] =	vst v0  }
0x38: {  	[tilespmem:$0x8950] =	vst v0  }
0x39: {  	[tilespmem:$0x8960] =	vst v0  }
0x3a: {  	[tilespmem:$0x8970] =	vst v0  }
0x3b: {  	[tilespmem:$0x8980] =	vst v0  }
0x3c: {  	[tilespmem:$0x8990] =	vst v0  }
0x3d: {  	[tilespmem:$0x89A0] =	vst v0  }
0x3e: {  	[tilespmem:$0x89B0] =	vst v0  }
0x3f: {  	[tilespmem:$0x89C0] =	vst v0  }
0x40: {  	[tilespmem:$0x89D0] =	vst v0  }
0x41: {  	[tilespmem:$0x89E0] =	vst v0  }
0x42: {  	s23 =	sadd.s32 $0x0, s7;
	[tilespmem:$0x89F0] =	vst v0  }
0x43: {  	[spmem:s23] =	stream.linear.scatter [tilespmem:s25], [sflag:$0x9], $0x200, $0x38;
	[tilespmem:$0x1CA00] =	vst v63  }
0x44: {  	s6 =	simm.s32 $0x800;
	_ =	swait.ge [sflag:s11], $0x200  }
.LBB2_2:
0x45: {  	s12 =	sshra.s32 s6, $0x2;
	[sflag:s11] =	ssyncset.done $0x0;
	p0 =	sne.s32 s6, $0x27800  }
.Ltmp0:
0x46: {  	s12 =	sadd.s32 s12, s7;
	[sflag:s11] =	ssyncadd.s32 $0xFFFFFE00;
	(pc) =	sbr.rel @p0 .LBB2_2-.Ltmp0, $3  }
0x47: {  	[spmem:s12] =	stream.linear.scatter [tilespmem:s25], [sflag:$0x9], $0x200, $0x38;
	[tilespmem:$0x1CA00] =	vst v63  }
0x48: {  	s6 =	sadd.s32 $0x800, s6;
	_ =	sdelay $0x1  }
0x49: {  	_ =	swait.ge [sflag:s11], $0x200  }
0x4a: {  	[sflag:s11] =	ssyncset.done $0x0  }
0x4b: {  	[sflag:s11] =	ssyncadd.s32 $0xFFFFFE00  }
0x4c: {  	[bflag:$0x0] =	sbarrier.arrive $0xFFFF  }
0x4d: {  	s6 =	rddreg [dreg:$0x5]  }
0x4e: {  	s6 =	sadd.s32 $0x0, s6  }
0x4f: {  	[tilespmem:s4], [sflag:$0x9] =	stream.linear.gather [hbm4b:s6+s4], $0x400, $0x38;
	[tilespmem:$0x1CA00] =	vst v63  }
0x50: {  	_ =	swait.ge [sflag:s11], $0x400  }
0x51: {  	s23 =	rddreg [dreg:$0x4];
	[sflag:s11] =	ssyncset.done $0x0  }
0x52: {  	[sflag:s11] =	ssyncadd.s32 $0xFFFFFC00;
	s6 =	sadd.s32 $0x0, s23  }
0x53: {  	[tilespmem:s13], [sflag:$0x9] =	stream.linear.gather [hbm4b:s6+s4], $0x400, $0x38;
	[tilespmem:$0x1CA00] =	vst v63  }
0x54: {  	_ =	swait.ge [sflag:s11], $0x400  }
0x55: {  	[sflag:s11] =	ssyncset.done $0x0  }
0x56: {  	[sflag:s11] =	ssyncadd.s32 $0xFFFFFC00  }
0x57: {  	[tilespmem:s15], [sflag:$0x1] =	stream.indirect.gather [spmem:s2], $0x40, s4, s14, $0xb8;
	[tilespmem:$0x1CA00] =	vst v63  }
0x58: {  	_ = 	snop  }
0x59: {  	[tilespmem:s16], [sflag:$0x2] =	stream.indirect.gather [spmem:s2], $0x40, s14, s14, $0xb8;
	[tilespmem:$0x1CA00] =	vst v63  }
0x5a: {  	s25 =	rddreg [dreg:$0x6]  }
0x5b: {  	[tilespmem:s17], [sflag:$0x3] =	stream.indirect.gather [spmem:s2], $0x40, s25, s14, $0xb8;
	[tilespmem:$0x1CA00] =	vst v63  }
0x5c: {  	s12 =	rddreg [dreg:$0x7]  }
0x5d: {  	[tilespmem:s18], [sflag:$0x4] =	stream.indirect.gather [spmem:s2], $0x40, s12, s14, $0xb8;
	[tilespmem:$0x1CA00] =	vst v63  }
0x5e: {  	_ =	swait.ge [sflag:s19], $0x2000  }
0x5f: {  	[sflag:s19] =	ssyncset.done $0x0  }
0x60: {  	[sflag:s19] =	ssyncadd.s32 $0xFFFFE000  }
0x61: {  	[spmem:s3] =	stream.indirect.scatter.add.f32 [tilespmem:s15], [sflag:$0x5], $0x40, s13, s14, $0xb8;
	[tilespmem:$0x1CA00] =	vst v63  }
0x62: {  	_ =	swait.ge [sflag:s20], $0x2000  }
0x63: {  	[sflag:s20] =	ssyncset.done $0x0  }
0x64: {  	s12 =	rddreg [dreg:$0x8];
	[sflag:s20] =	ssyncadd.s32 $0xFFFFE000  }
0x65: {  	[spmem:s3] =	stream.indirect.scatter.add.f32 [tilespmem:s16], [sflag:$0x6], $0x40, s12, s14, $0xb8;
	[tilespmem:$0x1CA00] =	vst v63  }
0x66: {  	_ =	swait.ge [sflag:s21], $0x2000  }
0x67: {  	[sflag:s21] =	ssyncset.done $0x0  }
0x68: {  	s23 =	rddreg [dreg:$0x9];
	[sflag:s21] =	ssyncadd.s32 $0xFFFFE000  }
0x69: {  	[spmem:s3] =	stream.indirect.scatter.add.f32 [tilespmem:s17], [sflag:$0x7], $0x40, s23, s14, $0xb8;
	[tilespmem:$0x1CA00] =	vst v63  }
0x6a: {  	_ =	swait.ge [sflag:s22], $0x2000  }
0x6b: {  	[sflag:s22] =	ssyncset.done $0x0  }
0x6c: {  	s25 =	simm.s32 $0x580;
	[sflag:s22] =	ssyncadd.s32 $0xFFFFE000  }
0x6d: {  	[spmem:s3] =	stream.indirect.scatter.add.f32 [tilespmem:s18], [sflag:$0x8], $0x40, s25, s14, $0xb8;
	[tilespmem:$0x1CA00] =	vst v63  }
0x6e: {  	_ =	swait.ge [sflag:s24], $0x2000  }
0x6f: {  	[sflag:s24] =	ssyncset.done $0x0  }
0x70: {  	[sflag:s24] =	ssyncadd.s32 $0xFFFFE000  }
0x71: {  	[tilespmem:s15], [sflag:$0x1] =	stream.indirect.gather [spmem:s2], $0x40, s26, s14, $0xb8;
	[tilespmem:$0x1CA00] =	vst v63  }
0x72: {  	_ =	swait.ge [sflag:s28], $0x2000  }
0x73: {  	[sflag:s28] =	ssyncset.done $0x0  }
0x74: {  	[sflag:s28] =	ssyncadd.s32 $0xFFFFE000  }
0x75: {  	[tilespmem:s16], [sflag:$0x2] =	stream.indirect.gather [spmem:s2], $0x40, s29, s14, $0xb8;
	[tilespmem:$0x1CA00] =	vst v63  }
0x76: {  	_ =	swait.ge [sflag:s30], $0x2000  }
0x77: {  	[sflag:s30] =	ssyncset.done $0x0  }
0x78: {  	[sflag:s30] =	ssyncadd.s32 $0xFFFFE000  }
0x79: {  	[tilespmem:s17], [sflag:$0x3] =	stream.indirect.gather [spmem:s2], $0x40, s31, s14, $0xb8;
	[tilespmem:$0x1CA00] =	vst v63  }
0x7a: {  	_ =	swait.ge [sflag:s0], $0x2000  }
0x7b: {  	[sflag:s0] =	ssyncset.done $0x0  }
0x7c: {  	[sflag:s0] =	ssyncadd.s32 $0xFFFFE000  }
0x7d: {  	[tilespmem:s18], [sflag:$0x4] =	stream.indirect.gather [spmem:s2], $0x40, s1, s14, $0xb8;
	[tilespmem:$0x1CA00] =	vst v63  }
0x7e: {  	_ =	swait.ge [sflag:s19], $0x2000  }
0x7f: {  	[sflag:s19] =	ssyncset.done $0x0  }
0x80: {  	[sflag:s19] =	ssyncadd.s32 $0xFFFFE000  }
0x81: {  	[spmem:s3] =	stream.indirect.scatter.add.f32 [tilespmem:s15], [sflag:$0x5], $0x40, s5, s14, $0xb8;
	[tilespmem:$0x1CA00] =	vst v63  }
0x82: {  	_ =	swait.ge [sflag:s20], $0x2000  }
0x83: {  	[sflag:s20] =	ssyncset.done $0x0  }
0x84: {  	[sflag:s20] =	ssyncadd.s32 $0xFFFFE000  }
0x85: {  	[spmem:s3] =	stream.indirect.scatter.add.f32 [tilespmem:s16], [sflag:$0x6], $0x40, s8, s14, $0xb8;
	[tilespmem:$0x1CA00] =	vst v63  }
0x86: {  	_ =	swait.ge [sflag:s21], $0x2000  }
0x87: {  	[sflag:s21] =	ssyncset.done $0x0  }
0x88: {  	[sflag:s21] =	ssyncadd.s32 $0xFFFFE000  }
0x89: {  	[spmem:s3] =	stream.indirect.scatter.add.f32 [tilespmem:s17], [sflag:$0x7], $0x40, s9, s14, $0xb8;
	[tilespmem:$0x1CA00] =	vst v63  }
0x8a: {  	_ =	swait.ge [sflag:s22], $0x2000  }
0x8b: {  	[sflag:s22] =	ssyncset.done $0x0  }
0x8c: {  	[sflag:s22] =	ssyncadd.s32 $0xFFFFE000  }
0x8d: {  	[spmem:s3] =	stream.indirect.scatter.add.f32 [tilespmem:s18], [sflag:$0x8], $0x40, s10, s14, $0xb8;
	[tilespmem:$0x1CA00] =	vst v63  }
0x8e: {  	_ =	swait.ge [sflag:s24], $0x2000  }
0x8f: {  	[sflag:s24] =	ssyncset.done $0x0  }
0x90: {  	[sflag:s24] =	ssyncadd.s32 $0xFFFFE000  }
0x91: {  	_ =	swait.ge [sflag:s28], $0x2000  }
0x92: {  	[sflag:s28] =	ssyncset.done $0x0  }
0x93: {  	[sflag:s28] =	ssyncadd.s32 $0xFFFFE000  }
0x94: {  	_ =	swait.ge [sflag:s30], $0x2000  }
0x95: {  	[sflag:s30] =	ssyncset.done $0x0  }
0x96: {  	[sflag:s30] =	ssyncadd.s32 $0xFFFFE000  }
0x97: {  	s6 =	simm.s32 $0x80;
	_ =	swait.ge [sflag:s0], $0x2000  }
0x98: {  	s25 =	simm.s32 $0x100;
	s12 =	rddreg [dreg:$0x5];
	[sflag:s0] =	ssyncset.done $0x0  }
.LBB2_4:
0x99: {  	[sflag:s0] =	ssyncadd.s32 $0xFFFFE000;
	s12 =	sadd.s32 s6, s12  }
0x9a: {  	[tilespmem:s4], [sflag:$0x9] =	stream.linear.gather [hbm4b:s12+s4], $0x400, $0x38;
	[tilespmem:$0x1CA00] =	vst v63  }
0x9b: {  	_ =	swait.ge [sflag:s11], $0x400  }
0x9c: {  	s12 =	rddreg [dreg:$0x4];
	[sflag:s11] =	ssyncset.done $0x0  }
0x9d: {  	[sflag:s11] =	ssyncadd.s32 $0xFFFFFC00;
	s12 =	sadd.s32 s6, s12  }
0x9e: {  	[tilespmem:s13], [sflag:$0x9] =	stream.linear.gather [hbm4b:s12+s4], $0x400, $0x38;
	[tilespmem:$0x1CA00] =	vst v63  }
0x9f: {  	_ =	swait.ge [sflag:s11], $0x400  }
0xa0: {  	[sflag:s11] =	ssyncset.done $0x0  }
0xa1: {  	[sflag:s11] =	ssyncadd.s32 $0xFFFFFC00  }
0xa2: {  	[tilespmem:s15], [sflag:$0x1] =	stream.indirect.gather [spmem:s2], $0x40, s4, s14, $0xb8;
	[tilespmem:$0x1CA00] =	vst v63  }
0xa3: {  	_ = 	snop  }
0xa4: {  	[tilespmem:s16], [sflag:$0x2] =	stream.indirect.gather [spmem:s2], $0x40, s14, s14, $0xb8;
	[tilespmem:$0x1CA00] =	vst v63  }
0xa5: {  	s23 =	smov.u32 s25;
	s12 =	rddreg [dreg:$0x6]  }
0xa6: {  	[tilespmem:s17], [sflag:$0x3] =	stream.indirect.gather [spmem:s2], $0x40, s12, s14, $0xb8;
	[tilespmem:$0x1CA00] =	vst v63  }
0xa7: {  	s6 =	smov.u32 s23;
	s23 =	rddreg [dreg:$0x7]  }
0xa8: {  	[tilespmem:s18], [sflag:$0x4] =	stream.indirect.gather [spmem:s2], $0x40, s23, s14, $0xb8;
	[tilespmem:$0x1CA00] =	vst v63  }
0xa9: {  	_ =	swait.ge [sflag:s19], $0x2000  }
0xaa: {  	[sflag:s19] =	ssyncset.done $0x0  }
0xab: {  	[sflag:s19] =	ssyncadd.s32 $0xFFFFE000  }
0xac: {  	[spmem:s3] =	stream.indirect.scatter.add.f32 [tilespmem:s15], [sflag:$0x5], $0x40, s13, s14, $0xb8;
	[tilespmem:$0x1CA00] =	vst v63  }
0xad: {  	_ =	swait.ge [sflag:s20], $0x2000  }
0xae: {  	[sflag:s20] =	ssyncset.done $0x0  }
0xaf: {  	s12 =	rddreg [dreg:$0x8];
	[sflag:s20] =	ssyncadd.s32 $0xFFFFE000  }
0xb0: {  	[spmem:s3] =	stream.indirect.scatter.add.f32 [tilespmem:s16], [sflag:$0x6], $0x40, s12, s14, $0xb8;
	[tilespmem:$0x1CA00] =	vst v63  }
0xb1: {  	_ =	swait.ge [sflag:s21], $0x2000  }
0xb2: {  	[sflag:s21] =	ssyncset.done $0x0  }
0xb3: {  	s12 =	rddreg [dreg:$0x9];
	[sflag:s21] =	ssyncadd.s32 $0xFFFFE000  }
0xb4: {  	[spmem:s3] =	stream.indirect.scatter.add.f32 [tilespmem:s17], [sflag:$0x7], $0x40, s12, s14, $0xb8;
	[tilespmem:$0x1CA00] =	vst v63  }
0xb5: {  	_ =	swait.ge [sflag:s22], $0x2000  }
0xb6: {  	[sflag:s22] =	ssyncset.done $0x0  }
0xb7: {  	s23 =	simm.s32 $0x580;
	[sflag:s22] =	ssyncadd.s32 $0xFFFFE000  }
0xb8: {  	[spmem:s3] =	stream.indirect.scatter.add.f32 [tilespmem:s18], [sflag:$0x8], $0x40, s23, s14, $0xb8;
	[tilespmem:$0x1CA00] =	vst v63  }
0xb9: {  	_ =	swait.ge [sflag:s24], $0x2000  }
0xba: {  	[sflag:s24] =	ssyncset.done $0x0  }
0xbb: {  	[sflag:s24] =	ssyncadd.s32 $0xFFFFE000  }
0xbc: {  	[tilespmem:s15], [sflag:$0x1] =	stream.indirect.gather [spmem:s2], $0x40, s26, s14, $0xb8;
	[tilespmem:$0x1CA00] =	vst v63  }
0xbd: {  	_ =	swait.ge [sflag:s28], $0x2000  }
0xbe: {  	[sflag:s28] =	ssyncset.done $0x0  }
0xbf: {  	[sflag:s28] =	ssyncadd.s32 $0xFFFFE000  }
0xc0: {  	[tilespmem:s16], [sflag:$0x2] =	stream.indirect.gather [spmem:s2], $0x40, s29, s14, $0xb8;
	[tilespmem:$0x1CA00] =	vst v63  }
0xc1: {  	_ =	swait.ge [sflag:s30], $0x2000  }
0xc2: {  	[sflag:s30] =	ssyncset.done $0x0  }
0xc3: {  	[sflag:s30] =	ssyncadd.s32 $0xFFFFE000  }
0xc4: {  	[tilespmem:s17], [sflag:$0x3] =	stream.indirect.gather [spmem:s2], $0x40, s31, s14, $0xb8;
	[tilespmem:$0x1CA00] =	vst v63  }
0xc5: {  	_ =	swait.ge [sflag:s0], $0x2000  }
0xc6: {  	[sflag:s0] =	ssyncset.done $0x0  }
0xc7: {  	[sflag:s0] =	ssyncadd.s32 $0xFFFFE000  }
0xc8: {  	[tilespmem:s18], [sflag:$0x4] =	stream.indirect.gather [spmem:s2], $0x40, s1, s14, $0xb8;
	[tilespmem:$0x1CA00] =	vst v63  }
0xc9: {  	_ =	swait.ge [sflag:s19], $0x2000  }
0xca: {  	[sflag:s19] =	ssyncset.done $0x0  }
0xcb: {  	[sflag:s19] =	ssyncadd.s32 $0xFFFFE000  }
0xcc: {  	[spmem:s3] =	stream.indirect.scatter.add.f32 [tilespmem:s15], [sflag:$0x5], $0x40, s5, s14, $0xb8;
	[tilespmem:$0x1CA00] =	vst v63  }
0xcd: {  	_ =	swait.ge [sflag:s20], $0x2000  }
0xce: {  	[sflag:s20] =	ssyncset.done $0x0  }
0xcf: {  	[sflag:s20] =	ssyncadd.s32 $0xFFFFE000  }
0xd0: {  	[spmem:s3] =	stream.indirect.scatter.add.f32 [tilespmem:s16], [sflag:$0x6], $0x40, s8, s14, $0xb8;
	[tilespmem:$0x1CA00] =	vst v63  }
0xd1: {  	_ =	swait.ge [sflag:s21], $0x2000  }
0xd2: {  	[sflag:s21] =	ssyncset.done $0x0  }
0xd3: {  	[sflag:s21] =	ssyncadd.s32 $0xFFFFE000  }
0xd4: {  	[spmem:s3] =	stream.indirect.scatter.add.f32 [tilespmem:s17], [sflag:$0x7], $0x40, s9, s14, $0xb8;
	[tilespmem:$0x1CA00] =	vst v63  }
0xd5: {  	_ =	swait.ge [sflag:s22], $0x2000  }
0xd6: {  	[sflag:s22] =	ssyncset.done $0x0  }
0xd7: {  	[sflag:s22] =	ssyncadd.s32 $0xFFFFE000  }
0xd8: {  	[spmem:s3] =	stream.indirect.scatter.add.f32 [tilespmem:s18], [sflag:$0x8], $0x40, s10, s14, $0xb8;
	[tilespmem:$0x1CA00] =	vst v63  }
0xd9: {  	_ =	swait.ge [sflag:s24], $0x2000  }
0xda: {  	[sflag:s24] =	ssyncset.done $0x0  }
0xdb: {  	[sflag:s24] =	ssyncadd.s32 $0xFFFFE000  }
0xdc: {  	_ =	swait.ge [sflag:s28], $0x2000  }
0xdd: {  	[sflag:s28] =	ssyncset.done $0x0  }
0xde: {  	p0 =	sne.s32 s25, $0x980;
	[sflag:s28] =	ssyncadd.s32 $0xFFFFE000  }
.Ltmp1:
0xdf: {  	_ =	swait.ge [sflag:s30], $0x2000;
	(pc) =	sbr.rel @p0 .LBB2_4-.Ltmp1, $4  }
0xe0: {  	[sflag:s30] =	ssyncset.done $0x0  }
0xe1: {  	[sflag:s30] =	ssyncadd.s32 $0xFFFFE000  }
0xe2: {  	_ =	swait.ge [sflag:s0], $0x2000  }
0xe3: {  	s25 =	sadd.s32 $0x80, s25;
	s12 =	rddreg [dreg:$0x5];
	[sflag:s0] =	ssyncset.done $0x0  }
0xe4: {  	[sflag:s0] =	ssyncadd.s32 $0xFFFFE000;
	s12 =	sadd.s32 s6, s12  }
0xe5: {  	[tilespmem:s4], [sflag:$0x9] =	stream.linear.gather [hbm4b:s12+s4], $0x400, $0x38;
	[tilespmem:$0x1CA00] =	vst v63  }
0xe6: {  	_ =	swait.ge [sflag:s11], $0x400  }
0xe7: {  	s25 =	rddreg [dreg:$0x4];
	[sflag:s11] =	ssyncset.done $0x0  }
0xe8: {  	[sflag:s11] =	ssyncadd.s32 $0xFFFFFC00;
	s25 =	sadd.s32 s6, s25  }
0xe9: {  	[tilespmem:s13], [sflag:$0x9] =	stream.linear.gather [hbm4b:s25+s4], $0x400, $0x38;
	[tilespmem:$0x1CA00] =	vst v63  }
0xea: {  	_ =	swait.ge [sflag:s11], $0x400  }
0xeb: {  	[sflag:s11] =	ssyncset.done $0x0  }
0xec: {  	[sflag:s11] =	ssyncadd.s32 $0xFFFFFC00  }
0xed: {  	[tilespmem:s15], [sflag:$0x1] =	stream.indirect.gather [spmem:s2], $0x40, s4, s14, $0xb8;
	[tilespmem:$0x1CA00] =	vst v63  }
0xee: {  	_ = 	snop  }
0xef: {  	[tilespmem:s16], [sflag:$0x2] =	stream.indirect.gather [spmem:s2], $0x40, s14, s14, $0xb8;
	[tilespmem:$0x1CA00] =	vst v63  }
0xf0: {  	s12 =	rddreg [dreg:$0x6]  }
0xf1: {  	[tilespmem:s17], [sflag:$0x3] =	stream.indirect.gather [spmem:s2], $0x40, s12, s14, $0xb8;
	[tilespmem:$0x1CA00] =	vst v63  }
0xf2: {  	s25 =	rddreg [dreg:$0x7]  }
0xf3: {  	[tilespmem:s18], [sflag:$0x4] =	stream.indirect.gather [spmem:s2], $0x40, s25, s14, $0xb8;
	[tilespmem:$0x1CA00] =	vst v63  }
0xf4: {  	_ =	swait.ge [sflag:s19], $0x2000  }
0xf5: {  	[sflag:s19] =	ssyncset.done $0x0  }
0xf6: {  	[sflag:s19] =	ssyncadd.s32 $0xFFFFE000  }
0xf7: {  	[spmem:s3] =	stream.indirect.scatter.add.f32 [tilespmem:s15], [sflag:$0x5], $0x40, s13, s14, $0xb8;
	[tilespmem:$0x1CA00] =	vst v63  }
0xf8: {  	_ =	swait.ge [sflag:s20], $0x2000  }
0xf9: {  	[sflag:s20] =	ssyncset.done $0x0  }
0xfa: {  	s25 =	rddreg [dreg:$0x8];
	[sflag:s20] =	ssyncadd.s32 $0xFFFFE000  }
0xfb: {  	[spmem:s3] =	stream.indirect.scatter.add.f32 [tilespmem:s16], [sflag:$0x6], $0x40, s25, s14, $0xb8;
	[tilespmem:$0x1CA00] =	vst v63  }
0xfc: {  	_ =	swait.ge [sflag:s21], $0x2000  }
0xfd: {  	[sflag:s21] =	ssyncset.done $0x0  }
0xfe: {  	s12 =	rddreg [dreg:$0x9];
	[sflag:s21] =	ssyncadd.s32 $0xFFFFE000  }
0xff: {  	[spmem:s3] =	stream.indirect.scatter.add.f32 [tilespmem:s17], [sflag:$0x7], $0x40, s12, s14, $0xb8;
	[tilespmem:$0x1CA00] =	vst v63  }
0x100: {  	_ =	swait.ge [sflag:s22], $0x2000  }
0x101: {  	[sflag:s22] =	ssyncset.done $0x0  }
0x102: {  	[sflag:s22] =	ssyncadd.s32 $0xFFFFE000  }
0x103: {  	[spmem:s3] =	stream.indirect.scatter.add.f32 [tilespmem:s18], [sflag:$0x8], $0x40, s23, s14, $0xb8;
	[tilespmem:$0x1CA00] =	vst v63  }
0x104: {  	_ =	swait.ge [sflag:s24], $0x2000  }
0x105: {  	[sflag:s24] =	ssyncset.done $0x0  }
0x106: {  	[sflag:s24] =	ssyncadd.s32 $0xFFFFE000  }
0x107: {  	[tilespmem:s15], [sflag:$0x1] =	stream.indirect.gather [spmem:s2], $0x40, s26, s14, $0xb8;
	[tilespmem:$0x1CA00] =	vst v63  }
0x108: {  	_ =	swait.ge [sflag:s28], $0x2000  }
0x109: {  	[sflag:s28] =	ssyncset.done $0x0  }
0x10a: {  	[sflag:s28] =	ssyncadd.s32 $0xFFFFE000  }
0x10b: {  	[tilespmem:s16], [sflag:$0x2] =	stream.indirect.gather [spmem:s2], $0x40, s29, s14, $0xb8;
	[tilespmem:$0x1CA00] =	vst v63  }
0x10c: {  	_ =	swait.ge [sflag:s30], $0x2000  }
0x10d: {  	[sflag:s30] =	ssyncset.done $0x0  }
0x10e: {  	[sflag:s30] =	ssyncadd.s32 $0xFFFFE000  }
0x10f: {  	[tilespmem:s17], [sflag:$0x3] =	stream.indirect.gather [spmem:s2], $0x40, s31, s14, $0xb8;
	[tilespmem:$0x1CA00] =	vst v63  }
0x110: {  	_ =	swait.ge [sflag:s0], $0x2000  }
0x111: {  	[sflag:s0] =	ssyncset.done $0x0  }
0x112: {  	[sflag:s0] =	ssyncadd.s32 $0xFFFFE000  }
0x113: {  	[tilespmem:s18], [sflag:$0x4] =	stream.indirect.gather [spmem:s2], $0x40, s1, s14, $0xb8;
	[tilespmem:$0x1CA00] =	vst v63  }
0x114: {  	_ =	swait.ge [sflag:s19], $0x2000  }
0x115: {  	[sflag:s19] =	ssyncset.done $0x0  }
0x116: {  	[sflag:s19] =	ssyncadd.s32 $0xFFFFE000  }
0x117: {  	[spmem:s3] =	stream.indirect.scatter.add.f32 [tilespmem:s15], [sflag:$0x5], $0x40, s5, s14, $0xb8;
	[tilespmem:$0x1CA00] =	vst v63  }
0x118: {  	_ =	swait.ge [sflag:s20], $0x2000  }
0x119: {  	[sflag:s20] =	ssyncset.done $0x0  }
0x11a: {  	[sflag:s20] =	ssyncadd.s32 $0xFFFFE000  }
0x11b: {  	[spmem:s3] =	stream.indirect.scatter.add.f32 [tilespmem:s16], [sflag:$0x6], $0x40, s8, s14, $0xb8;
	[tilespmem:$0x1CA00] =	vst v63  }
0x11c: {  	_ =	swait.ge [sflag:s21], $0x2000  }
0x11d: {  	[sflag:s21] =	ssyncset.done $0x0  }
0x11e: {  	[sflag:s21] =	ssyncadd.s32 $0xFFFFE000  }
0x11f: {  	[spmem:s3] =	stream.indirect.scatter.add.f32 [tilespmem:s17], [sflag:$0x7], $0x40, s9, s14, $0xb8;
	[tilespmem:$0x1CA00] =	vst v63  }
0x120: {  	_ =	swait.ge [sflag:s22], $0x2000  }
0x121: {  	[sflag:s22] =	ssyncset.done $0x0  }
0x122: {  	[sflag:s22] =	ssyncadd.s32 $0xFFFFE000  }
0x123: {  	[spmem:s3] =	stream.indirect.scatter.add.f32 [tilespmem:s18], [sflag:$0x8], $0x40, s10, s14, $0xb8;
	[tilespmem:$0x1CA00] =	vst v63  }
0x124: {  	_ =	swait.ge [sflag:s24], $0x2000  }
0x125: {  	[sflag:s24] =	ssyncset.done $0x0  }
0x126: {  	[sflag:s24] =	ssyncadd.s32 $0xFFFFE000  }
0x127: {  	_ =	swait.ge [sflag:s28], $0x2000  }
0x128: {  	[sflag:s28] =	ssyncset.done $0x0  }
0x129: {  	[sflag:s28] =	ssyncadd.s32 $0xFFFFE000  }
0x12a: {  	_ =	swait.ge [sflag:s30], $0x2000  }
0x12b: {  	[sflag:s30] =	ssyncset.done $0x0  }
0x12c: {  	[sflag:s30] =	ssyncadd.s32 $0xFFFFE000  }
0x12d: {  	_ =	swait.ge [sflag:s0], $0x2000  }
0x12e: {  	[sflag:s0] =	ssyncset.done $0x0  }
0x12f: {  	[sflag:s0] =	ssyncadd.s32 $0xFFFFE000  }
0x130: {  	[bflag:$0x0] =	sbarrier.arrive $0xFFFF  }
0x131: {  	s12 =	rddreg [dreg:$0xb]  }
0x132: {  	s23 =	rddreg [dreg:$0xc]  }
0x133: {  	s25 =	rddreg [dreg:$0xf]  }
0x134: {  	[hbm:s23], [sflag:s12] =	dma.local [spmem:s25], $0x1400  }
0x135: {  	_ =	swait.ge [sflag:s11], $0x1400  }
0x136: {  	s6 =	rddreg [dreg:$0x10]  }
0x137: {  	s25 =	rddreg [dreg:$0xd];
	s23 =	sadd.s32 $0x1, s6  }
0x138: {  	p0 =	sne.s32 s23, s25  }
.Ltmp2:
0x139: {  	_ = 	snop;
	(pc) =	sbr.rel @p0 .LBB2_1-.Ltmp2, $3  }
0x13a: {  	_ =	sdelay $0x1  }
0x13b: {  	[sflag:s11] =	ssyncset.done $0x0  }
0x13c: {  	[sflag:s11] =	ssyncadd.s32 $0xFFFFEC00;
	s25 =	simm.s32 $0x8800  }
0x13d: {  	_ =	sfence.sel $0x180000  }
0x13e: {  	[bflag:$0x0] =	sbarrier.arrive $0xFFFF  }
0x13f: {  	_ =	strace $0x9000004D  }
0x140: {  	s0 =	stileid.u32;
	[bflag:$0x2] =	sbarrier.arrive $0xFFFF  }
0x141: {  	p0 =	sne.s32 s0, $0x0;
	s0 =	rddreg [dreg:$0x3]  }
0x142: {  	s0 =	sadd.s32 @!p0 $0x100000, s0  }
0x143: {  	[sflag:s0] =	ssyncadd.tile.s32 @!p0 $0x1;
	_ =	shalt  }
.Lfunc_end2:
_tile_overlayer_lowered:
.L_overlay_start_2:
0x144: {  	(tag) =	ssettag $0x2  }
0x145: {  	s0 =	rddreg [dreg:$0x0];
	s2 =	stileid.u32  }
0x146: {  	s1 =	rddreg [dreg:$0x1];
	p0 =	sne.s32 s2, $0x0  }
0x147: {  	s3 =	rddreg [dreg:$0x2];
	[bflag:$0x3] =	sbarrier.arrive $0xFFFF;
	s2 =	simm.s32 @!p0 $0x1C09  }
0x148: {  	[timem:s3], [sflag:s2] =	dma.local @!p0 [hbm:s0], s1  }
0x149: {  	s0 =	simm.s32 @!p0 $0x9  }
0x14a: {  	_ =	swait.ge @!p0 [sflag:s0], s1  }
0x14b: {  	s1 =	ssub.s32 @!p0 $0x0, s1;
	[sflag:s0] =	ssyncset.done @!p0 $0x0  }
0x14c: {  	[sflag:s0] =	ssyncadd.s32 @!p0 s1  }
0x14d: {  	[bflag:$0x3] =	sbarrier.arrive $0xFFFF  }
0x14e: {  	_ =	shalt  }

// kernel: kernel.20.cloned.1.call-start
scs
__scs_entry_jumppad:
0x0: {  	(pc) =	sbr.rel $0x88, $3  }
0x1: {  	(tag) =	ssettag $0x0;
	lr =	simm.s32 $0x1  }
0x2: {  	[smem:$0x3F95] =	sst lr;
	_ =	strace $0xD0000000  }
0x3: {  	_ = 	snop  }
0x4: {  	_ = 	snop  }
0x5: {  	_ = 	snop  }
0x6: {  	_ = 	snop  }
0x7: {  	_ = 	snop  }
__scs_overlays_trampoline_lowered:
0x8: {  	[smem:$0x3FA4] =	sst s0  }
0x9: {  	[smem:$0x3FA5] =	sst s1  }
0xa: {  	[smem:$0x3FA6] =	sst s2  }
0xb: {  	[smem:$0x3FA7] =	sst s3  }
0xc: {  	[smem:$0x3FA8] =	sst s4  }
0xd: {  	[smem:$0x3FA9] =	sst s5  }
0xe: {  	[smem:$0x3FAA] =	sst s6  }
0xf: {  	[smem:$0x3FAB] =	sst s7  }
0x10: {  	[smem:$0x3FAC] =	sst s8  }
0x11: {  	[smem:$0x3FAD] =	sst s9;
	s0 =	simm.s32 @!p0 $0x0  }
0x12: {  	s1 =	sld [smem:$0x3F93];
	s0 =	simm.s32 @p0 $0x1  }
0x13: {  	[smem:$0x3FAE] =	sst s0;
	s0 =	simm.s32 @!p1 $0x0  }
0x14: {  	s2 =	sld [smem:$0x3F92];
	s0 =	simm.s32 @p1 $0x1  }
0x15: {  	[smem:$0x3FAF] =	sst s0;
	s0 =	simm.s32 @!p2 $0x0  }
0x16: {  	s3 =	sld [smem:$0x3FDB];
	s0 =	simm.s32 @p2 $0x1  }
0x17: {  	s4 =	simm.s32 $0x1BF5;
	[smem:$0x3FB1] =	sst s0  }
0x18: {  	s0 =	sld [smem:$0x3F94];
	_ =	swait.ge [sflag:s4], $0x0  }
0x19: {  	s7 =	sld [smem:$0x3F95]  }
0x1a: {  	s8 =	sadd.s32 $0xFFFFE003, lr  }
0x1b: {  	s9 =	sadd.s32 $0xFFFFFEF7, lr;
	s5 =	simm.s32 $0xFFFFFFFF;
	p2 =	slt.u32 s8, $0xFFFFF086  }
0x1c: {  	p1 =	slt.u32 s9, $0xF7A;
	s5 =	simm.s32 @!p2 $0x0  }
0x1d: {  	s5 =	simm.s32 @p1 $0x1;
	p0 =	seq.s32 s7, s2  }
0x1e: {  	s7 =	smul.u32 @!p0 $0xF7A, s2;
	p2 =	seq.s32 @!p0 s5, $0x0  }
0x1f: {  	s9 =	smul.u32 $0xF7A, s1;
	s8 =	simm.s32 @!p0 $0x1BF5;
	p2 =	por !p2, p0  }
0x20: {  	[sflag:s8] =	ssyncset.s32 @!p0 $0xFFFFF086;
	s6 =	sadd.s32 @!p0 s3, s7;
	s7 =	simm.s32 @!p0 $0x108  }
0x21: {  	s3 =	sadd.s32 s3, s9;
	s6 =	sadd.s32 @!p0 $0x88, s6;
	s7 =	simm.s32 @p2 $0x1082  }
0x22: {  	[simem:s7], [sflag:s8] =	dma.local @!p0 [hbm:s6], $0xF7A  }
0x23: {  	s9 =	sor.u32 $0xD0000000, s2;
	s6 =	simm.s32 $0x108;
	_ =	swait.ge @!p0 [sflag:s8], $0x0  }
0x24: {  	s3 =	sadd.s32 $0x88, s3;
	s6 =	simm.s32 @!p1 $0x1082;
	[sflag:s4] =	ssyncset.s32 $0xFFFFF086  }
0x25: {  	[simem:s6], [sflag:s4] =	dma.local [hbm:s3], $0xF7A  }
0x26: {  	[smem:$0x3F95] =	sst s1;
	(tag) =	ssettag s2;
	_ =	strace s9  }
0x27: {  	s1 =	sld [smem:$0x3FA5]  }
0x28: {  	s2 =	sld [smem:$0x3FA6]  }
0x29: {  	s4 =	sld [smem:$0x3FA8]  }
0x2a: {  	p0 =	seq.s32 s5, $0x0;
	s5 =	sld [smem:$0x3FA9]  }
0x2b: {  	s6 =	sld [smem:$0x3FAA]  }
0x2c: {  	s7 =	sld [smem:$0x3FAB]  }
0x2d: {  	s3 =	simm.s32 $0x108;
	s8 =	sld [smem:$0x3FAC]  }
0x2e: {  	s3 =	simm.s32 @!p0 $0x1082;
	s9 =	sld [smem:$0x3FAD]  }
0x2f: {  	lr =	sadd.s32 s0, s3;
	s0 =	sld [smem:$0x3FA4]  }
0x30: {  	s3 =	sld [smem:$0x3FA7]  }
0x31: {  	[smem:$0x3FB0] =	sst s10  }
0x32: {  	s10 =	sld [smem:$0x3FAE];
	_ =	sdelay $0x3  }
0x33: {  	p0 =	seq.s32 s10, $0x1;
	s10 =	sld [smem:$0x3FB0];
	_ =	sdelay $0x3  }
0x34: {  	[smem:$0x3FB0] =	sst s10  }
0x35: {  	s10 =	sld [smem:$0x3FAF];
	_ =	sdelay $0x3  }
0x36: {  	p1 =	seq.s32 s10, $0x1;
	s10 =	sld [smem:$0x3FB0];
	_ =	sdelay $0x3  }
0x37: {  	[smem:$0x3FB0] =	sst s10  }
0x38: {  	s10 =	sld [smem:$0x3FB1]  }
0x39: {  	_ = 	snop;
	(pc) =	sbr.ind lr, $3  }
0x3a: {  	_ = 	snop  }
0x3b: {  	_ = 	snop  }
0x3c: {  	p2 =	seq.s32 s10, $0x1;
	s10 =	sld [smem:$0x3FB0]  }
0x3d: {  	_ =	shalt  }
0x3e: {  	_ =	shalt  }
0x3f: {  	_ =	shalt  }
0x40: {  	_ =	shalt  }
0x41: {  	_ =	shalt  }
0x42: {  	_ =	shalt  }
0x43: {  	_ =	shalt  }
0x44: {  	_ =	shalt  }
0x45: {  	_ =	shalt  }
0x46: {  	_ =	shalt  }
0x47: {  	_ =	shalt  }
0x48: {  	_ =	shalt  }
0x49: {  	_ =	shalt  }
0x4a: {  	_ =	shalt  }
0x4b: {  	_ =	shalt  }
0x4c: {  	_ =	shalt  }
0x4d: {  	_ =	shalt  }
0x4e: {  	_ =	shalt  }
0x4f: {  	_ =	shalt  }
0x50: {  	_ =	shalt  }
0x51: {  	_ =	shalt  }
0x52: {  	_ =	shalt  }
0x53: {  	_ =	shalt  }
0x54: {  	_ =	shalt  }
0x55: {  	_ =	shalt  }
0x56: {  	_ =	shalt  }
0x57: {  	_ =	shalt  }
0x58: {  	_ =	shalt  }
0x59: {  	_ =	shalt  }
0x5a: {  	_ =	shalt  }
0x5b: {  	_ =	shalt  }
0x5c: {  	_ =	shalt  }
0x5d: {  	_ =	shalt  }
0x5e: {  	_ =	shalt  }
0x5f: {  	_ =	shalt  }
0x60: {  	_ =	shalt  }
0x61: {  	_ =	shalt  }
0x62: {  	_ =	shalt  }
0x63: {  	_ =	shalt  }
0x64: {  	_ =	shalt  }
0x65: {  	_ =	shalt  }
0x66: {  	_ =	shalt  }
0x67: {  	_ =	shalt  }
0x68: {  	_ =	shalt  }
0x69: {  	_ =	shalt  }
0x6a: {  	_ =	shalt  }
0x6b: {  	_ =	shalt  }
0x6c: {  	_ =	shalt  }
0x6d: {  	_ =	shalt  }
0x6e: {  	_ =	shalt  }
0x6f: {  	_ =	shalt  }
0x70: {  	_ =	shalt  }
0x71: {  	_ =	shalt  }
0x72: {  	_ =	shalt  }
0x73: {  	_ =	shalt  }
0x74: {  	_ =	shalt  }
0x75: {  	_ =	shalt  }
0x76: {  	_ =	shalt  }
0x77: {  	_ =	shalt  }
0x78: {  	_ =	shalt  }
0x79: {  	_ =	shalt  }
0x7a: {  	_ =	shalt  }
0x7b: {  	_ =	shalt  }
0x7c: {  	_ =	shalt  }
0x7d: {  	_ =	shalt  }
0x7e: {  	_ =	shalt  }
0x7f: {  	_ =	shalt  }
0x80: {  	_ =	shalt  }
0x81: {  	_ =	shalt  }
0x82: {  	_ =	shalt  }
0x83: {  	_ =	shalt  }
0x84: {  	_ =	shalt  }
0x85: {  	_ =	shalt  }
0x86: {  	_ =	shalt  }
0x87: {  	_ =	shalt  }
.Lfunc_end0:
.L_simem_size_0:
called_computation.3_lowered:
.L_overlay_start_0:
0x88: {  	s2 =	sld [smem:$0x3FD9]  }
0x89: {  	s3 =	sld [smem:$0x3FFE];
	_ =	sdelay $0x1  }
0x8a: {  	s1 =	srdreg.scid  }
0x8b: {  	s0 =	sand.u32 $0x1, s1  }
0x8c: {  	s17 =	sshll.u32 s0, $0xA;
	s2 =	sadd.s32 s3, s2  }
0x8d: {  	s2 =	sadd.s32 s2, s17  }
0x8e: {  	[smem:$0x3FBC] =	sst s2  }
0x8f: {  	_ = 	snop  }
0x90: {  	s2 =	sld [smem:$0x3FD0];
	(tm) =	ssettm $0x1  }
0x91: {  	s18 =	sld [smem:$0x3FFB];
	_ =	sdelay $0x3  }
0x92: {  	_ =	strace s18  }
0x93: {  	s3 =	sld [smem:$0x3FFC];
	_ =	sdelay $0x3  }
0x94: {  	_ =	strace s3  }
0x95: {  	s3 =	sld [smem:$0x3FFD];
	_ =	sdelay $0x3  }
0x96: {  	_ =	strace s3  }
0x97: {  	_ =	strace $0x8FFFFFFF  }
0x98: {  	s19 =	sld [smem:$0x3FDB];
	_ =	sdelay $0x1  }
0x99: {  	s4 =	simm.s32 $_scs_section_size  }
0x9a: {  	s5 =	simm.s32 $_size__tile_overlayer_lowered;
	s6 =	simm.s32 $_tile_overlayer_lowered  }
0x9b: {  	s22 =	simm.s32 $0x1BFF;
	s21 =	sshll.u32 s6, $0x1;
	s3 =	sadd.s32 s4, s19  }
0x9c: {  	s7 =	simm.s32 $0x0;
	s20 =	sshll.u32 s5, $0x1;
	s5 =	sadd.s32 s21, s3  }
0x9d: {  	[timem:s7], [sflag:s22] =	dma.local [hbm:s5], s20  }
0x9e: {  	_ =	swait.ge [sflag:s22], s20  }
0x9f: {  	s4 =	ssub.s32 $0x0, s20;
	[sflag:s22] =	ssyncset.done $0x0  }
0xa0: {  	[sflag:s22] =	ssyncadd.s32 s4;
	_ =	sdelay $0x1  }
0xa1: {  	s23 =	simm.s32 $0x1B8B  }
0xa2: {  	_ =	swait.ge [sflag:s23], $0x1  }
0xa3: {  	[sflag:s23] =	ssyncset.done $0x0  }
0xa4: {  	s25 =	simm.s32 $0x1B8E;
	s24 =	sld [smem:$0x3FFE];
	[sflag:s23] =	ssyncadd.s32 $0xFFFFFFFF  }
0xa5: {  	s26 =	simm.s32 $execute0_lowered;
	[smem:$0x3FD2] =	sst s25  }
0xa6: {  	s5 =	sshll.u32 s26, $0x1;
	_ =	strace $0x8000004F;
	[dreg:$0x1] =	wrdreg $0xFFFFFFFF  }
0xa7: {  	s28 =	simm.s32 $_size_execute0_lowered;
	s3 =	sadd.s32 s3, s5;
	[dreg:$0x0] =	wrdreg $0x0  }
0xa8: {  	s5 =	sshll.u32 s28, $0x1;
	[dreg:$0x2] =	wrdreg s3  }
0xa9: {  	[dreg:$0x3] =	wrdreg s5  }
0xaa: {  	[dreg:$0x4] =	wrdreg $0xC0  }
0xab: {  	_ =	task [dreg:s7], $0x5FFFF  }
0xac: {  	[dreg:$0x1] =	wrdreg $0xFFFFFFFF  }
0xad: {  	[dreg:$0x0] =	wrdreg $0x60  }
0xae: {  	[dreg:$0x2] =	wrdreg s2  }
0xaf: {  	[dreg:$0x3] =	wrdreg s24  }
0xb0: {  	[dreg:$0x4] =	wrdreg $0xCA800  }
0xb1: {  	[dreg:$0x5] =	wrdreg $0x9  }
0xb2: {  	_ =	task.clear_ibuf [dreg:s7], $0x6FFFF;
	_ =	strace $0x9000004F  }
0xb3: {  	s29 =	simm.s32 $0x9;
	_ =	strace $0x80000051  }
0xb4: {  	_ =	swait.ge [sflag:s29], $0x1  }
0xb5: {  	[sflag:s29] =	ssyncadd.s32 $0xFFFFFFFF  }
0xb6: {  	_ =	strace $0x90000051  }
0xb7: {  	_ =	sfence  }
0xb8: {  	s30 =	sld [smem:$0x0];
	_ =	sdelay $0x2  }
0xb9: {  	s31 =	sshll.u32 s1, $0xD;
	s1 =	sshrl.u32 s1, $0x2  }
0xba: {  	s3 =	sand.u32 $0x4000, s31;
	s1 =	sadd.s32 s1, s30  }
0xbb: {  	s0 =	sor.u32 s3, s0;
	s1 =	sshll.u32 s1, $0x11  }
0xbc: {  	s0 =	sor.u32 s1, s0  }
0xbd: {  	s0 =	sadd.s32 $0x8F2B, s0  }
0xbe: {  	[sflag:s0] =	ssyncadd.remote.s32 $0x1  }
0xbf: {  	_ =	sfence.sel $0xFFFF  }
0xc0: {  	[dreg:$0x0] =	wrdreg $0xFFFFFFFF;
	(pc) =	sbr.abs _section_cstart, $3  }
0xc1: {  	[dreg:$0x1] =	wrdreg $0xFFFFFFFF  }
0xc2: {  	_ =	task.clear_ibuf [dreg:s7], $0x2FFFF;
	_ =	strace $0x9FFFFFFF  }
0xc3: {  	(tm) =	ssettm $0x7FFFFFFF  }
tec
execute0_lowered:
.L_overlay_start_1:
0x0: {  	(tag) =	ssettag $0x1  }
0x1: {  	s1 =	rddreg [dreg:$0x0]  }
0x2: {  	s4 =	rddreg [dreg:$0x1]  }
0x3: {  	s7 =	rddreg [dreg:$0x2]  }
0x4: {  	s2 =	srdreg.scid;
	s0 =	rddreg [dreg:$0x3];
	s3 =	simm.s32 $0x0  }
0x5: {  	s13 =	simm.s32 $0x7800;
	s14 =	simm.s32 $0x80;
	s15 =	simm.s32 $0x400  }
0x6: {  	s16 =	simm.s32 $0x1400;
	s17 =	simm.s32 $0x14000;
	s18 =	simm.s32 $0xA000  }
0x7: {  	s19 =	simm.s32 $0x100;
	s20 =	simm.s32 $0xC800;
	s21 =	simm.s32 $0x0  }
0x8: {  	s5 =	sand.u32 $0x1, s2;
	s2 =	stileid.u32;
	[smem:$0x7FF] =	sst s3  }
0x9: {  	s6 =	sshll.u32 s5, $0x4;
	s8 =	smul.u32 $0x500, s2;
	_ =	strace $0x80000050  }
0xa: {  	s9 =	sshll.u32 s5, $0x7;
	s5 =	ssub.s32 $0x2, s5;
	s29 =	sshrl.u32 s2, $0x3  }
0xb: {  	s30 =	sshll.u32 s2, $0x7;
	s11 =	smul.u32 $0x5000, s2;
	s6 =	sor.u32 s2, s6  }
0xc: {  	s10 =	sshrl.u32 s5, $0x1;
	s12 =	sand.u32 $0x380, s30;
	s6 =	smul.u32 $0x500, s6  }
0xd: {  	s8 =	sor.u32 s9, s8;
	s9 =	smul.u32 $0x50000, s29;
	s10 =	ssub.s32 s5, s10  }
0xe: {  	s31 =	sshrl.u32 s11, $0x2;
	s11 =	simm.s32 $0x1;
	s8 =	sshrl.u32 s8, $0x3  }
0xf: {  	s6 =	sadd.s32 s6, s4;
	s8 =	sadd.s32 s8, s4;
	s9 =	sshrl.u32 s9, $0x2  }
0x10: {  	s4 =	sadd.s32 $0x22000, s6;
	s9 =	sadd.s32 s9, s7;
	s5 =	sadd.s32 $0x18000, s6  }
0x11: {  	s7 =	sadd.s32 s31, s7;
	s8 =	sadd.s32 $0x4000, s8;
	s6 =	sadd.s32 s12, s9  }
0x12: {  	v0 =	vimm.f32 $0.0e+00;
	s9 =	smax.u32 s10, $0x1;
	s10 =	simm.s32 $0x5000;
	s12 =	simm.s32 $0x2800  }
.LBB2_1:
0x13: {  	[tilespmem:s10], [sflag:$0x1] =	stream.linear.gather [hbm4b:s1+s3], $0x2800, $0x38;
	[tilespmem:$0xF280] =	vst v63  }
0x14: {  	_ =	swait.ge [sflag:s11], $0x2800  }
0x15: {  	[sflag:s11] =	ssyncset.done $0x0  }
0x16: {  	s22 =	simm.s32 $0x40;
	s23 =	simm.s32 $0x0;
	[sflag:s11] =	ssyncadd.s32 $0xFFFFD800  }
.LBB2_2:
0x17: {  	p0 =	sne.s32 s22, $0x9FC0;
	[tilespmem:s23+$0x7800] =	vst v0;
	s23 =	smov.u32 s22;
	s22 =	sadd.s32 $0x40, s22  }
.Ltmp0:
0x18: {  	(pc) =	sbr.rel @p0 .LBB2_2-.Ltmp0, $2  }
0x19: {  	_ =	sdelay $0x2  }
0x1a: {  	s23 =	sshra.s32 s23, $0x2  }
0x1b: {  	[tilespmem:s23+$0x7800] =	vst v0;
	s22 =	simm.s32 $0x0  }
0x1c: {  	[tilespmem:s22], [sflag:$0x1] =	stream.linear.gather [hbm4b:s4+s22], $0x2800, $0x38;
	[tilespmem:$0xF280] =	vst v63  }
0x1d: {  	_ =	swait.ge [sflag:s11], $0x2800  }
0x1e: {  	[sflag:s11] =	ssyncset.done $0x0  }
0x1f: {  	[sflag:s11] =	ssyncadd.s32 $0xFFFFD800  }
0x20: {  	[tilespmem:s12], [sflag:$0x1] =	stream.linear.gather [hbm4b:s5+s22], $0x2800, $0x38;
	[tilespmem:$0xF280] =	vst v63  }
0x21: {  	_ =	swait.ge [sflag:s11], $0x2800  }
0x22: {  	[sflag:s11] =	ssyncset.done $0x0  }
0x23: {  	s23 =	simm.s32 $0x0;
	s22 =	simm.s32 $0x40;
	[sflag:s11] =	ssyncadd.s32 $0xFFFFD800  }
.LBB2_4:
0x24: {  	p0 =	sne.s32 s22, $0x9FC0;
	v1 =	vld [tilespmem:s23+$0x0];
	_ =	sdelay $0x5  }
0x25: {  	v2 =	vld [tilespmem:s23+$0x2800];
	_ =	sdelay $0x1  }
0x26: {  	v1 =	vld.idx.msk [tilespmem:v1+s10+$0x0], $0xffff;
	_ =	sdelay $0x1  }
.Ltmp1:
0x27: {  	(pc) =	sbr.rel @p0 .LBB2_4-.Ltmp1, $2  }
0x28: {  	_ =	sdelay $0x2  }
0x29: {  	s23 =	sshra.s32 s22, $0x2;
	s22 =	sadd.s32 $0x40, s22;
	[tilespmem:v2+s13+$0x0] =	vst.idx.add.f32.msk $0xffff, v1  }
0x2a: {  	v1 =	vld [tilespmem:s23+$0x0];
	_ =	sdelay $0x4  }
0x2b: {  	v2 =	vld [tilespmem:s23+$0x2800];
	_ =	sdelay $0x2  }
0x2c: {  	v1 =	vld.idx.msk [tilespmem:v1+s10+$0x0], $0xffff;
	_ =	sdelay $0x4  }
0x2d: {  	[tilespmem:v2+s13+$0x0] =	vst.idx.add.f32.msk $0xffff, v1  }
0x2e: {  	[spmem:s6] =	stream.strided.scatter [tilespmem:s13], [sflag:$0x1], $0x2800, s15, s14, $0x38;
	[tilespmem:$0xF280] =	vst v63  }
0x2f: {  	_ =	swait.ge [sflag:s11], $0x2800  }
0x30: {  	[sflag:s11] =	ssyncset.done $0x0  }
0x31: {  	[sflag:s11] =	ssyncadd.s32 $0xFFFFD800  }
0x32: {  	[bflag:$0x0] =	sbarrier.arrive $0xFFFF  }
0x33: {  	[tilespmem:s18], [sflag:$0x1] =	stream.strided.gather [spmem:s7], $0x2800, s17, s16, $0x38;
	[tilespmem:$0xF280] =	vst v63  }
0x34: {  	s22 =	simm.s32 $0x0;
	_ =	swait.ge [sflag:s11], $0x2800  }
0x35: {  	s30 =	sand.u32 $0x70, s22;
	s22 =	sand.u32 $0x1C00, s22;
	[sflag:s11] =	ssyncset.done $0x0  }
0x36: {  	s22 =	sor.u32 s30, s22;
	[sflag:s11] =	ssyncadd.s32 $0xFFFFD800  }
0x37: {  	v1 =	vld [tilespmem:s22+$0xA080]  }
0x38: {  	v2 =	vld [tilespmem:s22+$0xA000];
	_ =	sdelay $0x1  }
0x39: {  	v3 =	vld [tilespmem:s22+$0xA100];
	_ =	sdelay $0x1  }
0x3a: {  	v4 =	vld [tilespmem:s22+$0xA180]  }
0x3b: {  	v1 =	vadd.f32 v1, v2  }
0x3c: {  	v2 =	vld [tilespmem:s22+$0xA200]  }
0x3d: {  	v1 =	vadd.f32 v3, v1  }
0x3e: {  	v3 =	vld [tilespmem:s22+$0xA280]  }
0x3f: {  	v1 =	vadd.f32 v4, v1  }
0x40: {  	v60 =	vld [tilespmem:s22+$0xA300]  }
0x41: {  	v1 =	vadd.f32 v2, v1  }
0x42: {  	v2 =	vld [tilespmem:s22+$0xA380]  }
0x43: {  	v1 =	vadd.f32 v3, v1  }
0x44: {  	v3 =	vld [tilespmem:s22+$0xB400]  }
0x45: {  	v1 =	vadd.f32 v60, v1  }
0x46: {  	v61 =	vld [tilespmem:s22+$0xB480]  }
0x47: {  	v1 =	vadd.f32 v2, v1  }
0x48: {  	v2 =	vld [tilespmem:s22+$0xB500]  }
0x49: {  	v1 =	vadd.f32 v3, v1  }
0x4a: {  	v3 =	vld [tilespmem:s22+$0xB580]  }
0x4b: {  	v1 =	vadd.f32 v61, v1  }
0x4c: {  	v62 =	vld [tilespmem:s22+$0xB600]  }
0x4d: {  	v1 =	vadd.f32 v2, v1  }
0x4e: {  	v2 =	vld [tilespmem:s22+$0xB680]  }
0x4f: {  	v1 =	vadd.f32 v3, v1  }
0x50: {  	v3 =	vld [tilespmem:s22+$0xB700]  }
0x51: {  	v1 =	vadd.f32 v62, v1  }
0x52: {  	v63 =	vld [tilespmem:s22+$0xB780]  }
0x53: {  	v1 =	vadd.f32 v2, v1;
	_ =	sdelay $0x1  }
0x54: {  	v1 =	vadd.f32 v3, v1;
	_ =	sdelay $0x1  }
0x55: {  	s31 =	simm.s32 $0x10;
	s24 =	simm.s32 $0x80;
	v1 =	vadd.f32 v63, v1  }
0x56: {  	s23 =	sand.u32 $0x70, s31;
	s25 =	sand.u32 $0x1C00, s24;
	s22 =	simm.s32 $0xC800  }
0x57: {  	s23 =	sor.u32 s23, s25;
	s25 =	simm.s32 $0x20;
	[tilespmem:s22+$0x0] =	vst v1  }
.LBB2_6:
0x58: {  	p0 =	sne.s32 s25, $0x270;
	v1 =	vld [tilespmem:s23+$0xA080]  }
0x59: {  	v2 =	vld [tilespmem:s23+$0xA000];
	_ =	sdelay $0x1  }
0x5a: {  	v3 =	vld [tilespmem:s23+$0xA100];
	_ =	sdelay $0x1  }
0x5b: {  	v4 =	vld [tilespmem:s23+$0xA180]  }
0x5c: {  	v1 =	vadd.f32 v1, v2  }
0x5d: {  	v2 =	vld [tilespmem:s23+$0xA200]  }
0x5e: {  	v1 =	vadd.f32 v3, v1  }
0x5f: {  	v3 =	vld [tilespmem:s23+$0xA280]  }
0x60: {  	v1 =	vadd.f32 v4, v1  }
0x61: {  	v4 =	vld [tilespmem:s23+$0xA300]  }
0x62: {  	v1 =	vadd.f32 v2, v1  }
0x63: {  	v2 =	vld [tilespmem:s23+$0xA380]  }
0x64: {  	v1 =	vadd.f32 v3, v1  }
0x65: {  	v3 =	vld [tilespmem:s23+$0xB400]  }
0x66: {  	v1 =	vadd.f32 v4, v1  }
0x67: {  	v4 =	vld [tilespmem:s23+$0xB480]  }
0x68: {  	v1 =	vadd.f32 v2, v1  }
0x69: {  	v2 =	vld [tilespmem:s23+$0xB500]  }
0x6a: {  	v1 =	vadd.f32 v3, v1  }
0x6b: {  	v3 =	vld [tilespmem:s23+$0xB580]  }
0x6c: {  	v1 =	vadd.f32 v4, v1  }
0x6d: {  	v4 =	vld [tilespmem:s23+$0xB600]  }
0x6e: {  	v1 =	vadd.f32 v2, v1  }
0x6f: {  	v2 =	vld [tilespmem:s23+$0xB680]  }
0x70: {  	v1 =	vadd.f32 v3, v1  }
0x71: {  	v3 =	vld [tilespmem:s23+$0xB700]  }
0x72: {  	v1 =	vadd.f32 v4, v1  }
0x73: {  	v4 =	vld [tilespmem:s23+$0xB780]  }
0x74: {  	v1 =	vadd.f32 v2, v1;
	_ =	sdelay $0x1  }
.Ltmp2:
0x75: {  	v1 =	vadd.f32 v3, v1;
	(pc) =	sbr.rel @p0 .LBB2_6-.Ltmp2, $4  }
0x76: {  	_ = 	snop  }
0x77: {  	s24 =	sadd.s32 $0x80, s24;
	v1 =	vadd.f32 v4, v1  }
0x78: {  	s22 =	sadd.s32 $0x10, s22;
	s26 =	sand.u32 $0x1C00, s24;
	s23 =	sand.u32 $0x70, s25  }
0x79: {  	s25 =	sadd.s32 $0x10, s25;
	s23 =	sor.u32 s23, s26;
	[tilespmem:s22+$0x0] =	vst v1  }
0x7a: {  	v1 =	vld [tilespmem:s23+$0xA080]  }
0x7b: {  	v2 =	vld [tilespmem:s23+$0xA000];
	_ =	sdelay $0x1  }
0x7c: {  	v3 =	vld [tilespmem:s23+$0xA100];
	_ =	sdelay $0x1  }
0x7d: {  	v4 =	vld [tilespmem:s23+$0xA180]  }
0x7e: {  	v1 =	vadd.f32 v1, v2  }
0x7f: {  	v2 =	vld [tilespmem:s23+$0xA200]  }
0x80: {  	v1 =	vadd.f32 v3, v1  }
0x81: {  	v3 =	vld [tilespmem:s23+$0xA280]  }
0x82: {  	v1 =	vadd.f32 v4, v1  }
0x83: {  	v60 =	vld [tilespmem:s23+$0xA300]  }
0x84: {  	v1 =	vadd.f32 v2, v1  }
0x85: {  	v2 =	vld [tilespmem:s23+$0xA380]  }
0x86: {  	v1 =	vadd.f32 v3, v1  }
0x87: {  	v3 =	vld [tilespmem:s23+$0xB400]  }
0x88: {  	v1 =	vadd.f32 v60, v1  }
0x89: {  	v61 =	vld [tilespmem:s23+$0xB480]  }
0x8a: {  	v1 =	vadd.f32 v2, v1  }
0x8b: {  	v2 =	vld [tilespmem:s23+$0xB500]  }
0x8c: {  	v1 =	vadd.f32 v3, v1  }
0x8d: {  	v3 =	vld [tilespmem:s23+$0xB580]  }
0x8e: {  	v1 =	vadd.f32 v61, v1  }
0x8f: {  	v62 =	vld [tilespmem:s23+$0xB600]  }
0x90: {  	v1 =	vadd.f32 v2, v1  }
0x91: {  	v2 =	vld [tilespmem:s23+$0xB680]  }
0x92: {  	v1 =	vadd.f32 v3, v1  }
0x93: {  	v3 =	vld [tilespmem:s23+$0xB700]  }
0x94: {  	v1 =	vadd.f32 v62, v1  }
0x95: {  	v63 =	vld [tilespmem:s23+$0xB780]  }
0x96: {  	v1 =	vadd.f32 v2, v1;
	_ =	sdelay $0x1  }
0x97: {  	v1 =	vadd.f32 v3, v1;
	_ =	sdelay $0x1  }
0x98: {  	s21 =	sadd.s32 $0x1, s21;
	v1 =	vadd.f32 v63, v1  }
0x99: {  	s22 =	sadd.s32 $0x10, s22;
	p0 =	sne.s32 s21, s9  }
.Ltmp3:
0x9a: {  	[tilespmem:s22+$0x0] =	vst v1;
	(pc) =	sbr.rel @p0 .LBB2_1-.Ltmp3, $4  }
0x9b: {  	[hbm4b:s8+s14] =	stream.strided.scatter [tilespmem:s20], [sflag:$0x1], $0x280, s19, s14, $0x38;
	[tilespmem:$0xF280] =	vst v63  }
0x9c: {  	_ =	swait.ge [sflag:s11], $0x280  }
0x9d: {  	[sflag:s11] =	ssyncset.done $0x0  }
0x9e: {  	[sflag:s11] =	ssyncadd.s32 $0xFFFFFD80  }
0x9f: {  	_ =	sfence.sel $0x180000  }
0xa0: {  	[bflag:$0x0] =	sbarrier.arrive $0xFFFF  }
0xa1: {  	p0 =	sne.s32 s2, $0x0;
	_ =	strace $0x90000050  }
0xa2: {  	s0 =	sadd.s32 @!p0 $0x100000, s0;
	[bflag:$0x2] =	sbarrier.arrive $0xFFFF  }
0xa3: {  	[sflag:s0] =	ssyncadd.tile.s32 @!p0 $0x1;
	_ =	shalt  }
.Lfunc_end2:
_tile_overlayer_lowered:
.L_overlay_start_2:
0xa4: {  	(tag) =	ssettag $0x2  }
0xa5: {  	s0 =	rddreg [dreg:$0x0];
	s2 =	stileid.u32  }
0xa6: {  	s1 =	rddreg [dreg:$0x1];
	p0 =	sne.s32 s2, $0x0  }
0xa7: {  	s3 =	rddreg [dreg:$0x2];
	[bflag:$0x3] =	sbarrier.arrive $0xFFFF;
	s2 =	simm.s32 @!p0 $0x1C01  }
0xa8: {  	[timem:s3], [sflag:s2] =	dma.local @!p0 [hbm:s0], s1  }
0xa9: {  	s0 =	simm.s32 @!p0 $0x1  }
0xaa: {  	_ =	swait.ge @!p0 [sflag:s0], s1  }
0xab: {  	s1 =	ssub.s32 @!p0 $0x0, s1;
	[sflag:s0] =	ssyncset.done @!p0 $0x0  }
0xac: {  	[sflag:s0] =	ssyncadd.s32 @!p0 s1  }
0xad: {  	[bflag:$0x3] =	sbarrier.arrive $0xFFFF  }
0xae: {  	_ =	shalt  }

</sc_bundles>
